<compile_context>
chip_gen: v7x
topology: tpu7x:2x2x1
jax: 0.10.2.dev20260603
libtpu: 0.0.44.dev20260713+nightly
codegen_flags: <defaults>
</compile_context>

<pallas_src>
import functools

import jax
import jax.numpy as jnp
from jax import lax
from jax.experimental import pallas as pl
from jax.experimental.pallas import tpu as pltpu
from jax.experimental.pallas import tpu_sc as plsc

_K = 1024
_D = 64
_B = 32
_T = 576
_ROWS = _B * _T
_BPS = 16
_NBLK = _B // _BPS

_NW = 32
_LANES = 16


def _argmin_body(xt_ref, cbt_ref, cn_ref, rsq_ref, idx_ref, loss_ref):
    cbt = cbt_ref[...]
    cn = cn_ref[...]
    msum = jnp.zeros((1, 1), jnp.float32)
    parts = []
    for b in range(0, _BPS, 2):
        xp = jnp.concatenate([xt_ref[b], xt_ref[b + 1]], axis=1)
        rp = jnp.concatenate([rsq_ref[b], rsq_ref[b + 1]], axis=1)
        s2 = lax.dot_general(cbt, xp + xp, (((0,), (0,)), ((), ())),
                             preferred_element_type=jnp.float32)
        d = (rp - s2) + cn
        m = jnp.min(d, axis=0, keepdims=True)
        ii = lax.broadcasted_iota(jnp.int32, d.shape, 0)
        parts.append(jnp.min(jnp.where(d == m, ii, _K), axis=0))
        msum = msum + jnp.sum(m, axis=(0, 1), keepdims=True)
    idx_ref[...] = jnp.concatenate(parts).reshape(_BPS * _T // 128, 128)

    @pl.when(pl.program_id(0) == 0)
    def _():
        loss_ref[...] = jnp.zeros((1, 1), jnp.float32)

    loss_ref[...] += msum

    @pl.when(pl.program_id(0) == _NBLK - 1)
    def _():
        loss_ref[...] = loss_ref[...] * (1.25 / (_ROWS * _D))


_argmin_call = pl.pallas_call(
    _argmin_body,
    grid=(_NBLK,),
    in_specs=[
        pl.BlockSpec((_BPS, _D, _T), lambda i: (i, 0, 0)),
        pl.BlockSpec((_D, _K), lambda i: (0, 0)),
        pl.BlockSpec((_K, 1), lambda i: (0, 0)),
        pl.BlockSpec((_BPS, 1, _T), lambda i: (i, 0, 0)),
    ],
    out_specs=[
        pl.BlockSpec((_BPS * _T // 128, 128), lambda i: (i, 0)),
        pl.BlockSpec((1, 1), lambda i: (0, 0)),
    ],
    out_shape=[
        jax.ShapeDtypeStruct((_ROWS // 128, 128), jnp.int32),
        jax.ShapeDtypeStruct((1, 1), jnp.float32),
    ],
)


@functools.partial(
    pl.kernel,
    mesh=plsc.VectorSubcoreMesh(core_axis_name="c", subcore_axis_name="s"),
    compiler_params=pltpu.CompilerParams(needs_layout_passes=False),
    out_type=jax.ShapeDtypeStruct((_NW, _D, _T), jnp.float32),
    scratch_types=[
        pltpu.VMEM((_D * _K,), jnp.float32),
        pltpu.VMEM((_T,), jnp.int32),
        pltpu.VMEM((_D, _T), jnp.float32),
        pltpu.SemaphoreType.DMA,
        pltpu.SemaphoreType.DMA,
    ],
)
def _sc_gather_t(cbt_hbm, idx_hbm, out_hbm, cbt_v, idx_v, zqt_v, sem0, sem1):
    w = lax.axis_index("c") * 16 + lax.axis_index("s")
    half = _D * _K // 2
    c0 = pltpu.async_copy(cbt_hbm.at[pl.ds(0, half)],
                          cbt_v.at[pl.ds(0, half)], sem0)
    c1 = pltpu.async_copy(cbt_hbm.at[pl.ds(half, half)],
                          cbt_v.at[pl.ds(half, half)], sem1)
    pltpu.sync_copy(idx_hbm.at[pl.ds(w * _T, _T)], idx_v)
    nch = _T // _LANES
    idx_chunks = [idx_v[pl.ds(tc * _LANES, _LANES)] for tc in range(nch)]
    c0.wait()

    @plsc.parallel_loop(0, _D // 2, unroll=8)
    def _(dd):
        off = jnp.full((_LANES,), dd * _K, jnp.int32)
        for tc in range(nch):
            vals = plsc.load_gather(cbt_v, [idx_chunks[tc] + off])
            zqt_v[dd, pl.ds(tc * _LANES, _LANES)] = vals

    c1.wait()

    @plsc.parallel_loop(_D // 2, _D, unroll=8)
    def _(dd):
        off = jnp.full((_LANES,), dd * _K, jnp.int32)
        for tc in range(nch):
            vals = plsc.load_gather(cbt_v, [idx_chunks[tc] + off])
            zqt_v[dd, pl.ds(tc * _LANES, _LANES)] = vals

    pltpu.sync_copy(zqt_v, out_hbm.at[w])


def kernel(x, codebook):
    B, T, D = x.shape
    cbt = jnp.swapaxes(codebook, 0, 1)
    xt = jnp.swapaxes(x, 1, 2)
    cn = jnp.sum(codebook ** 2, axis=1)[:, None]
    rsq = jnp.sum(x ** 2, axis=2)[:, None, :]
    idx2d, loss = _argmin_call(xt, cbt, cn, rsq)
    idx_flat = idx2d.reshape(-1)
    zqt = _sc_gather_t(cbt.reshape(-1), idx_flat)
    zq_st = jnp.swapaxes(zqt, 1, 2)
    return zq_st, loss.reshape(()), idx_flat.reshape(B, T)

# --- scband reference (transcript-rebuilt; emitter-appended) ---
"""Pipeline reference for scband-vector-quantisizer-52664888983691 (READ-ONLY COPY).

The authoritative reference and input builder live on the scoring server;
editing this copy changes nothing except your own understanding.
"""

import jax, jax.numpy as jnp
import numpy as np


def setup_inputs(seed: int = 0) -> dict:
    key = jax.random.key(seed)
    k1, k2 = jax.random.split(key)
    x = jax.random.normal(k1, (32, 576, 64), dtype=jnp.float32)
    codebook = jax.random.normal(k2, (1024, 64), dtype=jnp.float32)
    return {"x": x, "codebook": codebook}


def reference(x, codebook):
    # Standard VQ-VAE vector quantizer (van den Oord et al. 2017)
    B, T, D = x.shape
    flat = x.reshape(-1, D)  # [B*T, D]
    # squared L2 distances to every codebook entry: [B*T, K]
    dist = (
        jnp.sum(flat ** 2, axis=1, keepdims=True)
        - 2.0 * flat @ codebook.T
        + jnp.sum(codebook ** 2, axis=1)[None, :]
    )
    idx = jnp.argmin(dist, axis=1)  # [B*T]
    zq = jnp.take(codebook, idx, axis=0).reshape(B, T, D)
    # straight-through estimator
    zq_st = x + jax.lax.stop_gradient(zq - x)
    codebook_loss = jnp.mean((jax.lax.stop_gradient(x) - zq) ** 2)
    commitment_loss = 0.25 * jnp.mean((x - jax.lax.stop_gradient(zq)) ** 2)
    loss = codebook_loss + commitment_loss
    return zq_st, loss, idx.reshape(B, T)

if __name__ == "__main__":
    import jax
    _d = setup_inputs()
    print(jax.jit(kernel)(*tuple(_d.values())))

</pallas_src>

<mosaic_0001>
#map = affine_map<(d0, d1) -> (0)>
#map1 = affine_map<(d0, d1) -> (0, 0, 0)>
module attributes {stable_mosaic.version = 14 : i64} {
  func.func @_sc_gather_t(%arg0: i32, %arg1: i32, %arg2: memref<65536xf32, #tpu.memory_space<hbm>>, %arg3: memref<18432xi32, #tpu.memory_space<hbm>>, %arg4: memref<32x64x576xf32, #tpu.memory_space<hbm>>, %arg5: memref<65536xf32, #tpu.memory_space<vmem>>, %arg6: memref<576xi32, #tpu.memory_space<vmem>>, %arg7: memref<64x576xf32, #tpu.memory_space<vmem>>, %arg8: memref<!tpu.dma_semaphore, #tpu.memory_space<semaphore_mem>>, %arg9: memref<!tpu.dma_semaphore, #tpu.memory_space<semaphore_mem>>) attributes {dimension_semantics = [#tpu.dimension_semantics<core_parallel>, #tpu.dimension_semantics<subcore_parallel>], iteration_bounds = array<i64: 2, 16>, scalar_prefetch = 0 : i64, scratch_operands = 5 : i64, tpu.core_type = #tpu.core_type<sc_vector_subcore>, window_params = [{transform_indices = #map}, {transform_indices = #map}, {transform_indices = #map1}]} {
    %mul3A = arith.constant 16 : i32
    %mul3A_0 = arith.muli %arg0, %mul3A : i32
    %add3A = arith.addi %mul3A_0, %arg1 : i32
    %dma_start3A = arith.constant 0 : i32
    %dma_start3A_1 = tpu.memref_slice %arg5[%dma_start3A] : memref<65536xf32, #tpu.memory_space<vmem>> -> memref<32768xf32, #tpu.memory_space<vmem>>
    %dma_start3A_2 = arith.constant 0 : i32
    %dma_start3A_3 = tpu.memref_slice %arg2[%dma_start3A_2] : memref<65536xf32, #tpu.memory_space<hbm>> -> memref<32768xf32, #tpu.memory_space<hbm>>
    %dma_start3A_4 = arith.constant 0 : i32
    %dma_start3A_5 = tpu.memref_slice %arg5[%dma_start3A_4] : memref<65536xf32, #tpu.memory_space<vmem>> -> memref<32768xf32, #tpu.memory_space<vmem>>
    %dma_start3A_6 = arith.constant 0 : i32
    %dma_start3A_7 = tpu.memref_slice %arg2[%dma_start3A_6] : memref<65536xf32, #tpu.memory_space<hbm>> -> memref<32768xf32, #tpu.memory_space<hbm>>
    tpu.enqueue_dma source(%dma_start3A_7 : memref<32768xf32, #tpu.memory_space<hbm>>) target(%dma_start3A_5 : memref<32768xf32, #tpu.memory_space<vmem>>) target_semaphore(%arg8 : memref<!tpu.dma_semaphore, #tpu.memory_space<semaphore_mem>>)
    %dma_start3A_8 = arith.constant 32768 : i32
    %dma_start3A_9 = tpu.memref_slice %arg5[%dma_start3A_8] : memref<65536xf32, #tpu.memory_space<vmem>> -> memref<32768xf32, #tpu.memory_space<vmem>>
    %dma_start3A_10 = arith.constant 32768 : i32
    %dma_start3A_11 = tpu.memref_slice %arg2[%dma_start3A_10] : memref<65536xf32, #tpu.memory_space<hbm>> -> memref<32768xf32, #tpu.memory_space<hbm>>
    %dma_start3A_12 = arith.constant 32768 : i32
    %dma_start3A_13 = tpu.memref_slice %arg5[%dma_start3A_12] : memref<65536xf32, #tpu.memory_space<vmem>> -> memref<32768xf32, #tpu.memory_space<vmem>>
    %dma_start3A_14 = arith.constant 32768 : i32
    %dma_start3A_15 = tpu.memref_slice %arg2[%dma_start3A_14] : memref<65536xf32, #tpu.memory_space<hbm>> -> memref<32768xf32, #tpu.memory_space<hbm>>
    tpu.enqueue_dma source(%dma_start3A_15 : memref<32768xf32, #tpu.memory_space<hbm>>) target(%dma_start3A_13 : memref<32768xf32, #tpu.memory_space<vmem>>) target_semaphore(%arg9 : memref<!tpu.dma_semaphore, #tpu.memory_space<semaphore_mem>>)
    %mul3A_16 = arith.constant 576 : i32
    %mul3A_17 = arith.muli %add3A, %mul3A_16 : i32
    "tpu.region"() ({
      %run_scoped3A = tpu.sem_alloc : memref<!tpu.dma_semaphore, #tpu.memory_space<semaphore_mem>>
      %dma_start3A_109 = tpu.memref_slice %arg3[%mul3A_17] : memref<18432xi32, #tpu.memory_space<hbm>> -> memref<576xi32, #tpu.memory_space<hbm>>
      %dma_start3A_110 = tpu.memref_slice %arg3[%mul3A_17] : memref<18432xi32, #tpu.memory_space<hbm>> -> memref<576xi32, #tpu.memory_space<hbm>>
      tpu.enqueue_dma source(%dma_start3A_110 : memref<576xi32, #tpu.memory_space<hbm>>) target(%arg6 : memref<576xi32, #tpu.memory_space<vmem>>) target_semaphore(%run_scoped3A : memref<!tpu.dma_semaphore, #tpu.memory_space<semaphore_mem>>)
      %dma_wait3A_111 = tpu.memref_slice %arg3[%mul3A_17] : memref<18432xi32, #tpu.memory_space<hbm>> -> memref<576xi32, #tpu.memory_space<hbm>>
      %dma_wait3A_112 = tpu.memref_slice %arg3[%mul3A_17] : memref<18432xi32, #tpu.memory_space<hbm>> -> memref<576xi32, #tpu.memory_space<hbm>>
      tpu.wait_dma2 semaphore(%run_scoped3A : memref<!tpu.dma_semaphore, #tpu.memory_space<semaphore_mem>>) src(%dma_wait3A_112 : memref<576xi32, #tpu.memory_space<hbm>>) dst(%arg6 : memref<576xi32, #tpu.memory_space<vmem>>)
      tpu.yield
    }) : () -> ()
    %get3A = arith.constant 0 : index
    %get3A_18 = tpu.vector_load %arg6[%get3A] {strides = array<i32>} : memref<576xi32, #tpu.memory_space<vmem>>, vector<16xi32>,
    %get3A_19 = arith.constant 16 : index
    %get3A_20 = tpu.vector_load %arg6[%get3A_19] {strides = array<i32>} : memref<576xi32, #tpu.memory_space<vmem>>, vector<16xi32>,
    %get3A_21 = arith.constant 32 : index
    %get3A_22 = tpu.vector_load %arg6[%get3A_21] {strides = array<i32>} : memref<576xi32, #tpu.memory_space<vmem>>, vector<16xi32>,
    %get3A_23 = arith.constant 48 : index
    %get3A_24 = tpu.vector_load %arg6[%get3A_23] {strides = array<i32>} : memref<576xi32, #tpu.memory_space<vmem>>, vector<16xi32>,
    %get3A_25 = arith.constant 64 : index
    %get3A_26 = tpu.vector_load %arg6[%get3A_25] {strides = array<i32>} : memref<576xi32, #tpu.memory_space<vmem>>, vector<16xi32>,
    %get3A_27 = arith.constant 80 : index
    %get3A_28 = tpu.vector_load %arg6[%get3A_27] {strides = array<i32>} : memref<576xi32, #tpu.memory_space<vmem>>, vector<16xi32>,
    %get3A_29 = arith.constant 96 : index
    %get3A_30 = tpu.vector_load %arg6[%get3A_29] {strides = array<i32>} : memref<576xi32, #tpu.memory_space<vmem>>, vector<16xi32>,
    %get3A_31 = arith.constant 112 : index
    %get3A_32 = tpu.vector_load %arg6[%get3A_31] {strides = array<i32>} : memref<576xi32, #tpu.memory_space<vmem>>, vector<16xi32>,
    %get3A_33 = arith.constant 128 : index
    %get3A_34 = tpu.vector_load %arg6[%get3A_33] {strides = array<i32>} : memref<576xi32, #tpu.memory_space<vmem>>, vector<16xi32>,
    %get3A_35 = arith.constant 144 : index
    %get3A_36 = tpu.vector_load %arg6[%get3A_35] {strides = array<i32>} : memref<576xi32, #tpu.memory_space<vmem>>, vector<16xi32>,
    %get3A_37 = arith.constant 160 : index
    %get3A_38 = tpu.vector_load %arg6[%get3A_37] {strides = array<i32>} : memref<576xi32, #tpu.memory_space<vmem>>, vector<16xi32>,
    %get3A_39 = arith.constant 176 : index
    %get3A_40 = tpu.vector_load %arg6[%get3A_39] {strides = array<i32>} : memref<576xi32, #tpu.memory_space<vmem>>, vector<16xi32>,
    %get3A_41 = arith.constant 192 : index
    %get3A_42 = tpu.vector_load %arg6[%get3A_41] {strides = array<i32>} : memref<576xi32, #tpu.memory_space<vmem>>, vector<16xi32>,
    %get3A_43 = arith.constant 208 : index
    %get3A_44 = tpu.vector_load %arg6[%get3A_43] {strides = array<i32>} : memref<576xi32, #tpu.memory_space<vmem>>, vector<16xi32>,
    %get3A_45 = arith.constant 224 : index
    %get3A_46 = tpu.vector_load %arg6[%get3A_45] {strides = array<i32>} : memref<576xi32, #tpu.memory_space<vmem>>, vector<16xi32>,
    %get3A_47 = arith.constant 240 : index
    %get3A_48 = tpu.vector_load %arg6[%get3A_47] {strides = array<i32>} : memref<576xi32, #tpu.memory_space<vmem>>, vector<16xi32>,
    %get3A_49 = arith.constant 256 : index
    %get3A_50 = tpu.vector_load %arg6[%get3A_49] {strides = array<i32>} : memref<576xi32, #tpu.memory_space<vmem>>, vector<16xi32>,
    %get3A_51 = arith.constant 272 : index
    %get3A_52 = tpu.vector_load %arg6[%get3A_51] {strides = array<i32>} : memref<576xi32, #tpu.memory_space<vmem>>, vector<16xi32>,
    %get3A_53 = arith.constant 288 : index
    %get3A_54 = tpu.vector_load %arg6[%get3A_53] {strides = array<i32>} : memref<576xi32, #tpu.memory_space<vmem>>, vector<16xi32>,
    %get3A_55 = arith.constant 304 : index
    %get3A_56 = tpu.vector_load %arg6[%get3A_55] {strides = array<i32>} : memref<576xi32, #tpu.memory_space<vmem>>, vector<16xi32>,
    %get3A_57 = arith.constant 320 : index
    %get3A_58 = tpu.vector_load %arg6[%get3A_57] {strides = array<i32>} : memref<576xi32, #tpu.memory_space<vmem>>, vector<16xi32>,
    %get3A_59 = arith.constant 336 : index
    %get3A_60 = tpu.vector_load %arg6[%get3A_59] {strides = array<i32>} : memref<576xi32, #tpu.memory_space<vmem>>, vector<16xi32>,
    %get3A_61 = arith.constant 352 : index
    %get3A_62 = tpu.vector_load %arg6[%get3A_61] {strides = array<i32>} : memref<576xi32, #tpu.memory_space<vmem>>, vector<16xi32>,
    %get3A_63 = arith.constant 368 : index
    %get3A_64 = tpu.vector_load %arg6[%get3A_63] {strides = array<i32>} : memref<576xi32, #tpu.memory_space<vmem>>, vector<16xi32>,
    %get3A_65 = arith.constant 384 : index
    %get3A_66 = tpu.vector_load %arg6[%get3A_65] {strides = array<i32>} : memref<576xi32, #tpu.memory_space<vmem>>, vector<16xi32>,
    %get3A_67 = arith.constant 400 : index
    %get3A_68 = tpu.vector_load %arg6[%get3A_67] {strides = array<i32>} : memref<576xi32, #tpu.memory_space<vmem>>, vector<16xi32>,
    %get3A_69 = arith.constant 416 : index
    %get3A_70 = tpu.vector_load %arg6[%get3A_69] {strides = array<i32>} : memref<576xi32, #tpu.memory_space<vmem>>, vector<16xi32>,
    %get3A_71 = arith.constant 432 : index
    %get3A_72 = tpu.vector_load %arg6[%get3A_71] {strides = array<i32>} : memref<576xi32, #tpu.memory_space<vmem>>, vector<16xi32>,
    %get3A_73 = arith.constant 448 : index
    %get3A_74 = tpu.vector_load %arg6[%get3A_73] {strides = array<i32>} : memref<576xi32, #tpu.memory_space<vmem>>, vector<16xi32>,
    %get3A_75 = arith.constant 464 : index
    %get3A_76 = tpu.vector_load %arg6[%get3A_75] {strides = array<i32>} : memref<576xi32, #tpu.memory_space<vmem>>, vector<16xi32>,
    %get3A_77 = arith.constant 480 : index
    %get3A_78 = tpu.vector_load %arg6[%get3A_77] {strides = array<i32>} : memref<576xi32, #tpu.memory_space<vmem>>, vector<16xi32>,
    %get3A_79 = arith.constant 496 : index
    %get3A_80 = tpu.vector_load %arg6[%get3A_79] {strides = array<i32>} : memref<576xi32, #tpu.memory_space<vmem>>, vector<16xi32>,
    %get3A_81 = arith.constant 512 : index
    %get3A_82 = tpu.vector_load %arg6[%get3A_81] {strides = array<i32>} : memref<576xi32, #tpu.memory_space<vmem>>, vector<16xi32>,
    %get3A_83 = arith.constant 528 : index
    %get3A_84 = tpu.vector_load %arg6[%get3A_83] {strides = array<i32>} : memref<576xi32, #tpu.memory_space<vmem>>, vector<16xi32>,
    %get3A_85 = arith.constant 544 : index
    %get3A_86 = tpu.vector_load %arg6[%get3A_85] {strides = array<i32>} : memref<576xi32, #tpu.memory_space<vmem>>, vector<16xi32>,
    %get3A_87 = arith.constant 560 : index
    %get3A_88 = tpu.vector_load %arg6[%get3A_87] {strides = array<i32>} : memref<576xi32, #tpu.memory_space<vmem>>, vector<16xi32>,
    %dma_wait3A = arith.constant 0 : i32
    %dma_wait3A_89 = tpu.memref_slice %arg5[%dma_wait3A] : memref<65536xf32, #tpu.memory_space<vmem>> -> memref<32768xf32, #tpu.memory_space<vmem>>
    %dma_wait3A_90 = arith.constant 0 : i32
    %dma_wait3A_91 = tpu.memref_slice %arg2[%dma_wait3A_90] : memref<65536xf32, #tpu.memory_space<hbm>> -> memref<32768xf32, #tpu.memory_space<hbm>>
    %dma_wait3A_92 = arith.constant 0 : i32
    %dma_wait3A_93 = tpu.memref_slice %arg5[%dma_wait3A_92] : memref<65536xf32, #tpu.memory_space<vmem>> -> memref<32768xf32, #tpu.memory_space<vmem>>
    %dma_wait3A_94 = arith.constant 0 : i32
    %dma_wait3A_95 = tpu.memref_slice %arg2[%dma_wait3A_94] : memref<65536xf32, #tpu.memory_space<hbm>> -> memref<32768xf32, #tpu.memory_space<hbm>>
    tpu.wait_dma2 semaphore(%arg8 : memref<!tpu.dma_semaphore, #tpu.memory_space<semaphore_mem>>) src(%dma_wait3A_95 : memref<32768xf32, #tpu.memory_space<hbm>>) dst(%dma_wait3A_93 : memref<32768xf32, #tpu.memory_space<vmem>>)
    %parallel_loop3A = arith.constant 0 : i32
    %parallel_loop3A_96 = arith.constant 32 : i32
    %parallel_loop3A_97 = arith.constant 1 : i32
    scf.for %parallel_loop3A_109 = %parallel_loop3A to %parallel_loop3A_96 step %parallel_loop3A_97  : i32 {
      %parallel_loop3A_110 = arith.constant 1024 : i32
      %parallel_loop3A_111 = arith.muli %parallel_loop3A_109, %parallel_loop3A_110 : i32
      %parallel_loop3A_112 = vector.broadcast %parallel_loop3A_111 : i32 to vector<16xi32>
      %parallel_loop3A_113 = arith.addi %get3A_18, %parallel_loop3A_112 : vector<16xi32>
      %parallel_loop3A_114 = tpu.vector_load_idx %arg5[%parallel_loop3A_113] : memref<65536xf32, #tpu.memory_space<vmem>>[vector<16xi32>], vector<16xf32>,
      %parallel_loop3A_115 = arith.index_cast %parallel_loop3A_109 : i32 to index
      %parallel_loop3A_116 = arith.constant 0 : index
      %parallel_loop3A_117 = tpu.vector_load %arg7[%parallel_loop3A_115, %parallel_loop3A_116] {strides = array<i32>} : memref<64x576xf32, #tpu.memory_space<vmem>>, vector<16xf32>,
      tpu.vector_store %arg7[%parallel_loop3A_115, %parallel_loop3A_116], %parallel_loop3A_114 {strides = array<i32>} : memref<64x576xf32, #tpu.memory_space<vmem>>, vector<16xf32>,
      %parallel_loop3A_118 = arith.addi %get3A_20, %parallel_loop3A_112 : vector<16xi32>
      %parallel_loop3A_119 = tpu.vector_load_idx %arg5[%parallel_loop3A_118] : memref<65536xf32, #tpu.memory_space<vmem>>[vector<16xi32>], vector<16xf32>,
      %parallel_loop3A_120 = arith.index_cast %parallel_loop3A_109 : i32 to index
      %parallel_loop3A_121 = arith.constant 16 : index
      %parallel_loop3A_122 = tpu.vector_load %arg7[%parallel_loop3A_120, %parallel_loop3A_121] {strides = array<i32>} : memref<64x576xf32, #tpu.memory_space<vmem>>, vector<16xf32>,
      tpu.vector_store %arg7[%parallel_loop3A_120, %parallel_loop3A_121], %parallel_loop3A_119 {strides = array<i32>} : memref<64x576xf32, #tpu.memory_space<vmem>>, vector<16xf32>,
      %parallel_loop3A_123 = arith.addi %get3A_22, %parallel_loop3A_112 : vector<16xi32>
      %parallel_loop3A_124 = tpu.vector_load_idx %arg5[%parallel_loop3A_123] : memref<65536xf32, #tpu.memory_space<vmem>>[vector<16xi32>], vector<16xf32>,
      %parallel_loop3A_125 = arith.index_cast %parallel_loop3A_109 : i32 to index
      %parallel_loop3A_126 = arith.constant 32 : index
      %parallel_loop3A_127 = tpu.vector_load %arg7[%parallel_loop3A_125, %parallel_loop3A_126] {strides = array<i32>} : memref<64x576xf32, #tpu.memory_space<vmem>>, vector<16xf32>,
      tpu.vector_store %arg7[%parallel_loop3A_125, %parallel_loop3A_126], %parallel_loop3A_124 {strides = array<i32>} : memref<64x576xf32, #tpu.memory_space<vmem>>, vector<16xf32>,
      %parallel_loop3A_128 = arith.addi %get3A_24, %parallel_loop3A_112 : vector<16xi32>
      %parallel_loop3A_129 = tpu.vector_load_idx %arg5[%parallel_loop3A_128] : memref<65536xf32, #tpu.memory_space<vmem>>[vector<16xi32>], vector<16xf32>,
      %parallel_loop3A_130 = arith.index_cast %parallel_loop3A_109 : i32 to index
      %parallel_loop3A_131 = arith.constant 48 : index
      %parallel_loop3A_132 = tpu.vector_load %arg7[%parallel_loop3A_130, %parallel_loop3A_131] {strides = array<i32>} : memref<64x576xf32, #tpu.memory_space<vmem>>, vector<16xf32>,
      tpu.vector_store %arg7[%parallel_loop3A_130, %parallel_loop3A_131], %parallel_loop3A_129 {strides = array<i32>} : memref<64x576xf32, #tpu.memory_space<vmem>>, vector<16xf32>,
      %parallel_loop3A_133 = arith.addi %get3A_26, %parallel_loop3A_112 : vector<16xi32>
      %parallel_loop3A_134 = tpu.vector_load_idx %arg5[%parallel_loop3A_133] : memref<65536xf32, #tpu.memory_space<vmem>>[vector<16xi32>], vector<16xf32>,
      %parallel_loop3A_135 = arith.index_cast %parallel_loop3A_109 : i32 to index
      %parallel_loop3A_136 = arith.constant 64 : index
      %parallel_loop3A_137 = tpu.vector_load %arg7[%parallel_loop3A_135, %parallel_loop3A_136] {strides = array<i32>} : memref<64x576xf32, #tpu.memory_space<vmem>>, vector<16xf32>,
      tpu.vector_store %arg7[%parallel_loop3A_135, %parallel_loop3A_136], %parallel_loop3A_134 {strides = array<i32>} : memref<64x576xf32, #tpu.memory_space<vmem>>, vector<16xf32>,
      %parallel_loop3A_138 = arith.addi %get3A_28, %parallel_loop3A_112 : vector<16xi32>
      %parallel_loop3A_139 = tpu.vector_load_idx %arg5[%parallel_loop3A_138] : memref<65536xf32, #tpu.memory_space<vmem>>[vector<16xi32>], vector<16xf32>,
      %parallel_loop3A_140 = arith.index_cast %parallel_loop3A_109 : i32 to index
      %parallel_loop3A_141 = arith.constant 80 : index
      %parallel_loop3A_142 = tpu.vector_load %arg7[%parallel_loop3A_140, %parallel_loop3A_141] {strides = array<i32>} : memref<64x576xf32, #tpu.memory_space<vmem>>, vector<16xf32>,
      tpu.vector_store %arg7[%parallel_loop3A_140, %parallel_loop3A_141], %parallel_loop3A_139 {strides = array<i32>} : memref<64x576xf32, #tpu.memory_space<vmem>>, vector<16xf32>,
      %parallel_loop3A_143 = arith.addi %get3A_30, %parallel_loop3A_112 : vector<16xi32>
      %parallel_loop3A_144 = tpu.vector_load_idx %arg5[%parallel_loop3A_143] : memref<65536xf32, #tpu.memory_space<vmem>>[vector<16xi32>], vector<16xf32>,
      %parallel_loop3A_145 = arith.index_cast %parallel_loop3A_109 : i32 to index
      %parallel_loop3A_146 = arith.constant 96 : index
      %parallel_loop3A_147 = tpu.vector_load %arg7[%parallel_loop3A_145, %parallel_loop3A_146] {strides = array<i32>} : memref<64x576xf32, #tpu.memory_space<vmem>>, vector<16xf32>,
      tpu.vector_store %arg7[%parallel_loop3A_145, %parallel_loop3A_146], %parallel_loop3A_144 {strides = array<i32>} : memref<64x576xf32, #tpu.memory_space<vmem>>, vector<16xf32>,
      %parallel_loop3A_148 = arith.addi %get3A_32, %parallel_loop3A_112 : vector<16xi32>
      %parallel_loop3A_149 = tpu.vector_load_idx %arg5[%parallel_loop3A_148] : memref<65536xf32, #tpu.memory_space<vmem>>[vector<16xi32>], vector<16xf32>,
      %parallel_loop3A_150 = arith.index_cast %parallel_loop3A_109 : i32 to index
      %parallel_loop3A_151 = arith.constant 112 : index
      %parallel_loop3A_152 = tpu.vector_load %arg7[%parallel_loop3A_150, %parallel_loop3A_151] {strides = array<i32>} : memref<64x576xf32, #tpu.memory_space<vmem>>, vector<16xf32>,
      tpu.vector_store %arg7[%parallel_loop3A_150, %parallel_loop3A_151], %parallel_loop3A_149 {strides = array<i32>} : memref<64x576xf32, #tpu.memory_space<vmem>>, vector<16xf32>,
      %parallel_loop3A_153 = arith.addi %get3A_34, %parallel_loop3A_112 : vector<16xi32>
      %parallel_loop3A_154 = tpu.vector_load_idx %arg5[%parallel_loop3A_153] : memref<65536xf32, #tpu.memory_space<vmem>>[vector<16xi32>], vector<16xf32>,
      %parallel_loop3A_155 = arith.index_cast %parallel_loop3A_109 : i32 to index
      %parallel_loop3A_156 = arith.constant 128 : index
      %parallel_loop3A_157 = tpu.vector_load %arg7[%parallel_loop3A_155, %parallel_loop3A_156] {strides = array<i32>} : memref<64x576xf32, #tpu.memory_space<vmem>>, vector<16xf32>,
      tpu.vector_store %arg7[%parallel_loop3A_155, %parallel_loop3A_156], %parallel_loop3A_154 {strides = array<i32>} : memref<64x576xf32, #tpu.memory_space<vmem>>, vector<16xf32>,
      %parallel_loop3A_158 = arith.addi %get3A_36, %parallel_loop3A_112 : vector<16xi32>
      %parallel_loop3A_159 = tpu.vector_load_idx %arg5[%parallel_loop3A_158] : memref<65536xf32, #tpu.memory_space<vmem>>[vector<16xi32>], vector<16xf32>,
      %parallel_loop3A_160 = arith.index_cast %parallel_loop3A_109 : i32 to index
      %parallel_loop3A_161 = arith.constant 144 : index
      %parallel_loop3A_162 = tpu.vector_load %arg7[%parallel_loop3A_160, %parallel_loop3A_161] {strides = array<i32>} : memref<64x576xf32, #tpu.memory_space<vmem>>, vector<16xf32>,
      tpu.vector_store %arg7[%parallel_loop3A_160, %parallel_loop3A_161], %parallel_loop3A_159 {strides = array<i32>} : memref<64x576xf32, #tpu.memory_space<vmem>>, vector<16xf32>,
      %parallel_loop3A_163 = arith.addi %get3A_38, %parallel_loop3A_112 : vector<16xi32>
      %parallel_loop3A_164 = tpu.vector_load_idx %arg5[%parallel_loop3A_163] : memref<65536xf32, #tpu.memory_space<vmem>>[vector<16xi32>], vector<16xf32>,
      %parallel_loop3A_165 = arith.index_cast %parallel_loop3A_109 : i32 to index
      %parallel_loop3A_166 = arith.constant 160 : index
      %parallel_loop3A_167 = tpu.vector_load %arg7[%parallel_loop3A_165, %parallel_loop3A_166] {strides = array<i32>} : memref<64x576xf32, #tpu.memory_space<vmem>>, vector<16xf32>,
      tpu.vector_store %arg7[%parallel_loop3A_165, %parallel_loop3A_166], %parallel_loop3A_164 {strides = array<i32>} : memref<64x576xf32, #tpu.memory_space<vmem>>, vector<16xf32>,
      %parallel_loop3A_168 = arith.addi %get3A_40, %parallel_loop3A_112 : vector<16xi32>
      %parallel_loop3A_169 = tpu.vector_load_idx %arg5[%parallel_loop3A_168] : memref<65536xf32, #tpu.memory_space<vmem>>[vector<16xi32>], vector<16xf32>,
      %parallel_loop3A_170 = arith.index_cast %parallel_loop3A_109 : i32 to index
      %parallel_loop3A_171 = arith.constant 176 : index
      %parallel_loop3A_172 = tpu.vector_load %arg7[%parallel_loop3A_170, %parallel_loop3A_171] {strides = array<i32>} : memref<64x576xf32, #tpu.memory_space<vmem>>, vector<16xf32>,
      tpu.vector_store %arg7[%parallel_loop3A_170, %parallel_loop3A_171], %parallel_loop3A_169 {strides = array<i32>} : memref<64x576xf32, #tpu.memory_space<vmem>>, vector<16xf32>,
      %parallel_loop3A_173 = arith.addi %get3A_42, %parallel_loop3A_112 : vector<16xi32>
      %parallel_loop3A_174 = tpu.vector_load_idx %arg5[%parallel_loop3A_173] : memref<65536xf32, #tpu.memory_space<vmem>>[vector<16xi32>], vector<16xf32>,
      %parallel_loop3A_175 = arith.index_cast %parallel_loop3A_109 : i32 to index
      %parallel_loop3A_176 = arith.constant 192 : index
      %parallel_loop3A_177 = tpu.vector_load %arg7[%parallel_loop3A_175, %parallel_loop3A_176] {strides = array<i32>} : memref<64x576xf32, #tpu.memory_space<vmem>>, vector<16xf32>,
      tpu.vector_store %arg7[%parallel_loop3A_175, %parallel_loop3A_176], %parallel_loop3A_174 {strides = array<i32>} : memref<64x576xf32, #tpu.memory_space<vmem>>, vector<16xf32>,
      %parallel_loop3A_178 = arith.addi %get3A_44, %parallel_loop3A_112 : vector<16xi32>
      %parallel_loop3A_179 = tpu.vector_load_idx %arg5[%parallel_loop3A_178] : memref<65536xf32, #tpu.memory_space<vmem>>[vector<16xi32>], vector<16xf32>,
      %parallel_loop3A_180 = arith.index_cast %parallel_loop3A_109 : i32 to index
      %parallel_loop3A_181 = arith.constant 208 : index
      %parallel_loop3A_182 = tpu.vector_load %arg7[%parallel_loop3A_180, %parallel_loop3A_181] {strides = array<i32>} : memref<64x576xf32, #tpu.memory_space<vmem>>, vector<16xf32>,
      tpu.vector_store %arg7[%parallel_loop3A_180, %parallel_loop3A_181], %parallel_loop3A_179 {strides = array<i32>} : memref<64x576xf32, #tpu.memory_space<vmem>>, vector<16xf32>,
      %parallel_loop3A_183 = arith.addi %get3A_46, %parallel_loop3A_112 : vector<16xi32>
      %parallel_loop3A_184 = tpu.vector_load_idx %arg5[%parallel_loop3A_183] : memref<65536xf32, #tpu.memory_space<vmem>>[vector<16xi32>], vector<16xf32>,
      %parallel_loop3A_185 = arith.index_cast %parallel_loop3A_109 : i32 to index
      %parallel_loop3A_186 = arith.constant 224 : index
      %parallel_loop3A_187 = tpu.vector_load %arg7[%parallel_loop3A_185, %parallel_loop3A_186] {strides = array<i32>} : memref<64x576xf32, #tpu.memory_space<vmem>>, vector<16xf32>,
      tpu.vector_store %arg7[%parallel_loop3A_185, %parallel_loop3A_186], %parallel_loop3A_184 {strides = array<i32>} : memref<64x576xf32, #tpu.memory_space<vmem>>, vector<16xf32>,
      %parallel_loop3A_188 = arith.addi %get3A_48, %parallel_loop3A_112 : vector<16xi32>
      %parallel_loop3A_189 = tpu.vector_load_idx %arg5[%parallel_loop3A_188] : memref<65536xf32, #tpu.memory_space<vmem>>[vector<16xi32>], vector<16xf32>,
      %parallel_loop3A_190 = arith.index_cast %parallel_loop3A_109 : i32 to index
      %parallel_loop3A_191 = arith.constant 240 : index
      %parallel_loop3A_192 = tpu.vector_load %arg7[%parallel_loop3A_190, %parallel_loop3A_191] {strides = array<i32>} : memref<64x576xf32, #tpu.memory_space<vmem>>, vector<16xf32>,
      tpu.vector_store %arg7[%parallel_loop3A_190, %parallel_loop3A_191], %parallel_loop3A_189 {strides = array<i32>} : memref<64x576xf32, #tpu.memory_space<vmem>>, vector<16xf32>,
      %parallel_loop3A_193 = arith.addi %get3A_50, %parallel_loop3A_112 : vector<16xi32>
      %parallel_loop3A_194 = tpu.vector_load_idx %arg5[%parallel_loop3A_193] : memref<65536xf32, #tpu.memory_space<vmem>>[vector<16xi32>], vector<16xf32>,
      %parallel_loop3A_195 = arith.index_cast %parallel_loop3A_109 : i32 to index
      %parallel_loop3A_196 = arith.constant 256 : index
      %parallel_loop3A_197 = tpu.vector_load %arg7[%parallel_loop3A_195, %parallel_loop3A_196] {strides = array<i32>} : memref<64x576xf32, #tpu.memory_space<vmem>>, vector<16xf32>,
      tpu.vector_store %arg7[%parallel_loop3A_195, %parallel_loop3A_196], %parallel_loop3A_194 {strides = array<i32>} : memref<64x576xf32, #tpu.memory_space<vmem>>, vector<16xf32>,
      %parallel_loop3A_198 = arith.addi %get3A_52, %parallel_loop3A_112 : vector<16xi32>
      %parallel_loop3A_199 = tpu.vector_load_idx %arg5[%parallel_loop3A_198] : memref<65536xf32, #tpu.memory_space<vmem>>[vector<16xi32>], vector<16xf32>,
      %parallel_loop3A_200 = arith.index_cast %parallel_loop3A_109 : i32 to index
      %parallel_loop3A_201 = arith.constant 272 : index
      %parallel_loop3A_202 = tpu.vector_load %arg7[%parallel_loop3A_200, %parallel_loop3A_201] {strides = array<i32>} : memref<64x576xf32, #tpu.memory_space<vmem>>, vector<16xf32>,
      tpu.vector_store %arg7[%parallel_loop3A_200, %parallel_loop3A_201], %parallel_loop3A_199 {strides = array<i32>} : memref<64x576xf32, #tpu.memory_space<vmem>>, vector<16xf32>,
      %parallel_loop3A_203 = arith.addi %get3A_54, %parallel_loop3A_112 : vector<16xi32>
      %parallel_loop3A_204 = tpu.vector_load_idx %arg5[%parallel_loop3A_203] : memref<65536xf32, #tpu.memory_space<vmem>>[vector<16xi32>], vector<16xf32>,
      %parallel_loop3A_205 = arith.index_cast %parallel_loop3A_109 : i32 to index
      %parallel_loop3A_206 = arith.constant 288 : index
      %parallel_loop3A_207 = tpu.vector_load %arg7[%parallel_loop3A_205, %parallel_loop3A_206] {strides = array<i32>} : memref<64x576xf32, #tpu.memory_space<vmem>>, vector<16xf32>,
      tpu.vector_store %arg7[%parallel_loop3A_205, %parallel_loop3A_206], %parallel_loop3A_204 {strides = array<i32>} : memref<64x576xf32, #tpu.memory_space<vmem>>, vector<16xf32>,
      %parallel_loop3A_208 = arith.addi %get3A_56, %parallel_loop3A_112 : vector<16xi32>
      %parallel_loop3A_209 = tpu.vector_load_idx %arg5[%parallel_loop3A_208] : memref<65536xf32, #tpu.memory_space<vmem>>[vector<16xi32>], vector<16xf32>,
      %parallel_loop3A_210 = arith.index_cast %parallel_loop3A_109 : i32 to index
      %parallel_loop3A_211 = arith.constant 304 : index
      %parallel_loop3A_212 = tpu.vector_load %arg7[%parallel_loop3A_210, %parallel_loop3A_211] {strides = array<i32>} : memref<64x576xf32, #tpu.memory_space<vmem>>, vector<16xf32>,
      tpu.vector_store %arg7[%parallel_loop3A_210, %parallel_loop3A_211], %parallel_loop3A_209 {strides = array<i32>} : memref<64x576xf32, #tpu.memory_space<vmem>>, vector<16xf32>,
      %parallel_loop3A_213 = arith.addi %get3A_58, %parallel_loop3A_112 : vector<16xi32>
      %parallel_loop3A_214 = tpu.vector_load_idx %arg5[%parallel_loop3A_213] : memref<65536xf32, #tpu.memory_space<vmem>>[vector<16xi32>], vector<16xf32>,
      %parallel_loop3A_215 = arith.index_cast %parallel_loop3A_109 : i32 to index
      %parallel_loop3A_216 = arith.constant 320 : index
      %parallel_loop3A_217 = tpu.vector_load %arg7[%parallel_loop3A_215, %parallel_loop3A_216] {strides = array<i32>} : memref<64x576xf32, #tpu.memory_space<vmem>>, vector<16xf32>,
      tpu.vector_store %arg7[%parallel_loop3A_215, %parallel_loop3A_216], %parallel_loop3A_214 {strides = array<i32>} : memref<64x576xf32, #tpu.memory_space<vmem>>, vector<16xf32>,
      %parallel_loop3A_218 = arith.addi %get3A_60, %parallel_loop3A_112 : vector<16xi32>
      %parallel_loop3A_219 = tpu.vector_load_idx %arg5[%parallel_loop3A_218] : memref<65536xf32, #tpu.memory_space<vmem>>[vector<16xi32>], vector<16xf32>,
      %parallel_loop3A_220 = arith.index_cast %parallel_loop3A_109 : i32 to index
      %parallel_loop3A_221 = arith.constant 336 : index
      %parallel_loop3A_222 = tpu.vector_load %arg7[%parallel_loop3A_220, %parallel_loop3A_221] {strides = array<i32>} : memref<64x576xf32, #tpu.memory_space<vmem>>, vector<16xf32>,
      tpu.vector_store %arg7[%parallel_loop3A_220, %parallel_loop3A_221], %parallel_loop3A_219 {strides = array<i32>} : memref<64x576xf32, #tpu.memory_space<vmem>>, vector<16xf32>,
      %parallel_loop3A_223 = arith.addi %get3A_62, %parallel_loop3A_112 : vector<16xi32>
      %parallel_loop3A_224 = tpu.vector_load_idx %arg5[%parallel_loop3A_223] : memref<65536xf32, #tpu.memory_space<vmem>>[vector<16xi32>], vector<16xf32>,
      %parallel_loop3A_225 = arith.index_cast %parallel_loop3A_109 : i32 to index
      %parallel_loop3A_226 = arith.constant 352 : index
      %parallel_loop3A_227 = tpu.vector_load %arg7[%parallel_loop3A_225, %parallel_loop3A_226] {strides = array<i32>} : memref<64x576xf32, #tpu.memory_space<vmem>>, vector<16xf32>,
      tpu.vector_store %arg7[%parallel_loop3A_225, %parallel_loop3A_226], %parallel_loop3A_224 {strides = array<i32>} : memref<64x576xf32, #tpu.memory_space<vmem>>, vector<16xf32>,
      %parallel_loop3A_228 = arith.addi %get3A_64, %parallel_loop3A_112 : vector<16xi32>
      %parallel_loop3A_229 = tpu.vector_load_idx %arg5[%parallel_loop3A_228] : memref<65536xf32, #tpu.memory_space<vmem>>[vector<16xi32>], vector<16xf32>,
      %parallel_loop3A_230 = arith.index_cast %parallel_loop3A_109 : i32 to index
      %parallel_loop3A_231 = arith.constant 368 : index
      %parallel_loop3A_232 = tpu.vector_load %arg7[%parallel_loop3A_230, %parallel_loop3A_231] {strides = array<i32>} : memref<64x576xf32, #tpu.memory_space<vmem>>, vector<16xf32>,
      tpu.vector_store %arg7[%parallel_loop3A_230, %parallel_loop3A_231], %parallel_loop3A_229 {strides = array<i32>} : memref<64x576xf32, #tpu.memory_space<vmem>>, vector<16xf32>,
      %parallel_loop3A_233 = arith.addi %get3A_66, %parallel_loop3A_112 : vector<16xi32>
      %parallel_loop3A_234 = tpu.vector_load_idx %arg5[%parallel_loop3A_233] : memref<65536xf32, #tpu.memory_space<vmem>>[vector<16xi32>], vector<16xf32>,
      %parallel_loop3A_235 = arith.index_cast %parallel_loop3A_109 : i32 to index
      %parallel_loop3A_236 = arith.constant 384 : index
      %parallel_loop3A_237 = tpu.vector_load %arg7[%parallel_loop3A_235, %parallel_loop3A_236] {strides = array<i32>} : memref<64x576xf32, #tpu.memory_space<vmem>>, vector<16xf32>,
      tpu.vector_store %arg7[%parallel_loop3A_235, %parallel_loop3A_236], %parallel_loop3A_234 {strides = array<i32>} : memref<64x576xf32, #tpu.memory_space<vmem>>, vector<16xf32>,
      %parallel_loop3A_238 = arith.addi %get3A_68, %parallel_loop3A_112 : vector<16xi32>
      %parallel_loop3A_239 = tpu.vector_load_idx %arg5[%parallel_loop3A_238] : memref<65536xf32, #tpu.memory_space<vmem>>[vector<16xi32>], vector<16xf32>,
      %parallel_loop3A_240 = arith.index_cast %parallel_loop3A_109 : i32 to index
      %parallel_loop3A_241 = arith.constant 400 : index
      %parallel_loop3A_242 = tpu.vector_load %arg7[%parallel_loop3A_240, %parallel_loop3A_241] {strides = array<i32>} : memref<64x576xf32, #tpu.memory_space<vmem>>, vector<16xf32>,
      tpu.vector_store %arg7[%parallel_loop3A_240, %parallel_loop3A_241], %parallel_loop3A_239 {strides = array<i32>} : memref<64x576xf32, #tpu.memory_space<vmem>>, vector<16xf32>,
      %parallel_loop3A_243 = arith.addi %get3A_70, %parallel_loop3A_112 : vector<16xi32>
      %parallel_loop3A_244 = tpu.vector_load_idx %arg5[%parallel_loop3A_243] : memref<65536xf32, #tpu.memory_space<vmem>>[vector<16xi32>], vector<16xf32>,
      %parallel_loop3A_245 = arith.index_cast %parallel_loop3A_109 : i32 to index
      %parallel_loop3A_246 = arith.constant 416 : index
      %parallel_loop3A_247 = tpu.vector_load %arg7[%parallel_loop3A_245, %parallel_loop3A_246] {strides = array<i32>} : memref<64x576xf32, #tpu.memory_space<vmem>>, vector<16xf32>,
      tpu.vector_store %arg7[%parallel_loop3A_245, %parallel_loop3A_246], %parallel_loop3A_244 {strides = array<i32>} : memref<64x576xf32, #tpu.memory_space<vmem>>, vector<16xf32>,
      %parallel_loop3A_248 = arith.addi %get3A_72, %parallel_loop3A_112 : vector<16xi32>
      %parallel_loop3A_249 = tpu.vector_load_idx %arg5[%parallel_loop3A_248] : memref<65536xf32, #tpu.memory_space<vmem>>[vector<16xi32>], vector<16xf32>,
      %parallel_loop3A_250 = arith.index_cast %parallel_loop3A_109 : i32 to index
      %parallel_loop3A_251 = arith.constant 432 : index
      %parallel_loop3A_252 = tpu.vector_load %arg7[%parallel_loop3A_250, %parallel_loop3A_251] {strides = array<i32>} : memref<64x576xf32, #tpu.memory_space<vmem>>, vector<16xf32>,
      tpu.vector_store %arg7[%parallel_loop3A_250, %parallel_loop3A_251], %parallel_loop3A_249 {strides = array<i32>} : memref<64x576xf32, #tpu.memory_space<vmem>>, vector<16xf32>,
      %parallel_loop3A_253 = arith.addi %get3A_74, %parallel_loop3A_112 : vector<16xi32>
      %parallel_loop3A_254 = tpu.vector_load_idx %arg5[%parallel_loop3A_253] : memref<65536xf32, #tpu.memory_space<vmem>>[vector<16xi32>], vector<16xf32>,
      %parallel_loop3A_255 = arith.index_cast %parallel_loop3A_109 : i32 to index
      %parallel_loop3A_256 = arith.constant 448 : index
      %parallel_loop3A_257 = tpu.vector_load %arg7[%parallel_loop3A_255, %parallel_loop3A_256] {strides = array<i32>} : memref<64x576xf32, #tpu.memory_space<vmem>>, vector<16xf32>,
      tpu.vector_store %arg7[%parallel_loop3A_255, %parallel_loop3A_256], %parallel_loop3A_254 {strides = array<i32>} : memref<64x576xf32, #tpu.memory_space<vmem>>, vector<16xf32>,
      %parallel_loop3A_258 = arith.addi %get3A_76, %parallel_loop3A_112 : vector<16xi32>
      %parallel_loop3A_259 = tpu.vector_load_idx %arg5[%parallel_loop3A_258] : memref<65536xf32, #tpu.memory_space<vmem>>[vector<16xi32>], vector<16xf32>,
      %parallel_loop3A_260 = arith.index_cast %parallel_loop3A_109 : i32 to index
      %parallel_loop3A_261 = arith.constant 464 : index
      %parallel_loop3A_262 = tpu.vector_load %arg7[%parallel_loop3A_260, %parallel_loop3A_261] {strides = array<i32>} : memref<64x576xf32, #tpu.memory_space<vmem>>, vector<16xf32>,
      tpu.vector_store %arg7[%parallel_loop3A_260, %parallel_loop3A_261], %parallel_loop3A_259 {strides = array<i32>} : memref<64x576xf32, #tpu.memory_space<vmem>>, vector<16xf32>,
      %parallel_loop3A_263 = arith.addi %get3A_78, %parallel_loop3A_112 : vector<16xi32>
      %parallel_loop3A_264 = tpu.vector_load_idx %arg5[%parallel_loop3A_263] : memref<65536xf32, #tpu.memory_space<vmem>>[vector<16xi32>], vector<16xf32>,
      %parallel_loop3A_265 = arith.index_cast %parallel_loop3A_109 : i32 to index
      %parallel_loop3A_266 = arith.constant 480 : index
      %parallel_loop3A_267 = tpu.vector_load %arg7[%parallel_loop3A_265, %parallel_loop3A_266] {strides = array<i32>} : memref<64x576xf32, #tpu.memory_space<vmem>>, vector<16xf32>,
      tpu.vector_store %arg7[%parallel_loop3A_265, %parallel_loop3A_266], %parallel_loop3A_264 {strides = array<i32>} : memref<64x576xf32, #tpu.memory_space<vmem>>, vector<16xf32>,
      %parallel_loop3A_268 = arith.addi %get3A_80, %parallel_loop3A_112 : vector<16xi32>
      %parallel_loop3A_269 = tpu.vector_load_idx %arg5[%parallel_loop3A_268] : memref<65536xf32, #tpu.memory_space<vmem>>[vector<16xi32>], vector<16xf32>,
      %parallel_loop3A_270 = arith.index_cast %parallel_loop3A_109 : i32 to index
      %parallel_loop3A_271 = arith.constant 496 : index
      %parallel_loop3A_272 = tpu.vector_load %arg7[%parallel_loop3A_270, %parallel_loop3A_271] {strides = array<i32>} : memref<64x576xf32, #tpu.memory_space<vmem>>, vector<16xf32>,
      tpu.vector_store %arg7[%parallel_loop3A_270, %parallel_loop3A_271], %parallel_loop3A_269 {strides = array<i32>} : memref<64x576xf32, #tpu.memory_space<vmem>>, vector<16xf32>,
      %parallel_loop3A_273 = arith.addi %get3A_82, %parallel_loop3A_112 : vector<16xi32>
      %parallel_loop3A_274 = tpu.vector_load_idx %arg5[%parallel_loop3A_273] : memref<65536xf32, #tpu.memory_space<vmem>>[vector<16xi32>], vector<16xf32>,
      %parallel_loop3A_275 = arith.index_cast %parallel_loop3A_109 : i32 to index
      %parallel_loop3A_276 = arith.constant 512 : index
      %parallel_loop3A_277 = tpu.vector_load %arg7[%parallel_loop3A_275, %parallel_loop3A_276] {strides = array<i32>} : memref<64x576xf32, #tpu.memory_space<vmem>>, vector<16xf32>,
      tpu.vector_store %arg7[%parallel_loop3A_275, %parallel_loop3A_276], %parallel_loop3A_274 {strides = array<i32>} : memref<64x576xf32, #tpu.memory_space<vmem>>, vector<16xf32>,
      %parallel_loop3A_278 = arith.addi %get3A_84, %parallel_loop3A_112 : vector<16xi32>
      %parallel_loop3A_279 = tpu.vector_load_idx %arg5[%parallel_loop3A_278] : memref<65536xf32, #tpu.memory_space<vmem>>[vector<16xi32>], vector<16xf32>,
      %parallel_loop3A_280 = arith.index_cast %parallel_loop3A_109 : i32 to index
      %parallel_loop3A_281 = arith.constant 528 : index
      %parallel_loop3A_282 = tpu.vector_load %arg7[%parallel_loop3A_280, %parallel_loop3A_281] {strides = array<i32>} : memref<64x576xf32, #tpu.memory_space<vmem>>, vector<16xf32>,
      tpu.vector_store %arg7[%parallel_loop3A_280, %parallel_loop3A_281], %parallel_loop3A_279 {strides = array<i32>} : memref<64x576xf32, #tpu.memory_space<vmem>>, vector<16xf32>,
      %parallel_loop3A_283 = arith.addi %get3A_86, %parallel_loop3A_112 : vector<16xi32>
      %parallel_loop3A_284 = tpu.vector_load_idx %arg5[%parallel_loop3A_283] : memref<65536xf32, #tpu.memory_space<vmem>>[vector<16xi32>], vector<16xf32>,
      %parallel_loop3A_285 = arith.index_cast %parallel_loop3A_109 : i32 to index
      %parallel_loop3A_286 = arith.constant 544 : index
      %parallel_loop3A_287 = tpu.vector_load %arg7[%parallel_loop3A_285, %parallel_loop3A_286] {strides = array<i32>} : memref<64x576xf32, #tpu.memory_space<vmem>>, vector<16xf32>,
      tpu.vector_store %arg7[%parallel_loop3A_285, %parallel_loop3A_286], %parallel_loop3A_284 {strides = array<i32>} : memref<64x576xf32, #tpu.memory_space<vmem>>, vector<16xf32>,
      %parallel_loop3A_288 = arith.addi %get3A_88, %parallel_loop3A_112 : vector<16xi32>
      %parallel_loop3A_289 = tpu.vector_load_idx %arg5[%parallel_loop3A_288] : memref<65536xf32, #tpu.memory_space<vmem>>[vector<16xi32>], vector<16xf32>,
      %parallel_loop3A_290 = arith.index_cast %parallel_loop3A_109 : i32 to index
      %parallel_loop3A_291 = arith.constant 560 : index
      %parallel_loop3A_292 = tpu.vector_load %arg7[%parallel_loop3A_290, %parallel_loop3A_291] {strides = array<i32>} : memref<64x576xf32, #tpu.memory_space<vmem>>, vector<16xf32>,
      tpu.vector_store %arg7[%parallel_loop3A_290, %parallel_loop3A_291], %parallel_loop3A_289 {strides = array<i32>} : memref<64x576xf32, #tpu.memory_space<vmem>>, vector<16xf32>,
    } {sc.loop_unroll_factor = 8 : i64, sc.parallel_access}
    %dma_wait3A_98 = arith.constant 32768 : i32
    %dma_wait3A_99 = tpu.memref_slice %arg5[%dma_wait3A_98] : memref<65536xf32, #tpu.memory_space<vmem>> -> memref<32768xf32, #tpu.memory_space<vmem>>
    %dma_wait3A_100 = arith.constant 32768 : i32
    %dma_wait3A_101 = tpu.memref_slice %arg2[%dma_wait3A_100] : memref<65536xf32, #tpu.memory_space<hbm>> -> memref<32768xf32, #tpu.memory_space<hbm>>
    %dma_wait3A_102 = arith.constant 32768 : i32
    %dma_wait3A_103 = tpu.memref_slice %arg5[%dma_wait3A_102] : memref<65536xf32, #tpu.memory_space<vmem>> -> memref<32768xf32, #tpu.memory_space<vmem>>
    %dma_wait3A_104 = arith.constant 32768 : i32
    %dma_wait3A_105 = tpu.memref_slice %arg2[%dma_wait3A_104] : memref<65536xf32, #tpu.memory_space<hbm>> -> memref<32768xf32, #tpu.memory_space<hbm>>
    tpu.wait_dma2 semaphore(%arg9 : memref<!tpu.dma_semaphore, #tpu.memory_space<semaphore_mem>>) src(%dma_wait3A_105 : memref<32768xf32, #tpu.memory_space<hbm>>) dst(%dma_wait3A_103 : memref<32768xf32, #tpu.memory_space<vmem>>)
    %parallel_loop3A_106 = arith.constant 32 : i32
    %parallel_loop3A_107 = arith.constant 64 : i32
    %parallel_loop3A_108 = arith.constant 1 : i32
    scf.for %parallel_loop3A_109 = %parallel_loop3A_106 to %parallel_loop3A_107 step %parallel_loop3A_108  : i32 {
      %parallel_loop3A_110 = arith.constant 1024 : i32
      %parallel_loop3A_111 = arith.muli %parallel_loop3A_109, %parallel_loop3A_110 : i32
      %parallel_loop3A_112 = vector.broadcast %parallel_loop3A_111 : i32 to vector<16xi32>
      %parallel_loop3A_113 = arith.addi %get3A_18, %parallel_loop3A_112 : vector<16xi32>
      %parallel_loop3A_114 = tpu.vector_load_idx %arg5[%parallel_loop3A_113] : memref<65536xf32, #tpu.memory_space<vmem>>[vector<16xi32>], vector<16xf32>,
      %parallel_loop3A_115 = arith.index_cast %parallel_loop3A_109 : i32 to index
      %parallel_loop3A_116 = arith.constant 0 : index
      %parallel_loop3A_117 = tpu.vector_load %arg7[%parallel_loop3A_115, %parallel_loop3A_116] {strides = array<i32>} : memref<64x576xf32, #tpu.memory_space<vmem>>, vector<16xf32>,
      tpu.vector_store %arg7[%parallel_loop3A_115, %parallel_loop3A_116], %parallel_loop3A_114 {strides = array<i32>} : memref<64x576xf32, #tpu.memory_space<vmem>>, vector<16xf32>,
      %parallel_loop3A_118 = arith.addi %get3A_20, %parallel_loop3A_112 : vector<16xi32>
      %parallel_loop3A_119 = tpu.vector_load_idx %arg5[%parallel_loop3A_118] : memref<65536xf32, #tpu.memory_space<vmem>>[vector<16xi32>], vector<16xf32>,
      %parallel_loop3A_120 = arith.index_cast %parallel_loop3A_109 : i32 to index
      %parallel_loop3A_121 = arith.constant 16 : index
      %parallel_loop3A_122 = tpu.vector_load %arg7[%parallel_loop3A_120, %parallel_loop3A_121] {strides = array<i32>} : memref<64x576xf32, #tpu.memory_space<vmem>>, vector<16xf32>,
      tpu.vector_store %arg7[%parallel_loop3A_120, %parallel_loop3A_121], %parallel_loop3A_119 {strides = array<i32>} : memref<64x576xf32, #tpu.memory_space<vmem>>, vector<16xf32>,
      %parallel_loop3A_123 = arith.addi %get3A_22, %parallel_loop3A_112 : vector<16xi32>
      %parallel_loop3A_124 = tpu.vector_load_idx %arg5[%parallel_loop3A_123] : memref<65536xf32, #tpu.memory_space<vmem>>[vector<16xi32>], vector<16xf32>,
      %parallel_loop3A_125 = arith.index_cast %parallel_loop3A_109 : i32 to index
      %parallel_loop3A_126 = arith.constant 32 : index
      %parallel_loop3A_127 = tpu.vector_load %arg7[%parallel_loop3A_125, %parallel_loop3A_126] {strides = array<i32>} : memref<64x576xf32, #tpu.memory_space<vmem>>, vector<16xf32>,
      tpu.vector_store %arg7[%parallel_loop3A_125, %parallel_loop3A_126], %parallel_loop3A_124 {strides = array<i32>} : memref<64x576xf32, #tpu.memory_space<vmem>>, vector<16xf32>,
      %parallel_loop3A_128 = arith.addi %get3A_24, %parallel_loop3A_112 : vector<16xi32>
      %parallel_loop3A_129 = tpu.vector_load_idx %arg5[%parallel_loop3A_128] : memref<65536xf32, #tpu.memory_space<vmem>>[vector<16xi32>], vector<16xf32>,
      %parallel_loop3A_130 = arith.index_cast %parallel_loop3A_109 : i32 to index
      %parallel_loop3A_131 = arith.constant 48 : index
      %parallel_loop3A_132 = tpu.vector_load %arg7[%parallel_loop3A_130, %parallel_loop3A_131] {strides = array<i32>} : memref<64x576xf32, #tpu.memory_space<vmem>>, vector<16xf32>,
      tpu.vector_store %arg7[%parallel_loop3A_130, %parallel_loop3A_131], %parallel_loop3A_129 {strides = array<i32>} : memref<64x576xf32, #tpu.memory_space<vmem>>, vector<16xf32>,
      %parallel_loop3A_133 = arith.addi %get3A_26, %parallel_loop3A_112 : vector<16xi32>
      %parallel_loop3A_134 = tpu.vector_load_idx %arg5[%parallel_loop3A_133] : memref<65536xf32, #tpu.memory_space<vmem>>[vector<16xi32>], vector<16xf32>,
      %parallel_loop3A_135 = arith.index_cast %parallel_loop3A_109 : i32 to index
      %parallel_loop3A_136 = arith.constant 64 : index
      %parallel_loop3A_137 = tpu.vector_load %arg7[%parallel_loop3A_135, %parallel_loop3A_136] {strides = array<i32>} : memref<64x576xf32, #tpu.memory_space<vmem>>, vector<16xf32>,
      tpu.vector_store %arg7[%parallel_loop3A_135, %parallel_loop3A_136], %parallel_loop3A_134 {strides = array<i32>} : memref<64x576xf32, #tpu.memory_space<vmem>>, vector<16xf32>,
      %parallel_loop3A_138 = arith.addi %get3A_28, %parallel_loop3A_112 : vector<16xi32>
      %parallel_loop3A_139 = tpu.vector_load_idx %arg5[%parallel_loop3A_138] : memref<65536xf32, #tpu.memory_space<vmem>>[vector<16xi32>], vector<16xf32>,
      %parallel_loop3A_140 = arith.index_cast %parallel_loop3A_109 : i32 to index
      %parallel_loop3A_141 = arith.constant 80 : index
      %parallel_loop3A_142 = tpu.vector_load %arg7[%parallel_loop3A_140, %parallel_loop3A_141] {strides = array<i32>} : memref<64x576xf32, #tpu.memory_space<vmem>>, vector<16xf32>,
      tpu.vector_store %arg7[%parallel_loop3A_140, %parallel_loop3A_141], %parallel_loop3A_139 {strides = array<i32>} : memref<64x576xf32, #tpu.memory_space<vmem>>, vector<16xf32>,
      %parallel_loop3A_143 = arith.addi %get3A_30, %parallel_loop3A_112 : vector<16xi32>
      %parallel_loop3A_144 = tpu.vector_load_idx %arg5[%parallel_loop3A_143] : memref<65536xf32, #tpu.memory_space<vmem>>[vector<16xi32>], vector<16xf32>,
      %parallel_loop3A_145 = arith.index_cast %parallel_loop3A_109 : i32 to index
      %parallel_loop3A_146 = arith.constant 96 : index
      %parallel_loop3A_147 = tpu.vector_load %arg7[%parallel_loop3A_145, %parallel_loop3A_146] {strides = array<i32>} : memref<64x576xf32, #tpu.memory_space<vmem>>, vector<16xf32>,
      tpu.vector_store %arg7[%parallel_loop3A_145, %parallel_loop3A_146], %parallel_loop3A_144 {strides = array<i32>} : memref<64x576xf32, #tpu.memory_space<vmem>>, vector<16xf32>,
      %parallel_loop3A_148 = arith.addi %get3A_32, %parallel_loop3A_112 : vector<16xi32>
      %parallel_loop3A_149 = tpu.vector_load_idx %arg5[%parallel_loop3A_148] : memref<65536xf32, #tpu.memory_space<vmem>>[vector<16xi32>], vector<16xf32>,
      %parallel_loop3A_150 = arith.index_cast %parallel_loop3A_109 : i32 to index
      %parallel_loop3A_151 = arith.constant 112 : index
      %parallel_loop3A_152 = tpu.vector_load %arg7[%parallel_loop3A_150, %parallel_loop3A_151] {strides = array<i32>} : memref<64x576xf32, #tpu.memory_space<vmem>>, vector<16xf32>,
      tpu.vector_store %arg7[%parallel_loop3A_150, %parallel_loop3A_151], %parallel_loop3A_149 {strides = array<i32>} : memref<64x576xf32, #tpu.memory_space<vmem>>, vector<16xf32>,
      %parallel_loop3A_153 = arith.addi %get3A_34, %parallel_loop3A_112 : vector<16xi32>
      %parallel_loop3A_154 = tpu.vector_load_idx %arg5[%parallel_loop3A_153] : memref<65536xf32, #tpu.memory_space<vmem>>[vector<16xi32>], vector<16xf32>,
      %parallel_loop3A_155 = arith.index_cast %parallel_loop3A_109 : i32 to index
      %parallel_loop3A_156 = arith.constant 128 : index
      %parallel_loop3A_157 = tpu.vector_load %arg7[%parallel_loop3A_155, %parallel_loop3A_156] {strides = array<i32>} : memref<64x576xf32, #tpu.memory_space<vmem>>, vector<16xf32>,
      tpu.vector_store %arg7[%parallel_loop3A_155, %parallel_loop3A_156], %parallel_loop3A_154 {strides = array<i32>} : memref<64x576xf32, #tpu.memory_space<vmem>>, vector<16xf32>,
      %parallel_loop3A_158 = arith.addi %get3A_36, %parallel_loop3A_112 : vector<16xi32>
      %parallel_loop3A_159 = tpu.vector_load_idx %arg5[%parallel_loop3A_158] : memref<65536xf32, #tpu.memory_space<vmem>>[vector<16xi32>], vector<16xf32>,
      %parallel_loop3A_160 = arith.index_cast %parallel_loop3A_109 : i32 to index
      %parallel_loop3A_161 = arith.constant 144 : index
      %parallel_loop3A_162 = tpu.vector_load %arg7[%parallel_loop3A_160, %parallel_loop3A_161] {strides = array<i32>} : memref<64x576xf32, #tpu.memory_space<vmem>>, vector<16xf32>,
      tpu.vector_store %arg7[%parallel_loop3A_160, %parallel_loop3A_161], %parallel_loop3A_159 {strides = array<i32>} : memref<64x576xf32, #tpu.memory_space<vmem>>, vector<16xf32>,
      %parallel_loop3A_163 = arith.addi %get3A_38, %parallel_loop3A_112 : vector<16xi32>
      %parallel_loop3A_164 = tpu.vector_load_idx %arg5[%parallel_loop3A_163] : memref<65536xf32, #tpu.memory_space<vmem>>[vector<16xi32>], vector<16xf32>,
      %parallel_loop3A_165 = arith.index_cast %parallel_loop3A_109 : i32 to index
      %parallel_loop3A_166 = arith.constant 160 : index
      %parallel_loop3A_167 = tpu.vector_load %arg7[%parallel_loop3A_165, %parallel_loop3A_166] {strides = array<i32>} : memref<64x576xf32, #tpu.memory_space<vmem>>, vector<16xf32>,
      tpu.vector_store %arg7[%parallel_loop3A_165, %parallel_loop3A_166], %parallel_loop3A_164 {strides = array<i32>} : memref<64x576xf32, #tpu.memory_space<vmem>>, vector<16xf32>,
      %parallel_loop3A_168 = arith.addi %get3A_40, %parallel_loop3A_112 : vector<16xi32>
      %parallel_loop3A_169 = tpu.vector_load_idx %arg5[%parallel_loop3A_168] : memref<65536xf32, #tpu.memory_space<vmem>>[vector<16xi32>], vector<16xf32>,
      %parallel_loop3A_170 = arith.index_cast %parallel_loop3A_109 : i32 to index
      %parallel_loop3A_171 = arith.constant 176 : index
      %parallel_loop3A_172 = tpu.vector_load %arg7[%parallel_loop3A_170, %parallel_loop3A_171] {strides = array<i32>} : memref<64x576xf32, #tpu.memory_space<vmem>>, vector<16xf32>,
      tpu.vector_store %arg7[%parallel_loop3A_170, %parallel_loop3A_171], %parallel_loop3A_169 {strides = array<i32>} : memref<64x576xf32, #tpu.memory_space<vmem>>, vector<16xf32>,
      %parallel_loop3A_173 = arith.addi %get3A_42, %parallel_loop3A_112 : vector<16xi32>
      %parallel_loop3A_174 = tpu.vector_load_idx %arg5[%parallel_loop3A_173] : memref<65536xf32, #tpu.memory_space<vmem>>[vector<16xi32>], vector<16xf32>,
      %parallel_loop3A_175 = arith.index_cast %parallel_loop3A_109 : i32 to index
      %parallel_loop3A_176 = arith.constant 192 : index
      %parallel_loop3A_177 = tpu.vector_load %arg7[%parallel_loop3A_175, %parallel_loop3A_176] {strides = array<i32>} : memref<64x576xf32, #tpu.memory_space<vmem>>, vector<16xf32>,
      tpu.vector_store %arg7[%parallel_loop3A_175, %parallel_loop3A_176], %parallel_loop3A_174 {strides = array<i32>} : memref<64x576xf32, #tpu.memory_space<vmem>>, vector<16xf32>,
      %parallel_loop3A_178 = arith.addi %get3A_44, %parallel_loop3A_112 : vector<16xi32>
      %parallel_loop3A_179 = tpu.vector_load_idx %arg5[%parallel_loop3A_178] : memref<65536xf32, #tpu.memory_space<vmem>>[vector<16xi32>], vector<16xf32>,
      %parallel_loop3A_180 = arith.index_cast %parallel_loop3A_109 : i32 to index
      %parallel_loop3A_181 = arith.constant 208 : index
      %parallel_loop3A_182 = tpu.vector_load %arg7[%parallel_loop3A_180, %parallel_loop3A_181] {strides = array<i32>} : memref<64x576xf32, #tpu.memory_space<vmem>>, vector<16xf32>,
      tpu.vector_store %arg7[%parallel_loop3A_180, %parallel_loop3A_181], %parallel_loop3A_179 {strides = array<i32>} : memref<64x576xf32, #tpu.memory_space<vmem>>, vector<16xf32>,
      %parallel_loop3A_183 = arith.addi %get3A_46, %parallel_loop3A_112 : vector<16xi32>
      %parallel_loop3A_184 = tpu.vector_load_idx %arg5[%parallel_loop3A_183] : memref<65536xf32, #tpu.memory_space<vmem>>[vector<16xi32>], vector<16xf32>,
      %parallel_loop3A_185 = arith.index_cast %parallel_loop3A_109 : i32 to index
      %parallel_loop3A_186 = arith.constant 224 : index
      %parallel_loop3A_187 = tpu.vector_load %arg7[%parallel_loop3A_185, %parallel_loop3A_186] {strides = array<i32>} : memref<64x576xf32, #tpu.memory_space<vmem>>, vector<16xf32>,
      tpu.vector_store %arg7[%parallel_loop3A_185, %parallel_loop3A_186], %parallel_loop3A_184 {strides = array<i32>} : memref<64x576xf32, #tpu.memory_space<vmem>>, vector<16xf32>,
      %parallel_loop3A_188 = arith.addi %get3A_48, %parallel_loop3A_112 : vector<16xi32>
      %parallel_loop3A_189 = tpu.vector_load_idx %arg5[%parallel_loop3A_188] : memref<65536xf32, #tpu.memory_space<vmem>>[vector<16xi32>], vector<16xf32>,
      %parallel_loop3A_190 = arith.index_cast %parallel_loop3A_109 : i32 to index
      %parallel_loop3A_191 = arith.constant 240 : index
      %parallel_loop3A_192 = tpu.vector_load %arg7[%parallel_loop3A_190, %parallel_loop3A_191] {strides = array<i32>} : memref<64x576xf32, #tpu.memory_space<vmem>>, vector<16xf32>,
      tpu.vector_store %arg7[%parallel_loop3A_190, %parallel_loop3A_191], %parallel_loop3A_189 {strides = array<i32>} : memref<64x576xf32, #tpu.memory_space<vmem>>, vector<16xf32>,
      %parallel_loop3A_193 = arith.addi %get3A_50, %parallel_loop3A_112 : vector<16xi32>
      %parallel_loop3A_194 = tpu.vector_load_idx %arg5[%parallel_loop3A_193] : memref<65536xf32, #tpu.memory_space<vmem>>[vector<16xi32>], vector<16xf32>,
      %parallel_loop3A_195 = arith.index_cast %parallel_loop3A_109 : i32 to index
      %parallel_loop3A_196 = arith.constant 256 : index
      %parallel_loop3A_197 = tpu.vector_load %arg7[%parallel_loop3A_195, %parallel_loop3A_196] {strides = array<i32>} : memref<64x576xf32, #tpu.memory_space<vmem>>, vector<16xf32>,
      tpu.vector_store %arg7[%parallel_loop3A_195, %parallel_loop3A_196], %parallel_loop3A_194 {strides = array<i32>} : memref<64x576xf32, #tpu.memory_space<vmem>>, vector<16xf32>,
      %parallel_loop3A_198 = arith.addi %get3A_52, %parallel_loop3A_112 : vector<16xi32>
      %parallel_loop3A_199 = tpu.vector_load_idx %arg5[%parallel_loop3A_198] : memref<65536xf32, #tpu.memory_space<vmem>>[vector<16xi32>], vector<16xf32>,
      %parallel_loop3A_200 = arith.index_cast %parallel_loop3A_109 : i32 to index
      %parallel_loop3A_201 = arith.constant 272 : index
      %parallel_loop3A_202 = tpu.vector_load %arg7[%parallel_loop3A_200, %parallel_loop3A_201] {strides = array<i32>} : memref<64x576xf32, #tpu.memory_space<vmem>>, vector<16xf32>,
      tpu.vector_store %arg7[%parallel_loop3A_200, %parallel_loop3A_201], %parallel_loop3A_199 {strides = array<i32>} : memref<64x576xf32, #tpu.memory_space<vmem>>, vector<16xf32>,
      %parallel_loop3A_203 = arith.addi %get3A_54, %parallel_loop3A_112 : vector<16xi32>
      %parallel_loop3A_204 = tpu.vector_load_idx %arg5[%parallel_loop3A_203] : memref<65536xf32, #tpu.memory_space<vmem>>[vector<16xi32>], vector<16xf32>,
      %parallel_loop3A_205 = arith.index_cast %parallel_loop3A_109 : i32 to index
      %parallel_loop3A_206 = arith.constant 288 : index
      %parallel_loop3A_207 = tpu.vector_load %arg7[%parallel_loop3A_205, %parallel_loop3A_206] {strides = array<i32>} : memref<64x576xf32, #tpu.memory_space<vmem>>, vector<16xf32>,
      tpu.vector_store %arg7[%parallel_loop3A_205, %parallel_loop3A_206], %parallel_loop3A_204 {strides = array<i32>} : memref<64x576xf32, #tpu.memory_space<vmem>>, vector<16xf32>,
      %parallel_loop3A_208 = arith.addi %get3A_56, %parallel_loop3A_112 : vector<16xi32>
      %parallel_loop3A_209 = tpu.vector_load_idx %arg5[%parallel_loop3A_208] : memref<65536xf32, #tpu.memory_space<vmem>>[vector<16xi32>], vector<16xf32>,
      %parallel_loop3A_210 = arith.index_cast %parallel_loop3A_109 : i32 to index
      %parallel_loop3A_211 = arith.constant 304 : index
      %parallel_loop3A_212 = tpu.vector_load %arg7[%parallel_loop3A_210, %parallel_loop3A_211] {strides = array<i32>} : memref<64x576xf32, #tpu.memory_space<vmem>>, vector<16xf32>,
      tpu.vector_store %arg7[%parallel_loop3A_210, %parallel_loop3A_211], %parallel_loop3A_209 {strides = array<i32>} : memref<64x576xf32, #tpu.memory_space<vmem>>, vector<16xf32>,
      %parallel_loop3A_213 = arith.addi %get3A_58, %parallel_loop3A_112 : vector<16xi32>
      %parallel_loop3A_214 = tpu.vector_load_idx %arg5[%parallel_loop3A_213] : memref<65536xf32, #tpu.memory_space<vmem>>[vector<16xi32>], vector<16xf32>,
      %parallel_loop3A_215 = arith.index_cast %parallel_loop3A_109 : i32 to index
      %parallel_loop3A_216 = arith.constant 320 : index
      %parallel_loop3A_217 = tpu.vector_load %arg7[%parallel_loop3A_215, %parallel_loop3A_216] {strides = array<i32>} : memref<64x576xf32, #tpu.memory_space<vmem>>, vector<16xf32>,
      tpu.vector_store %arg7[%parallel_loop3A_215, %parallel_loop3A_216], %parallel_loop3A_214 {strides = array<i32>} : memref<64x576xf32, #tpu.memory_space<vmem>>, vector<16xf32>,
      %parallel_loop3A_218 = arith.addi %get3A_60, %parallel_loop3A_112 : vector<16xi32>
      %parallel_loop3A_219 = tpu.vector_load_idx %arg5[%parallel_loop3A_218] : memref<65536xf32, #tpu.memory_space<vmem>>[vector<16xi32>], vector<16xf32>,
      %parallel_loop3A_220 = arith.index_cast %parallel_loop3A_109 : i32 to index
      %parallel_loop3A_221 = arith.constant 336 : index
      %parallel_loop3A_222 = tpu.vector_load %arg7[%parallel_loop3A_220, %parallel_loop3A_221] {strides = array<i32>} : memref<64x576xf32, #tpu.memory_space<vmem>>, vector<16xf32>,
      tpu.vector_store %arg7[%parallel_loop3A_220, %parallel_loop3A_221], %parallel_loop3A_219 {strides = array<i32>} : memref<64x576xf32, #tpu.memory_space<vmem>>, vector<16xf32>,
      %parallel_loop3A_223 = arith.addi %get3A_62, %parallel_loop3A_112 : vector<16xi32>
      %parallel_loop3A_224 = tpu.vector_load_idx %arg5[%parallel_loop3A_223] : memref<65536xf32, #tpu.memory_space<vmem>>[vector<16xi32>], vector<16xf32>,
      %parallel_loop3A_225 = arith.index_cast %parallel_loop3A_109 : i32 to index
      %parallel_loop3A_226 = arith.constant 352 : index
      %parallel_loop3A_227 = tpu.vector_load %arg7[%parallel_loop3A_225, %parallel_loop3A_226] {strides = array<i32>} : memref<64x576xf32, #tpu.memory_space<vmem>>, vector<16xf32>,
      tpu.vector_store %arg7[%parallel_loop3A_225, %parallel_loop3A_226], %parallel_loop3A_224 {strides = array<i32>} : memref<64x576xf32, #tpu.memory_space<vmem>>, vector<16xf32>,
      %parallel_loop3A_228 = arith.addi %get3A_64, %parallel_loop3A_112 : vector<16xi32>
      %parallel_loop3A_229 = tpu.vector_load_idx %arg5[%parallel_loop3A_228] : memref<65536xf32, #tpu.memory_space<vmem>>[vector<16xi32>], vector<16xf32>,
      %parallel_loop3A_230 = arith.index_cast %parallel_loop3A_109 : i32 to index
      %parallel_loop3A_231 = arith.constant 368 : index
      %parallel_loop3A_232 = tpu.vector_load %arg7[%parallel_loop3A_230, %parallel_loop3A_231] {strides = array<i32>} : memref<64x576xf32, #tpu.memory_space<vmem>>, vector<16xf32>,
      tpu.vector_store %arg7[%parallel_loop3A_230, %parallel_loop3A_231], %parallel_loop3A_229 {strides = array<i32>} : memref<64x576xf32, #tpu.memory_space<vmem>>, vector<16xf32>,
      %parallel_loop3A_233 = arith.addi %get3A_66, %parallel_loop3A_112 : vector<16xi32>
      %parallel_loop3A_234 = tpu.vector_load_idx %arg5[%parallel_loop3A_233] : memref<65536xf32, #tpu.memory_space<vmem>>[vector<16xi32>], vector<16xf32>,
      %parallel_loop3A_235 = arith.index_cast %parallel_loop3A_109 : i32 to index
      %parallel_loop3A_236 = arith.constant 384 : index
      %parallel_loop3A_237 = tpu.vector_load %arg7[%parallel_loop3A_235, %parallel_loop3A_236] {strides = array<i32>} : memref<64x576xf32, #tpu.memory_space<vmem>>, vector<16xf32>,
      tpu.vector_store %arg7[%parallel_loop3A_235, %parallel_loop3A_236], %parallel_loop3A_234 {strides = array<i32>} : memref<64x576xf32, #tpu.memory_space<vmem>>, vector<16xf32>,
      %parallel_loop3A_238 = arith.addi %get3A_68, %parallel_loop3A_112 : vector<16xi32>
      %parallel_loop3A_239 = tpu.vector_load_idx %arg5[%parallel_loop3A_238] : memref<65536xf32, #tpu.memory_space<vmem>>[vector<16xi32>], vector<16xf32>,
      %parallel_loop3A_240 = arith.index_cast %parallel_loop3A_109 : i32 to index
      %parallel_loop3A_241 = arith.constant 400 : index
      %parallel_loop3A_242 = tpu.vector_load %arg7[%parallel_loop3A_240, %parallel_loop3A_241] {strides = array<i32>} : memref<64x576xf32, #tpu.memory_space<vmem>>, vector<16xf32>,
      tpu.vector_store %arg7[%parallel_loop3A_240, %parallel_loop3A_241], %parallel_loop3A_239 {strides = array<i32>} : memref<64x576xf32, #tpu.memory_space<vmem>>, vector<16xf32>,
      %parallel_loop3A_243 = arith.addi %get3A_70, %parallel_loop3A_112 : vector<16xi32>
      %parallel_loop3A_244 = tpu.vector_load_idx %arg5[%parallel_loop3A_243] : memref<65536xf32, #tpu.memory_space<vmem>>[vector<16xi32>], vector<16xf32>,
      %parallel_loop3A_245 = arith.index_cast %parallel_loop3A_109 : i32 to index
      %parallel_loop3A_246 = arith.constant 416 : index
      %parallel_loop3A_247 = tpu.vector_load %arg7[%parallel_loop3A_245, %parallel_loop3A_246] {strides = array<i32>} : memref<64x576xf32, #tpu.memory_space<vmem>>, vector<16xf32>,
      tpu.vector_store %arg7[%parallel_loop3A_245, %parallel_loop3A_246], %parallel_loop3A_244 {strides = array<i32>} : memref<64x576xf32, #tpu.memory_space<vmem>>, vector<16xf32>,
      %parallel_loop3A_248 = arith.addi %get3A_72, %parallel_loop3A_112 : vector<16xi32>
      %parallel_loop3A_249 = tpu.vector_load_idx %arg5[%parallel_loop3A_248] : memref<65536xf32, #tpu.memory_space<vmem>>[vector<16xi32>], vector<16xf32>,
      %parallel_loop3A_250 = arith.index_cast %parallel_loop3A_109 : i32 to index
      %parallel_loop3A_251 = arith.constant 432 : index
      %parallel_loop3A_252 = tpu.vector_load %arg7[%parallel_loop3A_250, %parallel_loop3A_251] {strides = array<i32>} : memref<64x576xf32, #tpu.memory_space<vmem>>, vector<16xf32>,
      tpu.vector_store %arg7[%parallel_loop3A_250, %parallel_loop3A_251], %parallel_loop3A_249 {strides = array<i32>} : memref<64x576xf32, #tpu.memory_space<vmem>>, vector<16xf32>,
      %parallel_loop3A_253 = arith.addi %get3A_74, %parallel_loop3A_112 : vector<16xi32>
      %parallel_loop3A_254 = tpu.vector_load_idx %arg5[%parallel_loop3A_253] : memref<65536xf32, #tpu.memory_space<vmem>>[vector<16xi32>], vector<16xf32>,
      %parallel_loop3A_255 = arith.index_cast %parallel_loop3A_109 : i32 to index
      %parallel_loop3A_256 = arith.constant 448 : index
      %parallel_loop3A_257 = tpu.vector_load %arg7[%parallel_loop3A_255, %parallel_loop3A_256] {strides = array<i32>} : memref<64x576xf32, #tpu.memory_space<vmem>>, vector<16xf32>,
      tpu.vector_store %arg7[%parallel_loop3A_255, %parallel_loop3A_256], %parallel_loop3A_254 {strides = array<i32>} : memref<64x576xf32, #tpu.memory_space<vmem>>, vector<16xf32>,
      %parallel_loop3A_258 = arith.addi %get3A_76, %parallel_loop3A_112 : vector<16xi32>
      %parallel_loop3A_259 = tpu.vector_load_idx %arg5[%parallel_loop3A_258] : memref<65536xf32, #tpu.memory_space<vmem>>[vector<16xi32>], vector<16xf32>,
      %parallel_loop3A_260 = arith.index_cast %parallel_loop3A_109 : i32 to index
      %parallel_loop3A_261 = arith.constant 464 : index
      %parallel_loop3A_262 = tpu.vector_load %arg7[%parallel_loop3A_260, %parallel_loop3A_261] {strides = array<i32>} : memref<64x576xf32, #tpu.memory_space<vmem>>, vector<16xf32>,
      tpu.vector_store %arg7[%parallel_loop3A_260, %parallel_loop3A_261], %parallel_loop3A_259 {strides = array<i32>} : memref<64x576xf32, #tpu.memory_space<vmem>>, vector<16xf32>,
      %parallel_loop3A_263 = arith.addi %get3A_78, %parallel_loop3A_112 : vector<16xi32>
      %parallel_loop3A_264 = tpu.vector_load_idx %arg5[%parallel_loop3A_263] : memref<65536xf32, #tpu.memory_space<vmem>>[vector<16xi32>], vector<16xf32>,
      %parallel_loop3A_265 = arith.index_cast %parallel_loop3A_109 : i32 to index
      %parallel_loop3A_266 = arith.constant 480 : index
      %parallel_loop3A_267 = tpu.vector_load %arg7[%parallel_loop3A_265, %parallel_loop3A_266] {strides = array<i32>} : memref<64x576xf32, #tpu.memory_space<vmem>>, vector<16xf32>,
      tpu.vector_store %arg7[%parallel_loop3A_265, %parallel_loop3A_266], %parallel_loop3A_264 {strides = array<i32>} : memref<64x576xf32, #tpu.memory_space<vmem>>, vector<16xf32>,
      %parallel_loop3A_268 = arith.addi %get3A_80, %parallel_loop3A_112 : vector<16xi32>
      %parallel_loop3A_269 = tpu.vector_load_idx %arg5[%parallel_loop3A_268] : memref<65536xf32, #tpu.memory_space<vmem>>[vector<16xi32>], vector<16xf32>,
      %parallel_loop3A_270 = arith.index_cast %parallel_loop3A_109 : i32 to index
      %parallel_loop3A_271 = arith.constant 496 : index
      %parallel_loop3A_272 = tpu.vector_load %arg7[%parallel_loop3A_270, %parallel_loop3A_271] {strides = array<i32>} : memref<64x576xf32, #tpu.memory_space<vmem>>, vector<16xf32>,
      tpu.vector_store %arg7[%parallel_loop3A_270, %parallel_loop3A_271], %parallel_loop3A_269 {strides = array<i32>} : memref<64x576xf32, #tpu.memory_space<vmem>>, vector<16xf32>,
      %parallel_loop3A_273 = arith.addi %get3A_82, %parallel_loop3A_112 : vector<16xi32>
      %parallel_loop3A_274 = tpu.vector_load_idx %arg5[%parallel_loop3A_273] : memref<65536xf32, #tpu.memory_space<vmem>>[vector<16xi32>], vector<16xf32>,
      %parallel_loop3A_275 = arith.index_cast %parallel_loop3A_109 : i32 to index
      %parallel_loop3A_276 = arith.constant 512 : index
      %parallel_loop3A_277 = tpu.vector_load %arg7[%parallel_loop3A_275, %parallel_loop3A_276] {strides = array<i32>} : memref<64x576xf32, #tpu.memory_space<vmem>>, vector<16xf32>,
      tpu.vector_store %arg7[%parallel_loop3A_275, %parallel_loop3A_276], %parallel_loop3A_274 {strides = array<i32>} : memref<64x576xf32, #tpu.memory_space<vmem>>, vector<16xf32>,
      %parallel_loop3A_278 = arith.addi %get3A_84, %parallel_loop3A_112 : vector<16xi32>
      %parallel_loop3A_279 = tpu.vector_load_idx %arg5[%parallel_loop3A_278] : memref<65536xf32, #tpu.memory_space<vmem>>[vector<16xi32>], vector<16xf32>,
      %parallel_loop3A_280 = arith.index_cast %parallel_loop3A_109 : i32 to index
      %parallel_loop3A_281 = arith.constant 528 : index
      %parallel_loop3A_282 = tpu.vector_load %arg7[%parallel_loop3A_280, %parallel_loop3A_281] {strides = array<i32>} : memref<64x576xf32, #tpu.memory_space<vmem>>, vector<16xf32>,
      tpu.vector_store %arg7[%parallel_loop3A_280, %parallel_loop3A_281], %parallel_loop3A_279 {strides = array<i32>} : memref<64x576xf32, #tpu.memory_space<vmem>>, vector<16xf32>,
      %parallel_loop3A_283 = arith.addi %get3A_86, %parallel_loop3A_112 : vector<16xi32>
      %parallel_loop3A_284 = tpu.vector_load_idx %arg5[%parallel_loop3A_283] : memref<65536xf32, #tpu.memory_space<vmem>>[vector<16xi32>], vector<16xf32>,
      %parallel_loop3A_285 = arith.index_cast %parallel_loop3A_109 : i32 to index
      %parallel_loop3A_286 = arith.constant 544 : index
      %parallel_loop3A_287 = tpu.vector_load %arg7[%parallel_loop3A_285, %parallel_loop3A_286] {strides = array<i32>} : memref<64x576xf32, #tpu.memory_space<vmem>>, vector<16xf32>,
      tpu.vector_store %arg7[%parallel_loop3A_285, %parallel_loop3A_286], %parallel_loop3A_284 {strides = array<i32>} : memref<64x576xf32, #tpu.memory_space<vmem>>, vector<16xf32>,
      %parallel_loop3A_288 = arith.addi %get3A_88, %parallel_loop3A_112 : vector<16xi32>
      %parallel_loop3A_289 = tpu.vector_load_idx %arg5[%parallel_loop3A_288] : memref<65536xf32, #tpu.memory_space<vmem>>[vector<16xi32>], vector<16xf32>,
      %parallel_loop3A_290 = arith.index_cast %parallel_loop3A_109 : i32 to index
      %parallel_loop3A_291 = arith.constant 560 : index
      %parallel_loop3A_292 = tpu.vector_load %arg7[%parallel_loop3A_290, %parallel_loop3A_291] {strides = array<i32>} : memref<64x576xf32, #tpu.memory_space<vmem>>, vector<16xf32>,
      tpu.vector_store %arg7[%parallel_loop3A_290, %parallel_loop3A_291], %parallel_loop3A_289 {strides = array<i32>} : memref<64x576xf32, #tpu.memory_space<vmem>>, vector<16xf32>,
    } {sc.loop_unroll_factor = 8 : i64, sc.parallel_access}
    "tpu.region"() ({
      %run_scoped3A = tpu.sem_alloc : memref<!tpu.dma_semaphore, #tpu.memory_space<semaphore_mem>>
      %dma_start3A_109 = arith.constant 0 : i32
      %dma_start3A_110 = arith.constant 0 : i32
      %dma_start3A_111 = tpu.memref_slice %arg4[%add3A, %dma_start3A_109, %dma_start3A_110] : memref<32x64x576xf32, #tpu.memory_space<hbm>> -> memref<1x64x576xf32, #tpu.memory_space<hbm>>
      %dma_start3A_112 = tpu.memref_squeeze %dma_start3A_111 : memref<1x64x576xf32, #tpu.memory_space<hbm>> -> memref<64x576xf32, #tpu.memory_space<hbm>>
      %dma_start3A_113 = arith.constant 0 : i32
      %dma_start3A_114 = arith.constant 0 : i32
      %dma_start3A_115 = tpu.memref_slice %arg4[%add3A, %dma_start3A_113, %dma_start3A_114] : memref<32x64x576xf32, #tpu.memory_space<hbm>> -> memref<1x64x576xf32, #tpu.memory_space<hbm>>
      %dma_start3A_116 = tpu.memref_squeeze %dma_start3A_115 : memref<1x64x576xf32, #tpu.memory_space<hbm>> -> memref<64x576xf32, #tpu.memory_space<hbm>>
      tpu.enqueue_dma source(%arg7 : memref<64x576xf32, #tpu.memory_space<vmem>>) target(%dma_start3A_116 : memref<64x576xf32, #tpu.memory_space<hbm>>) target_semaphore(%run_scoped3A : memref<!tpu.dma_semaphore, #tpu.memory_space<semaphore_mem>>)
      %dma_wait3A_117 = arith.constant 0 : i32
      %dma_wait3A_118 = arith.constant 0 : i32
      %dma_wait3A_119 = tpu.memref_slice %arg4[%add3A, %dma_wait3A_117, %dma_wait3A_118] : memref<32x64x576xf32, #tpu.memory_space<hbm>> -> memref<1x64x576xf32, #tpu.memory_space<hbm>>
      %dma_wait3A_120 = tpu.memref_squeeze %dma_wait3A_119 : memref<1x64x576xf32, #tpu.memory_space<hbm>> -> memref<64x576xf32, #tpu.memory_space<hbm>>
      %dma_wait3A_121 = arith.constant 0 : i32
      %dma_wait3A_122 = arith.constant 0 : i32
      %dma_wait3A_123 = tpu.memref_slice %arg4[%add3A, %dma_wait3A_121, %dma_wait3A_122] : memref<32x64x576xf32, #tpu.memory_space<hbm>> -> memref<1x64x576xf32, #tpu.memory_space<hbm>>
      %dma_wait3A_124 = tpu.memref_squeeze %dma_wait3A_123 : memref<1x64x576xf32, #tpu.memory_space<hbm>> -> memref<64x576xf32, #tpu.memory_space<hbm>>
      tpu.wait_dma2 semaphore(%run_scoped3A : memref<!tpu.dma_semaphore, #tpu.memory_space<semaphore_mem>>) src(%arg7 : memref<64x576xf32, #tpu.memory_space<vmem>>) dst(%dma_wait3A_124 : memref<64x576xf32, #tpu.memory_space<hbm>>)
      tpu.yield
    }) : () -> ()
    return
  }
}

module attributes {stable_mosaic.version = 14 : i64} {
  func.func @_argmin_body(%arg0: i32, %arg1: memref<16x64x576xf32, #tpu.memory_space<vmem>>, %arg2: memref<64x1024xf32, #tpu.memory_space<vmem>>, %arg3: memref<1024x1xf32, #tpu.memory_space<vmem>>, %arg4: memref<16x1x576xf32, #tpu.memory_space<vmem>>, %arg5: memref<72x128xi32, #tpu.memory_space<vmem>>, %arg6: memref<1x1xf32, #tpu.memory_space<vmem>>) attributes {dimension_semantics = [#tpu.dimension_semantics<arbitrary>], iteration_bounds = array<i64: 2>, scalar_prefetch = 0 : i64, scratch_operands = 0 : i64, tpu.core_type = #tpu.core_type<tc>, window_params = [{transform_indices = @transform_0, window_bounds = array<i64: 16, 64, 576>}, {pipeline_mode = #tpu.pipeline_mode<synchronous>, transform_indices = @transform_1, window_bounds = array<i64: 64, 1024>}, {pipeline_mode = #tpu.pipeline_mode<synchronous>, transform_indices = @transform_2, window_bounds = array<i64: 1024, 1>}, {transform_indices = @transform_3, window_bounds = array<i64: 16, 1, 576>}, {transform_indices = @transform_4, window_bounds = array<i64: 72, 128>}, {pipeline_mode = #tpu.pipeline_mode<synchronous>, transform_indices = @transform_5, window_bounds = array<i64: 1, 1>}]} {
    %get3A = arith.constant 0 : index
    %get3A_0 = arith.constant 0 : index
    %get3A_1 = vector.load %arg2[%get3A, %get3A_0] : memref<64x1024xf32, #tpu.memory_space<vmem>>, vector<64x1024xf32>
    %get3A_2 = arith.constant 0 : index
    %get3A_3 = arith.constant 0 : index
    %get3A_4 = vector.load %arg3[%get3A_2, %get3A_3] : memref<1024x1xf32, #tpu.memory_space<vmem>>, vector<1024x1xf32>
    %broadcast_in_dim3A = arith.constant 0.000000e+00 : f32
    %broadcast_in_dim3A_5 = vector.broadcast %broadcast_in_dim3A : f32 to vector<1x1xf32>
    %get3A_6 = arith.constant 0 : index
    %get3A_7 = arith.constant 0 : index
    %get3A_8 = arith.constant 0 : index
    %get3A_9 = vector.load %arg1[%get3A_6, %get3A_7, %get3A_8] : memref<16x64x576xf32, #tpu.memory_space<vmem>>, vector<1x64x576xf32>
    %get3A_10 = vector.shape_cast %get3A_9 : vector<1x64x576xf32> to vector<64x576xf32>
    %get3A_11 = arith.constant 1 : index
    %get3A_12 = arith.constant 0 : index
    %get3A_13 = arith.constant 0 : index
    %get3A_14 = vector.load %arg1[%get3A_11, %get3A_12, %get3A_13] : memref<16x64x576xf32, #tpu.memory_space<vmem>>, vector<1x64x576xf32>
    %get3A_15 = vector.shape_cast %get3A_14 : vector<1x64x576xf32> to vector<64x576xf32>
    %concatenate3A = tpu.concatenate %get3A_10, %get3A_15 in 1 : vector<64x576xf32>, vector<64x576xf32> -> vector<64x1152xf32>
    %get3A_16 = arith.constant 0 : index
    %get3A_17 = arith.constant 0 : index
    %get3A_18 = arith.constant 0 : index
    %get3A_19 = vector.load %arg4[%get3A_16, %get3A_17, %get3A_18] : memref<16x1x576xf32, #tpu.memory_space<vmem>>, vector<1x1x576xf32>
    %get3A_20 = vector.shape_cast %get3A_19 : vector<1x1x576xf32> to vector<1x576xf32>
    %get3A_21 = arith.constant 1 : index
    %get3A_22 = arith.constant 0 : index
    %get3A_23 = arith.constant 0 : index
    %get3A_24 = vector.load %arg4[%get3A_21, %get3A_22, %get3A_23] : memref<16x1x576xf32, #tpu.memory_space<vmem>>, vector<1x1x576xf32>
    %get3A_25 = vector.shape_cast %get3A_24 : vector<1x1x576xf32> to vector<1x576xf32>
    %concatenate3A_26 = tpu.concatenate %get3A_20, %get3A_25 in 1 : vector<1x576xf32>, vector<1x576xf32> -> vector<1x1152xf32>
    %add3A = arith.addf %concatenate3A, %concatenate3A : vector<64x1152xf32>
    %dot_general3A = arith.constant dense<0.000000e+00> : vector<1024x1152xf32>
    %dot_general3A_27 = tpu.matmul %get3A_1, %add3A, %dot_general3A {dimension_numbers = #tpu.dot_dimension_numbers<[0], [0], [1], [1], [0, 1, 1, 1], [], []>, transpose_lhs_hint = false} : vector<64x1024xf32>, vector<64x1152xf32>, vector<1024x1152xf32> -> vector<1024x1152xf32>
    %sub3A = vector.broadcast %concatenate3A_26 : vector<1x1152xf32> to vector<1024x1152xf32>
    %sub3A_28 = arith.subf %sub3A, %dot_general3A_27 : vector<1024x1152xf32>
    %add3A_29 = vector.broadcast %get3A_4 : vector<1024x1xf32> to vector<1024x1152xf32>
    %add3A_30 = arith.addf %sub3A_28, %add3A_29 : vector<1024x1152xf32>
    %reduce_min3A = arith.constant dense<0x7F800000> : vector<1152xf32>
    %reduce_min3A_31 = vector.multi_reduction <minimumf>, %add3A_30, %reduce_min3A [0] : vector<1024x1152xf32> to vector<1152xf32>
    %broadcast_in_dim3A_32 = vector.shape_cast %reduce_min3A_31 : vector<1152xf32> to vector<1x1152xf32>
    %iota3A = tpu.iota {dimensions = array<i32: 0>} : vector<1024x1152xi32>
    %eq3A = vector.broadcast %broadcast_in_dim3A_32 : vector<1x1152xf32> to vector<1024x1152xf32>
    %eq3A_33 = arith.cmpf oeq, %add3A_30, %eq3A : vector<1024x1152xf32>
    %jit3A = arith.constant 1024 : i32
    %broadcast_in_dim3A_34 = vector.broadcast %jit3A : i32 to vector<1024x1152xi32>
    %select_n3A = arith.select %eq3A_33, %iota3A, %broadcast_in_dim3A_34 : vector<1024x1152xi1>, vector<1024x1152xi32>
    %reduce_min3A_35 = arith.constant dense<2147483647> : vector<1152xi32>
    %reduce_min3A_36 = vector.multi_reduction <minsi>, %select_n3A, %reduce_min3A_35 [0] : vector<1024x1152xi32> to vector<1152xi32>
    %reduce_sum3A = vector.shape_cast %broadcast_in_dim3A_32 : vector<1x1152xf32> to vector<1x1x1152xf32>
    %reduce_sum3A_37 = arith.constant dense<0.000000e+00> : vector<1xf32>
    %reduce_sum3A_38 = vector.multi_reduction <add>, %reduce_sum3A, %reduce_sum3A_37 [1, 2] : vector<1x1x1152xf32> to vector<1xf32>
    %reduce_sum3A_39 = vector.shape_cast %reduce_sum3A_38 : vector<1xf32> to vector<1x1x1xf32>
    %reduce_sum3A_40 = vector.extract %reduce_sum3A_39[0, 0, 0] : f32 from vector<1x1x1xf32>
    %broadcast_in_dim3A_41 = vector.broadcast %reduce_sum3A_40 : f32 to vector<1x1xf32>
    %add3A_42 = arith.addf %broadcast_in_dim3A_5, %broadcast_in_dim3A_41 : vector<1x1xf32>
    %get3A_43 = arith.constant 2 : index
    %get3A_44 = arith.constant 0 : index
    %get3A_45 = arith.constant 0 : index
    %get3A_46 = vector.load %arg1[%get3A_43, %get3A_44, %get3A_45] : memref<16x64x576xf32, #tpu.memory_space<vmem>>, vector<1x64x576xf32>
    %get3A_47 = vector.shape_cast %get3A_46 : vector<1x64x576xf32> to vector<64x576xf32>
    %get3A_48 = arith.constant 3 : index
    %get3A_49 = arith.constant 0 : index
    %get3A_50 = arith.constant 0 : index
    %get3A_51 = vector.load %arg1[%get3A_48, %get3A_49, %get3A_50] : memref<16x64x576xf32, #tpu.memory_space<vmem>>, vector<1x64x576xf32>
    %get3A_52 = vector.shape_cast %get3A_51 : vector<1x64x576xf32> to vector<64x576xf32>
    %concatenate3A_53 = tpu.concatenate %get3A_47, %get3A_52 in 1 : vector<64x576xf32>, vector<64x576xf32> -> vector<64x1152xf32>
    %get3A_54 = arith.constant 2 : index
    %get3A_55 = arith.constant 0 : index
    %get3A_56 = arith.constant 0 : index
    %get3A_57 = vector.load %arg4[%get3A_54, %get3A_55, %get3A_56] : memref<16x1x576xf32, #tpu.memory_space<vmem>>, vector<1x1x576xf32>
    %get3A_58 = vector.shape_cast %get3A_57 : vector<1x1x576xf32> to vector<1x576xf32>
    %get3A_59 = arith.constant 3 : index
    %get3A_60 = arith.constant 0 : index
    %get3A_61 = arith.constant 0 : index
    %get3A_62 = vector.load %arg4[%get3A_59, %get3A_60, %get3A_61] : memref<16x1x576xf32, #tpu.memory_space<vmem>>, vector<1x1x576xf32>
    %get3A_63 = vector.shape_cast %get3A_62 : vector<1x1x576xf32> to vector<1x576xf32>
    %concatenate3A_64 = tpu.concatenate %get3A_58, %get3A_63 in 1 : vector<1x576xf32>, vector<1x576xf32> -> vector<1x1152xf32>
    %add3A_65 = arith.addf %concatenate3A_53, %concatenate3A_53 : vector<64x1152xf32>
    %dot_general3A_66 = arith.constant dense<0.000000e+00> : vector<1024x1152xf32>
    %dot_general3A_67 = tpu.matmul %get3A_1, %add3A_65, %dot_general3A_66 {dimension_numbers = #tpu.dot_dimension_numbers<[0], [0], [1], [1], [0, 1, 1, 1], [], []>, transpose_lhs_hint = false} : vector<64x1024xf32>, vector<64x1152xf32>, vector<1024x1152xf32> -> vector<1024x1152xf32>
    %sub3A_68 = vector.broadcast %concatenate3A_64 : vector<1x1152xf32> to vector<1024x1152xf32>
    %sub3A_69 = arith.subf %sub3A_68, %dot_general3A_67 : vector<1024x1152xf32>
    %add3A_70 = vector.broadcast %get3A_4 : vector<1024x1xf32> to vector<1024x1152xf32>
    %add3A_71 = arith.addf %sub3A_69, %add3A_70 : vector<1024x1152xf32>
    %reduce_min3A_72 = arith.constant dense<0x7F800000> : vector<1152xf32>
    %reduce_min3A_73 = vector.multi_reduction <minimumf>, %add3A_71, %reduce_min3A_72 [0] : vector<1024x1152xf32> to vector<1152xf32>
    %broadcast_in_dim3A_74 = vector.shape_cast %reduce_min3A_73 : vector<1152xf32> to vector<1x1152xf32>
    %iota3A_75 = tpu.iota {dimensions = array<i32: 0>} : vector<1024x1152xi32>
    %eq3A_76 = vector.broadcast %broadcast_in_dim3A_74 : vector<1x1152xf32> to vector<1024x1152xf32>
    %eq3A_77 = arith.cmpf oeq, %add3A_71, %eq3A_76 : vector<1024x1152xf32>
    %jit3A_78 = arith.constant 1024 : i32
    %broadcast_in_dim3A_79 = vector.broadcast %jit3A_78 : i32 to vector<1024x1152xi32>
    %select_n3A_80 = arith.select %eq3A_77, %iota3A_75, %broadcast_in_dim3A_79 : vector<1024x1152xi1>, vector<1024x1152xi32>
    %reduce_min3A_81 = arith.constant dense<2147483647> : vector<1152xi32>
    %reduce_min3A_82 = vector.multi_reduction <minsi>, %select_n3A_80, %reduce_min3A_81 [0] : vector<1024x1152xi32> to vector<1152xi32>
    %reduce_sum3A_83 = vector.shape_cast %broadcast_in_dim3A_74 : vector<1x1152xf32> to vector<1x1x1152xf32>
    %reduce_sum3A_84 = arith.constant dense<0.000000e+00> : vector<1xf32>
    %reduce_sum3A_85 = vector.multi_reduction <add>, %reduce_sum3A_83, %reduce_sum3A_84 [1, 2] : vector<1x1x1152xf32> to vector<1xf32>
    %reduce_sum3A_86 = vector.shape_cast %reduce_sum3A_85 : vector<1xf32> to vector<1x1x1xf32>
    %reduce_sum3A_87 = vector.extract %reduce_sum3A_86[0, 0, 0] : f32 from vector<1x1x1xf32>
    %broadcast_in_dim3A_88 = vector.broadcast %reduce_sum3A_87 : f32 to vector<1x1xf32>
    %add3A_89 = arith.addf %add3A_42, %broadcast_in_dim3A_88 : vector<1x1xf32>
    %get3A_90 = arith.constant 4 : index
    %get3A_91 = arith.constant 0 : index
    %get3A_92 = arith.constant 0 : index
    %get3A_93 = vector.load %arg1[%get3A_90, %get3A_91, %get3A_92] : memref<16x64x576xf32, #tpu.memory_space<vmem>>, vector<1x64x576xf32>
    %get3A_94 = vector.shape_cast %get3A_93 : vector<1x64x576xf32> to vector<64x576xf32>
    %get3A_95 = arith.constant 5 : index
    %get3A_96 = arith.constant 0 : index
    %get3A_97 = arith.constant 0 : index
    %get3A_98 = vector.load %arg1[%get3A_95, %get3A_96, %get3A_97] : memref<16x64x576xf32, #tpu.memory_space<vmem>>, vector<1x64x576xf32>
    %get3A_99 = vector.shape_cast %get3A_98 : vector<1x64x576xf32> to vector<64x576xf32>
    %concatenate3A_100 = tpu.concatenate %get3A_94, %get3A_99 in 1 : vector<64x576xf32>, vector<64x576xf32> -> vector<64x1152xf32>
    %get3A_101 = arith.constant 4 : index
    %get3A_102 = arith.constant 0 : index
    %get3A_103 = arith.constant 0 : index
    %get3A_104 = vector.load %arg4[%get3A_101, %get3A_102, %get3A_103] : memref<16x1x576xf32, #tpu.memory_space<vmem>>, vector<1x1x576xf32>
    %get3A_105 = vector.shape_cast %get3A_104 : vector<1x1x576xf32> to vector<1x576xf32>
    %get3A_106 = arith.constant 5 : index
    %get3A_107 = arith.constant 0 : index
    %get3A_108 = arith.constant 0 : index
    %get3A_109 = vector.load %arg4[%get3A_106, %get3A_107, %get3A_108] : memref<16x1x576xf32, #tpu.memory_space<vmem>>, vector<1x1x576xf32>
    %get3A_110 = vector.shape_cast %get3A_109 : vector<1x1x576xf32> to vector<1x576xf32>
    %concatenate3A_111 = tpu.concatenate %get3A_105, %get3A_110 in 1 : vector<1x576xf32>, vector<1x576xf32> -> vector<1x1152xf32>
    %add3A_112 = arith.addf %concatenate3A_100, %concatenate3A_100 : vector<64x1152xf32>
    %dot_general3A_113 = arith.constant dense<0.000000e+00> : vector<1024x1152xf32>
    %dot_general3A_114 = tpu.matmul %get3A_1, %add3A_112, %dot_general3A_113 {dimension_numbers = #tpu.dot_dimension_numbers<[0], [0], [1], [1], [0, 1, 1, 1], [], []>, transpose_lhs_hint = false} : vector<64x1024xf32>, vector<64x1152xf32>, vector<1024x1152xf32> -> vector<1024x1152xf32>
    %sub3A_115 = vector.broadcast %concatenate3A_111 : vector<1x1152xf32> to vector<1024x1152xf32>
    %sub3A_116 = arith.subf %sub3A_115, %dot_general3A_114 : vector<1024x1152xf32>
    %add3A_117 = vector.broadcast %get3A_4 : vector<1024x1xf32> to vector<1024x1152xf32>
    %add3A_118 = arith.addf %sub3A_116, %add3A_117 : vector<1024x1152xf32>
    %reduce_min3A_119 = arith.constant dense<0x7F800000> : vector<1152xf32>
    %reduce_min3A_120 = vector.multi_reduction <minimumf>, %add3A_118, %reduce_min3A_119 [0] : vector<1024x1152xf32> to vector<1152xf32>
    %broadcast_in_dim3A_121 = vector.shape_cast %reduce_min3A_120 : vector<1152xf32> to vector<1x1152xf32>
    %iota3A_122 = tpu.iota {dimensions = array<i32: 0>} : vector<1024x1152xi32>
    %eq3A_123 = vector.broadcast %broadcast_in_dim3A_121 : vector<1x1152xf32> to vector<1024x1152xf32>
    %eq3A_124 = arith.cmpf oeq, %add3A_118, %eq3A_123 : vector<1024x1152xf32>
    %jit3A_125 = arith.constant 1024 : i32
    %broadcast_in_dim3A_126 = vector.broadcast %jit3A_125 : i32 to vector<1024x1152xi32>
    %select_n3A_127 = arith.select %eq3A_124, %iota3A_122, %broadcast_in_dim3A_126 : vector<1024x1152xi1>, vector<1024x1152xi32>
    %reduce_min3A_128 = arith.constant dense<2147483647> : vector<1152xi32>
    %reduce_min3A_129 = vector.multi_reduction <minsi>, %select_n3A_127, %reduce_min3A_128 [0] : vector<1024x1152xi32> to vector<1152xi32>
    %reduce_sum3A_130 = vector.shape_cast %broadcast_in_dim3A_121 : vector<1x1152xf32> to vector<1x1x1152xf32>
    %reduce_sum3A_131 = arith.constant dense<0.000000e+00> : vector<1xf32>
    %reduce_sum3A_132 = vector.multi_reduction <add>, %reduce_sum3A_130, %reduce_sum3A_131 [1, 2] : vector<1x1x1152xf32> to vector<1xf32>
    %reduce_sum3A_133 = vector.shape_cast %reduce_sum3A_132 : vector<1xf32> to vector<1x1x1xf32>
    %reduce_sum3A_134 = vector.extract %reduce_sum3A_133[0, 0, 0] : f32 from vector<1x1x1xf32>
    %broadcast_in_dim3A_135 = vector.broadcast %reduce_sum3A_134 : f32 to vector<1x1xf32>
    %add3A_136 = arith.addf %add3A_89, %broadcast_in_dim3A_135 : vector<1x1xf32>
    %get3A_137 = arith.constant 6 : index
    %get3A_138 = arith.constant 0 : index
    %get3A_139 = arith.constant 0 : index
    %get3A_140 = vector.load %arg1[%get3A_137, %get3A_138, %get3A_139] : memref<16x64x576xf32, #tpu.memory_space<vmem>>, vector<1x64x576xf32>
    %get3A_141 = vector.shape_cast %get3A_140 : vector<1x64x576xf32> to vector<64x576xf32>
    %get3A_142 = arith.constant 7 : index
    %get3A_143 = arith.constant 0 : index
    %get3A_144 = arith.constant 0 : index
    %get3A_145 = vector.load %arg1[%get3A_142, %get3A_143, %get3A_144] : memref<16x64x576xf32, #tpu.memory_space<vmem>>, vector<1x64x576xf32>
    %get3A_146 = vector.shape_cast %get3A_145 : vector<1x64x576xf32> to vector<64x576xf32>
    %concatenate3A_147 = tpu.concatenate %get3A_141, %get3A_146 in 1 : vector<64x576xf32>, vector<64x576xf32> -> vector<64x1152xf32>
    %get3A_148 = arith.constant 6 : index
    %get3A_149 = arith.constant 0 : index
    %get3A_150 = arith.constant 0 : index
    %get3A_151 = vector.load %arg4[%get3A_148, %get3A_149, %get3A_150] : memref<16x1x576xf32, #tpu.memory_space<vmem>>, vector<1x1x576xf32>
    %get3A_152 = vector.shape_cast %get3A_151 : vector<1x1x576xf32> to vector<1x576xf32>
    %get3A_153 = arith.constant 7 : index
    %get3A_154 = arith.constant 0 : index
    %get3A_155 = arith.constant 0 : index
    %get3A_156 = vector.load %arg4[%get3A_153, %get3A_154, %get3A_155] : memref<16x1x576xf32, #tpu.memory_space<vmem>>, vector<1x1x576xf32>
    %get3A_157 = vector.shape_cast %get3A_156 : vector<1x1x576xf32> to vector<1x576xf32>
    %concatenate3A_158 = tpu.concatenate %get3A_152, %get3A_157 in 1 : vector<1x576xf32>, vector<1x576xf32> -> vector<1x1152xf32>
    %add3A_159 = arith.addf %concatenate3A_147, %concatenate3A_147 : vector<64x1152xf32>
    %dot_general3A_160 = arith.constant dense<0.000000e+00> : vector<1024x1152xf32>
    %dot_general3A_161 = tpu.matmul %get3A_1, %add3A_159, %dot_general3A_160 {dimension_numbers = #tpu.dot_dimension_numbers<[0], [0], [1], [1], [0, 1, 1, 1], [], []>, transpose_lhs_hint = false} : vector<64x1024xf32>, vector<64x1152xf32>, vector<1024x1152xf32> -> vector<1024x1152xf32>
    %sub3A_162 = vector.broadcast %concatenate3A_158 : vector<1x1152xf32> to vector<1024x1152xf32>
    %sub3A_163 = arith.subf %sub3A_162, %dot_general3A_161 : vector<1024x1152xf32>
    %add3A_164 = vector.broadcast %get3A_4 : vector<1024x1xf32> to vector<1024x1152xf32>
    %add3A_165 = arith.addf %sub3A_163, %add3A_164 : vector<1024x1152xf32>
    %reduce_min3A_166 = arith.constant dense<0x7F800000> : vector<1152xf32>
    %reduce_min3A_167 = vector.multi_reduction <minimumf>, %add3A_165, %reduce_min3A_166 [0] : vector<1024x1152xf32> to vector<1152xf32>
    %broadcast_in_dim3A_168 = vector.shape_cast %reduce_min3A_167 : vector<1152xf32> to vector<1x1152xf32>
    %iota3A_169 = tpu.iota {dimensions = array<i32: 0>} : vector<1024x1152xi32>
    %eq3A_170 = vector.broadcast %broadcast_in_dim3A_168 : vector<1x1152xf32> to vector<1024x1152xf32>
    %eq3A_171 = arith.cmpf oeq, %add3A_165, %eq3A_170 : vector<1024x1152xf32>
    %jit3A_172 = arith.constant 1024 : i32
    %broadcast_in_dim3A_173 = vector.broadcast %jit3A_172 : i32 to vector<1024x1152xi32>
    %select_n3A_174 = arith.select %eq3A_171, %iota3A_169, %broadcast_in_dim3A_173 : vector<1024x1152xi1>, vector<1024x1152xi32>
    %reduce_min3A_175 = arith.constant dense<2147483647> : vector<1152xi32>
    %reduce_min3A_176 = vector.multi_reduction <minsi>, %select_n3A_174, %reduce_min3A_175 [0] : vector<1024x1152xi32> to vector<1152xi32>
    %reduce_sum3A_177 = vector.shape_cast %broadcast_in_dim3A_168 : vector<1x1152xf32> to vector<1x1x1152xf32>
    %reduce_sum3A_178 = arith.constant dense<0.000000e+00> : vector<1xf32>
    %reduce_sum3A_179 = vector.multi_reduction <add>, %reduce_sum3A_177, %reduce_sum3A_178 [1, 2] : vector<1x1x1152xf32> to vector<1xf32>
    %reduce_sum3A_180 = vector.shape_cast %reduce_sum3A_179 : vector<1xf32> to vector<1x1x1xf32>
    %reduce_sum3A_181 = vector.extract %reduce_sum3A_180[0, 0, 0] : f32 from vector<1x1x1xf32>
    %broadcast_in_dim3A_182 = vector.broadcast %reduce_sum3A_181 : f32 to vector<1x1xf32>
    %add3A_183 = arith.addf %add3A_136, %broadcast_in_dim3A_182 : vector<1x1xf32>
    %get3A_184 = arith.constant 8 : index
    %get3A_185 = arith.constant 0 : index
    %get3A_186 = arith.constant 0 : index
    %get3A_187 = vector.load %arg1[%get3A_184, %get3A_185, %get3A_186] : memref<16x64x576xf32, #tpu.memory_space<vmem>>, vector<1x64x576xf32>
    %get3A_188 = vector.shape_cast %get3A_187 : vector<1x64x576xf32> to vector<64x576xf32>
    %get3A_189 = arith.constant 9 : index
    %get3A_190 = arith.constant 0 : index
    %get3A_191 = arith.constant 0 : index
    %get3A_192 = vector.load %arg1[%get3A_189, %get3A_190, %get3A_191] : memref<16x64x576xf32, #tpu.memory_space<vmem>>, vector<1x64x576xf32>
    %get3A_193 = vector.shape_cast %get3A_192 : vector<1x64x576xf32> to vector<64x576xf32>
    %concatenate3A_194 = tpu.concatenate %get3A_188, %get3A_193 in 1 : vector<64x576xf32>, vector<64x576xf32> -> vector<64x1152xf32>
    %get3A_195 = arith.constant 8 : index
    %get3A_196 = arith.constant 0 : index
    %get3A_197 = arith.constant 0 : index
    %get3A_198 = vector.load %arg4[%get3A_195, %get3A_196, %get3A_197] : memref<16x1x576xf32, #tpu.memory_space<vmem>>, vector<1x1x576xf32>
    %get3A_199 = vector.shape_cast %get3A_198 : vector<1x1x576xf32> to vector<1x576xf32>
    %get3A_200 = arith.constant 9 : index
    %get3A_201 = arith.constant 0 : index
    %get3A_202 = arith.constant 0 : index
    %get3A_203 = vector.load %arg4[%get3A_200, %get3A_201, %get3A_202] : memref<16x1x576xf32, #tpu.memory_space<vmem>>, vector<1x1x576xf32>
    %get3A_204 = vector.shape_cast %get3A_203 : vector<1x1x576xf32> to vector<1x576xf32>
    %concatenate3A_205 = tpu.concatenate %get3A_199, %get3A_204 in 1 : vector<1x576xf32>, vector<1x576xf32> -> vector<1x1152xf32>
    %add3A_206 = arith.addf %concatenate3A_194, %concatenate3A_194 : vector<64x1152xf32>
    %dot_general3A_207 = arith.constant dense<0.000000e+00> : vector<1024x1152xf32>
    %dot_general3A_208 = tpu.matmul %get3A_1, %add3A_206, %dot_general3A_207 {dimension_numbers = #tpu.dot_dimension_numbers<[0], [0], [1], [1], [0, 1, 1, 1], [], []>, transpose_lhs_hint = false} : vector<64x1024xf32>, vector<64x1152xf32>, vector<1024x1152xf32> -> vector<1024x1152xf32>
    %sub3A_209 = vector.broadcast %concatenate3A_205 : vector<1x1152xf32> to vector<1024x1152xf32>
    %sub3A_210 = arith.subf %sub3A_209, %dot_general3A_208 : vector<1024x1152xf32>
    %add3A_211 = vector.broadcast %get3A_4 : vector<1024x1xf32> to vector<1024x1152xf32>
    %add3A_212 = arith.addf %sub3A_210, %add3A_211 : vector<1024x1152xf32>
    %reduce_min3A_213 = arith.constant dense<0x7F800000> : vector<1152xf32>
    %reduce_min3A_214 = vector.multi_reduction <minimumf>, %add3A_212, %reduce_min3A_213 [0] : vector<1024x1152xf32> to vector<1152xf32>
    %broadcast_in_dim3A_215 = vector.shape_cast %reduce_min3A_214 : vector<1152xf32> to vector<1x1152xf32>
    %iota3A_216 = tpu.iota {dimensions = array<i32: 0>} : vector<1024x1152xi32>
    %eq3A_217 = vector.broadcast %broadcast_in_dim3A_215 : vector<1x1152xf32> to vector<1024x1152xf32>
    %eq3A_218 = arith.cmpf oeq, %add3A_212, %eq3A_217 : vector<1024x1152xf32>
    %jit3A_219 = arith.constant 1024 : i32
    %broadcast_in_dim3A_220 = vector.broadcast %jit3A_219 : i32 to vector<1024x1152xi32>
    %select_n3A_221 = arith.select %eq3A_218, %iota3A_216, %broadcast_in_dim3A_220 : vector<1024x1152xi1>, vector<1024x1152xi32>
    %reduce_min3A_222 = arith.constant dense<2147483647> : vector<1152xi32>
    %reduce_min3A_223 = vector.multi_reduction <minsi>, %select_n3A_221, %reduce_min3A_222 [0] : vector<1024x1152xi32> to vector<1152xi32>
    %reduce_sum3A_224 = vector.shape_cast %broadcast_in_dim3A_215 : vector<1x1152xf32> to vector<1x1x1152xf32>
    %reduce_sum3A_225 = arith.constant dense<0.000000e+00> : vector<1xf32>
    %reduce_sum3A_226 = vector.multi_reduction <add>, %reduce_sum3A_224, %reduce_sum3A_225 [1, 2] : vector<1x1x1152xf32> to vector<1xf32>
    %reduce_sum3A_227 = vector.shape_cast %reduce_sum3A_226 : vector<1xf32> to vector<1x1x1xf32>
    %reduce_sum3A_228 = vector.extract %reduce_sum3A_227[0, 0, 0] : f32 from vector<1x1x1xf32>
    %broadcast_in_dim3A_229 = vector.broadcast %reduce_sum3A_228 : f32 to vector<1x1xf32>
    %add3A_230 = arith.addf %add3A_183, %broadcast_in_dim3A_229 : vector<1x1xf32>
    %get3A_231 = arith.constant 10 : index
    %get3A_232 = arith.constant 0 : index
    %get3A_233 = arith.constant 0 : index
    %get3A_234 = vector.load %arg1[%get3A_231, %get3A_232, %get3A_233] : memref<16x64x576xf32, #tpu.memory_space<vmem>>, vector<1x64x576xf32>
    %get3A_235 = vector.shape_cast %get3A_234 : vector<1x64x576xf32> to vector<64x576xf32>
    %get3A_236 = arith.constant 11 : index
    %get3A_237 = arith.constant 0 : index
    %get3A_238 = arith.constant 0 : index
    %get3A_239 = vector.load %arg1[%get3A_236, %get3A_237, %get3A_238] : memref<16x64x576xf32, #tpu.memory_space<vmem>>, vector<1x64x576xf32>
    %get3A_240 = vector.shape_cast %get3A_239 : vector<1x64x576xf32> to vector<64x576xf32>
    %concatenate3A_241 = tpu.concatenate %get3A_235, %get3A_240 in 1 : vector<64x576xf32>, vector<64x576xf32> -> vector<64x1152xf32>
    %get3A_242 = arith.constant 10 : index
    %get3A_243 = arith.constant 0 : index
    %get3A_244 = arith.constant 0 : index
    %get3A_245 = vector.load %arg4[%get3A_242, %get3A_243, %get3A_244] : memref<16x1x576xf32, #tpu.memory_space<vmem>>, vector<1x1x576xf32>
    %get3A_246 = vector.shape_cast %get3A_245 : vector<1x1x576xf32> to vector<1x576xf32>
    %get3A_247 = arith.constant 11 : index
    %get3A_248 = arith.constant 0 : index
    %get3A_249 = arith.constant 0 : index
    %get3A_250 = vector.load %arg4[%get3A_247, %get3A_248, %get3A_249] : memref<16x1x576xf32, #tpu.memory_space<vmem>>, vector<1x1x576xf32>
    %get3A_251 = vector.shape_cast %get3A_250 : vector<1x1x576xf32> to vector<1x576xf32>
    %concatenate3A_252 = tpu.concatenate %get3A_246, %get3A_251 in 1 : vector<1x576xf32>, vector<1x576xf32> -> vector<1x1152xf32>
    %add3A_253 = arith.addf %concatenate3A_241, %concatenate3A_241 : vector<64x1152xf32>
    %dot_general3A_254 = arith.constant dense<0.000000e+00> : vector<1024x1152xf32>
    %dot_general3A_255 = tpu.matmul %get3A_1, %add3A_253, %dot_general3A_254 {dimension_numbers = #tpu.dot_dimension_numbers<[0], [0], [1], [1], [0, 1, 1, 1], [], []>, transpose_lhs_hint = false} : vector<64x1024xf32>, vector<64x1152xf32>, vector<1024x1152xf32> -> vector<1024x1152xf32>
    %sub3A_256 = vector.broadcast %concatenate3A_252 : vector<1x1152xf32> to vector<1024x1152xf32>
    %sub3A_257 = arith.subf %sub3A_256, %dot_general3A_255 : vector<1024x1152xf32>
    %add3A_258 = vector.broadcast %get3A_4 : vector<1024x1xf32> to vector<1024x1152xf32>
    %add3A_259 = arith.addf %sub3A_257, %add3A_258 : vector<1024x1152xf32>
    %reduce_min3A_260 = arith.constant dense<0x7F800000> : vector<1152xf32>
    %reduce_min3A_261 = vector.multi_reduction <minimumf>, %add3A_259, %reduce_min3A_260 [0] : vector<1024x1152xf32> to vector<1152xf32>
    %broadcast_in_dim3A_262 = vector.shape_cast %reduce_min3A_261 : vector<1152xf32> to vector<1x1152xf32>
    %iota3A_263 = tpu.iota {dimensions = array<i32: 0>} : vector<1024x1152xi32>
    %eq3A_264 = vector.broadcast %broadcast_in_dim3A_262 : vector<1x1152xf32> to vector<1024x1152xf32>
    %eq3A_265 = arith.cmpf oeq, %add3A_259, %eq3A_264 : vector<1024x1152xf32>
    %jit3A_266 = arith.constant 1024 : i32
    %broadcast_in_dim3A_267 = vector.broadcast %jit3A_266 : i32 to vector<1024x1152xi32>
    %select_n3A_268 = arith.select %eq3A_265, %iota3A_263, %broadcast_in_dim3A_267 : vector<1024x1152xi1>, vector<1024x1152xi32>
    %reduce_min3A_269 = arith.constant dense<2147483647> : vector<1152xi32>
    %reduce_min3A_270 = vector.multi_reduction <minsi>, %select_n3A_268, %reduce_min3A_269 [0] : vector<1024x1152xi32> to vector<1152xi32>
    %reduce_sum3A_271 = vector.shape_cast %broadcast_in_dim3A_262 : vector<1x1152xf32> to vector<1x1x1152xf32>
    %reduce_sum3A_272 = arith.constant dense<0.000000e+00> : vector<1xf32>
    %reduce_sum3A_273 = vector.multi_reduction <add>, %reduce_sum3A_271, %reduce_sum3A_272 [1, 2] : vector<1x1x1152xf32> to vector<1xf32>
    %reduce_sum3A_274 = vector.shape_cast %reduce_sum3A_273 : vector<1xf32> to vector<1x1x1xf32>
    %reduce_sum3A_275 = vector.extract %reduce_sum3A_274[0, 0, 0] : f32 from vector<1x1x1xf32>
    %broadcast_in_dim3A_276 = vector.broadcast %reduce_sum3A_275 : f32 to vector<1x1xf32>
    %add3A_277 = arith.addf %add3A_230, %broadcast_in_dim3A_276 : vector<1x1xf32>
    %get3A_278 = arith.constant 12 : index
    %get3A_279 = arith.constant 0 : index
    %get3A_280 = arith.constant 0 : index
    %get3A_281 = vector.load %arg1[%get3A_278, %get3A_279, %get3A_280] : memref<16x64x576xf32, #tpu.memory_space<vmem>>, vector<1x64x576xf32>
    %get3A_282 = vector.shape_cast %get3A_281 : vector<1x64x576xf32> to vector<64x576xf32>
    %get3A_283 = arith.constant 13 : index
    %get3A_284 = arith.constant 0 : index
    %get3A_285 = arith.constant 0 : index
    %get3A_286 = vector.load %arg1[%get3A_283, %get3A_284, %get3A_285] : memref<16x64x576xf32, #tpu.memory_space<vmem>>, vector<1x64x576xf32>
    %get3A_287 = vector.shape_cast %get3A_286 : vector<1x64x576xf32> to vector<64x576xf32>
    %concatenate3A_288 = tpu.concatenate %get3A_282, %get3A_287 in 1 : vector<64x576xf32>, vector<64x576xf32> -> vector<64x1152xf32>
    %get3A_289 = arith.constant 12 : index
    %get3A_290 = arith.constant 0 : index
    %get3A_291 = arith.constant 0 : index
    %get3A_292 = vector.load %arg4[%get3A_289, %get3A_290, %get3A_291] : memref<16x1x576xf32, #tpu.memory_space<vmem>>, vector<1x1x576xf32>
    %get3A_293 = vector.shape_cast %get3A_292 : vector<1x1x576xf32> to vector<1x576xf32>
    %get3A_294 = arith.constant 13 : index
    %get3A_295 = arith.constant 0 : index
    %get3A_296 = arith.constant 0 : index
    %get3A_297 = vector.load %arg4[%get3A_294, %get3A_295, %get3A_296] : memref<16x1x576xf32, #tpu.memory_space<vmem>>, vector<1x1x576xf32>
    %get3A_298 = vector.shape_cast %get3A_297 : vector<1x1x576xf32> to vector<1x576xf32>
    %concatenate3A_299 = tpu.concatenate %get3A_293, %get3A_298 in 1 : vector<1x576xf32>, vector<1x576xf32> -> vector<1x1152xf32>
    %add3A_300 = arith.addf %concatenate3A_288, %concatenate3A_288 : vector<64x1152xf32>
    %dot_general3A_301 = arith.constant dense<0.000000e+00> : vector<1024x1152xf32>
    %dot_general3A_302 = tpu.matmul %get3A_1, %add3A_300, %dot_general3A_301 {dimension_numbers = #tpu.dot_dimension_numbers<[0], [0], [1], [1], [0, 1, 1, 1], [], []>, transpose_lhs_hint = false} : vector<64x1024xf32>, vector<64x1152xf32>, vector<1024x1152xf32> -> vector<1024x1152xf32>
    %sub3A_303 = vector.broadcast %concatenate3A_299 : vector<1x1152xf32> to vector<1024x1152xf32>
    %sub3A_304 = arith.subf %sub3A_303, %dot_general3A_302 : vector<1024x1152xf32>
    %add3A_305 = vector.broadcast %get3A_4 : vector<1024x1xf32> to vector<1024x1152xf32>
    %add3A_306 = arith.addf %sub3A_304, %add3A_305 : vector<1024x1152xf32>
    %reduce_min3A_307 = arith.constant dense<0x7F800000> : vector<1152xf32>
    %reduce_min3A_308 = vector.multi_reduction <minimumf>, %add3A_306, %reduce_min3A_307 [0] : vector<1024x1152xf32> to vector<1152xf32>
    %broadcast_in_dim3A_309 = vector.shape_cast %reduce_min3A_308 : vector<1152xf32> to vector<1x1152xf32>
    %iota3A_310 = tpu.iota {dimensions = array<i32: 0>} : vector<1024x1152xi32>
    %eq3A_311 = vector.broadcast %broadcast_in_dim3A_309 : vector<1x1152xf32> to vector<1024x1152xf32>
    %eq3A_312 = arith.cmpf oeq, %add3A_306, %eq3A_311 : vector<1024x1152xf32>
    %jit3A_313 = arith.constant 1024 : i32
    %broadcast_in_dim3A_314 = vector.broadcast %jit3A_313 : i32 to vector<1024x1152xi32>
    %select_n3A_315 = arith.select %eq3A_312, %iota3A_310, %broadcast_in_dim3A_314 : vector<1024x1152xi1>, vector<1024x1152xi32>
    %reduce_min3A_316 = arith.constant dense<2147483647> : vector<1152xi32>
    %reduce_min3A_317 = vector.multi_reduction <minsi>, %select_n3A_315, %reduce_min3A_316 [0] : vector<1024x1152xi32> to vector<1152xi32>
    %reduce_sum3A_318 = vector.shape_cast %broadcast_in_dim3A_309 : vector<1x1152xf32> to vector<1x1x1152xf32>
    %reduce_sum3A_319 = arith.constant dense<0.000000e+00> : vector<1xf32>
    %reduce_sum3A_320 = vector.multi_reduction <add>, %reduce_sum3A_318, %reduce_sum3A_319 [1, 2] : vector<1x1x1152xf32> to vector<1xf32>
    %reduce_sum3A_321 = vector.shape_cast %reduce_sum3A_320 : vector<1xf32> to vector<1x1x1xf32>
    %reduce_sum3A_322 = vector.extract %reduce_sum3A_321[0, 0, 0] : f32 from vector<1x1x1xf32>
    %broadcast_in_dim3A_323 = vector.broadcast %reduce_sum3A_322 : f32 to vector<1x1xf32>
    %add3A_324 = arith.addf %add3A_277, %broadcast_in_dim3A_323 : vector<1x1xf32>
    %get3A_325 = arith.constant 14 : index
    %get3A_326 = arith.constant 0 : index
    %get3A_327 = arith.constant 0 : index
    %get3A_328 = vector.load %arg1[%get3A_325, %get3A_326, %get3A_327] : memref<16x64x576xf32, #tpu.memory_space<vmem>>, vector<1x64x576xf32>
    %get3A_329 = vector.shape_cast %get3A_328 : vector<1x64x576xf32> to vector<64x576xf32>
    %get3A_330 = arith.constant 15 : index
    %get3A_331 = arith.constant 0 : index
    %get3A_332 = arith.constant 0 : index
    %get3A_333 = vector.load %arg1[%get3A_330, %get3A_331, %get3A_332] : memref<16x64x576xf32, #tpu.memory_space<vmem>>, vector<1x64x576xf32>
    %get3A_334 = vector.shape_cast %get3A_333 : vector<1x64x576xf32> to vector<64x576xf32>
    %concatenate3A_335 = tpu.concatenate %get3A_329, %get3A_334 in 1 : vector<64x576xf32>, vector<64x576xf32> -> vector<64x1152xf32>
    %get3A_336 = arith.constant 14 : index
    %get3A_337 = arith.constant 0 : index
    %get3A_338 = arith.constant 0 : index
    %get3A_339 = vector.load %arg4[%get3A_336, %get3A_337, %get3A_338] : memref<16x1x576xf32, #tpu.memory_space<vmem>>, vector<1x1x576xf32>
    %get3A_340 = vector.shape_cast %get3A_339 : vector<1x1x576xf32> to vector<1x576xf32>
    %get3A_341 = arith.constant 15 : index
    %get3A_342 = arith.constant 0 : index
    %get3A_343 = arith.constant 0 : index
    %get3A_344 = vector.load %arg4[%get3A_341, %get3A_342, %get3A_343] : memref<16x1x576xf32, #tpu.memory_space<vmem>>, vector<1x1x576xf32>
    %get3A_345 = vector.shape_cast %get3A_344 : vector<1x1x576xf32> to vector<1x576xf32>
    %concatenate3A_346 = tpu.concatenate %get3A_340, %get3A_345 in 1 : vector<1x576xf32>, vector<1x576xf32> -> vector<1x1152xf32>
    %add3A_347 = arith.addf %concatenate3A_335, %concatenate3A_335 : vector<64x1152xf32>
    %dot_general3A_348 = arith.constant dense<0.000000e+00> : vector<1024x1152xf32>
    %dot_general3A_349 = tpu.matmul %get3A_1, %add3A_347, %dot_general3A_348 {dimension_numbers = #tpu.dot_dimension_numbers<[0], [0], [1], [1], [0, 1, 1, 1], [], []>, transpose_lhs_hint = false} : vector<64x1024xf32>, vector<64x1152xf32>, vector<1024x1152xf32> -> vector<1024x1152xf32>
    %sub3A_350 = vector.broadcast %concatenate3A_346 : vector<1x1152xf32> to vector<1024x1152xf32>
    %sub3A_351 = arith.subf %sub3A_350, %dot_general3A_349 : vector<1024x1152xf32>
    %add3A_352 = vector.broadcast %get3A_4 : vector<1024x1xf32> to vector<1024x1152xf32>
    %add3A_353 = arith.addf %sub3A_351, %add3A_352 : vector<1024x1152xf32>
    %reduce_min3A_354 = arith.constant dense<0x7F800000> : vector<1152xf32>
    %reduce_min3A_355 = vector.multi_reduction <minimumf>, %add3A_353, %reduce_min3A_354 [0] : vector<1024x1152xf32> to vector<1152xf32>
    %broadcast_in_dim3A_356 = vector.shape_cast %reduce_min3A_355 : vector<1152xf32> to vector<1x1152xf32>
    %iota3A_357 = tpu.iota {dimensions = array<i32: 0>} : vector<1024x1152xi32>
    %eq3A_358 = vector.broadcast %broadcast_in_dim3A_356 : vector<1x1152xf32> to vector<1024x1152xf32>
    %eq3A_359 = arith.cmpf oeq, %add3A_353, %eq3A_358 : vector<1024x1152xf32>
    %jit3A_360 = arith.constant 1024 : i32
    %broadcast_in_dim3A_361 = vector.broadcast %jit3A_360 : i32 to vector<1024x1152xi32>
    %select_n3A_362 = arith.select %eq3A_359, %iota3A_357, %broadcast_in_dim3A_361 : vector<1024x1152xi1>, vector<1024x1152xi32>
    %reduce_min3A_363 = arith.constant dense<2147483647> : vector<1152xi32>
    %reduce_min3A_364 = vector.multi_reduction <minsi>, %select_n3A_362, %reduce_min3A_363 [0] : vector<1024x1152xi32> to vector<1152xi32>
    %reduce_sum3A_365 = vector.shape_cast %broadcast_in_dim3A_356 : vector<1x1152xf32> to vector<1x1x1152xf32>
    %reduce_sum3A_366 = arith.constant dense<0.000000e+00> : vector<1xf32>
    %reduce_sum3A_367 = vector.multi_reduction <add>, %reduce_sum3A_365, %reduce_sum3A_366 [1, 2] : vector<1x1x1152xf32> to vector<1xf32>
    %reduce_sum3A_368 = vector.shape_cast %reduce_sum3A_367 : vector<1xf32> to vector<1x1x1xf32>
    %reduce_sum3A_369 = vector.extract %reduce_sum3A_368[0, 0, 0] : f32 from vector<1x1x1xf32>
    %broadcast_in_dim3A_370 = vector.broadcast %reduce_sum3A_369 : f32 to vector<1x1xf32>
    %add3A_371 = arith.addf %add3A_324, %broadcast_in_dim3A_370 : vector<1x1xf32>
    %concatenate3A_372 = tpu.concatenate %reduce_min3A_36, %reduce_min3A_82, %reduce_min3A_129, %reduce_min3A_176, %reduce_min3A_223, %reduce_min3A_270, %reduce_min3A_317, %reduce_min3A_364 in 0 : vector<1152xi32>, vector<1152xi32>, vector<1152xi32>, vector<1152xi32>, vector<1152xi32>, vector<1152xi32>, vector<1152xi32>, vector<1152xi32> -> vector<9216xi32>
    %reshape3A = vector.shape_cast %concatenate3A_372 : vector<9216xi32> to vector<72x128xi32>
    %swap3A = arith.constant 0 : index
    %swap3A_373 = arith.constant 0 : index
    %swap3A_374 = vector.load %arg5[%swap3A, %swap3A_373] : memref<72x128xi32, #tpu.memory_space<vmem>>, vector<72x128xi32>
    tpu.vector_store %arg5[%swap3A, %swap3A_373], %reshape3A {strides = array<i32>} : memref<72x128xi32, #tpu.memory_space<vmem>>, vector<72x128xi32>,
    %eq3A_375 = arith.constant 0 : i32
    %eq3A_376 = arith.cmpi eq, %arg0, %eq3A_375 : i32
    %convert_element_type3A = arith.extui %eq3A_376 : i1 to i32
    %cond3A = arith.constant 0 : i32
    %cond3A_377 = arith.cmpi ne, %convert_element_type3A, %cond3A : i32
    scf.if %cond3A_377 {
      %broadcast_in_dim3A_390 = arith.constant 0.000000e+00 : f32
      %broadcast_in_dim3A_391 = vector.broadcast %broadcast_in_dim3A_390 : f32 to vector<1x1xf32>
      %swap3A_392 = arith.constant 0 : index
      %swap3A_393 = arith.constant 0 : index
      %swap3A_394 = vector.load %arg6[%swap3A_392, %swap3A_393] : memref<1x1xf32, #tpu.memory_space<vmem>>, vector<1x1xf32>
      tpu.vector_store %arg6[%swap3A_392, %swap3A_393], %broadcast_in_dim3A_391 {strides = array<i32>} : memref<1x1xf32, #tpu.memory_space<vmem>>, vector<1x1xf32>,
    } else {
    }
    %get3A_378 = arith.constant 0 : index
    %get3A_379 = arith.constant 0 : index
    %get3A_380 = vector.load %arg6[%get3A_378, %get3A_379] : memref<1x1xf32, #tpu.memory_space<vmem>>, vector<1x1xf32>
    %add3A_381 = arith.addf %get3A_380, %add3A_371 : vector<1x1xf32>
    %swap3A_382 = arith.constant 0 : index
    %swap3A_383 = arith.constant 0 : index
    %swap3A_384 = vector.load %arg6[%swap3A_382, %swap3A_383] : memref<1x1xf32, #tpu.memory_space<vmem>>, vector<1x1xf32>
    tpu.vector_store %arg6[%swap3A_382, %swap3A_383], %add3A_381 {strides = array<i32>} : memref<1x1xf32, #tpu.memory_space<vmem>>, vector<1x1xf32>,
    %eq3A_385 = arith.constant 1 : i32
    %eq3A_386 = arith.cmpi eq, %arg0, %eq3A_385 : i32
    %convert_element_type3A_387 = arith.extui %eq3A_386 : i1 to i32
    %cond3A_388 = arith.constant 0 : i32
    %cond3A_389 = arith.cmpi ne, %convert_element_type3A_387, %cond3A_388 : i32
    scf.if %cond3A_389 {
      %get3A_390 = arith.constant 0 : index
      %get3A_391 = arith.constant 0 : index
      %get3A_392 = vector.load %arg6[%get3A_390, %get3A_391] : memref<1x1xf32, #tpu.memory_space<vmem>>, vector<1x1xf32>
      %mul3A = arith.constant 1.05963818E-6 : f32
      %mul3A_393 = vector.broadcast %mul3A : f32 to vector<1x1xf32>
      %mul3A_394 = arith.mulf %get3A_392, %mul3A_393 : vector<1x1xf32>
      %swap3A_395 = arith.constant 0 : index
      %swap3A_396 = arith.constant 0 : index
      %swap3A_397 = vector.load %arg6[%swap3A_395, %swap3A_396] : memref<1x1xf32, #tpu.memory_space<vmem>>, vector<1x1xf32>
      tpu.vector_store %arg6[%swap3A_395, %swap3A_396], %mul3A_394 {strides = array<i32>} : memref<1x1xf32, #tpu.memory_space<vmem>>, vector<1x1xf32>,
    } else {
    }
    return
  }
  func.func @transform_0(%arg0: i32) -> (i32, i32, i32) {
    %c0_i32 = arith.constant 0 : i32
    %c0_i32_0 = arith.constant 0 : i32
    %c0_i32_1 = arith.constant 0 : i32
    return %arg0, %c0_i32, %c0_i32_0 : i32, i32, i32
  }
  func.func @transform_1(%arg0: i32) -> (i32, i32) {
    %c0_i32 = arith.constant 0 : i32
    %c0_i32_0 = arith.constant 0 : i32
    %c0_i32_1 = arith.constant 0 : i32
    return %c0_i32, %c0_i32_0 : i32, i32
  }
  func.func @transform_2(%arg0: i32) -> (i32, i32) {
    %c0_i32 = arith.constant 0 : i32
    %c0_i32_0 = arith.constant 0 : i32
    %c0_i32_1 = arith.constant 0 : i32
    return %c0_i32, %c0_i32_0 : i32, i32
  }
  func.func @transform_3(%arg0: i32) -> (i32, i32, i32) {
    %c0_i32 = arith.constant 0 : i32
    %c0_i32_0 = arith.constant 0 : i32
    %c0_i32_1 = arith.constant 0 : i32
    return %arg0, %c0_i32, %c0_i32_0 : i32, i32, i32
  }
  func.func @transform_4(%arg0: i32) -> (i32, i32) {
    %c0_i32 = arith.constant 0 : i32
    %c0_i32_0 = arith.constant 0 : i32
    return %arg0, %c0_i32 : i32, i32
  }
  func.func @transform_5(%arg0: i32) -> (i32, i32) {
    %c0_i32 = arith.constant 0 : i32
    %c0_i32_0 = arith.constant 0 : i32
    %c0_i32_1 = arith.constant 0 : i32
    return %c0_i32, %c0_i32_0 : i32, i32
  }
}

</mosaic_0001>

<sc_bundles>
// kernel: kernel.4.cloned.1.call-start
scs
__scs_entry_jumppad:
0x0: {  	(pc) =	sbr.rel $0x88, $3  }
0x1: {  	(tag) =	ssettag $0x0;
	lr =	simm.s32 $0x1  }
0x2: {  	[smem:$0x3F9F] =	sst lr;
	_ =	strace $0xD0000000  }
0x3: {  	_ = 	snop  }
0x4: {  	_ = 	snop  }
0x5: {  	_ = 	snop  }
0x6: {  	_ = 	snop  }
0x7: {  	_ = 	snop  }
__scs_overlays_trampoline_lowered:
0x8: {  	[smem:$0x3FAE] =	sst s0  }
0x9: {  	[smem:$0x3FAF] =	sst s1  }
0xa: {  	[smem:$0x3FB0] =	sst s2  }
0xb: {  	[smem:$0x3FB1] =	sst s3  }
0xc: {  	[smem:$0x3FB2] =	sst s4  }
0xd: {  	[smem:$0x3FB3] =	sst s5  }
0xe: {  	[smem:$0x3FB4] =	sst s6  }
0xf: {  	[smem:$0x3FB5] =	sst s7  }
0x10: {  	[smem:$0x3FB6] =	sst s8  }
0x11: {  	[smem:$0x3FB7] =	sst s9;
	s0 =	simm.s32 @!p0 $0x0  }
0x12: {  	s1 =	sld [smem:$0x3F9D];
	s0 =	simm.s32 @p0 $0x1  }
0x13: {  	[smem:$0x3FB8] =	sst s0;
	s0 =	simm.s32 @!p1 $0x0  }
0x14: {  	s2 =	sld [smem:$0x3F9C];
	s0 =	simm.s32 @p1 $0x1  }
0x15: {  	[smem:$0x3FB9] =	sst s0;
	s0 =	simm.s32 @!p2 $0x0  }
0x16: {  	s3 =	sld [smem:$0x3FDB];
	s0 =	simm.s32 @p2 $0x1  }
0x17: {  	s4 =	simm.s32 $0x1BF5;
	[smem:$0x3FBB] =	sst s0  }
0x18: {  	s0 =	sld [smem:$0x3F9E];
	_ =	swait.ge [sflag:s4], $0x0  }
0x19: {  	s7 =	sld [smem:$0x3F9F]  }
0x1a: {  	s8 =	sadd.s32 $0xFFFFE003, lr  }
0x1b: {  	s9 =	sadd.s32 $0xFFFFFEF7, lr;
	s5 =	simm.s32 $0xFFFFFFFF;
	p2 =	slt.u32 s8, $0xFFFFF086  }
0x1c: {  	p1 =	slt.u32 s9, $0xF7A;
	s5 =	simm.s32 @!p2 $0x0  }
0x1d: {  	s5 =	simm.s32 @p1 $0x1;
	p0 =	seq.s32 s7, s2  }
0x1e: {  	s7 =	smul.u32 @!p0 $0xF7A, s2;
	p2 =	seq.s32 @!p0 s5, $0x0  }
0x1f: {  	s9 =	smul.u32 $0xF7A, s1;
	s8 =	simm.s32 @!p0 $0x1BF5;
	p2 =	por !p2, p0  }
0x20: {  	[sflag:s8] =	ssyncset.s32 @!p0 $0xFFFFF086;
	s6 =	sadd.s32 @!p0 s3, s7;
	s7 =	simm.s32 @!p0 $0x108  }
0x21: {  	s3 =	sadd.s32 s3, s9;
	s6 =	sadd.s32 @!p0 $0x88, s6;
	s7 =	simm.s32 @p2 $0x1082  }
0x22: {  	[simem:s7], [sflag:s8] =	dma.local @!p0 [hbm:s6], $0xF7A  }
0x23: {  	s9 =	sor.u32 $0xD0000000, s2;
	s6 =	simm.s32 $0x108;
	_ =	swait.ge @!p0 [sflag:s8], $0x0  }
0x24: {  	s3 =	sadd.s32 $0x88, s3;
	s6 =	simm.s32 @!p1 $0x1082;
	[sflag:s4] =	ssyncset.s32 $0xFFFFF086  }
0x25: {  	[simem:s6], [sflag:s4] =	dma.local [hbm:s3], $0xF7A  }
0x26: {  	[smem:$0x3F9F] =	sst s1;
	(tag) =	ssettag s2;
	_ =	strace s9  }
0x27: {  	s1 =	sld [smem:$0x3FAF]  }
0x28: {  	s2 =	sld [smem:$0x3FB0]  }
0x29: {  	s4 =	sld [smem:$0x3FB2]  }
0x2a: {  	p0 =	seq.s32 s5, $0x0;
	s5 =	sld [smem:$0x3FB3]  }
0x2b: {  	s6 =	sld [smem:$0x3FB4]  }
0x2c: {  	s7 =	sld [smem:$0x3FB5]  }
0x2d: {  	s3 =	simm.s32 $0x108;
	s8 =	sld [smem:$0x3FB6]  }
0x2e: {  	s3 =	simm.s32 @!p0 $0x1082;
	s9 =	sld [smem:$0x3FB7]  }
0x2f: {  	lr =	sadd.s32 s0, s3;
	s0 =	sld [smem:$0x3FAE]  }
0x30: {  	s3 =	sld [smem:$0x3FB1]  }
0x31: {  	[smem:$0x3FBA] =	sst s10  }
0x32: {  	s10 =	sld [smem:$0x3FB8];
	_ =	sdelay $0x3  }
0x33: {  	p0 =	seq.s32 s10, $0x1;
	s10 =	sld [smem:$0x3FBA];
	_ =	sdelay $0x3  }
0x34: {  	[smem:$0x3FBA] =	sst s10  }
0x35: {  	s10 =	sld [smem:$0x3FB9];
	_ =	sdelay $0x3  }
0x36: {  	p1 =	seq.s32 s10, $0x1;
	s10 =	sld [smem:$0x3FBA];
	_ =	sdelay $0x3  }
0x37: {  	[smem:$0x3FBA] =	sst s10  }
0x38: {  	s10 =	sld [smem:$0x3FBB]  }
0x39: {  	_ = 	snop;
	(pc) =	sbr.ind lr, $3  }
0x3a: {  	_ = 	snop  }
0x3b: {  	_ = 	snop  }
0x3c: {  	p2 =	seq.s32 s10, $0x1;
	s10 =	sld [smem:$0x3FBA]  }
0x3d: {  	_ =	shalt  }
0x3e: {  	_ =	shalt  }
0x3f: {  	_ =	shalt  }
0x40: {  	_ =	shalt  }
0x41: {  	_ =	shalt  }
0x42: {  	_ =	shalt  }
0x43: {  	_ =	shalt  }
0x44: {  	_ =	shalt  }
0x45: {  	_ =	shalt  }
0x46: {  	_ =	shalt  }
0x47: {  	_ =	shalt  }
0x48: {  	_ =	shalt  }
0x49: {  	_ =	shalt  }
0x4a: {  	_ =	shalt  }
0x4b: {  	_ =	shalt  }
0x4c: {  	_ =	shalt  }
0x4d: {  	_ =	shalt  }
0x4e: {  	_ =	shalt  }
0x4f: {  	_ =	shalt  }
0x50: {  	_ =	shalt  }
0x51: {  	_ =	shalt  }
0x52: {  	_ =	shalt  }
0x53: {  	_ =	shalt  }
0x54: {  	_ =	shalt  }
0x55: {  	_ =	shalt  }
0x56: {  	_ =	shalt  }
0x57: {  	_ =	shalt  }
0x58: {  	_ =	shalt  }
0x59: {  	_ =	shalt  }
0x5a: {  	_ =	shalt  }
0x5b: {  	_ =	shalt  }
0x5c: {  	_ =	shalt  }
0x5d: {  	_ =	shalt  }
0x5e: {  	_ =	shalt  }
0x5f: {  	_ =	shalt  }
0x60: {  	_ =	shalt  }
0x61: {  	_ =	shalt  }
0x62: {  	_ =	shalt  }
0x63: {  	_ =	shalt  }
0x64: {  	_ =	shalt  }
0x65: {  	_ =	shalt  }
0x66: {  	_ =	shalt  }
0x67: {  	_ =	shalt  }
0x68: {  	_ =	shalt  }
0x69: {  	_ =	shalt  }
0x6a: {  	_ =	shalt  }
0x6b: {  	_ =	shalt  }
0x6c: {  	_ =	shalt  }
0x6d: {  	_ =	shalt  }
0x6e: {  	_ =	shalt  }
0x6f: {  	_ =	shalt  }
0x70: {  	_ =	shalt  }
0x71: {  	_ =	shalt  }
0x72: {  	_ =	shalt  }
0x73: {  	_ =	shalt  }
0x74: {  	_ =	shalt  }
0x75: {  	_ =	shalt  }
0x76: {  	_ =	shalt  }
0x77: {  	_ =	shalt  }
0x78: {  	_ =	shalt  }
0x79: {  	_ =	shalt  }
0x7a: {  	_ =	shalt  }
0x7b: {  	_ =	shalt  }
0x7c: {  	_ =	shalt  }
0x7d: {  	_ =	shalt  }
0x7e: {  	_ =	shalt  }
0x7f: {  	_ =	shalt  }
0x80: {  	_ =	shalt  }
0x81: {  	_ =	shalt  }
0x82: {  	_ =	shalt  }
0x83: {  	_ =	shalt  }
0x84: {  	_ =	shalt  }
0x85: {  	_ =	shalt  }
0x86: {  	_ =	shalt  }
0x87: {  	_ =	shalt  }
.Lfunc_end0:
.L_simem_size_0:
called_computation_lowered:
.L_overlay_start_0:
0x88: {  	s2 =	sld [smem:$0x3FD9]  }
0x89: {  	s3 =	sld [smem:$0x3FFE];
	_ =	sdelay $0x1  }
0x8a: {  	s1 =	srdreg.scid  }
0x8b: {  	s0 =	sand.u32 $0x1, s1  }
0x8c: {  	s14 =	sshll.u32 s0, $0xA;
	s2 =	sadd.s32 s3, s2  }
0x8d: {  	s2 =	sadd.s32 s2, s14  }
0x8e: {  	[smem:$0x3FC6] =	sst s2  }
0x8f: {  	_ = 	snop  }
0x90: {  	s2 =	sld [smem:$0x3FD0];
	_ =	sdelay $0x2  }
0x91: {  	s15 =	simm.s32 $0xA;
	s4 =	simm.s32 $0x10  }
0x92: {  	[smem:s4], [sflag:s15] =	dma.local [hbm:s2], $0x1  }
0x93: {  	_ =	swait.eq [sflag:s15], $0x1  }
0x94: {  	[sflag:s15] =	ssyncset.done $0x0  }
0x95: {  	[sflag:s15] =	ssyncadd.s32 $0xFFFFFFFF  }
0x96: {  	s16 =	sld [smem:$0x10];
	(tm) =	ssettm $0x1  }
0x97: {  	s17 =	sld [smem:$0x3FFB];
	_ =	sdelay $0x3  }
0x98: {  	_ =	strace s17  }
0x99: {  	s3 =	sld [smem:$0x3FFC];
	_ =	sdelay $0x3  }
0x9a: {  	_ =	strace s3  }
0x9b: {  	s3 =	sld [smem:$0x3FFD];
	_ =	sdelay $0x3  }
0x9c: {  	_ =	strace s3  }
0x9d: {  	_ =	strace $0x8FFFFFFF  }
0x9e: {  	s18 =	sld [smem:$0x3FDB];
	_ =	sdelay $0x1  }
0x9f: {  	s19 =	simm.s32 $_scs_section_size  }
0xa0: {  	s5 =	simm.s32 $_size__tile_overlayer_lowered;
	s6 =	simm.s32 $_tile_overlayer_lowered  }
0xa1: {  	s22 =	simm.s32 $0x1BFF;
	s21 =	sshll.u32 s6, $0x1;
	s3 =	sadd.s32 s19, s18  }
0xa2: {  	s7 =	simm.s32 $0x0;
	s20 =	sshll.u32 s5, $0x1;
	s5 =	sadd.s32 s21, s3  }
0xa3: {  	[timem:s7], [sflag:s22] =	dma.local [hbm:s5], s20  }
0xa4: {  	_ =	swait.ge [sflag:s22], s20  }
0xa5: {  	s4 =	ssub.s32 $0x0, s20;
	[sflag:s22] =	ssyncset.done $0x0  }
0xa6: {  	[sflag:s22] =	ssyncadd.s32 s4;
	_ =	sdelay $0x1  }
0xa7: {  	s23 =	simm.s32 $0x1B8B  }
0xa8: {  	_ =	swait.ge [sflag:s23], $0x1  }
0xa9: {  	[sflag:s23] =	ssyncset.done $0x0  }
0xaa: {  	s25 =	simm.s32 $0x1B8E;
	s24 =	sld [smem:$0x3FFE];
	[sflag:s23] =	ssyncadd.s32 $0xFFFFFFFF  }
0xab: {  	s26 =	simm.s32 $execute0_lowered;
	[smem:$0x3FD2] =	sst s25  }
0xac: {  	s5 =	sshll.u32 s26, $0x1;
	_ =	strace $0x80000046;
	[dreg:$0x1] =	wrdreg $0xFFFFFFFF  }
0xad: {  	s28 =	simm.s32 $_size_execute0_lowered;
	s3 =	sadd.s32 s3, s5;
	[dreg:$0x0] =	wrdreg $0x0  }
0xae: {  	s5 =	sshll.u32 s28, $0x1;
	[dreg:$0x2] =	wrdreg s3  }
0xaf: {  	[dreg:$0x3] =	wrdreg s5  }
0xb0: {  	[dreg:$0x4] =	wrdreg $0xC0  }
0xb1: {  	_ =	task [dreg:s7], $0x5FFFF  }
0xb2: {  	[dreg:$0x1] =	wrdreg $0xFFFFFFFF  }
0xb3: {  	[dreg:$0x0] =	wrdreg $0x60  }
0xb4: {  	[dreg:$0x2] =	wrdreg s24  }
0xb5: {  	[dreg:$0x3] =	wrdreg s16  }
0xb6: {  	[dreg:$0x4] =	wrdreg $0x9  }
0xb7: {  	_ =	task.clear_ibuf [dreg:s7], $0x5FFFF;
	_ =	strace $0x90000046  }
0xb8: {  	s29 =	simm.s32 $0x9;
	_ =	strace $0x80000048  }
0xb9: {  	_ =	swait.ge [sflag:s29], $0x1  }
0xba: {  	[sflag:s29] =	ssyncadd.s32 $0xFFFFFFFF  }
0xbb: {  	_ =	strace $0x90000048  }
0xbc: {  	_ =	sfence  }
0xbd: {  	s30 =	sld [smem:$0x0];
	_ =	sdelay $0x2  }
0xbe: {  	s31 =	sshll.u32 s1, $0xD;
	s1 =	sshrl.u32 s1, $0x2  }
0xbf: {  	s3 =	sand.u32 $0x4000, s31;
	s1 =	sadd.s32 s1, s30  }
0xc0: {  	s0 =	sor.u32 s3, s0;
	s1 =	sshll.u32 s1, $0x11  }
0xc1: {  	s0 =	sor.u32 s1, s0  }
0xc2: {  	s0 =	sadd.s32 $0x8F2B, s0  }
0xc3: {  	[sflag:s0] =	ssyncadd.remote.s32 $0x1  }
0xc4: {  	_ =	sfence.sel $0xFFFF  }
0xc5: {  	[dreg:$0x0] =	wrdreg $0xFFFFFFFF;
	(pc) =	sbr.abs _section_cstart, $3  }
0xc6: {  	[dreg:$0x1] =	wrdreg $0xFFFFFFFF  }
0xc7: {  	_ =	task.clear_ibuf [dreg:s7], $0x2FFFF;
	_ =	strace $0x9FFFFFFF  }
0xc8: {  	(tm) =	ssettm $0x7FFFFFFF  }
0xc9: {  	_ =	shalt  }
tec
execute0_lowered:
.L_overlay_start_1:
0x0: {  	(tag) =	ssettag $0x1  }
0x1: {  	s1 =	rddreg [dreg:$0x0]  }
0x2: {  	s0 =	srdreg.scid;
	s6 =	rddreg [dreg:$0x1]  }
0x3: {  	s4 =	stileid.u32;
	s2 =	simm.s32 $0x0;
	s9 =	simm.s32 $0x10000  }
0x4: {  	s10 =	simm.s32 $0x3;
	s11 =	simm.s32 $0x1;
	s0 =	sand.u32 $0x1, s0  }
0x5: {  	s12 =	simm.s32 $0x2;
	s13 =	simm.s32 $0x10280;
	s3 =	sshll.u32 s0, $0x4  }
0x6: {  	s14 =	simm.s32 $0x0;
	[smem:$0x7FF] =	sst s2;
	s4 =	sor.u32 s4, s3  }
0x7: {  	_ =	strace $0x80000047;
	s0 =	ssub.s32 $0x2, s0;
	s5 =	smul.u32 $0x48, s4  }
0x8: {  	s3 =	sadd.s32 $0x400, s1;
	s7 =	sshrl.u32 s0, $0x1;
	s8 =	smul.u32 $0x1400, s4  }
0x9: {  	s0 =	ssub.s32 s0, s7;
	s4 =	sadd.s32 $0x1400, s1;
	s5 =	sadd.s32 s5, s1  }
0xa: {  	s7 =	smax.u32 s0, $0x1;
	s6 =	sadd.s32 s6, s8;
	s5 =	sadd.s32 $0x2400, s5  }
.LBB2_1:
0xb: {  	[tilespmem:s2], [sflag:$0x1] =	stream.linear.gather [hbm4b:s3+s2], $0x8000, $0x38;
	[tilespmem:$0x1A280] =	vst v63  }
0xc: {  	s0 =	simm.s32 $0x8000  }
0xd: {  	[tilespmem:s0], [sflag:$0x2] =	stream.linear.gather [hbm4b:s4+s2], $0x8000, $0x38;
	[tilespmem:$0x1A280] =	vst v63  }
0xe: {  	_ = 	snop  }
0xf: {  	[tilespmem:s9], [sflag:$0x3] =	stream.linear.gather [hbm4b:s5+s2], $0x240, $0x38;
	[tilespmem:$0x1A280] =	vst v63  }
0x10: {  	_ =	swait.ge [sflag:s10], $0x240  }
0x11: {  	[sflag:s10] =	ssyncset.done $0x0  }
0x12: {  	[sflag:s10] =	ssyncadd.s32 $0xFFFFFDC0  }
0x13: {  	v34 =	vld [tilespmem:$0x10000]  }
0x14: {  	v35 =	vld [tilespmem:$0x10010]  }
0x15: {  	v33 =	vld [tilespmem:$0x10020]  }
0x16: {  	v32 =	vld [tilespmem:$0x10030]  }
0x17: {  	v31 =	vld [tilespmem:$0x10040]  }
0x18: {  	v30 =	vld [tilespmem:$0x10050]  }
0x19: {  	v29 =	vld [tilespmem:$0x10060]  }
0x1a: {  	v28 =	vld [tilespmem:$0x10070]  }
0x1b: {  	v27 =	vld [tilespmem:$0x10080]  }
0x1c: {  	v26 =	vld [tilespmem:$0x10090]  }
0x1d: {  	v25 =	vld [tilespmem:$0x100A0]  }
0x1e: {  	v24 =	vld [tilespmem:$0x100B0]  }
0x1f: {  	v23 =	vld [tilespmem:$0x100C0]  }
0x20: {  	v22 =	vld [tilespmem:$0x100D0]  }
0x21: {  	v21 =	vld [tilespmem:$0x100E0]  }
0x22: {  	v20 =	vld [tilespmem:$0x100F0]  }
0x23: {  	v19 =	vld [tilespmem:$0x10100]  }
0x24: {  	v18 =	vld [tilespmem:$0x10110]  }
0x25: {  	v17 =	vld [tilespmem:$0x10120]  }
0x26: {  	v16 =	vld [tilespmem:$0x10130]  }
0x27: {  	v15 =	vld [tilespmem:$0x10140]  }
0x28: {  	v14 =	vld [tilespmem:$0x10150]  }
0x29: {  	v13 =	vld [tilespmem:$0x10160]  }
0x2a: {  	v12 =	vld [tilespmem:$0x10170]  }
0x2b: {  	v11 =	vld [tilespmem:$0x10180]  }
0x2c: {  	v10 =	vld [tilespmem:$0x10190]  }
0x2d: {  	v9 =	vld [tilespmem:$0x101A0]  }
0x2e: {  	v8 =	vld [tilespmem:$0x101B0]  }
0x2f: {  	v7 =	vld [tilespmem:$0x101C0]  }
0x30: {  	v6 =	vld [tilespmem:$0x101D0]  }
0x31: {  	v5 =	vld [tilespmem:$0x101E0]  }
0x32: {  	v4 =	vld [tilespmem:$0x101F0]  }
0x33: {  	s30 =	simm.s32 $0x0;
	v3 =	vld [tilespmem:$0x10200]  }
0x34: {  	v2 =	vld [tilespmem:$0x10210];
	v36 =	vadd.s32 s30, v34  }
0x35: {  	v1 =	vld [tilespmem:$0x10220]  }
0x36: {  	v0 =	vld [tilespmem:$0x10230];
	_ =	swait.ge [sflag:s11], $0x8000  }
0x37: {  	[sflag:s11] =	ssyncset.done $0x0  }
0x38: {  	[sflag:s11] =	ssyncadd.s32 $0xFFFF8000  }
0x39: {  	v36 =	vld.idx.msk [tilespmem:v36+s2+$0x0], $0xffff  }
0x3a: {  	s1 =	simm.s32 $0x0;
	v37 =	vadd.s32 s30, v35  }
0x3b: {  	s1 =	smul.u32 $0x5000, s1;
	_ =	sdelay $0x1  }
0x3c: {  	s16 =	sshra.s32 s1, $0x2  }
0x3d: {  	[tilespmem:s16+$0x10280] =	vst v36  }
0x3e: {  	v36 =	vld.idx.msk [tilespmem:v37+s2+$0x0], $0xffff  }
0x3f: {  	v49 =	vadd.s32 s30, v33;
	_ =	sdelay $0x3  }
0x40: {  	[tilespmem:s16+$0x10290] =	vst v36  }
0x41: {  	v36 =	vld.idx.msk [tilespmem:v49+s2+$0x0], $0xffff  }
0x42: {  	v50 =	vadd.s32 s30, v32;
	_ =	sdelay $0x3  }
0x43: {  	[tilespmem:s16+$0x102A0] =	vst v36  }
0x44: {  	v36 =	vld.idx.msk [tilespmem:v50+s2+$0x0], $0xffff  }
0x45: {  	v51 =	vadd.s32 s30, v31;
	_ =	sdelay $0x3  }
0x46: {  	[tilespmem:s16+$0x102B0] =	vst v36  }
0x47: {  	v36 =	vld.idx.msk [tilespmem:v51+s2+$0x0], $0xffff  }
0x48: {  	v52 =	vadd.s32 s30, v30;
	_ =	sdelay $0x3  }
0x49: {  	[tilespmem:s16+$0x102C0] =	vst v36  }
0x4a: {  	v36 =	vld.idx.msk [tilespmem:v52+s2+$0x0], $0xffff  }
0x4b: {  	v53 =	vadd.s32 s30, v29;
	_ =	sdelay $0x3  }
0x4c: {  	[tilespmem:s16+$0x102D0] =	vst v36  }
0x4d: {  	v36 =	vld.idx.msk [tilespmem:v53+s2+$0x0], $0xffff  }
0x4e: {  	v54 =	vadd.s32 s30, v28;
	_ =	sdelay $0x3  }
0x4f: {  	[tilespmem:s16+$0x102E0] =	vst v36  }
0x50: {  	v36 =	vld.idx.msk [tilespmem:v54+s2+$0x0], $0xffff  }
0x51: {  	v55 =	vadd.s32 s30, v27;
	_ =	sdelay $0x3  }
0x52: {  	[tilespmem:s16+$0x102F0] =	vst v36  }
0x53: {  	v36 =	vld.idx.msk [tilespmem:v55+s2+$0x0], $0xffff  }
0x54: {  	v56 =	vadd.s32 s30, v26;
	_ =	sdelay $0x3  }
0x55: {  	[tilespmem:s16+$0x10680] =	vst v36  }
0x56: {  	v36 =	vld.idx.msk [tilespmem:v56+s2+$0x0], $0xffff  }
0x57: {  	v57 =	vadd.s32 s30, v25;
	_ =	sdelay $0x3  }
0x58: {  	[tilespmem:s16+$0x10690] =	vst v36  }
0x59: {  	v36 =	vld.idx.msk [tilespmem:v57+s2+$0x0], $0xffff  }
0x5a: {  	v58 =	vadd.s32 s30, v24;
	_ =	sdelay $0x3  }
0x5b: {  	[tilespmem:s16+$0x106A0] =	vst v36  }
0x5c: {  	v36 =	vld.idx.msk [tilespmem:v58+s2+$0x0], $0xffff  }
0x5d: {  	v59 =	vadd.s32 s30, v23;
	_ =	sdelay $0x3  }
0x5e: {  	[tilespmem:s16+$0x106B0] =	vst v36  }
0x5f: {  	v36 =	vld.idx.msk [tilespmem:v59+s2+$0x0], $0xffff  }
0x60: {  	v60 =	vadd.s32 s30, v22;
	_ =	sdelay $0x3  }
0x61: {  	[tilespmem:s16+$0x106C0] =	vst v36  }
0x62: {  	v36 =	vld.idx.msk [tilespmem:v60+s2+$0x0], $0xffff  }
0x63: {  	v61 =	vadd.s32 s30, v21;
	_ =	sdelay $0x3  }
0x64: {  	[tilespmem:s16+$0x106D0] =	vst v36  }
0x65: {  	v36 =	vld.idx.msk [tilespmem:v61+s2+$0x0], $0xffff  }
0x66: {  	v62 =	vadd.s32 s30, v20;
	_ =	sdelay $0x3  }
0x67: {  	[tilespmem:s16+$0x106E0] =	vst v36  }
0x68: {  	v36 =	vld.idx.msk [tilespmem:v62+s2+$0x0], $0xffff  }
0x69: {  	v63 =	vadd.s32 s30, v19;
	_ =	sdelay $0x3  }
0x6a: {  	[tilespmem:s16+$0x106F0] =	vst v36  }
0x6b: {  	v36 =	vld.idx.msk [tilespmem:v63+s2+$0x0], $0xffff  }
0x6c: {  	v40 =	vadd.s32 s30, v18;
	_ =	sdelay $0x3  }
0x6d: {  	[tilespmem:s16+$0x10A80] =	vst v36  }
0x6e: {  	v36 =	vld.idx.msk [tilespmem:v40+s2+$0x0], $0xffff  }
0x6f: {  	v41 =	vadd.s32 s30, v17;
	_ =	sdelay $0x3  }
0x70: {  	[tilespmem:s16+$0x10A90] =	vst v36  }
0x71: {  	v36 =	vld.idx.msk [tilespmem:v41+s2+$0x0], $0xffff  }
0x72: {  	v42 =	vadd.s32 s30, v16;
	_ =	sdelay $0x3  }
0x73: {  	[tilespmem:s16+$0x10AA0] =	vst v36  }
0x74: {  	v36 =	vld.idx.msk [tilespmem:v42+s2+$0x0], $0xffff  }
0x75: {  	v43 =	vadd.s32 s30, v15;
	_ =	sdelay $0x3  }
0x76: {  	[tilespmem:s16+$0x10AB0] =	vst v36  }
0x77: {  	v36 =	vld.idx.msk [tilespmem:v43+s2+$0x0], $0xffff  }
0x78: {  	v44 =	vadd.s32 s30, v14;
	_ =	sdelay $0x3  }
0x79: {  	[tilespmem:s16+$0x10AC0] =	vst v36  }
0x7a: {  	v36 =	vld.idx.msk [tilespmem:v44+s2+$0x0], $0xffff  }
0x7b: {  	v45 =	vadd.s32 s30, v13;
	_ =	sdelay $0x3  }
0x7c: {  	[tilespmem:s16+$0x10AD0] =	vst v36  }
0x7d: {  	v36 =	vld.idx.msk [tilespmem:v45+s2+$0x0], $0xffff  }
0x7e: {  	v46 =	vadd.s32 s30, v12;
	_ =	sdelay $0x3  }
0x7f: {  	[tilespmem:s16+$0x10AE0] =	vst v36  }
0x80: {  	v36 =	vld.idx.msk [tilespmem:v46+s2+$0x0], $0xffff  }
0x81: {  	v47 =	vadd.s32 s30, v11;
	_ =	sdelay $0x3  }
0x82: {  	[tilespmem:s16+$0x10AF0] =	vst v36  }
0x83: {  	v36 =	vld.idx.msk [tilespmem:v47+s2+$0x0], $0xffff  }
0x84: {  	v48 =	vadd.s32 s30, v10;
	_ =	sdelay $0x3  }
0x85: {  	[tilespmem:s16+$0x10E80] =	vst v36  }
0x86: {  	v36 =	vld.idx.msk [tilespmem:v48+s2+$0x0], $0xffff  }
0x87: {  	v49 =	vadd.s32 s30, v9;
	_ =	sdelay $0x3  }
0x88: {  	[tilespmem:s16+$0x10E90] =	vst v36  }
0x89: {  	v36 =	vld.idx.msk [tilespmem:v49+s2+$0x0], $0xffff  }
0x8a: {  	v50 =	vadd.s32 s30, v8;
	_ =	sdelay $0x3  }
0x8b: {  	[tilespmem:s16+$0x10EA0] =	vst v36  }
0x8c: {  	v36 =	vld.idx.msk [tilespmem:v50+s2+$0x0], $0xffff  }
0x8d: {  	v51 =	vadd.s32 s30, v7;
	_ =	sdelay $0x3  }
0x8e: {  	[tilespmem:s16+$0x10EB0] =	vst v36  }
0x8f: {  	v36 =	vld.idx.msk [tilespmem:v51+s2+$0x0], $0xffff  }
0x90: {  	v52 =	vadd.s32 s30, v6;
	_ =	sdelay $0x3  }
0x91: {  	[tilespmem:s16+$0x10EC0] =	vst v36  }
0x92: {  	v36 =	vld.idx.msk [tilespmem:v52+s2+$0x0], $0xffff  }
0x93: {  	v53 =	vadd.s32 s30, v5  }
0x94: {  	s31 =	sor.u32 $0x1000, s30  }
0x95: {  	s24 =	sor.u32 $0x1400, s30;
	v38 =	vadd.s32 s31, v34  }
0x96: {  	v40 =	vadd.s32 s24, v34  }
0x97: {  	[tilespmem:s16+$0x10ED0] =	vst v36  }
0x98: {  	v36 =	vld.idx.msk [tilespmem:v53+s2+$0x0], $0xffff  }
0x99: {  	s19 =	sor.u32 $0x1800, s30;
	v54 =	vadd.s32 s30, v4  }
0x9a: {  	s18 =	sor.u32 $0xC00, s30;
	v39 =	vadd.s32 s19, v34;
	v38 =	vld.idx.msk [tilespmem:v38+s2+$0x0], $0xffff  }
0x9b: {  	v59 =	vadd.s32 s18, v34;
	v57 =	vld.idx.msk [tilespmem:v40+s2+$0x0], $0xffff  }
0x9c: {  	v45 =	vadd.s32 s24, v35  }
0x9d: {  	s17 =	sor.u32 $0x1C00, s30;
	v42 =	vadd.s32 s31, v35;
	[tilespmem:s16+$0x10EE0] =	vst v36  }
0x9e: {  	s25 =	sor.u32 $0x400, s30;
	v56 =	vadd.s32 s17, v34;
	v36 =	vld.idx.msk [tilespmem:v54+s2+$0x0], $0xffff  }
0x9f: {  	v39 =	vld.idx.msk [tilespmem:v39+s2+$0x0], $0xffff;
	[tilespmem:s16+$0x10480] =	vst v38;
	v43 =	vadd.s32 s25, v34  }
0xa0: {  	v55 =	vadd.s32 s30, v3;
	v38 =	vld.idx.msk [tilespmem:v59+s2+$0x0], $0xffff;
	[tilespmem:s16+$0x10500] =	vst v57  }
0xa1: {  	v44 =	vadd.s32 s19, v35;
	v62 =	vld.idx.msk [tilespmem:v45+s2+$0x0], $0xffff  }
0xa2: {  	v42 =	vld.idx.msk [tilespmem:v42+s2+$0x0], $0xffff;
	v47 =	vadd.s32 s24, v33  }
0xa3: {  	v49 =	vadd.s32 s18, v35;
	[tilespmem:s16+$0x10EF0] =	vst v36;
	v36 =	vld.idx.msk [tilespmem:v56+s2+$0x0], $0xffff  }
0xa4: {  	[tilespmem:s16+$0x10580] =	vst v39;
	v58 =	vadd.s32 s17, v35;
	v43 =	vld.idx.msk [tilespmem:v43+s2+$0x0], $0xffff  }
0xa5: {  	[tilespmem:s16+$0x10400] =	vst v38;
	v46 =	vadd.s32 s31, v33;
	v37 =	vld.idx.msk [tilespmem:v55+s2+$0x0], $0xffff  }
0xa6: {  	v41 =	vadd.s32 s30, v2;
	v44 =	vld.idx.msk [tilespmem:v44+s2+$0x0], $0xffff;
	[tilespmem:s16+$0x10510] =	vst v62  }
0xa7: {  	v61 =	vadd.s32 s19, v33;
	[tilespmem:s16+$0x10490] =	vst v42;
	v53 =	vld.idx.msk [tilespmem:v47+s2+$0x0], $0xffff  }
0xa8: {  	v42 =	vld.idx.msk [tilespmem:v49+s2+$0x0], $0xffff;
	v55 =	vadd.s32 s24, v32;
	[tilespmem:s16+$0x10600] =	vst v36  }
0xa9: {  	[tilespmem:s16+$0x10300] =	vst v43;
	v56 =	vadd.s32 s18, v33;
	v36 =	vld.idx.msk [tilespmem:v58+s2+$0x0], $0xffff  }
0xaa: {  	v63 =	vadd.s32 s17, v33;
	v48 =	vld.idx.msk [tilespmem:v46+s2+$0x0], $0xffff;
	[tilespmem:s16+$0x11280] =	vst v37  }
0xab: {  	[tilespmem:s16+$0x10590] =	vst v44;
	v50 =	vadd.s32 s31, v32;
	v41 =	vld.idx.msk [tilespmem:v41+s2+$0x0], $0xffff  }
0xac: {  	v51 =	vadd.s32 s25, v35;
	[tilespmem:s16+$0x10520] =	vst v53;
	v37 =	vld.idx.msk [tilespmem:v61+s2+$0x0], $0xffff  }
0xad: {  	[tilespmem:s16+$0x10410] =	vst v42;
	v52 =	vadd.s32 s19, v32;
	v45 =	vld.idx.msk [tilespmem:v55+s2+$0x0], $0xffff  }
0xae: {  	v43 =	vld.idx.msk [tilespmem:v56+s2+$0x0], $0xffff;
	v61 =	vadd.s32 s24, v31;
	[tilespmem:s16+$0x10610] =	vst v36  }
0xaf: {  	v60 =	vadd.s32 s30, v1;
	[tilespmem:s16+$0x104A0] =	vst v48;
	v36 =	vld.idx.msk [tilespmem:v63+s2+$0x0], $0xffff  }
0xb0: {  	[tilespmem:s16+$0x11290] =	vst v41;
	v41 =	vld.idx.msk [tilespmem:v50+s2+$0x0], $0xffff;
	v63 =	vadd.s32 s18, v32  }
0xb1: {  	v44 =	vld.idx.msk [tilespmem:v51+s2+$0x0], $0xffff;
	v54 =	vadd.s32 s17, v32;
	[tilespmem:s16+$0x105A0] =	vst v37  }
0xb2: {  	v57 =	vadd.s32 s31, v31;
	[tilespmem:s16+$0x10530] =	vst v45;
	v40 =	vld.idx.msk [tilespmem:v52+s2+$0x0], $0xffff  }
0xb3: {  	v49 =	vadd.s32 s25, v33;
	[tilespmem:s16+$0x10420] =	vst v43;
	v45 =	vld.idx.msk [tilespmem:v61+s2+$0x0], $0xffff  }
0xb4: {  	v59 =	vadd.s32 s19, v31;
	v39 =	vld.idx.msk [tilespmem:v60+s2+$0x0], $0xffff;
	[tilespmem:s16+$0x10620] =	vst v36  }
0xb5: {  	v52 =	vadd.s32 s24, v30;
	[tilespmem:s16+$0x104B0] =	vst v41;
	v41 =	vld.idx.msk [tilespmem:v63+s2+$0x0], $0xffff  }
0xb6: {  	v58 =	vadd.s32 s30, v0;
	v36 =	vld.idx.msk [tilespmem:v54+s2+$0x0], $0xffff  }
0xb7: {  	[tilespmem:s16+$0x10310] =	vst v44;
	v60 =	vadd.s32 s17, v31;
	v62 =	vld.idx.msk [tilespmem:v57+s2+$0x0], $0xffff  }
0xb8: {  	v48 =	vadd.s32 s31, v30;
	[tilespmem:s16+$0x105B0] =	vst v40;
	v40 =	vld.idx.msk [tilespmem:v49+s2+$0x0], $0xffff  }
0xb9: {  	v53 =	vadd.s32 s18, v31;
	[tilespmem:s16+$0x10540] =	vst v45;
	v38 =	vld.idx.msk [tilespmem:v59+s2+$0x0], $0xffff  }
0xba: {  	s0 =	sor.u32 $0x800, s30;
	v50 =	vadd.s32 s19, v30;
	[tilespmem:s16+$0x112A0] =	vst v39;
	v45 =	vld.idx.msk [tilespmem:v52+s2+$0x0], $0xffff  }
0xbb: {  	v55 =	vadd.s32 s0, v34;
	v37 =	vld.idx.msk [tilespmem:v58+s2+$0x0], $0xffff;
	[tilespmem:s16+$0x10630] =	vst v36  }
0xbc: {  	v58 =	vadd.s32 s24, v29;
	[tilespmem:s16+$0x104C0] =	vst v62;
	v36 =	vld.idx.msk [tilespmem:v60+s2+$0x0], $0xffff  }
0xbd: {  	v51 =	vadd.s32 s17, v30;
	[tilespmem:s16+$0x10430] =	vst v41;
	v39 =	vld.idx.msk [tilespmem:v48+s2+$0x0], $0xffff  }
0xbe: {  	v54 =	vadd.s32 s31, v29;
	[tilespmem:s16+$0x105C0] =	vst v38;
	v44 =	vld.idx.msk [tilespmem:v53+s2+$0x0], $0xffff  }
0xbf: {  	[tilespmem:s16+$0x10320] =	vst v40;
	v42 =	vld.idx.msk [tilespmem:v50+s2+$0x0], $0xffff;
	v60 =	vadd.s32 s18, v30  }
0xc0: {  	v56 =	vadd.s32 s19, v29;
	v38 =	vld.idx.msk [tilespmem:v55+s2+$0x0], $0xffff;
	[tilespmem:s16+$0x10550] =	vst v45  }
0xc1: {  	v62 =	vadd.s32 s25, v32;
	v45 =	vld.idx.msk [tilespmem:v58+s2+$0x0], $0xffff;
	[tilespmem:s16+$0x10640] =	vst v36  }
0xc2: {  	s23 =	simm.s32 $0x2000;
	v49 =	vadd.s32 s0, v35;
	[tilespmem:s16+$0x104D0] =	vst v39;
	v36 =	vld.idx.msk [tilespmem:v51+s2+$0x0], $0xffff  }
0xc3: {  	v52 =	vadd.s32 s23, v34;
	[tilespmem:s16+$0x10440] =	vst v44;
	v59 =	vld.idx.msk [tilespmem:v54+s2+$0x0], $0xffff  }
0xc4: {  	v57 =	vadd.s32 s17, v29;
	[tilespmem:s16+$0x105D0] =	vst v42;
	v39 =	vld.idx.msk [tilespmem:v60+s2+$0x0], $0xffff  }
0xc5: {  	v61 =	vadd.s32 s31, v28;
	[tilespmem:s16+$0x112B0] =	vst v37;
	v43 =	vld.idx.msk [tilespmem:v56+s2+$0x0], $0xffff  }
0xc6: {  	v63 =	vadd.s32 s19, v28;
	[tilespmem:s16+$0x10380] =	vst v38;
	v42 =	vld.idx.msk [tilespmem:v62+s2+$0x0], $0xffff  }
0xc7: {  	v50 =	vadd.s32 s18, v29;
	v37 =	vld.idx.msk [tilespmem:v49+s2+$0x0], $0xffff;
	[tilespmem:s16+$0x10650] =	vst v36  }
0xc8: {  	v60 =	vadd.s32 s0, v33;
	[tilespmem:s16+$0x104E0] =	vst v59;
	v59 =	vld.idx.msk [tilespmem:v52+s2+$0x0], $0xffff  }
0xc9: {  	s15 =	simm.s32 $0x1;
	v54 =	vadd.s32 s25, v31;
	[tilespmem:s16+$0x10450] =	vst v39;
	v36 =	vld.idx.msk [tilespmem:v57+s2+$0x0], $0xffff  }
0xca: {  	s15 =	smul.u32 $0x5000, s15;
	v48 =	vadd.s32 s17, v28;
	[tilespmem:s16+$0x105E0] =	vst v43;
	v51 =	vld.idx.msk [tilespmem:v61+s2+$0x0], $0xffff  }
0xcb: {  	v62 =	vadd.s32 s23, v35;
	[tilespmem:s16+$0x10330] =	vst v42;
	v41 =	vld.idx.msk [tilespmem:v63+s2+$0x0], $0xffff  }
0xcc: {  	s15 =	sshra.s32 s15, $0x2;
	v53 =	vadd.s32 s31, v27;
	[tilespmem:s16+$0x10390] =	vst v37;
	v57 =	vld.idx.msk [tilespmem:v50+s2+$0x0], $0xffff  }
0xcd: {  	v56 =	vadd.s32 s19, v27;
	v50 =	vld.idx.msk [tilespmem:v60+s2+$0x0], $0xffff;
	[tilespmem:s15+$0x10280] =	vst v59  }
0xce: {  	v61 =	vadd.s32 s18, v28;
	[tilespmem:s16+$0x10660] =	vst v36;
	v36 =	vld.idx.msk [tilespmem:v54+s2+$0x0], $0xffff  }
0xcf: {  	[tilespmem:s16+$0x104F0] =	vst v51;
	v55 =	vld.idx.msk [tilespmem:v48+s2+$0x0], $0xffff;
	v48 =	vadd.s32 s25, v30  }
0xd0: {  	v58 =	vadd.s32 s17, v27;
	[tilespmem:s16+$0x105F0] =	vst v41;
	v54 =	vld.idx.msk [tilespmem:v62+s2+$0x0], $0xffff  }
0xd1: {  	[tilespmem:s16+$0x10460] =	vst v57;
	v57 =	vadd.s32 s23, v33;
	v43 =	vld.idx.msk [tilespmem:v53+s2+$0x0], $0xffff  }
0xd2: {  	[tilespmem:s16+$0x10560] =	vst v45;
	v63 =	vadd.s32 s31, v26;
	v39 =	vld.idx.msk [tilespmem:v56+s2+$0x0], $0xffff  }
0xd3: {  	v51 =	vadd.s32 s19, v26;
	v52 =	vld.idx.msk [tilespmem:v61+s2+$0x0], $0xffff;
	[tilespmem:s16+$0x10340] =	vst v36  }
0xd4: {  	v56 =	vadd.s32 s18, v27;
	[tilespmem:s16+$0x10670] =	vst v55;
	v38 =	vld.idx.msk [tilespmem:v48+s2+$0x0], $0xffff  }
0xd5: {  	[tilespmem:s15+$0x10290] =	vst v54;
	v55 =	vadd.s32 s0, v32;
	v49 =	vld.idx.msk [tilespmem:v58+s2+$0x0], $0xffff  }
0xd6: {  	v53 =	vadd.s32 s17, v26;
	[tilespmem:s16+$0x10880] =	vst v43;
	v43 =	vld.idx.msk [tilespmem:v57+s2+$0x0], $0xffff  }
0xd7: {  	v59 =	vadd.s32 s25, v29;
	[tilespmem:s16+$0x10980] =	vst v39;
	v41 =	vld.idx.msk [tilespmem:v63+s2+$0x0], $0xffff  }
0xd8: {  	[tilespmem:s16+$0x10470] =	vst v52;
	v48 =	vadd.s32 s23, v32;
	v44 =	vld.idx.msk [tilespmem:v51+s2+$0x0], $0xffff  }
0xd9: {  	[tilespmem:s16+$0x103A0] =	vst v50;
	v58 =	vadd.s32 s31, v25;
	v36 =	vld.idx.msk [tilespmem:v56+s2+$0x0], $0xffff  }
0xda: {  	v60 =	vadd.s32 s19, v25;
	v45 =	vld.idx.msk [tilespmem:v55+s2+$0x0], $0xffff;
	[tilespmem:s16+$0x10A00] =	vst v49  }
0xdb: {  	v63 =	vadd.s32 s18, v26;
	[tilespmem:s16+$0x10350] =	vst v38;
	v42 =	vld.idx.msk [tilespmem:v53+s2+$0x0], $0xffff  }
0xdc: {  	v61 =	vadd.s32 s17, v25;
	[tilespmem:s15+$0x102A0] =	vst v43;
	v37 =	vld.idx.msk [tilespmem:v59+s2+$0x0], $0xffff  }
0xdd: {  	v62 =	vadd.s32 s0, v31;
	[tilespmem:s16+$0x10890] =	vst v41;
	v41 =	vld.idx.msk [tilespmem:v48+s2+$0x0], $0xffff  }
0xde: {  	v50 =	vadd.s32 s25, v28;
	[tilespmem:s16+$0x10990] =	vst v44;
	v39 =	vld.idx.msk [tilespmem:v58+s2+$0x0], $0xffff  }
0xdf: {  	v57 =	vadd.s32 s23, v31;
	[tilespmem:s16+$0x10800] =	vst v36;
	v40 =	vld.idx.msk [tilespmem:v60+s2+$0x0], $0xffff  }
0xe0: {  	v49 =	vadd.s32 s31, v24;
	v38 =	vld.idx.msk [tilespmem:v63+s2+$0x0], $0xffff;
	[tilespmem:s16+$0x10A10] =	vst v42  }
0xe1: {  	v53 =	vadd.s32 s19, v24;
	[tilespmem:s16+$0x103B0] =	vst v45;
	v51 =	vld.idx.msk [tilespmem:v61+s2+$0x0], $0xffff  }
0xe2: {  	v54 =	vadd.s32 s17, v24;
	v52 =	vld.idx.msk [tilespmem:v62+s2+$0x0], $0xffff;
	[tilespmem:s16+$0x10360] =	vst v37  }
0xe3: {  	v55 =	vadd.s32 s0, v30;
	[tilespmem:s15+$0x102B0] =	vst v41;
	v42 =	vld.idx.msk [tilespmem:v50+s2+$0x0], $0xffff  }
0xe4: {  	v56 =	vadd.s32 s18, v25;
	[tilespmem:s16+$0x108A0] =	vst v39;
	v44 =	vld.idx.msk [tilespmem:v57+s2+$0x0], $0xffff  }
0xe5: {  	v59 =	vadd.s32 s25, v27;
	[tilespmem:s16+$0x109A0] =	vst v40;
	v39 =	vld.idx.msk [tilespmem:v49+s2+$0x0], $0xffff  }
0xe6: {  	v58 =	vadd.s32 s31, v23;
	v36 =	vld.idx.msk [tilespmem:v53+s2+$0x0], $0xffff;
	[tilespmem:s16+$0x10A20] =	vst v51  }
0xe7: {  	v60 =	vadd.s32 s19, v23;
	[tilespmem:s16+$0x103C0] =	vst v52;
	v43 =	vld.idx.msk [tilespmem:v54+s2+$0x0], $0xffff  }
0xe8: {  	[tilespmem:s16+$0x10810] =	vst v38;
	v61 =	vadd.s32 s17, v23;
	v46 =	vld.idx.msk [tilespmem:v55+s2+$0x0], $0xffff  }
0xe9: {  	v62 =	vadd.s32 s0, v29;
	v37 =	vld.idx.msk [tilespmem:v56+s2+$0x0], $0xffff;
	[tilespmem:s16+$0x10370] =	vst v42  }
0xea: {  	v63 =	vadd.s32 s18, v24;
	[tilespmem:s16+$0x108B0] =	vst v39;
	v42 =	vld.idx.msk [tilespmem:v59+s2+$0x0], $0xffff  }
0xeb: {  	v48 =	vadd.s32 s23, v30;
	[tilespmem:s16+$0x109B0] =	vst v36;
	v39 =	vld.idx.msk [tilespmem:v58+s2+$0x0], $0xffff  }
0xec: {  	v49 =	vadd.s32 s31, v22;
	v38 =	vld.idx.msk [tilespmem:v60+s2+$0x0], $0xffff;
	[tilespmem:s16+$0x10A30] =	vst v43  }
0xed: {  	v50 =	vadd.s32 s25, v26;
	[tilespmem:s16+$0x103D0] =	vst v46;
	v41 =	vld.idx.msk [tilespmem:v61+s2+$0x0], $0xffff  }
0xee: {  	v51 =	vadd.s32 s19, v22;
	v46 =	vld.idx.msk [tilespmem:v62+s2+$0x0], $0xffff;
	[tilespmem:s16+$0x10820] =	vst v37  }
0xef: {  	v52 =	vadd.s32 s17, v22;
	[tilespmem:s15+$0x102C0] =	vst v44;
	v40 =	vld.idx.msk [tilespmem:v63+s2+$0x0], $0xffff  }
0xf0: {  	v53 =	vadd.s32 s0, v28;
	[tilespmem:s16+$0x108C0] =	vst v39;
	v36 =	vld.idx.msk [tilespmem:v48+s2+$0x0], $0xffff  }
0xf1: {  	v54 =	vadd.s32 s18, v23;
	[tilespmem:s16+$0x10700] =	vst v42;
	v55 =	vld.idx.msk [tilespmem:v49+s2+$0x0], $0xffff  }
0xf2: {  	v56 =	vadd.s32 s23, v29;
	[tilespmem:s16+$0x109C0] =	vst v38;
	v45 =	vld.idx.msk [tilespmem:v50+s2+$0x0], $0xffff  }
0xf3: {  	v57 =	vadd.s32 s31, v21;
	v37 =	vld.idx.msk [tilespmem:v51+s2+$0x0], $0xffff;
	[tilespmem:s16+$0x10A40] =	vst v41  }
0xf4: {  	v58 =	vadd.s32 s25, v25;
	[tilespmem:s16+$0x103E0] =	vst v46;
	v44 =	vld.idx.msk [tilespmem:v52+s2+$0x0], $0xffff  }
0xf5: {  	v59 =	vadd.s32 s19, v21;
	v46 =	vld.idx.msk [tilespmem:v53+s2+$0x0], $0xffff;
	[tilespmem:s16+$0x10830] =	vst v40  }
0xf6: {  	v61 =	vadd.s32 s17, v21;
	[tilespmem:s15+$0x102D0] =	vst v36;
	v60 =	vld.idx.msk [tilespmem:v54+s2+$0x0], $0xffff  }
0xf7: {  	v62 =	vadd.s32 s0, v27;
	[tilespmem:s16+$0x108D0] =	vst v55;
	v43 =	vld.idx.msk [tilespmem:v56+s2+$0x0], $0xffff  }
0xf8: {  	v63 =	vadd.s32 s18, v22;
	[tilespmem:s16+$0x10710] =	vst v45;
	v38 =	vld.idx.msk [tilespmem:v57+s2+$0x0], $0xffff  }
0xf9: {  	v48 =	vadd.s32 s23, v28;
	[tilespmem:s16+$0x109D0] =	vst v37;
	v41 =	vld.idx.msk [tilespmem:v58+s2+$0x0], $0xffff  }
0xfa: {  	v49 =	vadd.s32 s31, v20;
	v40 =	vld.idx.msk [tilespmem:v59+s2+$0x0], $0xffff;
	[tilespmem:s16+$0x10A50] =	vst v44  }
0xfb: {  	v50 =	vadd.s32 s25, v24;
	[tilespmem:s16+$0x103F0] =	vst v46;
	v39 =	vld.idx.msk [tilespmem:v61+s2+$0x0], $0xffff  }
0xfc: {  	v51 =	vadd.s32 s19, v20;
	v46 =	vld.idx.msk [tilespmem:v62+s2+$0x0], $0xffff;
	[tilespmem:s16+$0x10840] =	vst v60  }
0xfd: {  	v52 =	vadd.s32 s17, v20;
	[tilespmem:s15+$0x102E0] =	vst v43;
	v42 =	vld.idx.msk [tilespmem:v63+s2+$0x0], $0xffff  }
0xfe: {  	v53 =	vadd.s32 s0, v26;
	[tilespmem:s16+$0x108E0] =	vst v38;
	v45 =	vld.idx.msk [tilespmem:v48+s2+$0x0], $0xffff  }
0xff: {  	v54 =	vadd.s32 s18, v21;
	[tilespmem:s16+$0x10720] =	vst v41;
	v37 =	vld.idx.msk [tilespmem:v49+s2+$0x0], $0xffff  }
0x100: {  	v55 =	vadd.s32 s23, v27;
	[tilespmem:s16+$0x109E0] =	vst v40;
	v44 =	vld.idx.msk [tilespmem:v50+s2+$0x0], $0xffff  }
0x101: {  	v56 =	vadd.s32 s31, v19;
	v36 =	vld.idx.msk [tilespmem:v51+s2+$0x0], $0xffff;
	[tilespmem:s16+$0x10A60] =	vst v39  }
0x102: {  	v57 =	vadd.s32 s25, v23;
	[tilespmem:s16+$0x10780] =	vst v46;
	v43 =	vld.idx.msk [tilespmem:v52+s2+$0x0], $0xffff  }
0x103: {  	v58 =	vadd.s32 s19, v19;
	v46 =	vld.idx.msk [tilespmem:v53+s2+$0x0], $0xffff;
	[tilespmem:s16+$0x10850] =	vst v42  }
0x104: {  	v59 =	vadd.s32 s17, v19;
	[tilespmem:s15+$0x102F0] =	vst v45;
	v38 =	vld.idx.msk [tilespmem:v54+s2+$0x0], $0xffff  }
0x105: {  	v60 =	vadd.s32 s0, v25;
	[tilespmem:s16+$0x108F0] =	vst v37;
	v41 =	vld.idx.msk [tilespmem:v55+s2+$0x0], $0xffff  }
0x106: {  	v61 =	vadd.s32 s18, v20;
	[tilespmem:s16+$0x10730] =	vst v44;
	v40 =	vld.idx.msk [tilespmem:v56+s2+$0x0], $0xffff  }
0x107: {  	v62 =	vadd.s32 s23, v26;
	[tilespmem:s16+$0x109F0] =	vst v36;
	v39 =	vld.idx.msk [tilespmem:v57+s2+$0x0], $0xffff  }
0x108: {  	v63 =	vadd.s32 s31, v18;
	v42 =	vld.idx.msk [tilespmem:v58+s2+$0x0], $0xffff;
	[tilespmem:s16+$0x10A70] =	vst v43  }
0x109: {  	v48 =	vadd.s32 s25, v22;
	[tilespmem:s16+$0x10790] =	vst v46;
	v45 =	vld.idx.msk [tilespmem:v59+s2+$0x0], $0xffff  }
0x10a: {  	v49 =	vadd.s32 s19, v18;
	v46 =	vld.idx.msk [tilespmem:v60+s2+$0x0], $0xffff;
	[tilespmem:s16+$0x10860] =	vst v38  }
0x10b: {  	v50 =	vadd.s32 s17, v18;
	[tilespmem:s15+$0x10680] =	vst v41;
	v37 =	vld.idx.msk [tilespmem:v61+s2+$0x0], $0xffff  }
0x10c: {  	v51 =	vadd.s32 s0, v24;
	[tilespmem:s16+$0x10C80] =	vst v40;
	v44 =	vld.idx.msk [tilespmem:v62+s2+$0x0], $0xffff  }
0x10d: {  	v52 =	vadd.s32 s18, v19;
	[tilespmem:s16+$0x10740] =	vst v39;
	v36 =	vld.idx.msk [tilespmem:v63+s2+$0x0], $0xffff  }
0x10e: {  	v53 =	vadd.s32 s23, v25;
	[tilespmem:s16+$0x10D80] =	vst v42;
	v43 =	vld.idx.msk [tilespmem:v48+s2+$0x0], $0xffff  }
0x10f: {  	v54 =	vadd.s32 s31, v17;
	v38 =	vld.idx.msk [tilespmem:v49+s2+$0x0], $0xffff;
	[tilespmem:s16+$0x10E00] =	vst v45  }
0x110: {  	v55 =	vadd.s32 s25, v21;
	[tilespmem:s16+$0x107A0] =	vst v46;
	v41 =	vld.idx.msk [tilespmem:v50+s2+$0x0], $0xffff  }
0x111: {  	v56 =	vadd.s32 s19, v17;
	v46 =	vld.idx.msk [tilespmem:v51+s2+$0x0], $0xffff;
	[tilespmem:s16+$0x10870] =	vst v37  }
0x112: {  	v57 =	vadd.s32 s17, v17;
	[tilespmem:s15+$0x10690] =	vst v44;
	v39 =	vld.idx.msk [tilespmem:v52+s2+$0x0], $0xffff  }
0x113: {  	v58 =	vadd.s32 s0, v23;
	[tilespmem:s16+$0x10C90] =	vst v36;
	v40 =	vld.idx.msk [tilespmem:v53+s2+$0x0], $0xffff  }
0x114: {  	v59 =	vadd.s32 s18, v18;
	[tilespmem:s16+$0x10750] =	vst v43;
	v42 =	vld.idx.msk [tilespmem:v54+s2+$0x0], $0xffff  }
0x115: {  	v60 =	vadd.s32 s23, v24;
	[tilespmem:s16+$0x10D90] =	vst v38;
	v45 =	vld.idx.msk [tilespmem:v55+s2+$0x0], $0xffff  }
0x116: {  	v61 =	vadd.s32 s31, v16;
	v37 =	vld.idx.msk [tilespmem:v56+s2+$0x0], $0xffff;
	[tilespmem:s16+$0x10E10] =	vst v41  }
0x117: {  	v62 =	vadd.s32 s25, v20;
	[tilespmem:s16+$0x107B0] =	vst v46;
	v44 =	vld.idx.msk [tilespmem:v57+s2+$0x0], $0xffff  }
0x118: {  	v63 =	vadd.s32 s19, v16;
	v46 =	vld.idx.msk [tilespmem:v58+s2+$0x0], $0xffff;
	[tilespmem:s16+$0x10C00] =	vst v39  }
0x119: {  	v48 =	vadd.s32 s17, v16;
	[tilespmem:s15+$0x106A0] =	vst v40;
	v36 =	vld.idx.msk [tilespmem:v59+s2+$0x0], $0xffff  }
0x11a: {  	v49 =	vadd.s32 s0, v22;
	[tilespmem:s16+$0x10CA0] =	vst v42;
	v43 =	vld.idx.msk [tilespmem:v60+s2+$0x0], $0xffff  }
0x11b: {  	v50 =	vadd.s32 s18, v17;
	[tilespmem:s16+$0x10760] =	vst v45;
	v38 =	vld.idx.msk [tilespmem:v61+s2+$0x0], $0xffff  }
0x11c: {  	v51 =	vadd.s32 s23, v23;
	[tilespmem:s16+$0x10DA0] =	vst v37;
	v41 =	vld.idx.msk [tilespmem:v62+s2+$0x0], $0xffff  }
0x11d: {  	v52 =	vadd.s32 s31, v15;
	v39 =	vld.idx.msk [tilespmem:v63+s2+$0x0], $0xffff;
	[tilespmem:s16+$0x10E20] =	vst v44  }
0x11e: {  	v53 =	vadd.s32 s25, v19;
	[tilespmem:s16+$0x107C0] =	vst v46;
	v40 =	vld.idx.msk [tilespmem:v48+s2+$0x0], $0xffff  }
0x11f: {  	v54 =	vadd.s32 s19, v15;
	v46 =	vld.idx.msk [tilespmem:v49+s2+$0x0], $0xffff;
	[tilespmem:s16+$0x10C10] =	vst v36  }
0x120: {  	v55 =	vadd.s32 s17, v15;
	[tilespmem:s15+$0x106B0] =	vst v43;
	v42 =	vld.idx.msk [tilespmem:v50+s2+$0x0], $0xffff  }
0x121: {  	v56 =	vadd.s32 s0, v21;
	[tilespmem:s16+$0x10CB0] =	vst v38;
	v45 =	vld.idx.msk [tilespmem:v51+s2+$0x0], $0xffff  }
0x122: {  	v57 =	vadd.s32 s18, v16;
	[tilespmem:s16+$0x10770] =	vst v41;
	v37 =	vld.idx.msk [tilespmem:v52+s2+$0x0], $0xffff  }
0x123: {  	v58 =	vadd.s32 s23, v22;
	[tilespmem:s16+$0x10DB0] =	vst v39;
	v44 =	vld.idx.msk [tilespmem:v53+s2+$0x0], $0xffff  }
0x124: {  	v59 =	vadd.s32 s31, v14;
	v36 =	vld.idx.msk [tilespmem:v54+s2+$0x0], $0xffff;
	[tilespmem:s16+$0x10E30] =	vst v40  }
0x125: {  	v60 =	vadd.s32 s25, v18;
	[tilespmem:s16+$0x107D0] =	vst v46;
	v43 =	vld.idx.msk [tilespmem:v55+s2+$0x0], $0xffff  }
0x126: {  	v61 =	vadd.s32 s19, v14;
	v46 =	vld.idx.msk [tilespmem:v56+s2+$0x0], $0xffff;
	[tilespmem:s16+$0x10C20] =	vst v42  }
0x127: {  	v54 =	vadd.s32 s24, v28;
	[tilespmem:s15+$0x106C0] =	vst v45;
	v38 =	vld.idx.msk [tilespmem:v57+s2+$0x0], $0xffff  }
0x128: {  	v62 =	vadd.s32 s17, v14;
	[tilespmem:s16+$0x10CC0] =	vst v37;
	v41 =	vld.idx.msk [tilespmem:v58+s2+$0x0], $0xffff  }
0x129: {  	v63 =	vadd.s32 s0, v20;
	[tilespmem:s16+$0x10B00] =	vst v44;
	v39 =	vld.idx.msk [tilespmem:v59+s2+$0x0], $0xffff  }
0x12a: {  	v48 =	vadd.s32 s18, v15;
	[tilespmem:s16+$0x10DC0] =	vst v36;
	v40 =	vld.idx.msk [tilespmem:v60+s2+$0x0], $0xffff  }
0x12b: {  	v50 =	vadd.s32 s31, v13;
	v42 =	vld.idx.msk [tilespmem:v61+s2+$0x0], $0xffff;
	[tilespmem:s16+$0x10E40] =	vst v43  }
0x12c: {  	v49 =	vadd.s32 s23, v21;
	v59 =	vld.idx.msk [tilespmem:v54+s2+$0x0], $0xffff;
	[tilespmem:s16+$0x107E0] =	vst v46  }
0x12d: {  	v51 =	vadd.s32 s25, v17;
	v45 =	vld.idx.msk [tilespmem:v62+s2+$0x0], $0xffff;
	[tilespmem:s16+$0x10C30] =	vst v38  }
0x12e: {  	v52 =	vadd.s32 s19, v13;
	v46 =	vld.idx.msk [tilespmem:v63+s2+$0x0], $0xffff;
	[tilespmem:s15+$0x106D0] =	vst v41  }
0x12f: {  	v53 =	vadd.s32 s17, v13;
	[tilespmem:s16+$0x10CD0] =	vst v39;
	v37 =	vld.idx.msk [tilespmem:v48+s2+$0x0], $0xffff  }
0x130: {  	[tilespmem:s16+$0x10B10] =	vst v40;
	v63 =	vadd.s32 s24, v27;
	v36 =	vld.idx.msk [tilespmem:v50+s2+$0x0], $0xffff  }
0x131: {  	v55 =	vadd.s32 s18, v14;
	[tilespmem:s16+$0x10DD0] =	vst v42;
	v44 =	vld.idx.msk [tilespmem:v49+s2+$0x0], $0xffff  }
0x132: {  	v56 =	vadd.s32 s23, v20;
	[tilespmem:s16+$0x10570] =	vst v59;
	v43 =	vld.idx.msk [tilespmem:v51+s2+$0x0], $0xffff  }
0x133: {  	v57 =	vadd.s32 s31, v12;
	v38 =	vld.idx.msk [tilespmem:v52+s2+$0x0], $0xffff;
	[tilespmem:s16+$0x10E50] =	vst v45  }
0x134: {  	v58 =	vadd.s32 s25, v16;
	v41 =	vld.idx.msk [tilespmem:v53+s2+$0x0], $0xffff;
	[tilespmem:s16+$0x10C40] =	vst v37  }
0x135: {  	v60 =	vadd.s32 s19, v12;
	[tilespmem:s16+$0x10CE0] =	vst v36;
	v36 =	vld.idx.msk [tilespmem:v63+s2+$0x0], $0xffff  }
0x136: {  	v59 =	vadd.s32 s0, v19;
	[tilespmem:s15+$0x106E0] =	vst v44;
	v40 =	vld.idx.msk [tilespmem:v55+s2+$0x0], $0xffff  }
0x137: {  	v61 =	vadd.s32 s17, v12;
	[tilespmem:s16+$0x107F0] =	vst v46;
	v62 =	vld.idx.msk [tilespmem:v56+s2+$0x0], $0xffff  }
0x138: {  	v54 =	vadd.s32 s24, v26;
	[tilespmem:s16+$0x10B20] =	vst v43;
	v42 =	vld.idx.msk [tilespmem:v57+s2+$0x0], $0xffff  }
0x139: {  	v48 =	vadd.s32 s18, v13;
	[tilespmem:s16+$0x10DE0] =	vst v38;
	v45 =	vld.idx.msk [tilespmem:v58+s2+$0x0], $0xffff  }
0x13a: {  	v49 =	vadd.s32 s23, v19;
	v39 =	vld.idx.msk [tilespmem:v60+s2+$0x0], $0xffff;
	[tilespmem:s16+$0x10E60] =	vst v41  }
0x13b: {  	v50 =	vadd.s32 s31, v11;
	[tilespmem:s16+$0x10900] =	vst v36;
	v36 =	vld.idx.msk [tilespmem:v59+s2+$0x0], $0xffff  }
0x13c: {  	v51 =	vadd.s32 s25, v15;
	v52 =	vld.idx.msk [tilespmem:v61+s2+$0x0], $0xffff;
	[tilespmem:s16+$0x10C50] =	vst v40  }
0x13d: {  	[tilespmem:s15+$0x106F0] =	vst v62;
	v60 =	vld.idx.msk [tilespmem:v54+s2+$0x0], $0xffff  }
0x13e: {  	v53 =	vadd.s32 s19, v11;
	[tilespmem:s16+$0x10CF0] =	vst v42;
	v43 =	vld.idx.msk [tilespmem:v48+s2+$0x0], $0xffff  }
0x13f: {  	v55 =	vadd.s32 s17, v11;
	[tilespmem:s16+$0x10B30] =	vst v45;
	v47 =	vld.idx.msk [tilespmem:v49+s2+$0x0], $0xffff  }
0x140: {  	[tilespmem:s16+$0x10DF0] =	vst v39;
	v62 =	vadd.s32 s24, v25;
	v38 =	vld.idx.msk [tilespmem:v50+s2+$0x0], $0xffff  }
0x141: {  	v41 =	vld.idx.msk [tilespmem:v51+s2+$0x0], $0xffff;
	v51 =	vadd.s32 s0, v18;
	[tilespmem:s16+$0x10B80] =	vst v36  }
0x142: {  	v57 =	vadd.s32 s23, v18;
	[tilespmem:s16+$0x10E70] =	vst v52  }
0x143: {  	v58 =	vadd.s32 s31, v10;
	v40 =	vld.idx.msk [tilespmem:v53+s2+$0x0], $0xffff;
	[tilespmem:s16+$0x10910] =	vst v60  }
0x144: {  	v56 =	vadd.s32 s18, v12;
	v61 =	vld.idx.msk [tilespmem:v55+s2+$0x0], $0xffff;
	[tilespmem:s16+$0x10C60] =	vst v43  }
0x145: {  	v63 =	vadd.s32 s19, v10;
	[tilespmem:s15+$0x10A80] =	vst v47;
	v52 =	vld.idx.msk [tilespmem:v62+s2+$0x0], $0xffff  }
0x146: {  	v48 =	vadd.s32 s17, v10;
	[tilespmem:s16+$0x11080] =	vst v38;
	v37 =	vld.idx.msk [tilespmem:v51+s2+$0x0], $0xffff  }
0x147: {  	v54 =	vadd.s32 s24, v24;
	[tilespmem:s16+$0x10B40] =	vst v41;
	v45 =	vld.idx.msk [tilespmem:v57+s2+$0x0], $0xffff  }
0x148: {  	v59 =	vadd.s32 s0, v17;
	[tilespmem:s16+$0x11180] =	vst v40;
	v39 =	vld.idx.msk [tilespmem:v58+s2+$0x0], $0xffff  }
0x149: {  	v50 =	vadd.s32 s23, v17;
	v42 =	vld.idx.msk [tilespmem:v56+s2+$0x0], $0xffff;
	[tilespmem:s16+$0x11200] =	vst v61  }
0x14a: {  	v49 =	vadd.s32 s18, v11;
	v53 =	vld.idx.msk [tilespmem:v63+s2+$0x0], $0xffff;
	[tilespmem:s16+$0x10920] =	vst v52  }
0x14b: {  	v55 =	vadd.s32 s31, v9;
	[tilespmem:s16+$0x10B90] =	vst v37;
	v47 =	vld.idx.msk [tilespmem:v48+s2+$0x0], $0xffff  }
0x14c: {  	v56 =	vadd.s32 s19, v9;
	[tilespmem:s15+$0x10A90] =	vst v45;
	v40 =	vld.idx.msk [tilespmem:v54+s2+$0x0], $0xffff  }
0x14d: {  	v57 =	vadd.s32 s17, v9;
	[tilespmem:s16+$0x11090] =	vst v39;
	v39 =	vld.idx.msk [tilespmem:v59+s2+$0x0], $0xffff  }
0x14e: {  	v61 =	vadd.s32 s24, v23;
	[tilespmem:s16+$0x10C70] =	vst v42;
	v41 =	vld.idx.msk [tilespmem:v50+s2+$0x0], $0xffff  }
0x14f: {  	[tilespmem:s16+$0x11190] =	vst v53;
	v38 =	vld.idx.msk [tilespmem:v49+s2+$0x0], $0xffff;
	v50 =	vadd.s32 s0, v16  }
0x150: {  	v58 =	vadd.s32 s23, v16;
	v60 =	vld.idx.msk [tilespmem:v55+s2+$0x0], $0xffff;
	[tilespmem:s16+$0x11210] =	vst v47  }
0x151: {  	v62 =	vadd.s32 s18, v10;
	v42 =	vld.idx.msk [tilespmem:v56+s2+$0x0], $0xffff;
	[tilespmem:s16+$0x10930] =	vst v40  }
0x152: {  	v63 =	vadd.s32 s31, v8;
	[tilespmem:s16+$0x10BA0] =	vst v39;
	v45 =	vld.idx.msk [tilespmem:v57+s2+$0x0], $0xffff  }
0x153: {  	v48 =	vadd.s32 s19, v8;
	[tilespmem:s15+$0x10AA0] =	vst v41;
	v40 =	vld.idx.msk [tilespmem:v61+s2+$0x0], $0xffff  }
0x154: {  	v52 =	vadd.s32 s24, v22;
	[tilespmem:s16+$0x11000] =	vst v38;
	v38 =	vld.idx.msk [tilespmem:v50+s2+$0x0], $0xffff  }
0x155: {  	v53 =	vadd.s32 s17, v8;
	v36 =	vld.idx.msk [tilespmem:v58+s2+$0x0], $0xffff  }
0x156: {  	[tilespmem:s16+$0x110A0] =	vst v60;
	v57 =	vadd.s32 s0, v15;
	v51 =	vld.idx.msk [tilespmem:v62+s2+$0x0], $0xffff  }
0x157: {  	v49 =	vadd.s32 s23, v15;
	[tilespmem:s16+$0x111A0] =	vst v42;
	v47 =	vld.idx.msk [tilespmem:v63+s2+$0x0], $0xffff  }
0x158: {  	v54 =	vadd.s32 s18, v9;
	v41 =	vld.idx.msk [tilespmem:v48+s2+$0x0], $0xffff;
	[tilespmem:s16+$0x10940] =	vst v40  }
0x159: {  	v55 =	vadd.s32 s31, v7;
	[tilespmem:s16+$0x11220] =	vst v45;
	v44 =	vld.idx.msk [tilespmem:v52+s2+$0x0], $0xffff  }
0x15a: {  	v59 =	vadd.s32 s19, v7;
	[tilespmem:s16+$0x10BB0] =	vst v38;
	v45 =	vld.idx.msk [tilespmem:v53+s2+$0x0], $0xffff  }
0x15b: {  	v58 =	vadd.s32 s24, v21;
	[tilespmem:s15+$0x10AB0] =	vst v36;
	v40 =	vld.idx.msk [tilespmem:v57+s2+$0x0], $0xffff  }
0x15c: {  	v60 =	vadd.s32 s17, v7;
	[tilespmem:s16+$0x11010] =	vst v51;
	v37 =	vld.idx.msk [tilespmem:v49+s2+$0x0], $0xffff  }
0x15d: {  	v63 =	vadd.s32 s0, v14;
	[tilespmem:s16+$0x110B0] =	vst v47;
	v42 =	vld.idx.msk [tilespmem:v54+s2+$0x0], $0xffff  }
0x15e: {  	v56 =	vadd.s32 s23, v14;
	[tilespmem:s16+$0x111B0] =	vst v41;
	v36 =	vld.idx.msk [tilespmem:v55+s2+$0x0], $0xffff  }
0x15f: {  	v61 =	vadd.s32 s18, v8;
	v48 =	vld.idx.msk [tilespmem:v59+s2+$0x0], $0xffff;
	[tilespmem:s16+$0x10950] =	vst v44  }
0x160: {  	v50 =	vadd.s32 s31, v6;
	[tilespmem:s16+$0x11230] =	vst v45;
	v43 =	vld.idx.msk [tilespmem:v58+s2+$0x0], $0xffff  }
0x161: {  	v51 =	vadd.s32 s19, v6;
	[tilespmem:s16+$0x10BC0] =	vst v40;
	v47 =	vld.idx.msk [tilespmem:v60+s2+$0x0], $0xffff  }
0x162: {  	v49 =	vadd.s32 s24, v20;
	[tilespmem:s15+$0x10AC0] =	vst v37;
	v41 =	vld.idx.msk [tilespmem:v63+s2+$0x0], $0xffff  }
0x163: {  	v54 =	vadd.s32 s0, v13;
	[tilespmem:s16+$0x11020] =	vst v42;
	v39 =	vld.idx.msk [tilespmem:v56+s2+$0x0], $0xffff  }
0x164: {  	v62 =	vadd.s32 s23, v13;
	[tilespmem:s16+$0x110C0] =	vst v36;
	v37 =	vld.idx.msk [tilespmem:v61+s2+$0x0], $0xffff  }
0x165: {  	v52 =	vadd.s32 s17, v6;
	[tilespmem:s16+$0x111C0] =	vst v48;
	v55 =	vld.idx.msk [tilespmem:v50+s2+$0x0], $0xffff  }
0x166: {  	v57 =	vadd.s32 s18, v7;
	v42 =	vld.idx.msk [tilespmem:v51+s2+$0x0], $0xffff;
	[tilespmem:s16+$0x10960] =	vst v43  }
0x167: {  	v58 =	vadd.s32 s31, v5;
	[tilespmem:s16+$0x10BD0] =	vst v41;
	v43 =	vld.idx.msk [tilespmem:v49+s2+$0x0], $0xffff  }
0x168: {  	v56 =	vadd.s32 s24, v19;
	[tilespmem:s15+$0x10AD0] =	vst v39;
	v36 =	vld.idx.msk [tilespmem:v54+s2+$0x0], $0xffff  }
0x169: {  	v61 =	vadd.s32 s0, v12;
	[tilespmem:s16+$0x11240] =	vst v47;
	v38 =	vld.idx.msk [tilespmem:v62+s2+$0x0], $0xffff  }
0x16a: {  	v53 =	vadd.s32 s23, v12;
	v39 =	vld.idx.msk [tilespmem:v52+s2+$0x0], $0xffff;
	[tilespmem:s16+$0x11030] =	vst v37  }
0x16b: {  	v59 =	vadd.s32 s19, v5;
	[tilespmem:s16+$0x110D0] =	vst v55;
	v62 =	vld.idx.msk [tilespmem:v57+s2+$0x0], $0xffff  }
0x16c: {  	v48 =	vadd.s32 s17, v5;
	v47 =	vld.idx.msk [tilespmem:v58+s2+$0x0], $0xffff;
	[tilespmem:s16+$0x10970] =	vst v43  }
0x16d: {  	v49 =	vadd.s32 s18, v6;
	[tilespmem:s16+$0x10BE0] =	vst v36;
	v43 =	vld.idx.msk [tilespmem:v56+s2+$0x0], $0xffff  }
0x16e: {  	v63 =	vadd.s32 s24, v18;
	[tilespmem:s15+$0x10AE0] =	vst v38;
	v37 =	vld.idx.msk [tilespmem:v61+s2+$0x0], $0xffff  }
0x16f: {  	[tilespmem:s16+$0x111D0] =	vst v42;
	v52 =	vadd.s32 s0, v11;
	v40 =	vld.idx.msk [tilespmem:v53+s2+$0x0], $0xffff  }
0x170: {  	v60 =	vadd.s32 s23, v11;
	[tilespmem:s16+$0x11250] =	vst v39;
	v38 =	vld.idx.msk [tilespmem:v59+s2+$0x0], $0xffff  }
0x171: {  	v50 =	vadd.s32 s31, v4;
	[tilespmem:s16+$0x11040] =	vst v62;
	v53 =	vld.idx.msk [tilespmem:v48+s2+$0x0], $0xffff  }
0x172: {  	v55 =	vadd.s32 s19, v4;
	v42 =	vld.idx.msk [tilespmem:v49+s2+$0x0], $0xffff;
	[tilespmem:s16+$0x10D00] =	vst v43  }
0x173: {  	v56 =	vadd.s32 s17, v4;
	[tilespmem:s16+$0x10BF0] =	vst v37;
	v43 =	vld.idx.msk [tilespmem:v63+s2+$0x0], $0xffff  }
0x174: {  	v54 =	vadd.s32 s24, v17;
	[tilespmem:s15+$0x10AF0] =	vst v40;
	v39 =	vld.idx.msk [tilespmem:v52+s2+$0x0], $0xffff  }
0x175: {  	[tilespmem:s16+$0x110E0] =	vst v47;
	v59 =	vadd.s32 s0, v10;
	v41 =	vld.idx.msk [tilespmem:v60+s2+$0x0], $0xffff  }
0x176: {  	v51 =	vadd.s32 s23, v10;
	[tilespmem:s16+$0x111E0] =	vst v38;
	v40 =	vld.idx.msk [tilespmem:v50+s2+$0x0], $0xffff  }
0x177: {  	v57 =	vadd.s32 s18, v5;
	[tilespmem:s16+$0x11260] =	vst v53;
	v60 =	vld.idx.msk [tilespmem:v55+s2+$0x0], $0xffff  }
0x178: {  	v62 =	vadd.s32 s31, v3;
	v47 =	vld.idx.msk [tilespmem:v56+s2+$0x0], $0xffff;
	[tilespmem:s16+$0x10D10] =	vst v43  }
0x179: {  	v63 =	vadd.s32 s19, v3;
	[tilespmem:s16+$0x10F80] =	vst v39;
	v43 =	vld.idx.msk [tilespmem:v54+s2+$0x0], $0xffff  }
0x17a: {  	v61 =	vadd.s32 s24, v16;
	[tilespmem:s15+$0x10E80] =	vst v41;
	v38 =	vld.idx.msk [tilespmem:v59+s2+$0x0], $0xffff  }
0x17b: {  	[tilespmem:s16+$0x11050] =	vst v42;
	v50 =	vadd.s32 s0, v9;
	v36 =	vld.idx.msk [tilespmem:v51+s2+$0x0], $0xffff  }
0x17c: {  	v58 =	vadd.s32 s23, v9;
	[tilespmem:s16+$0x110F0] =	vst v40;
	v41 =	vld.idx.msk [tilespmem:v57+s2+$0x0], $0xffff  }
0x17d: {  	v48 =	vadd.s32 s17, v3;
	[tilespmem:s16+$0x111F0] =	vst v60;
	v51 =	vld.idx.msk [tilespmem:v62+s2+$0x0], $0xffff  }
0x17e: {  	v54 =	vadd.s32 s18, v4;
	v42 =	vld.idx.msk [tilespmem:v63+s2+$0x0], $0xffff;
	[tilespmem:s16+$0x10D20] =	vst v43  }
0x17f: {  	v53 =	vadd.s32 s25, v14;
	[tilespmem:s16+$0x10F90] =	vst v38;
	v43 =	vld.idx.msk [tilespmem:v61+s2+$0x0], $0xffff  }
0x180: {  	v52 =	vadd.s32 s24, v15;
	[tilespmem:s15+$0x10E90] =	vst v36;
	v40 =	vld.idx.msk [tilespmem:v50+s2+$0x0], $0xffff  }
0x181: {  	[tilespmem:s16+$0x11270] =	vst v47;
	v57 =	vadd.s32 s0, v8;
	v37 =	vld.idx.msk [tilespmem:v58+s2+$0x0], $0xffff  }
0x182: {  	v49 =	vadd.s32 s23, v8;
	[tilespmem:s16+$0x11060] =	vst v41;
	v36 =	vld.idx.msk [tilespmem:v48+s2+$0x0], $0xffff  }
0x183: {  	v62 =	vadd.s32 s19, v2;
	[tilespmem:s16+$0x11480] =	vst v51;
	v60 =	vld.idx.msk [tilespmem:v54+s2+$0x0], $0xffff  }
0x184: {  	v55 =	vadd.s32 s31, v2;
	v58 =	vld.idx.msk [tilespmem:v53+s2+$0x0], $0xffff;
	[tilespmem:s16+$0x10D30] =	vst v43  }
0x185: {  	v61 =	vadd.s32 s25, v13;
	[tilespmem:s16+$0x10FA0] =	vst v40;
	v43 =	vld.idx.msk [tilespmem:v52+s2+$0x0], $0xffff  }
0x186: {  	v59 =	vadd.s32 s24, v14;
	[tilespmem:s15+$0x10EA0] =	vst v37;
	v41 =	vld.idx.msk [tilespmem:v57+s2+$0x0], $0xffff  }
0x187: {  	[tilespmem:s16+$0x11580] =	vst v42;
	v39 =	vld.idx.msk [tilespmem:v49+s2+$0x0], $0xffff;
	v49 =	vadd.s32 s0, v7  }
0x188: {  	v56 =	vadd.s32 s23, v7;
	v53 =	vld.idx.msk [tilespmem:v62+s2+$0x0], $0xffff;
	[tilespmem:s16+$0x11600] =	vst v36  }
0x189: {  	v37 =	vld.idx.msk [tilespmem:v55+s2+$0x0], $0xffff;
	[tilespmem:s16+$0x10B50] =	vst v58;
	v55 =	vadd.s32 s18, v3  }
0x18a: {  	v63 =	vadd.s32 s17, v2;
	v51 =	vld.idx.msk [tilespmem:v61+s2+$0x0], $0xffff;
	[tilespmem:s16+$0x10D40] =	vst v43  }
0x18b: {  	v54 =	vadd.s32 s25, v12;
	[tilespmem:s16+$0x10FB0] =	vst v41;
	v50 =	vld.idx.msk [tilespmem:v59+s2+$0x0], $0xffff  }
0x18c: {  	v52 =	vadd.s32 s24, v13;
	[tilespmem:s15+$0x10EB0] =	vst v39;
	v43 =	vld.idx.msk [tilespmem:v49+s2+$0x0], $0xffff  }
0x18d: {  	[tilespmem:s16+$0x11070] =	vst v60;
	v58 =	vadd.s32 s0, v6;
	v38 =	vld.idx.msk [tilespmem:v56+s2+$0x0], $0xffff  }
0x18e: {  	v48 =	vadd.s32 s23, v6;
	[tilespmem:s16+$0x11590] =	vst v53;
	v62 =	vld.idx.msk [tilespmem:v55+s2+$0x0], $0xffff  }
0x18f: {  	v39 =	vld.idx.msk [tilespmem:v63+s2+$0x0], $0xffff;
	[tilespmem:s16+$0x10B60] =	vst v51  }
0x190: {  	v56 =	vadd.s32 s31, v1;
	v60 =	vld.idx.msk [tilespmem:v54+s2+$0x0], $0xffff;
	[tilespmem:s16+$0x10D50] =	vst v50  }
0x191: {  	v63 =	vadd.s32 s25, v11;
	[tilespmem:s16+$0x10FC0] =	vst v43;
	v59 =	vld.idx.msk [tilespmem:v52+s2+$0x0], $0xffff  }
0x192: {  	v61 =	vadd.s32 s24, v12;
	[tilespmem:s15+$0x10EC0] =	vst v38;
	v44 =	vld.idx.msk [tilespmem:v58+s2+$0x0], $0xffff  }
0x193: {  	[tilespmem:s16+$0x11490] =	vst v37;
	v51 =	vadd.s32 s0, v5;
	v40 =	vld.idx.msk [tilespmem:v48+s2+$0x0], $0xffff  }
0x194: {  	v57 =	vadd.s32 s23, v5;
	[tilespmem:s16+$0x11400] =	vst v62  }
0x195: {  	v38 =	vld.idx.msk [tilespmem:v56+s2+$0x0], $0xffff;
	[tilespmem:s16+$0x10B70] =	vst v60;
	v48 =	vadd.s32 s19, v1  }
0x196: {  	v49 =	vadd.s32 s17, v1;
	v53 =	vld.idx.msk [tilespmem:v63+s2+$0x0], $0xffff;
	[tilespmem:s16+$0x10D60] =	vst v59  }
0x197: {  	v56 =	vadd.s32 s25, v10;
	[tilespmem:s16+$0x10FD0] =	vst v44;
	v52 =	vld.idx.msk [tilespmem:v61+s2+$0x0], $0xffff  }
0x198: {  	v54 =	vadd.s32 s24, v11;
	[tilespmem:s15+$0x10ED0] =	vst v40;
	v36 =	vld.idx.msk [tilespmem:v51+s2+$0x0], $0xffff  }
0x199: {  	[tilespmem:s16+$0x11610] =	vst v39;
	v60 =	vadd.s32 s0, v4;
	v41 =	vld.idx.msk [tilespmem:v57+s2+$0x0], $0xffff  }
0x19a: {  	v50 =	vadd.s32 s23, v4;
	[tilespmem:s16+$0x114A0] =	vst v38;
	v55 =	vld.idx.msk [tilespmem:v48+s2+$0x0], $0xffff  }
0x19b: {  	v40 =	vld.idx.msk [tilespmem:v49+s2+$0x0], $0xffff;
	[tilespmem:s16+$0x10F00] =	vst v53;
	v57 =	vadd.s32 s18, v2  }
0x19c: {  	v58 =	vadd.s32 s31, v0;
	v62 =	vld.idx.msk [tilespmem:v56+s2+$0x0], $0xffff;
	[tilespmem:s16+$0x10D70] =	vst v52  }
0x19d: {  	v49 =	vadd.s32 s25, v9;
	[tilespmem:s16+$0x10FE0] =	vst v36;
	v61 =	vld.idx.msk [tilespmem:v54+s2+$0x0], $0xffff  }
0x19e: {  	v63 =	vadd.s32 s24, v10;
	[tilespmem:s15+$0x10EE0] =	vst v41;
	v37 =	vld.idx.msk [tilespmem:v60+s2+$0x0], $0xffff  }
0x19f: {  	v51 =	vadd.s32 s17, v0;
	[tilespmem:s16+$0x115A0] =	vst v55;
	v43 =	vld.idx.msk [tilespmem:v50+s2+$0x0], $0xffff  }
0x1a0: {  	v53 =	vadd.s32 s0, v3;
	[tilespmem:s16+$0x11620] =	vst v40;
	v48 =	vld.idx.msk [tilespmem:v57+s2+$0x0], $0xffff  }
0x1a1: {  	v41 =	vld.idx.msk [tilespmem:v58+s2+$0x0], $0xffff;
	[tilespmem:s16+$0x10F10] =	vst v62;
	v60 =	vadd.s32 s18, v1  }
0x1a2: {  	v59 =	vadd.s32 s23, v3;
	v55 =	vld.idx.msk [tilespmem:v49+s2+$0x0], $0xffff;
	[tilespmem:s16+$0x11100] =	vst v61  }
0x1a3: {  	[tilespmem:s16+$0x10FF0] =	vst v37;
	v54 =	vld.idx.msk [tilespmem:v63+s2+$0x0], $0xffff  }
0x1a4: {  	v50 =	vadd.s32 s19, v0;
	[tilespmem:s15+$0x10EF0] =	vst v43;
	v43 =	vld.idx.msk [tilespmem:v51+s2+$0x0], $0xffff  }
0x1a5: {  	v58 =	vadd.s32 s25, v8;
	[tilespmem:s16+$0x11410] =	vst v48;
	v39 =	vld.idx.msk [tilespmem:v53+s2+$0x0], $0xffff  }
0x1a6: {  	s17 =	sor.u32 $0x400, s23;
	v56 =	vadd.s32 s24, v9;
	v51 =	vld.idx.msk [tilespmem:v60+s2+$0x0], $0xffff  }
0x1a7: {  	v44 =	vld.idx.msk [tilespmem:v59+s2+$0x0], $0xffff;
	v59 =	vadd.s32 s17, v34  }
0x1a8: {  	v62 =	vadd.s32 s0, v2;
	[tilespmem:s16+$0x10F20] =	vst v55  }
0x1a9: {  	v52 =	vadd.s32 s23, v2;
	v57 =	vld.idx.msk [tilespmem:v50+s2+$0x0], $0xffff;
	[tilespmem:s16+$0x11110] =	vst v54  }
0x1aa: {  	v53 =	vadd.s32 s18, v0;
	v48 =	vld.idx.msk [tilespmem:v58+s2+$0x0], $0xffff;
	[tilespmem:s16+$0x11380] =	vst v39  }
0x1ab: {  	s20 =	sor.u32 $0x1800, s23;
	v50 =	vadd.s32 s25, v7;
	[tilespmem:s16+$0x11420] =	vst v51;
	v63 =	vld.idx.msk [tilespmem:v56+s2+$0x0], $0xffff  }
0x1ac: {  	v51 =	vadd.s32 s20, v34;
	[tilespmem:s15+$0x11280] =	vst v44;
	v44 =	vld.idx.msk [tilespmem:v59+s2+$0x0], $0xffff  }
0x1ad: {  	v49 =	vadd.s32 s24, v8;
	[tilespmem:s16+$0x114B0] =	vst v41;
	v38 =	vld.idx.msk [tilespmem:v62+s2+$0x0], $0xffff  }
0x1ae: {  	[tilespmem:s16+$0x115B0] =	vst v57;
	v36 =	vld.idx.msk [tilespmem:v52+s2+$0x0], $0xffff;
	v52 =	vadd.s32 s17, v35  }
0x1af: {  	v61 =	vadd.s32 s23, v1;
	[tilespmem:s16+$0x10F30] =	vst v48;
	v46 =	vld.idx.msk [tilespmem:v53+s2+$0x0], $0xffff  }
0x1b0: {  	v55 =	vadd.s32 s0, v1;
	[tilespmem:s16+$0x11630] =	vst v43;
	v57 =	vld.idx.msk [tilespmem:v50+s2+$0x0], $0xffff  }
0x1b1: {  	s19 =	sor.u32 $0xC00, s23;
	v59 =	vadd.s32 s25, v6;
	v43 =	vld.idx.msk [tilespmem:v51+s2+$0x0], $0xffff;
	[tilespmem:s16+$0x11120] =	vst v63  }
0x1b2: {  	[tilespmem:s15+$0x10300] =	vst v44;
	v63 =	vadd.s32 s19, v34;
	v56 =	vld.idx.msk [tilespmem:v49+s2+$0x0], $0xffff  }
0x1b3: {  	v58 =	vadd.s32 s24, v7;
	[tilespmem:s15+$0x11290] =	vst v36;
	v36 =	vld.idx.msk [tilespmem:v52+s2+$0x0], $0xffff  }
0x1b4: {  	s18 =	sor.u32 $0x1400, s23;
	v60 =	vadd.s32 s17, v33;
	[tilespmem:s16+$0x11390] =	vst v38;
	v37 =	vld.idx.msk [tilespmem:v61+s2+$0x0], $0xffff  }
0x1b5: {  	s21 =	sor.u32 $0x1C00, s23;
	v40 =	vld.idx.msk [tilespmem:v55+s2+$0x0], $0xffff;
	[tilespmem:s16+$0x10F40] =	vst v57;
	v61 =	vadd.s32 s18, v34  }
0x1b6: {  	[tilespmem:s16+$0x11430] =	vst v46;
	v52 =	vadd.s32 s21, v34;
	v49 =	vld.idx.msk [tilespmem:v59+s2+$0x0], $0xffff  }
0x1b7: {  	v54 =	vadd.s32 s23, v0;
	v41 =	vld.idx.msk [tilespmem:v63+s2+$0x0], $0xffff;
	[tilespmem:s16+$0x11130] =	vst v56  }
0x1b8: {  	s22 =	sor.u32 $0x1000, s23;
	v55 =	vadd.s32 s0, v0;
	[tilespmem:s15+$0x10310] =	vst v36;
	v48 =	vld.idx.msk [tilespmem:v58+s2+$0x0], $0xffff  }
0x1b9: {  	v62 =	vadd.s32 s22, v34;
	[tilespmem:s15+$0x112A0] =	vst v37;
	v37 =	vld.idx.msk [tilespmem:v60+s2+$0x0], $0xffff  }
0x1ba: {  	[tilespmem:s15+$0x10580] =	vst v43;
	v38 =	vld.idx.msk [tilespmem:v61+s2+$0x0], $0xffff;
	v60 =	vadd.s32 s20, v35  }
0x1bb: {  	v50 =	vadd.s32 s24, v6;
	[tilespmem:s16+$0x113A0] =	vst v40;
	v58 =	vld.idx.msk [tilespmem:v52+s2+$0x0], $0xffff  }
0x1bc: {  	v53 =	vadd.s32 s25, v5;
	[tilespmem:s16+$0x10F50] =	vst v49;
	v39 =	vld.idx.msk [tilespmem:v54+s2+$0x0], $0xffff  }
0x1bd: {  	v57 =	vadd.s32 s18, v35;
	v47 =	vld.idx.msk [tilespmem:v55+s2+$0x0], $0xffff;
	[tilespmem:s15+$0x10400] =	vst v41  }
0x1be: {  	s23 =	sor.u32 $0x800, s23;
	v61 =	vadd.s32 s21, v35;
	v54 =	vld.idx.msk [tilespmem:v62+s2+$0x0], $0xffff;
	[tilespmem:s16+$0x11140] =	vst v48  }
0x1bf: {  	v52 =	vadd.s32 s23, v34;
	[tilespmem:s15+$0x10320] =	vst v37;
	v45 =	vld.idx.msk [tilespmem:v60+s2+$0x0], $0xffff  }
0x1c0: {  	v56 =	vadd.s32 s22, v35;
	[tilespmem:s15+$0x10500] =	vst v38;
	v42 =	vld.idx.msk [tilespmem:v50+s2+$0x0], $0xffff  }
0x1c1: {  	v60 =	vadd.s32 s19, v35;
	[tilespmem:s15+$0x112B0] =	vst v39;
	v39 =	vld.idx.msk [tilespmem:v53+s2+$0x0], $0xffff  }
0x1c2: {  	v59 =	vadd.s32 s24, v5;
	[tilespmem:s15+$0x10600] =	vst v58;
	v36 =	vld.idx.msk [tilespmem:v57+s2+$0x0], $0xffff  }
0x1c3: {  	v63 =	vadd.s32 s25, v4;
	[tilespmem:s15+$0x10480] =	vst v54;
	v54 =	vld.idx.msk [tilespmem:v61+s2+$0x0], $0xffff  }
0x1c4: {  	v48 =	vadd.s32 s18, v33;
	[tilespmem:s16+$0x113B0] =	vst v47;
	v37 =	vld.idx.msk [tilespmem:v52+s2+$0x0], $0xffff  }
0x1c5: {  	v62 =	vld.idx.msk [tilespmem:v56+s2+$0x0], $0xffff;
	v56 =	vadd.s32 s20, v33;
	[tilespmem:s16+$0x11150] =	vst v42  }
0x1c6: {  	v57 =	vadd.s32 s21, v33;
	v50 =	vld.idx.msk [tilespmem:v60+s2+$0x0], $0xffff;
	[tilespmem:s16+$0x10F60] =	vst v39  }
0x1c7: {  	v53 =	vadd.s32 s22, v33;
	[tilespmem:s15+$0x10510] =	vst v36;
	v44 =	vld.idx.msk [tilespmem:v59+s2+$0x0], $0xffff  }
0x1c8: {  	[tilespmem:s15+$0x10610] =	vst v54;
	v54 =	vadd.s32 s19, v33;
	v40 =	vld.idx.msk [tilespmem:v63+s2+$0x0], $0xffff  }
0x1c9: {  	v55 =	vadd.s32 s24, v4;
	[tilespmem:s15+$0x10590] =	vst v45;
	v61 =	vld.idx.msk [tilespmem:v48+s2+$0x0], $0xffff  }
0x1ca: {  	[tilespmem:s15+$0x10490] =	vst v62;
	v59 =	vadd.s32 s25, v3;
	v47 =	vld.idx.msk [tilespmem:v56+s2+$0x0], $0xffff  }
0x1cb: {  	v63 =	vadd.s32 s18, v32;
	v38 =	vld.idx.msk [tilespmem:v57+s2+$0x0], $0xffff;
	[tilespmem:s15+$0x10410] =	vst v50  }
0x1cc: {  	v49 =	vadd.s32 s20, v32;
	v58 =	vld.idx.msk [tilespmem:v53+s2+$0x0], $0xffff;
	[tilespmem:s16+$0x11160] =	vst v44  }
0x1cd: {  	v62 =	vadd.s32 s22, v32;
	v60 =	vld.idx.msk [tilespmem:v54+s2+$0x0], $0xffff;
	[tilespmem:s16+$0x10F70] =	vst v40  }
0x1ce: {  	v51 =	vadd.s32 s21, v32;
	[tilespmem:s15+$0x10520] =	vst v61;
	v46 =	vld.idx.msk [tilespmem:v55+s2+$0x0], $0xffff  }
0x1cf: {  	v48 =	vadd.s32 s24, v3;
	[tilespmem:s15+$0x105A0] =	vst v47;
	v42 =	vld.idx.msk [tilespmem:v59+s2+$0x0], $0xffff  }
0x1d0: {  	v53 =	vadd.s32 s25, v2;
	[tilespmem:s15+$0x10620] =	vst v38;
	v39 =	vld.idx.msk [tilespmem:v63+s2+$0x0], $0xffff  }
0x1d1: {  	v56 =	vadd.s32 s18, v31;
	[tilespmem:s15+$0x104A0] =	vst v58;
	v41 =	vld.idx.msk [tilespmem:v49+s2+$0x0], $0xffff  }
0x1d2: {  	v59 =	vadd.s32 s20, v31;
	v52 =	vld.idx.msk [tilespmem:v62+s2+$0x0], $0xffff;
	[tilespmem:s15+$0x10420] =	vst v60  }
0x1d3: {  	v55 =	vadd.s32 s22, v31;
	v57 =	vld.idx.msk [tilespmem:v51+s2+$0x0], $0xffff;
	[tilespmem:s16+$0x11170] =	vst v46  }
0x1d4: {  	v61 =	vadd.s32 s21, v31;
	[tilespmem:s16+$0x11300] =	vst v42;
	v40 =	vld.idx.msk [tilespmem:v48+s2+$0x0], $0xffff  }
0x1d5: {  	[tilespmem:s15+$0x10530] =	vst v39;
	v45 =	vld.idx.msk [tilespmem:v53+s2+$0x0], $0xffff;
	v48 =	vadd.s32 s19, v32  }
0x1d6: {  	v58 =	vadd.s32 s24, v2;
	[tilespmem:s15+$0x105B0] =	vst v41;
	v38 =	vld.idx.msk [tilespmem:v56+s2+$0x0], $0xffff  }
0x1d7: {  	v63 =	vadd.s32 s25, v1;
	[tilespmem:s15+$0x104B0] =	vst v52;
	v36 =	vld.idx.msk [tilespmem:v59+s2+$0x0], $0xffff  }
0x1d8: {  	v50 =	vadd.s32 s18, v30;
	[tilespmem:s15+$0x10630] =	vst v57;
	v62 =	vld.idx.msk [tilespmem:v55+s2+$0x0], $0xffff  }
0x1d9: {  	v49 =	vadd.s32 s22, v30;
	v51 =	vld.idx.msk [tilespmem:v61+s2+$0x0], $0xffff;
	[tilespmem:s16+$0x11500] =	vst v40  }
0x1da: {  	v53 =	vadd.s32 s20, v30;
	[tilespmem:s16+$0x11310] =	vst v45;
	v54 =	vld.idx.msk [tilespmem:v48+s2+$0x0], $0xffff  }
0x1db: {  	v55 =	vadd.s32 s21, v30;
	[tilespmem:s15+$0x10540] =	vst v38;
	v43 =	vld.idx.msk [tilespmem:v58+s2+$0x0], $0xffff  }
0x1dc: {  	v52 =	vadd.s32 s24, v1;
	[tilespmem:s15+$0x105C0] =	vst v36;
	v47 =	vld.idx.msk [tilespmem:v63+s2+$0x0], $0xffff  }
0x1dd: {  	[tilespmem:s15+$0x104C0] =	vst v62;
	v58 =	vadd.s32 s19, v31;
	v42 =	vld.idx.msk [tilespmem:v50+s2+$0x0], $0xffff  }
0x1de: {  	v57 =	vadd.s32 s25, v0;
	[tilespmem:s15+$0x10640] =	vst v51;
	v56 =	vld.idx.msk [tilespmem:v49+s2+$0x0], $0xffff  }
0x1df: {  	v59 =	vadd.s32 s22, v29;
	v44 =	vld.idx.msk [tilespmem:v53+s2+$0x0], $0xffff;
	[tilespmem:s15+$0x10430] =	vst v54  }
0x1e0: {  	v60 =	vadd.s32 s18, v29;
	v40 =	vld.idx.msk [tilespmem:v55+s2+$0x0], $0xffff;
	[tilespmem:s16+$0x11510] =	vst v43  }
0x1e1: {  	v62 =	vadd.s32 s20, v29;
	[tilespmem:s16+$0x11320] =	vst v47;
	v46 =	vld.idx.msk [tilespmem:v52+s2+$0x0], $0xffff  }
0x1e2: {  	v61 =	vadd.s32 s24, v0;
	v43 =	vld.idx.msk [tilespmem:v58+s2+$0x0], $0xffff;
	[tilespmem:s15+$0x10550] =	vst v42  }
0x1e3: {  	v63 =	vadd.s32 s21, v29;
	v41 =	vld.idx.msk [tilespmem:v57+s2+$0x0], $0xffff;
	[tilespmem:s15+$0x104D0] =	vst v56  }
0x1e4: {  	v50 =	vadd.s32 s19, v30;
	[tilespmem:s15+$0x105D0] =	vst v44;
	v49 =	vld.idx.msk [tilespmem:v59+s2+$0x0], $0xffff  }
0x1e5: {  	[tilespmem:s15+$0x10650] =	vst v40;
	v51 =	vld.idx.msk [tilespmem:v60+s2+$0x0], $0xffff;
	v52 =	vadd.s32 s22, v28  }
0x1e6: {  	v42 =	vld.idx.msk [tilespmem:v62+s2+$0x0], $0xffff;
	[tilespmem:s16+$0x11520] =	vst v46  }
0x1e7: {  	[tilespmem:s15+$0x10440] =	vst v43;
	v46 =	vadd.s32 s17, v32;
	v38 =	vld.idx.msk [tilespmem:v61+s2+$0x0], $0xffff  }
0x1e8: {  	[tilespmem:s16+$0x11330] =	vst v41;
	v41 =	vld.idx.msk [tilespmem:v63+s2+$0x0], $0xffff  }
0x1e9: {  	v36 =	vadd.s32 s19, v29;
	v45 =	vadd.s32 s20, v28;
	v39 =	vld.idx.msk [tilespmem:v50+s2+$0x0], $0xffff;
	[tilespmem:s15+$0x104E0] =	vst v49  }
0x1ea: {  	s24 =	simm.s32 $0x10;
	v44 =	vadd.s32 s21, v28;
	v43 =	vadd.s32 s23, v35;
	[tilespmem:s15+$0x10560] =	vst v51;
	v40 =	vld.idx.msk [tilespmem:v52+s2+$0x0], $0xffff  }
.LBB2_2:
0x1eb: {  	s29 =	sshll.u32 s24, $0xA;
	p0 =	slt.u32 s24, $0x18  }
0x1ec: {  	v46 =	vld.idx.msk [tilespmem:v46+s2+$0x0], $0xffff;
	[tilespmem:s16+$0x11530] =	vst v38;
	s8 =	smov.u32 s24;
	s24 =	sadd.s32 $0x8, s24;
	s16 =	smov.u32 s15  }
0x1ed: {  	v38 =	vadd.s32 s29, v34;
	s26 =	sor.u32 $0x400, s29;
	s1 =	sor.u32 $0x1000, s29;
	s25 =	sor.u32 $0x1400, s29;
	[tilespmem:s16+$0x105E0] =	vst v42  }
0x1ee: {  	s30 =	sor.u32 $0xC00, s29;
	s0 =	sor.u32 $0x1800, s29;
	s31 =	sor.u32 $0x1C00, s29;
	v42 =	vadd.s32 s22, v27;
	v45 =	vld.idx.msk [tilespmem:v45+s2+$0x0], $0xffff;
	[tilespmem:s16+$0x10660] =	vst v41  }
0x1ef: {  	v47 =	vadd.s32 s17, v31;
	s28 =	sor.u32 $0x800, s29;
	v41 =	vadd.s32 s30, v29;
	[tilespmem:s16+$0x10380] =	vst v37;
	v37 =	vld.idx.msk [tilespmem:v44+s2+$0x0], $0xffff  }
0x1f0: {  	v43 =	vld.idx.msk [tilespmem:v43+s2+$0x0], $0xffff;
	[tilespmem:s16+$0x10450] =	vst v39;
	v39 =	vadd.s32 s20, v27  }
0x1f1: {  	v44 =	vld.idx.msk [tilespmem:v36+s2+$0x0], $0xffff;
	[tilespmem:s16+$0x104F0] =	vst v40;
	v40 =	vadd.s32 s21, v27;
	v36 =	vmov v41  }
0x1f2: {  	v41 =	vadd.s32 s23, v33;
	v38 =	vld.idx.msk [tilespmem:v38+s2+$0x0], $0xffff;
	[tilespmem:s16+$0x10330] =	vst v46  }
0x1f3: {  	v46 =	vadd.s32 s19, v28;
	v42 =	vld.idx.msk [tilespmem:v42+s2+$0x0], $0xffff  }
0x1f4: {  	s8 =	sshrl.u32 s8, $0x3;
	v48 =	vadd.s32 s29, v35;
	v47 =	vld.idx.msk [tilespmem:v47+s2+$0x0], $0xffff;
	[tilespmem:s16+$0x105F0] =	vst v45  }
0x1f5: {  	s8 =	smul.u32 $0x5000, s8;
	v45 =	vadd.s32 s22, v26;
	v39 =	vld.idx.msk [tilespmem:v39+s2+$0x0], $0xffff;
	[tilespmem:s16+$0x10670] =	vst v37  }
0x1f6: {  	v37 =	vadd.s32 s17, v30;
	[tilespmem:s16+$0x10390] =	vst v43;
	v40 =	vld.idx.msk [tilespmem:v40+s2+$0x0], $0xffff  }
0x1f7: {  	s15 =	sshra.s32 s8, $0x2;
	v43 =	vadd.s32 s20, v26;
	v41 =	vld.idx.msk [tilespmem:v41+s2+$0x0], $0xffff;
	[tilespmem:s16+$0x10460] =	vst v44  }
0x1f8: {  	v44 =	vadd.s32 s21, v26;
	[tilespmem:s15+$0x10280] =	vst v38;
	v38 =	vld.idx.msk [tilespmem:v46+s2+$0x0], $0xffff  }
0x1f9: {  	v46 =	vld.idx.msk [tilespmem:v48+s2+$0x0], $0xffff;
	v48 =	vadd.s32 s23, v32;
	[tilespmem:s16+$0x10880] =	vst v42  }
0x1fa: {  	v42 =	vadd.s32 s19, v27;
	[tilespmem:s16+$0x10340] =	vst v47;
	v45 =	vld.idx.msk [tilespmem:v45+s2+$0x0], $0xffff  }
0x1fb: {  	v47 =	vadd.s32 s29, v33;
	v37 =	vld.idx.msk [tilespmem:v37+s2+$0x0], $0xffff;
	[tilespmem:s16+$0x10980] =	vst v39  }
0x1fc: {  	v39 =	vadd.s32 s22, v25;
	v43 =	vld.idx.msk [tilespmem:v43+s2+$0x0], $0xffff;
	[tilespmem:s16+$0x10A00] =	vst v40  }
0x1fd: {  	v40 =	vadd.s32 s17, v29;
	[tilespmem:s16+$0x103A0] =	vst v41;
	v41 =	vld.idx.msk [tilespmem:v44+s2+$0x0], $0xffff  }
0x1fe: {  	v44 =	vld.idx.msk [tilespmem:v48+s2+$0x0], $0xffff;
	[tilespmem:s16+$0x10470] =	vst v38;
	v38 =	vadd.s32 s20, v25  }
0x1ff: {  	[tilespmem:s15+$0x10290] =	vst v46;
	v42 =	vld.idx.msk [tilespmem:v42+s2+$0x0], $0xffff;
	v46 =	vadd.s32 s21, v25  }
0x200: {  	v48 =	vadd.s32 s23, v31;
	v47 =	vld.idx.msk [tilespmem:v47+s2+$0x0], $0xffff;
	[tilespmem:s16+$0x10890] =	vst v45  }
0x201: {  	[tilespmem:s16+$0x10350] =	vst v37;
	v37 =	vadd.s32 s19, v26;
	v39 =	vld.idx.msk [tilespmem:v39+s2+$0x0], $0xffff  }
0x202: {  	v45 =	vadd.s32 s29, v32;
	v40 =	vld.idx.msk [tilespmem:v40+s2+$0x0], $0xffff;
	[tilespmem:s16+$0x10990] =	vst v43  }
0x203: {  	v43 =	vadd.s32 s22, v24;
	v38 =	vld.idx.msk [tilespmem:v38+s2+$0x0], $0xffff;
	[tilespmem:s16+$0x10A10] =	vst v41  }
0x204: {  	v41 =	vadd.s32 s17, v28;
	[tilespmem:s16+$0x103B0] =	vst v44;
	v44 =	vld.idx.msk [tilespmem:v46+s2+$0x0], $0xffff  }
0x205: {  	v46 =	vld.idx.msk [tilespmem:v48+s2+$0x0], $0xffff;
	[tilespmem:s16+$0x10800] =	vst v42;
	v42 =	vadd.s32 s20, v24  }
0x206: {  	[tilespmem:s15+$0x102A0] =	vst v47;
	v37 =	vld.idx.msk [tilespmem:v37+s2+$0x0], $0xffff;
	v47 =	vadd.s32 s21, v24  }
0x207: {  	v48 =	vadd.s32 s23, v30;
	v45 =	vld.idx.msk [tilespmem:v45+s2+$0x0], $0xffff;
	[tilespmem:s16+$0x108A0] =	vst v39  }
0x208: {  	v39 =	vadd.s32 s19, v25;
	[tilespmem:s16+$0x10360] =	vst v40;
	v40 =	vld.idx.msk [tilespmem:v43+s2+$0x0], $0xffff  }
0x209: {  	v43 =	vadd.s32 s29, v31;
	v41 =	vld.idx.msk [tilespmem:v41+s2+$0x0], $0xffff;
	[tilespmem:s16+$0x109A0] =	vst v38  }
0x20a: {  	v38 =	vadd.s32 s22, v23;
	v42 =	vld.idx.msk [tilespmem:v42+s2+$0x0], $0xffff;
	[tilespmem:s16+$0x10A20] =	vst v44  }
0x20b: {  	v44 =	vadd.s32 s17, v27;
	[tilespmem:s16+$0x103C0] =	vst v46;
	v46 =	vld.idx.msk [tilespmem:v47+s2+$0x0], $0xffff  }
0x20c: {  	v47 =	vld.idx.msk [tilespmem:v48+s2+$0x0], $0xffff;
	[tilespmem:s16+$0x10810] =	vst v37;
	v37 =	vadd.s32 s20, v23  }
0x20d: {  	[tilespmem:s15+$0x102B0] =	vst v45;
	v39 =	vld.idx.msk [tilespmem:v39+s2+$0x0], $0xffff;
	v45 =	vadd.s32 s21, v23  }
0x20e: {  	v48 =	vadd.s32 s23, v29;
	v43 =	vld.idx.msk [tilespmem:v43+s2+$0x0], $0xffff;
	[tilespmem:s16+$0x108B0] =	vst v40  }
0x20f: {  	v40 =	vadd.s32 s19, v24;
	[tilespmem:s16+$0x10370] =	vst v41;
	v38 =	vld.idx.msk [tilespmem:v38+s2+$0x0], $0xffff  }
0x210: {  	v41 =	vadd.s32 s29, v30;
	v44 =	vld.idx.msk [tilespmem:v44+s2+$0x0], $0xffff;
	[tilespmem:s16+$0x109B0] =	vst v42  }
0x211: {  	v42 =	vadd.s32 s22, v22;
	v37 =	vld.idx.msk [tilespmem:v37+s2+$0x0], $0xffff;
	[tilespmem:s16+$0x10A30] =	vst v46  }
0x212: {  	v46 =	vadd.s32 s17, v26;
	[tilespmem:s16+$0x103D0] =	vst v47;
	v45 =	vld.idx.msk [tilespmem:v45+s2+$0x0], $0xffff  }
0x213: {  	v47 =	vld.idx.msk [tilespmem:v48+s2+$0x0], $0xffff;
	[tilespmem:s16+$0x10820] =	vst v39;
	v39 =	vadd.s32 s20, v22  }
0x214: {  	[tilespmem:s15+$0x102C0] =	vst v43;
	v40 =	vld.idx.msk [tilespmem:v40+s2+$0x0], $0xffff;
	v43 =	vadd.s32 s21, v22  }
0x215: {  	v48 =	vadd.s32 s23, v28;
	v41 =	vld.idx.msk [tilespmem:v41+s2+$0x0], $0xffff;
	[tilespmem:s16+$0x108C0] =	vst v38  }
0x216: {  	v38 =	vadd.s32 s19, v23;
	[tilespmem:s16+$0x10700] =	vst v44;
	v42 =	vld.idx.msk [tilespmem:v42+s2+$0x0], $0xffff  }
0x217: {  	v44 =	vadd.s32 s29, v29;
	v46 =	vld.idx.msk [tilespmem:v46+s2+$0x0], $0xffff;
	[tilespmem:s16+$0x109C0] =	vst v37  }
0x218: {  	v37 =	vadd.s32 s22, v21;
	v39 =	vld.idx.msk [tilespmem:v39+s2+$0x0], $0xffff;
	[tilespmem:s16+$0x10A40] =	vst v45  }
0x219: {  	v45 =	vadd.s32 s17, v25;
	[tilespmem:s16+$0x103E0] =	vst v47;
	v43 =	vld.idx.msk [tilespmem:v43+s2+$0x0], $0xffff  }
0x21a: {  	v47 =	vld.idx.msk [tilespmem:v48+s2+$0x0], $0xffff;
	[tilespmem:s16+$0x10830] =	vst v40;
	v40 =	vadd.s32 s20, v21  }
0x21b: {  	[tilespmem:s15+$0x102D0] =	vst v41;
	v38 =	vld.idx.msk [tilespmem:v38+s2+$0x0], $0xffff;
	v41 =	vadd.s32 s21, v21  }
0x21c: {  	v48 =	vadd.s32 s23, v27;
	v44 =	vld.idx.msk [tilespmem:v44+s2+$0x0], $0xffff;
	[tilespmem:s16+$0x108D0] =	vst v42  }
0x21d: {  	v42 =	vadd.s32 s19, v22;
	[tilespmem:s16+$0x10710] =	vst v46;
	v37 =	vld.idx.msk [tilespmem:v37+s2+$0x0], $0xffff  }
0x21e: {  	v46 =	vadd.s32 s29, v28;
	v45 =	vld.idx.msk [tilespmem:v45+s2+$0x0], $0xffff;
	[tilespmem:s16+$0x109D0] =	vst v39  }
0x21f: {  	v39 =	vadd.s32 s22, v20;
	v40 =	vld.idx.msk [tilespmem:v40+s2+$0x0], $0xffff;
	[tilespmem:s16+$0x10A50] =	vst v43  }
0x220: {  	v43 =	vadd.s32 s17, v24;
	[tilespmem:s16+$0x103F0] =	vst v47;
	v41 =	vld.idx.msk [tilespmem:v41+s2+$0x0], $0xffff  }
0x221: {  	v47 =	vld.idx.msk [tilespmem:v48+s2+$0x0], $0xffff;
	[tilespmem:s16+$0x10840] =	vst v38;
	v38 =	vadd.s32 s20, v20  }
0x222: {  	[tilespmem:s15+$0x102E0] =	vst v44;
	v42 =	vld.idx.msk [tilespmem:v42+s2+$0x0], $0xffff;
	v44 =	vadd.s32 s21, v20  }
0x223: {  	v48 =	vadd.s32 s23, v26;
	v46 =	vld.idx.msk [tilespmem:v46+s2+$0x0], $0xffff;
	[tilespmem:s16+$0x108E0] =	vst v37  }
0x224: {  	v37 =	vadd.s32 s19, v21;
	[tilespmem:s16+$0x10720] =	vst v45;
	v39 =	vld.idx.msk [tilespmem:v39+s2+$0x0], $0xffff  }
0x225: {  	v45 =	vadd.s32 s29, v27;
	v43 =	vld.idx.msk [tilespmem:v43+s2+$0x0], $0xffff;
	[tilespmem:s16+$0x109E0] =	vst v40  }
0x226: {  	v40 =	vadd.s32 s22, v19;
	v38 =	vld.idx.msk [tilespmem:v38+s2+$0x0], $0xffff;
	[tilespmem:s16+$0x10A60] =	vst v41  }
0x227: {  	v41 =	vadd.s32 s17, v23;
	[tilespmem:s16+$0x10780] =	vst v47;
	v44 =	vld.idx.msk [tilespmem:v44+s2+$0x0], $0xffff  }
0x228: {  	v47 =	vld.idx.msk [tilespmem:v48+s2+$0x0], $0xffff;
	[tilespmem:s16+$0x10850] =	vst v42;
	v42 =	vadd.s32 s20, v19  }
0x229: {  	[tilespmem:s15+$0x102F0] =	vst v46;
	v37 =	vld.idx.msk [tilespmem:v37+s2+$0x0], $0xffff;
	v46 =	vadd.s32 s21, v19  }
0x22a: {  	v48 =	vadd.s32 s23, v25;
	v45 =	vld.idx.msk [tilespmem:v45+s2+$0x0], $0xffff;
	[tilespmem:s16+$0x108F0] =	vst v39  }
0x22b: {  	v39 =	vadd.s32 s19, v20;
	[tilespmem:s16+$0x10730] =	vst v43;
	v40 =	vld.idx.msk [tilespmem:v40+s2+$0x0], $0xffff  }
0x22c: {  	v43 =	vadd.s32 s29, v26;
	v41 =	vld.idx.msk [tilespmem:v41+s2+$0x0], $0xffff;
	[tilespmem:s16+$0x109F0] =	vst v38  }
0x22d: {  	v38 =	vadd.s32 s22, v18;
	v42 =	vld.idx.msk [tilespmem:v42+s2+$0x0], $0xffff;
	[tilespmem:s16+$0x10A70] =	vst v44  }
0x22e: {  	v44 =	vadd.s32 s17, v22;
	[tilespmem:s16+$0x10790] =	vst v47;
	v46 =	vld.idx.msk [tilespmem:v46+s2+$0x0], $0xffff  }
0x22f: {  	v47 =	vld.idx.msk [tilespmem:v48+s2+$0x0], $0xffff;
	[tilespmem:s16+$0x10860] =	vst v37;
	v37 =	vadd.s32 s20, v18  }
0x230: {  	[tilespmem:s15+$0x10680] =	vst v45;
	v39 =	vld.idx.msk [tilespmem:v39+s2+$0x0], $0xffff;
	v45 =	vadd.s32 s21, v18  }
0x231: {  	v48 =	vadd.s32 s23, v24;
	v43 =	vld.idx.msk [tilespmem:v43+s2+$0x0], $0xffff;
	[tilespmem:s16+$0x10C80] =	vst v40  }
0x232: {  	v40 =	vadd.s32 s19, v19;
	[tilespmem:s16+$0x10740] =	vst v41;
	v38 =	vld.idx.msk [tilespmem:v38+s2+$0x0], $0xffff  }
0x233: {  	v41 =	vadd.s32 s29, v25;
	v44 =	vld.idx.msk [tilespmem:v44+s2+$0x0], $0xffff;
	[tilespmem:s16+$0x10D80] =	vst v42  }
0x234: {  	v42 =	vadd.s32 s22, v17;
	v37 =	vld.idx.msk [tilespmem:v37+s2+$0x0], $0xffff;
	[tilespmem:s16+$0x10E00] =	vst v46  }
0x235: {  	v46 =	vadd.s32 s17, v21;
	[tilespmem:s16+$0x107A0] =	vst v47;
	v45 =	vld.idx.msk [tilespmem:v45+s2+$0x0], $0xffff  }
0x236: {  	v47 =	vld.idx.msk [tilespmem:v48+s2+$0x0], $0xffff;
	[tilespmem:s16+$0x10870] =	vst v39;
	v39 =	vadd.s32 s20, v17  }
0x237: {  	[tilespmem:s15+$0x10690] =	vst v43;
	v40 =	vld.idx.msk [tilespmem:v40+s2+$0x0], $0xffff;
	v43 =	vadd.s32 s21, v17  }
0x238: {  	v48 =	vadd.s32 s23, v23;
	v41 =	vld.idx.msk [tilespmem:v41+s2+$0x0], $0xffff;
	[tilespmem:s16+$0x10C90] =	vst v38  }
0x239: {  	v38 =	vadd.s32 s19, v18;
	[tilespmem:s16+$0x10750] =	vst v44;
	v42 =	vld.idx.msk [tilespmem:v42+s2+$0x0], $0xffff  }
0x23a: {  	v44 =	vadd.s32 s29, v24;
	v46 =	vld.idx.msk [tilespmem:v46+s2+$0x0], $0xffff;
	[tilespmem:s16+$0x10D90] =	vst v37  }
0x23b: {  	v37 =	vadd.s32 s22, v16;
	v39 =	vld.idx.msk [tilespmem:v39+s2+$0x0], $0xffff;
	[tilespmem:s16+$0x10E10] =	vst v45  }
0x23c: {  	v45 =	vadd.s32 s17, v20;
	[tilespmem:s16+$0x107B0] =	vst v47;
	v43 =	vld.idx.msk [tilespmem:v43+s2+$0x0], $0xffff  }
0x23d: {  	v47 =	vld.idx.msk [tilespmem:v48+s2+$0x0], $0xffff;
	[tilespmem:s16+$0x10C00] =	vst v40;
	v40 =	vadd.s32 s20, v16  }
0x23e: {  	[tilespmem:s15+$0x106A0] =	vst v41;
	v38 =	vld.idx.msk [tilespmem:v38+s2+$0x0], $0xffff;
	v41 =	vadd.s32 s21, v16  }
0x23f: {  	v48 =	vadd.s32 s23, v22;
	v44 =	vld.idx.msk [tilespmem:v44+s2+$0x0], $0xffff;
	[tilespmem:s16+$0x10CA0] =	vst v42  }
0x240: {  	v42 =	vadd.s32 s19, v17;
	[tilespmem:s16+$0x10760] =	vst v46;
	v37 =	vld.idx.msk [tilespmem:v37+s2+$0x0], $0xffff  }
0x241: {  	v46 =	vadd.s32 s29, v23;
	v45 =	vld.idx.msk [tilespmem:v45+s2+$0x0], $0xffff;
	[tilespmem:s16+$0x10DA0] =	vst v39  }
0x242: {  	v39 =	vadd.s32 s22, v15;
	v40 =	vld.idx.msk [tilespmem:v40+s2+$0x0], $0xffff;
	[tilespmem:s16+$0x10E20] =	vst v43  }
0x243: {  	v43 =	vadd.s32 s17, v19;
	[tilespmem:s16+$0x107C0] =	vst v47;
	v41 =	vld.idx.msk [tilespmem:v41+s2+$0x0], $0xffff  }
0x244: {  	v47 =	vld.idx.msk [tilespmem:v48+s2+$0x0], $0xffff;
	[tilespmem:s16+$0x10C10] =	vst v38;
	v38 =	vadd.s32 s20, v15  }
0x245: {  	[tilespmem:s15+$0x106B0] =	vst v44;
	v42 =	vld.idx.msk [tilespmem:v42+s2+$0x0], $0xffff;
	v44 =	vadd.s32 s21, v15  }
0x246: {  	v48 =	vadd.s32 s23, v21;
	v46 =	vld.idx.msk [tilespmem:v46+s2+$0x0], $0xffff;
	[tilespmem:s16+$0x10CB0] =	vst v37  }
0x247: {  	v37 =	vadd.s32 s19, v16;
	[tilespmem:s16+$0x10770] =	vst v45;
	v39 =	vld.idx.msk [tilespmem:v39+s2+$0x0], $0xffff  }
0x248: {  	v45 =	vadd.s32 s29, v22;
	v43 =	vld.idx.msk [tilespmem:v43+s2+$0x0], $0xffff;
	[tilespmem:s16+$0x10DB0] =	vst v40  }
0x249: {  	v40 =	vadd.s32 s22, v14;
	v38 =	vld.idx.msk [tilespmem:v38+s2+$0x0], $0xffff;
	[tilespmem:s16+$0x10E30] =	vst v41  }
0x24a: {  	v41 =	vadd.s32 s17, v18;
	[tilespmem:s16+$0x107D0] =	vst v47;
	v44 =	vld.idx.msk [tilespmem:v44+s2+$0x0], $0xffff  }
0x24b: {  	v47 =	vld.idx.msk [tilespmem:v48+s2+$0x0], $0xffff;
	[tilespmem:s16+$0x10C20] =	vst v42;
	v42 =	vadd.s32 s20, v14  }
0x24c: {  	[tilespmem:s15+$0x106C0] =	vst v46;
	v37 =	vld.idx.msk [tilespmem:v37+s2+$0x0], $0xffff;
	v46 =	vadd.s32 s21, v14  }
0x24d: {  	v48 =	vadd.s32 s23, v20;
	v45 =	vld.idx.msk [tilespmem:v45+s2+$0x0], $0xffff;
	[tilespmem:s16+$0x10CC0] =	vst v39  }
0x24e: {  	v39 =	vadd.s32 s19, v15;
	[tilespmem:s16+$0x10B00] =	vst v43;
	v40 =	vld.idx.msk [tilespmem:v40+s2+$0x0], $0xffff  }
0x24f: {  	v43 =	vadd.s32 s29, v21;
	v41 =	vld.idx.msk [tilespmem:v41+s2+$0x0], $0xffff;
	[tilespmem:s16+$0x10DC0] =	vst v38  }
0x250: {  	v38 =	vadd.s32 s22, v13;
	v42 =	vld.idx.msk [tilespmem:v42+s2+$0x0], $0xffff;
	[tilespmem:s16+$0x10E40] =	vst v44  }
0x251: {  	v44 =	vadd.s32 s17, v17;
	[tilespmem:s16+$0x107E0] =	vst v47;
	v46 =	vld.idx.msk [tilespmem:v46+s2+$0x0], $0xffff  }
0x252: {  	v47 =	vld.idx.msk [tilespmem:v48+s2+$0x0], $0xffff;
	[tilespmem:s16+$0x10C30] =	vst v37;
	v37 =	vadd.s32 s20, v13  }
0x253: {  	[tilespmem:s15+$0x106D0] =	vst v45;
	v39 =	vld.idx.msk [tilespmem:v39+s2+$0x0], $0xffff;
	v45 =	vadd.s32 s21, v13  }
0x254: {  	v43 =	vld.idx.msk [tilespmem:v43+s2+$0x0], $0xffff;
	[tilespmem:s16+$0x10CD0] =	vst v40;
	v40 =	vadd.s32 s18, v28  }
0x255: {  	[tilespmem:s16+$0x10B10] =	vst v41;
	v41 =	vadd.s32 s19, v14;
	v38 =	vld.idx.msk [tilespmem:v38+s2+$0x0], $0xffff  }
0x256: {  	v48 =	vadd.s32 s29, v20;
	v44 =	vld.idx.msk [tilespmem:v44+s2+$0x0], $0xffff;
	[tilespmem:s16+$0x10DD0] =	vst v42  }
0x257: {  	v42 =	vadd.s32 s22, v12;
	v37 =	vld.idx.msk [tilespmem:v37+s2+$0x0], $0xffff;
	[tilespmem:s16+$0x10E50] =	vst v46  }
0x258: {  	v46 =	vadd.s32 s17, v16;
	[tilespmem:s16+$0x107F0] =	vst v47;
	v45 =	vld.idx.msk [tilespmem:v45+s2+$0x0], $0xffff  }
0x259: {  	[tilespmem:s16+$0x10C40] =	vst v39;
	v39 =	vld.idx.msk [tilespmem:v40+s2+$0x0], $0xffff;
	v40 =	vadd.s32 s20, v12  }
0x25a: {  	[tilespmem:s15+$0x106E0] =	vst v43;
	v41 =	vld.idx.msk [tilespmem:v41+s2+$0x0], $0xffff;
	v43 =	vadd.s32 s21, v12  }
0x25b: {  	v47 =	vld.idx.msk [tilespmem:v48+s2+$0x0], $0xffff;
	[tilespmem:s16+$0x10CE0] =	vst v38;
	v38 =	vadd.s32 s18, v27  }
0x25c: {  	[tilespmem:s16+$0x10B20] =	vst v44;
	v44 =	vadd.s32 s19, v13;
	v42 =	vld.idx.msk [tilespmem:v42+s2+$0x0], $0xffff  }
0x25d: {  	v48 =	vadd.s32 s29, v19;
	v46 =	vld.idx.msk [tilespmem:v46+s2+$0x0], $0xffff;
	[tilespmem:s16+$0x10DE0] =	vst v37  }
0x25e: {  	v37 =	vadd.s32 s22, v11;
	v40 =	vld.idx.msk [tilespmem:v40+s2+$0x0], $0xffff;
	[tilespmem:s16+$0x10E60] =	vst v45  }
0x25f: {  	v45 =	vadd.s32 s17, v15;
	[tilespmem:s16+$0x10570] =	vst v39;
	v39 =	vld.idx.msk [tilespmem:v43+s2+$0x0], $0xffff  }
0x260: {  	[tilespmem:s16+$0x10C50] =	vst v41;
	v38 =	vld.idx.msk [tilespmem:v38+s2+$0x0], $0xffff;
	v41 =	vadd.s32 s20, v11  }
0x261: {  	[tilespmem:s15+$0x106F0] =	vst v47;
	v43 =	vld.idx.msk [tilespmem:v44+s2+$0x0], $0xffff;
	v44 =	vadd.s32 s21, v11  }
0x262: {  	v47 =	vld.idx.msk [tilespmem:v48+s2+$0x0], $0xffff;
	[tilespmem:s16+$0x10CF0] =	vst v42;
	v42 =	vadd.s32 s18, v26  }
0x263: {  	[tilespmem:s16+$0x10B30] =	vst v46;
	v46 =	vadd.s32 s19, v12;
	v37 =	vld.idx.msk [tilespmem:v37+s2+$0x0], $0xffff  }
0x264: {  	v48 =	vadd.s32 s29, v18;
	v45 =	vld.idx.msk [tilespmem:v45+s2+$0x0], $0xffff;
	[tilespmem:s16+$0x10DF0] =	vst v40  }
0x265: {  	v40 =	vadd.s32 s22, v10;
	v41 =	vld.idx.msk [tilespmem:v41+s2+$0x0], $0xffff;
	[tilespmem:s16+$0x10E70] =	vst v39  }
0x266: {  	v39 =	vadd.s32 s23, v19;
	[tilespmem:s16+$0x10900] =	vst v38;
	v38 =	vld.idx.msk [tilespmem:v44+s2+$0x0], $0xffff  }
0x267: {  	[tilespmem:s16+$0x10C60] =	vst v43;
	v42 =	vld.idx.msk [tilespmem:v42+s2+$0x0], $0xffff;
	v43 =	vadd.s32 s20, v10  }
0x268: {  	[tilespmem:s15+$0x10A80] =	vst v47;
	v44 =	vld.idx.msk [tilespmem:v46+s2+$0x0], $0xffff;
	v46 =	vadd.s32 s21, v10  }
0x269: {  	v47 =	vld.idx.msk [tilespmem:v48+s2+$0x0], $0xffff;
	[tilespmem:s16+$0x11080] =	vst v37;
	v37 =	vadd.s32 s18, v25  }
0x26a: {  	[tilespmem:s16+$0x10B40] =	vst v45;
	v45 =	vadd.s32 s19, v11;
	v40 =	vld.idx.msk [tilespmem:v40+s2+$0x0], $0xffff  }
0x26b: {  	v48 =	vadd.s32 s29, v17;
	v39 =	vld.idx.msk [tilespmem:v39+s2+$0x0], $0xffff;
	[tilespmem:s16+$0x11180] =	vst v41  }
0x26c: {  	v41 =	vadd.s32 s22, v9;
	v43 =	vld.idx.msk [tilespmem:v43+s2+$0x0], $0xffff;
	[tilespmem:s16+$0x11200] =	vst v38  }
0x26d: {  	v38 =	vadd.s32 s23, v18;
	[tilespmem:s16+$0x10910] =	vst v42;
	v42 =	vld.idx.msk [tilespmem:v46+s2+$0x0], $0xffff  }
0x26e: {  	[tilespmem:s16+$0x10C70] =	vst v44;
	v37 =	vld.idx.msk [tilespmem:v37+s2+$0x0], $0xffff;
	v44 =	vadd.s32 s20, v9  }
0x26f: {  	v46 =	vadd.s32 s21, v9;
	[tilespmem:s15+$0x10A90] =	vst v47;
	v45 =	vld.idx.msk [tilespmem:v45+s2+$0x0], $0xffff  }
0x270: {  	v47 =	vld.idx.msk [tilespmem:v48+s2+$0x0], $0xffff;
	[tilespmem:s16+$0x11090] =	vst v40;
	v40 =	vadd.s32 s18, v24  }
0x271: {  	[tilespmem:s16+$0x10B80] =	vst v39;
	v39 =	vadd.s32 s19, v10;
	v41 =	vld.idx.msk [tilespmem:v41+s2+$0x0], $0xffff  }
0x272: {  	v48 =	vadd.s32 s29, v16;
	v38 =	vld.idx.msk [tilespmem:v38+s2+$0x0], $0xffff;
	[tilespmem:s16+$0x11190] =	vst v43  }
0x273: {  	v43 =	vadd.s32 s22, v8;
	v44 =	vld.idx.msk [tilespmem:v44+s2+$0x0], $0xffff;
	[tilespmem:s16+$0x11210] =	vst v42  }
0x274: {  	v42 =	vadd.s32 s23, v17;
	[tilespmem:s16+$0x10920] =	vst v37;
	v37 =	vld.idx.msk [tilespmem:v46+s2+$0x0], $0xffff  }
0x275: {  	[tilespmem:s16+$0x11000] =	vst v45;
	v40 =	vld.idx.msk [tilespmem:v40+s2+$0x0], $0xffff;
	v45 =	vadd.s32 s20, v8  }
0x276: {  	v46 =	vadd.s32 s21, v8;
	[tilespmem:s15+$0x10AA0] =	vst v47;
	v39 =	vld.idx.msk [tilespmem:v39+s2+$0x0], $0xffff  }
0x277: {  	v47 =	vld.idx.msk [tilespmem:v48+s2+$0x0], $0xffff;
	[tilespmem:s16+$0x110A0] =	vst v41;
	v41 =	vadd.s32 s18, v23  }
0x278: {  	[tilespmem:s16+$0x10B90] =	vst v38;
	v38 =	vadd.s32 s19, v9;
	v43 =	vld.idx.msk [tilespmem:v43+s2+$0x0], $0xffff  }
0x279: {  	v48 =	vadd.s32 s29, v15;
	v42 =	vld.idx.msk [tilespmem:v42+s2+$0x0], $0xffff;
	[tilespmem:s16+$0x111A0] =	vst v44  }
0x27a: {  	v44 =	vadd.s32 s22, v7;
	v45 =	vld.idx.msk [tilespmem:v45+s2+$0x0], $0xffff;
	[tilespmem:s16+$0x11220] =	vst v37  }
0x27b: {  	v37 =	vadd.s32 s23, v16;
	[tilespmem:s16+$0x10930] =	vst v40;
	v40 =	vld.idx.msk [tilespmem:v46+s2+$0x0], $0xffff  }
0x27c: {  	[tilespmem:s16+$0x11010] =	vst v39;
	v39 =	vld.idx.msk [tilespmem:v41+s2+$0x0], $0xffff;
	v41 =	vadd.s32 s20, v7  }
0x27d: {  	v46 =	vadd.s32 s21, v7;
	[tilespmem:s15+$0x10AB0] =	vst v47;
	v38 =	vld.idx.msk [tilespmem:v38+s2+$0x0], $0xffff  }
0x27e: {  	v47 =	vld.idx.msk [tilespmem:v48+s2+$0x0], $0xffff;
	[tilespmem:s16+$0x110B0] =	vst v43;
	v43 =	vadd.s32 s18, v22  }
0x27f: {  	[tilespmem:s16+$0x10BA0] =	vst v42;
	v42 =	vadd.s32 s19, v8;
	v44 =	vld.idx.msk [tilespmem:v44+s2+$0x0], $0xffff  }
0x280: {  	v48 =	vadd.s32 s29, v14;
	v37 =	vld.idx.msk [tilespmem:v37+s2+$0x0], $0xffff;
	[tilespmem:s16+$0x111B0] =	vst v45  }
0x281: {  	v45 =	vadd.s32 s22, v6;
	v41 =	vld.idx.msk [tilespmem:v41+s2+$0x0], $0xffff;
	[tilespmem:s16+$0x11230] =	vst v40  }
0x282: {  	v40 =	vadd.s32 s23, v15;
	[tilespmem:s16+$0x10940] =	vst v39;
	v39 =	vld.idx.msk [tilespmem:v46+s2+$0x0], $0xffff  }
0x283: {  	[tilespmem:s16+$0x11020] =	vst v38;
	v38 =	vld.idx.msk [tilespmem:v43+s2+$0x0], $0xffff;
	v43 =	vadd.s32 s20, v6  }
0x284: {  	v46 =	vadd.s32 s21, v6;
	[tilespmem:s15+$0x10AC0] =	vst v47;
	v42 =	vld.idx.msk [tilespmem:v42+s2+$0x0], $0xffff  }
0x285: {  	v47 =	vld.idx.msk [tilespmem:v48+s2+$0x0], $0xffff;
	[tilespmem:s16+$0x110C0] =	vst v44;
	v44 =	vadd.s32 s18, v21  }
0x286: {  	[tilespmem:s16+$0x10BB0] =	vst v37;
	v37 =	vadd.s32 s19, v7;
	v45 =	vld.idx.msk [tilespmem:v45+s2+$0x0], $0xffff  }
0x287: {  	v48 =	vadd.s32 s29, v13;
	v40 =	vld.idx.msk [tilespmem:v40+s2+$0x0], $0xffff;
	[tilespmem:s16+$0x111C0] =	vst v41  }
0x288: {  	v41 =	vadd.s32 s22, v5;
	v43 =	vld.idx.msk [tilespmem:v43+s2+$0x0], $0xffff;
	[tilespmem:s16+$0x11240] =	vst v39  }
0x289: {  	v39 =	vadd.s32 s23, v14;
	[tilespmem:s16+$0x10950] =	vst v38;
	v38 =	vld.idx.msk [tilespmem:v46+s2+$0x0], $0xffff  }
0x28a: {  	[tilespmem:s16+$0x11030] =	vst v42;
	v42 =	vld.idx.msk [tilespmem:v44+s2+$0x0], $0xffff;
	v44 =	vadd.s32 s20, v5  }
0x28b: {  	v46 =	vadd.s32 s21, v5;
	[tilespmem:s15+$0x10AD0] =	vst v47;
	v37 =	vld.idx.msk [tilespmem:v37+s2+$0x0], $0xffff  }
0x28c: {  	v47 =	vld.idx.msk [tilespmem:v48+s2+$0x0], $0xffff;
	[tilespmem:s16+$0x110D0] =	vst v45;
	v45 =	vadd.s32 s18, v20  }
0x28d: {  	[tilespmem:s16+$0x10BC0] =	vst v40;
	v40 =	vadd.s32 s19, v6;
	v41 =	vld.idx.msk [tilespmem:v41+s2+$0x0], $0xffff  }
0x28e: {  	v48 =	vadd.s32 s29, v12;
	v39 =	vld.idx.msk [tilespmem:v39+s2+$0x0], $0xffff;
	[tilespmem:s16+$0x111D0] =	vst v43  }
0x28f: {  	v43 =	vadd.s32 s22, v4;
	v44 =	vld.idx.msk [tilespmem:v44+s2+$0x0], $0xffff;
	[tilespmem:s16+$0x11250] =	vst v38  }
0x290: {  	v38 =	vadd.s32 s23, v13;
	[tilespmem:s16+$0x10960] =	vst v42;
	v42 =	vld.idx.msk [tilespmem:v46+s2+$0x0], $0xffff  }
0x291: {  	[tilespmem:s16+$0x11040] =	vst v37;
	v37 =	vld.idx.msk [tilespmem:v45+s2+$0x0], $0xffff;
	v45 =	vadd.s32 s20, v4  }
0x292: {  	v46 =	vadd.s32 s21, v4;
	[tilespmem:s15+$0x10AE0] =	vst v47;
	v40 =	vld.idx.msk [tilespmem:v40+s2+$0x0], $0xffff  }
0x293: {  	v47 =	vld.idx.msk [tilespmem:v48+s2+$0x0], $0xffff;
	[tilespmem:s16+$0x110E0] =	vst v41;
	v41 =	vadd.s32 s18, v19  }
0x294: {  	[tilespmem:s16+$0x10BD0] =	vst v39;
	v39 =	vadd.s32 s19, v5;
	v43 =	vld.idx.msk [tilespmem:v43+s2+$0x0], $0xffff  }
0x295: {  	v48 =	vadd.s32 s29, v11;
	v38 =	vld.idx.msk [tilespmem:v38+s2+$0x0], $0xffff;
	[tilespmem:s16+$0x111E0] =	vst v44  }
0x296: {  	v44 =	vadd.s32 s22, v3;
	v45 =	vld.idx.msk [tilespmem:v45+s2+$0x0], $0xffff;
	[tilespmem:s16+$0x11260] =	vst v42  }
0x297: {  	v42 =	vadd.s32 s23, v12;
	[tilespmem:s16+$0x10970] =	vst v37;
	v37 =	vld.idx.msk [tilespmem:v46+s2+$0x0], $0xffff  }
0x298: {  	[tilespmem:s16+$0x11050] =	vst v40;
	v40 =	vld.idx.msk [tilespmem:v41+s2+$0x0], $0xffff;
	v41 =	vadd.s32 s20, v3  }
0x299: {  	v46 =	vadd.s32 s21, v3;
	[tilespmem:s15+$0x10AF0] =	vst v47;
	v39 =	vld.idx.msk [tilespmem:v39+s2+$0x0], $0xffff  }
0x29a: {  	v47 =	vld.idx.msk [tilespmem:v48+s2+$0x0], $0xffff;
	[tilespmem:s16+$0x110F0] =	vst v43;
	v43 =	vadd.s32 s18, v18  }
0x29b: {  	[tilespmem:s16+$0x10BE0] =	vst v38;
	v38 =	vadd.s32 s19, v4;
	v44 =	vld.idx.msk [tilespmem:v44+s2+$0x0], $0xffff  }
0x29c: {  	v48 =	vadd.s32 s29, v10;
	v42 =	vld.idx.msk [tilespmem:v42+s2+$0x0], $0xffff;
	[tilespmem:s16+$0x111F0] =	vst v45  }
0x29d: {  	v45 =	vadd.s32 s22, v2;
	v41 =	vld.idx.msk [tilespmem:v41+s2+$0x0], $0xffff;
	[tilespmem:s16+$0x11270] =	vst v37  }
0x29e: {  	v37 =	vadd.s32 s23, v11;
	[tilespmem:s16+$0x10D00] =	vst v40;
	v40 =	vld.idx.msk [tilespmem:v46+s2+$0x0], $0xffff  }
0x29f: {  	[tilespmem:s16+$0x11060] =	vst v39;
	v39 =	vld.idx.msk [tilespmem:v43+s2+$0x0], $0xffff;
	v43 =	vadd.s32 s20, v2  }
0x2a0: {  	v46 =	vadd.s32 s21, v2;
	[tilespmem:s15+$0x10E80] =	vst v47;
	v38 =	vld.idx.msk [tilespmem:v38+s2+$0x0], $0xffff  }
0x2a1: {  	v47 =	vld.idx.msk [tilespmem:v48+s2+$0x0], $0xffff;
	[tilespmem:s16+$0x11480] =	vst v44;
	v44 =	vadd.s32 s18, v17  }
0x2a2: {  	[tilespmem:s16+$0x10BF0] =	vst v42;
	v42 =	vadd.s32 s19, v3;
	v45 =	vld.idx.msk [tilespmem:v45+s2+$0x0], $0xffff  }
0x2a3: {  	v48 =	vadd.s32 s29, v9;
	v37 =	vld.idx.msk [tilespmem:v37+s2+$0x0], $0xffff;
	[tilespmem:s16+$0x11580] =	vst v41  }
0x2a4: {  	v41 =	vadd.s32 s22, v1;
	v43 =	vld.idx.msk [tilespmem:v43+s2+$0x0], $0xffff;
	[tilespmem:s16+$0x11600] =	vst v40  }
0x2a5: {  	v40 =	vadd.s32 s23, v10;
	[tilespmem:s16+$0x10D10] =	vst v39;
	v39 =	vld.idx.msk [tilespmem:v46+s2+$0x0], $0xffff  }
0x2a6: {  	[tilespmem:s16+$0x11070] =	vst v38;
	v38 =	vld.idx.msk [tilespmem:v44+s2+$0x0], $0xffff;
	v44 =	vadd.s32 s20, v1  }
0x2a7: {  	v46 =	vadd.s32 s21, v1;
	[tilespmem:s15+$0x10E90] =	vst v47;
	v42 =	vld.idx.msk [tilespmem:v42+s2+$0x0], $0xffff  }
0x2a8: {  	v47 =	vld.idx.msk [tilespmem:v48+s2+$0x0], $0xffff;
	[tilespmem:s16+$0x11490] =	vst v45;
	v45 =	vadd.s32 s18, v16  }
0x2a9: {  	[tilespmem:s16+$0x10F80] =	vst v37;
	v37 =	vadd.s32 s19, v2;
	v41 =	vld.idx.msk [tilespmem:v41+s2+$0x0], $0xffff  }
0x2aa: {  	v48 =	vadd.s32 s29, v8;
	v40 =	vld.idx.msk [tilespmem:v40+s2+$0x0], $0xffff;
	[tilespmem:s16+$0x11590] =	vst v43  }
0x2ab: {  	v43 =	vadd.s32 s22, v0;
	s22 =	smov.u32 s1;
	v44 =	vld.idx.msk [tilespmem:v44+s2+$0x0], $0xffff;
	[tilespmem:s16+$0x11610] =	vst v39  }
0x2ac: {  	v39 =	vadd.s32 s23, v9;
	[tilespmem:s16+$0x10D20] =	vst v38;
	v38 =	vld.idx.msk [tilespmem:v46+s2+$0x0], $0xffff  }
0x2ad: {  	[tilespmem:s16+$0x11400] =	vst v42;
	v42 =	vld.idx.msk [tilespmem:v45+s2+$0x0], $0xffff;
	v45 =	vadd.s32 s20, v0;
	s20 =	smov.u32 s0  }
0x2ae: {  	v46 =	vadd.s32 s21, v0;
	s21 =	smov.u32 s31;
	[tilespmem:s15+$0x10EA0] =	vst v47;
	v37 =	vld.idx.msk [tilespmem:v37+s2+$0x0], $0xffff  }
0x2af: {  	v47 =	vld.idx.msk [tilespmem:v48+s2+$0x0], $0xffff;
	[tilespmem:s16+$0x114A0] =	vst v41;
	v41 =	vadd.s32 s18, v15  }
0x2b0: {  	v48 =	vadd.s32 s17, v14;
	[tilespmem:s16+$0x10F90] =	vst v40;
	v40 =	vld.idx.msk [tilespmem:v43+s2+$0x0], $0xffff  }
0x2b1: {  	v43 =	vadd.s32 s29, v7;
	v39 =	vld.idx.msk [tilespmem:v39+s2+$0x0], $0xffff;
	[tilespmem:s16+$0x115A0] =	vst v44  }
0x2b2: {  	v44 =	vadd.s32 s19, v1;
	v45 =	vld.idx.msk [tilespmem:v45+s2+$0x0], $0xffff;
	[tilespmem:s16+$0x11620] =	vst v38  }
0x2b3: {  	v38 =	vadd.s32 s23, v8;
	[tilespmem:s16+$0x10D30] =	vst v42;
	v42 =	vld.idx.msk [tilespmem:v46+s2+$0x0], $0xffff  }
0x2b4: {  	[tilespmem:s16+$0x11410] =	vst v37;
	v37 =	vld.idx.msk [tilespmem:v41+s2+$0x0], $0xffff  }
0x2b5: {  	[tilespmem:s15+$0x10EB0] =	vst v47;
	v41 =	vld.idx.msk [tilespmem:v48+s2+$0x0], $0xffff  }
0x2b6: {  	v43 =	vld.idx.msk [tilespmem:v43+s2+$0x0], $0xffff;
	[tilespmem:s16+$0x114B0] =	vst v40;
	v40 =	vadd.s32 s18, v14  }
0x2b7: {  	v46 =	vadd.s32 s17, v13;
	[tilespmem:s16+$0x10FA0] =	vst v39;
	v39 =	vld.idx.msk [tilespmem:v44+s2+$0x0], $0xffff  }
0x2b8: {  	v44 =	vadd.s32 s29, v6;
	v38 =	vld.idx.msk [tilespmem:v38+s2+$0x0], $0xffff;
	[tilespmem:s16+$0x115B0] =	vst v45  }
0x2b9: {  	v45 =	vadd.s32 s19, v0;
	s19 =	smov.u32 s30;
	[tilespmem:s16+$0x11630] =	vst v42  }
0x2ba: {  	v42 =	vadd.s32 s23, v7;
	[tilespmem:s16+$0x10D40] =	vst v37  }
0x2bb: {  	[tilespmem:s16+$0x10B50] =	vst v41;
	v37 =	vld.idx.msk [tilespmem:v40+s2+$0x0], $0xffff  }
0x2bc: {  	[tilespmem:s15+$0x10EC0] =	vst v43;
	v40 =	vld.idx.msk [tilespmem:v46+s2+$0x0], $0xffff  }
0x2bd: {  	v41 =	vld.idx.msk [tilespmem:v44+s2+$0x0], $0xffff;
	[tilespmem:s16+$0x11420] =	vst v39;
	v39 =	vadd.s32 s18, v13  }
0x2be: {  	v43 =	vadd.s32 s17, v12;
	[tilespmem:s16+$0x10FB0] =	vst v38;
	v38 =	vld.idx.msk [tilespmem:v45+s2+$0x0], $0xffff  }
0x2bf: {  	v44 =	vadd.s32 s29, v5;
	v42 =	vld.idx.msk [tilespmem:v42+s2+$0x0], $0xffff;
	_ =	sdelay $0x1  }
0x2c0: {  	v45 =	vadd.s32 s23, v6;
	[tilespmem:s16+$0x10D50] =	vst v37  }
0x2c1: {  	[tilespmem:s16+$0x10B60] =	vst v40;
	v37 =	vld.idx.msk [tilespmem:v39+s2+$0x0], $0xffff  }
0x2c2: {  	[tilespmem:s15+$0x10ED0] =	vst v41;
	v39 =	vld.idx.msk [tilespmem:v43+s2+$0x0], $0xffff  }
0x2c3: {  	v40 =	vld.idx.msk [tilespmem:v44+s2+$0x0], $0xffff;
	[tilespmem:s16+$0x11430] =	vst v38;
	v38 =	vadd.s32 s18, v12  }
0x2c4: {  	v41 =	vadd.s32 s17, v11;
	[tilespmem:s16+$0x10FC0] =	vst v42  }
0x2c5: {  	v42 =	vadd.s32 s29, v4;
	v43 =	vld.idx.msk [tilespmem:v45+s2+$0x0], $0xffff;
	_ =	sdelay $0x1  }
0x2c6: {  	v44 =	vadd.s32 s23, v5;
	[tilespmem:s16+$0x10D60] =	vst v37  }
0x2c7: {  	[tilespmem:s16+$0x10B70] =	vst v39;
	v37 =	vld.idx.msk [tilespmem:v38+s2+$0x0], $0xffff  }
0x2c8: {  	[tilespmem:s15+$0x10EE0] =	vst v40;
	v38 =	vld.idx.msk [tilespmem:v41+s2+$0x0], $0xffff  }
0x2c9: {  	v40 =	vadd.s32 s18, v11;
	v39 =	vld.idx.msk [tilespmem:v42+s2+$0x0], $0xffff  }
0x2ca: {  	v41 =	vadd.s32 s17, v10;
	[tilespmem:s16+$0x10FD0] =	vst v43  }
0x2cb: {  	v42 =	vadd.s32 s29, v3;
	v43 =	vld.idx.msk [tilespmem:v44+s2+$0x0], $0xffff;
	_ =	sdelay $0x1  }
0x2cc: {  	v44 =	vadd.s32 s23, v4;
	[tilespmem:s16+$0x10D70] =	vst v37  }
0x2cd: {  	[tilespmem:s16+$0x10F00] =	vst v38;
	v37 =	vld.idx.msk [tilespmem:v40+s2+$0x0], $0xffff  }
0x2ce: {  	[tilespmem:s15+$0x10EF0] =	vst v39;
	v38 =	vld.idx.msk [tilespmem:v41+s2+$0x0], $0xffff  }
0x2cf: {  	v40 =	vadd.s32 s18, v10;
	v39 =	vld.idx.msk [tilespmem:v42+s2+$0x0], $0xffff  }
0x2d0: {  	v41 =	vadd.s32 s17, v9;
	[tilespmem:s16+$0x10FE0] =	vst v43  }
0x2d1: {  	v42 =	vadd.s32 s29, v2;
	v43 =	vld.idx.msk [tilespmem:v44+s2+$0x0], $0xffff;
	_ =	sdelay $0x1  }
0x2d2: {  	v44 =	vadd.s32 s23, v3;
	[tilespmem:s16+$0x11100] =	vst v37  }
0x2d3: {  	[tilespmem:s16+$0x10F10] =	vst v38;
	v37 =	vld.idx.msk [tilespmem:v40+s2+$0x0], $0xffff  }
0x2d4: {  	v38 =	vadd.s32 s26, v34;
	[tilespmem:s15+$0x11280] =	vst v39;
	v39 =	vld.idx.msk [tilespmem:v41+s2+$0x0], $0xffff  }
0x2d5: {  	v41 =	vadd.s32 s18, v9;
	v40 =	vld.idx.msk [tilespmem:v42+s2+$0x0], $0xffff  }
0x2d6: {  	v42 =	vadd.s32 s17, v8;
	[tilespmem:s16+$0x10FF0] =	vst v43  }
0x2d7: {  	v43 =	vadd.s32 s29, v1;
	v44 =	vld.idx.msk [tilespmem:v44+s2+$0x0], $0xffff;
	_ =	sdelay $0x1  }
0x2d8: {  	v45 =	vadd.s32 s23, v2;
	v38 =	vld.idx.msk [tilespmem:v38+s2+$0x0], $0xffff;
	[tilespmem:s16+$0x11110] =	vst v37  }
0x2d9: {  	[tilespmem:s16+$0x10F20] =	vst v39;
	v37 =	vld.idx.msk [tilespmem:v41+s2+$0x0], $0xffff  }
0x2da: {  	v39 =	vadd.s32 s26, v35;
	[tilespmem:s15+$0x11290] =	vst v40;
	v40 =	vld.idx.msk [tilespmem:v42+s2+$0x0], $0xffff  }
0x2db: {  	v42 =	vadd.s32 s18, v8;
	v41 =	vld.idx.msk [tilespmem:v43+s2+$0x0], $0xffff  }
0x2dc: {  	v43 =	vadd.s32 s17, v7;
	[tilespmem:s16+$0x11380] =	vst v44  }
0x2dd: {  	v44 =	vadd.s32 s29, v0;
	v45 =	vld.idx.msk [tilespmem:v45+s2+$0x0], $0xffff  }
0x2de: {  	[tilespmem:s15+$0x10300] =	vst v38  }
0x2df: {  	v38 =	vld.idx.msk [tilespmem:v39+s2+$0x0], $0xffff;
	v39 =	vadd.s32 s23, v1;
	[tilespmem:s16+$0x11120] =	vst v37  }
0x2e0: {  	[tilespmem:s16+$0x10F30] =	vst v40;
	v37 =	vld.idx.msk [tilespmem:v42+s2+$0x0], $0xffff  }
0x2e1: {  	[tilespmem:s15+$0x112A0] =	vst v41;
	v40 =	vld.idx.msk [tilespmem:v43+s2+$0x0], $0xffff  }
0x2e2: {  	v42 =	vadd.s32 s18, v7;
	v41 =	vld.idx.msk [tilespmem:v44+s2+$0x0], $0xffff  }
0x2e3: {  	v43 =	vadd.s32 s17, v6;
	[tilespmem:s16+$0x11390] =	vst v45  }
0x2e4: {  	v44 =	vadd.s32 s26, v33;
	v39 =	vld.idx.msk [tilespmem:v39+s2+$0x0], $0xffff  }
0x2e5: {  	[tilespmem:s15+$0x10310] =	vst v38;
	v38 =	vadd.s32 s25, v34  }
0x2e6: {  	v45 =	vadd.s32 s22, v34;
	[tilespmem:s16+$0x11130] =	vst v37  }
0x2e7: {  	v37 =	vadd.s32 s19, v34;
	[tilespmem:s16+$0x10F40] =	vst v40;
	v40 =	vld.idx.msk [tilespmem:v42+s2+$0x0], $0xffff  }
0x2e8: {  	[tilespmem:s15+$0x112B0] =	vst v41;
	v41 =	vadd.s32 s20, v34;
	v42 =	vld.idx.msk [tilespmem:v43+s2+$0x0], $0xffff  }
0x2e9: {  	v43 =	vld.idx.msk [tilespmem:v44+s2+$0x0], $0xffff;
	v44 =	vadd.s32 s18, v6  }
0x2ea: {  	v46 =	vadd.s32 s17, v5;
	v38 =	vld.idx.msk [tilespmem:v38+s2+$0x0], $0xffff;
	[tilespmem:s16+$0x113A0] =	vst v39  }
0x2eb: {  	v39 =	vld.idx.msk [tilespmem:v45+s2+$0x0], $0xffff;
	v45 =	vadd.s32 s21, v34  }
0x2ec: {  	v47 =	vadd.s32 s28, v34;
	v48 =	vld.idx.msk [tilespmem:v37+s2+$0x0], $0xffff  }
0x2ed: {  	v49 =	vadd.s32 s23, v0;
	s23 =	smov.u32 s28;
	v41 =	vld.idx.msk [tilespmem:v41+s2+$0x0], $0xffff;
	[tilespmem:s16+$0x11140] =	vst v40  }
0x2ee: {  	v40 =	vadd.s32 s22, v35;
	[tilespmem:s16+$0x10F50] =	vst v42;
	v42 =	vld.idx.msk [tilespmem:v44+s2+$0x0], $0xffff  }
0x2ef: {  	[tilespmem:s15+$0x10320] =	vst v43;
	v43 =	vadd.s32 s25, v35;
	v44 =	vld.idx.msk [tilespmem:v46+s2+$0x0], $0xffff  }
0x2f0: {  	v46 =	vadd.s32 s18, v5;
	v45 =	vld.idx.msk [tilespmem:v45+s2+$0x0], $0xffff  }
0x2f1: {  	v37 =	vld.idx.msk [tilespmem:v47+s2+$0x0], $0xffff;
	v47 =	vadd.s32 s20, v35  }
0x2f2: {  	[tilespmem:s15+$0x10480] =	vst v39;
	v39 =	vadd.s32 s21, v35;
	v49 =	vld.idx.msk [tilespmem:v49+s2+$0x0], $0xffff  }
0x2f3: {  	v40 =	vld.idx.msk [tilespmem:v40+s2+$0x0], $0xffff;
	[tilespmem:s15+$0x10500] =	vst v38;
	v38 =	vadd.s32 s17, v4  }
0x2f4: {  	v43 =	vld.idx.msk [tilespmem:v43+s2+$0x0], $0xffff;
	[tilespmem:s16+$0x11150] =	vst v42  }
0x2f5: {  	v42 =	vadd.s32 s22, v33;
	[tilespmem:s15+$0x10580] =	vst v41;
	v41 =	vld.idx.msk [tilespmem:v46+s2+$0x0], $0xffff  }
0x2f6: {  	v46 =	vadd.s32 s25, v33;
	v47 =	vld.idx.msk [tilespmem:v47+s2+$0x0], $0xffff;
	[tilespmem:s15+$0x10600] =	vst v45  }
0x2f7: {  	v39 =	vld.idx.msk [tilespmem:v39+s2+$0x0], $0xffff;
	[tilespmem:s16+$0x10F60] =	vst v44;
	v44 =	vadd.s32 s18, v4  }
0x2f8: {  	v45 =	vadd.s32 s20, v33;
	v38 =	vld.idx.msk [tilespmem:v38+s2+$0x0], $0xffff;
	[tilespmem:s16+$0x113B0] =	vst v49  }
0x2f9: {  	[tilespmem:s15+$0x10490] =	vst v40;
	v40 =	vadd.s32 s21, v33  }
0x2fa: {  	v42 =	vld.idx.msk [tilespmem:v42+s2+$0x0], $0xffff;
	[tilespmem:s15+$0x10510] =	vst v43;
	v43 =	vadd.s32 s17, v3  }
0x2fb: {  	v49 =	vadd.s32 s19, v35;
	v46 =	vld.idx.msk [tilespmem:v46+s2+$0x0], $0xffff;
	[tilespmem:s16+$0x11160] =	vst v41  }
0x2fc: {  	v41 =	vadd.s32 s22, v32;
	[tilespmem:s15+$0x10590] =	vst v47;
	v44 =	vld.idx.msk [tilespmem:v44+s2+$0x0], $0xffff  }
0x2fd: {  	v47 =	vadd.s32 s25, v32;
	v45 =	vld.idx.msk [tilespmem:v45+s2+$0x0], $0xffff;
	[tilespmem:s15+$0x10610] =	vst v39  }
0x2fe: {  	v39 =	vld.idx.msk [tilespmem:v40+s2+$0x0], $0xffff;
	[tilespmem:s16+$0x10F70] =	vst v38;
	v38 =	vadd.s32 s18, v3  }
0x2ff: {  	v40 =	vadd.s32 s20, v32;
	[tilespmem:s15+$0x10400] =	vst v48;
	v43 =	vld.idx.msk [tilespmem:v43+s2+$0x0], $0xffff  }
0x300: {  	v48 =	vld.idx.msk [tilespmem:v49+s2+$0x0], $0xffff;
	[tilespmem:s15+$0x104A0] =	vst v42;
	v42 =	vadd.s32 s21, v32  }
0x301: {  	v41 =	vld.idx.msk [tilespmem:v41+s2+$0x0], $0xffff;
	[tilespmem:s15+$0x10520] =	vst v46;
	v46 =	vadd.s32 s17, v2  }
0x302: {  	v49 =	vadd.s32 s19, v33;
	v47 =	vld.idx.msk [tilespmem:v47+s2+$0x0], $0xffff;
	[tilespmem:s16+$0x11170] =	vst v44  }
0x303: {  	v44 =	vadd.s32 s22, v31;
	[tilespmem:s15+$0x105A0] =	vst v45;
	v38 =	vld.idx.msk [tilespmem:v38+s2+$0x0], $0xffff  }
0x304: {  	v45 =	vadd.s32 s25, v31;
	v40 =	vld.idx.msk [tilespmem:v40+s2+$0x0], $0xffff;
	[tilespmem:s15+$0x10620] =	vst v39  }
0x305: {  	v39 =	vld.idx.msk [tilespmem:v42+s2+$0x0], $0xffff;
	[tilespmem:s16+$0x11300] =	vst v43;
	v42 =	vadd.s32 s18, v2  }
0x306: {  	v43 =	vadd.s32 s20, v31;
	[tilespmem:s15+$0x10410] =	vst v48;
	v46 =	vld.idx.msk [tilespmem:v46+s2+$0x0], $0xffff  }
0x307: {  	v48 =	vld.idx.msk [tilespmem:v49+s2+$0x0], $0xffff;
	[tilespmem:s15+$0x104B0] =	vst v41;
	v41 =	vadd.s32 s21, v31  }
0x308: {  	v44 =	vld.idx.msk [tilespmem:v44+s2+$0x0], $0xffff;
	[tilespmem:s15+$0x10530] =	vst v47;
	v47 =	vadd.s32 s17, v1  }
0x309: {  	v49 =	vadd.s32 s19, v32;
	v45 =	vld.idx.msk [tilespmem:v45+s2+$0x0], $0xffff;
	[tilespmem:s16+$0x11500] =	vst v38  }
0x30a: {  	v38 =	vadd.s32 s22, v30;
	[tilespmem:s15+$0x105B0] =	vst v40;
	v40 =	vld.idx.msk [tilespmem:v42+s2+$0x0], $0xffff  }
0x30b: {  	v42 =	vadd.s32 s25, v30;
	v43 =	vld.idx.msk [tilespmem:v43+s2+$0x0], $0xffff;
	[tilespmem:s15+$0x10630] =	vst v39  }
0x30c: {  	v39 =	vld.idx.msk [tilespmem:v41+s2+$0x0], $0xffff;
	[tilespmem:s16+$0x11310] =	vst v46;
	v41 =	vadd.s32 s18, v1  }
0x30d: {  	v46 =	vadd.s32 s20, v30;
	[tilespmem:s15+$0x10420] =	vst v48;
	v47 =	vld.idx.msk [tilespmem:v47+s2+$0x0], $0xffff  }
0x30e: {  	v48 =	vld.idx.msk [tilespmem:v49+s2+$0x0], $0xffff;
	[tilespmem:s15+$0x104C0] =	vst v44;
	v44 =	vadd.s32 s21, v30  }
0x30f: {  	v38 =	vld.idx.msk [tilespmem:v38+s2+$0x0], $0xffff;
	[tilespmem:s15+$0x10540] =	vst v45;
	v45 =	vadd.s32 s17, v0;
	s17 =	smov.u32 s26  }
0x310: {  	v49 =	vadd.s32 s19, v31;
	v42 =	vld.idx.msk [tilespmem:v42+s2+$0x0], $0xffff;
	[tilespmem:s16+$0x11510] =	vst v40  }
0x311: {  	v40 =	vadd.s32 s22, v29;
	[tilespmem:s15+$0x105C0] =	vst v43;
	v41 =	vld.idx.msk [tilespmem:v41+s2+$0x0], $0xffff  }
0x312: {  	v43 =	vadd.s32 s25, v29;
	v46 =	vld.idx.msk [tilespmem:v46+s2+$0x0], $0xffff;
	[tilespmem:s15+$0x10640] =	vst v39  }
0x313: {  	v39 =	vld.idx.msk [tilespmem:v44+s2+$0x0], $0xffff;
	[tilespmem:s16+$0x11320] =	vst v47;
	v44 =	vadd.s32 s18, v0;
	s18 =	smov.u32 s25  }
0x314: {  	v47 =	vadd.s32 s20, v29;
	[tilespmem:s15+$0x10430] =	vst v48;
	v45 =	vld.idx.msk [tilespmem:v45+s2+$0x0], $0xffff  }
0x315: {  	v48 =	vld.idx.msk [tilespmem:v49+s2+$0x0], $0xffff;
	[tilespmem:s15+$0x104D0] =	vst v38;
	v49 =	vadd.s32 s21, v29  }
0x316: {  	v40 =	vld.idx.msk [tilespmem:v40+s2+$0x0], $0xffff;
	[tilespmem:s15+$0x10550] =	vst v42  }
0x317: {  	v50 =	vadd.s32 s19, v30;
	v51 =	vld.idx.msk [tilespmem:v43+s2+$0x0], $0xffff;
	[tilespmem:s16+$0x11520] =	vst v41  }
0x318: {  	v52 =	vadd.s32 s22, v28;
	[tilespmem:s15+$0x105D0] =	vst v46;
	v38 =	vld.idx.msk [tilespmem:v44+s2+$0x0], $0xffff  }
.Ltmp0:
0x319: {  	v46 =	vadd.s32 s17, v32;
	v42 =	vld.idx.msk [tilespmem:v47+s2+$0x0], $0xffff;
	[tilespmem:s15+$0x10650] =	vst v39;
	(pc) =	sbr.rel @p0 .LBB2_2-.Ltmp0, $4  }
0x31a: {  	v41 =	vld.idx.msk [tilespmem:v49+s2+$0x0], $0xffff;
	[tilespmem:s16+$0x11330] =	vst v45  }
0x31b: {  	v45 =	vadd.s32 s20, v28;
	[tilespmem:s15+$0x10440] =	vst v48  }
0x31c: {  	v44 =	vadd.s32 s21, v28;
	v39 =	vld.idx.msk [tilespmem:v50+s2+$0x0], $0xffff;
	[tilespmem:s15+$0x104E0] =	vst v40  }
0x31d: {  	v43 =	vadd.s32 s23, v35;
	v40 =	vld.idx.msk [tilespmem:v52+s2+$0x0], $0xffff;
	[tilespmem:s15+$0x10560] =	vst v51  }
0x31e: {  	_ =	sdelay $0x2  }
0x31f: {  	[tilespmem:s15+$0x105E0] =	vst v42  }
0x320: {  	v46 =	vld.idx.msk [tilespmem:v46+s2+$0x0], $0xffff;
	v58 =	vadd.s32 s22, v27;
	[tilespmem:s15+$0x10380] =	vst v37  }
0x321: {  	v59 =	vadd.s32 s17, v31;
	[tilespmem:s16+$0x11530] =	vst v38;
	v45 =	vld.idx.msk [tilespmem:v45+s2+$0x0], $0xffff  }
0x322: {  	v61 =	vadd.s32 s20, v27;
	[tilespmem:s15+$0x10660] =	vst v41;
	v43 =	vld.idx.msk [tilespmem:v43+s2+$0x0], $0xffff  }
0x323: {  	v63 =	vadd.s32 s23, v33;
	v60 =	vld.idx.msk [tilespmem:v44+s2+$0x0], $0xffff;
	[tilespmem:s15+$0x10450] =	vst v39  }
0x324: {  	v62 =	vadd.s32 s21, v27;
	v36 =	vld.idx.msk [tilespmem:v36+s2+$0x0], $0xffff;
	[tilespmem:s15+$0x104F0] =	vst v40  }
0x325: {  	v48 =	vadd.s32 s19, v28;
	[tilespmem:s15+$0x10330] =	vst v46;
	v42 =	vld.idx.msk [tilespmem:v58+s2+$0x0], $0xffff  }
0x326: {  	v49 =	vadd.s32 s22, v26;
	v41 =	vld.idx.msk [tilespmem:v59+s2+$0x0], $0xffff;
	[tilespmem:s15+$0x105F0] =	vst v45  }
0x327: {  	v50 =	vadd.s32 s17, v30;
	[tilespmem:s15+$0x10390] =	vst v43;
	v44 =	vld.idx.msk [tilespmem:v61+s2+$0x0], $0xffff  }
0x328: {  	v51 =	vadd.s32 s20, v26;
	[tilespmem:s15+$0x10670] =	vst v60;
	v40 =	vld.idx.msk [tilespmem:v63+s2+$0x0], $0xffff  }
0x329: {  	v47 =	vadd.s32 s23, v32;
	v39 =	vld.idx.msk [tilespmem:v62+s2+$0x0], $0xffff;
	[tilespmem:s15+$0x10460] =	vst v36  }
0x32a: {  	v52 =	vadd.s32 s21, v26;
	v46 =	vld.idx.msk [tilespmem:v48+s2+$0x0], $0xffff;
	[tilespmem:s15+$0x10880] =	vst v42  }
0x32b: {  	v53 =	vadd.s32 s19, v27;
	[tilespmem:s15+$0x10340] =	vst v41;
	v42 =	vld.idx.msk [tilespmem:v49+s2+$0x0], $0xffff  }
0x32c: {  	v54 =	vadd.s32 s22, v25;
	v37 =	vld.idx.msk [tilespmem:v50+s2+$0x0], $0xffff;
	[tilespmem:s15+$0x10980] =	vst v44  }
0x32d: {  	v55 =	vadd.s32 s17, v29;
	[tilespmem:s15+$0x103A0] =	vst v40;
	v43 =	vld.idx.msk [tilespmem:v51+s2+$0x0], $0xffff  }
0x32e: {  	v56 =	vadd.s32 s20, v25;
	[tilespmem:s15+$0x10A00] =	vst v39;
	v57 =	vld.idx.msk [tilespmem:v47+s2+$0x0], $0xffff  }
0x32f: {  	v59 =	vadd.s32 s23, v31;
	v36 =	vld.idx.msk [tilespmem:v52+s2+$0x0], $0xffff;
	[tilespmem:s15+$0x10470] =	vst v46  }
0x330: {  	v58 =	vadd.s32 s21, v25;
	v41 =	vld.idx.msk [tilespmem:v53+s2+$0x0], $0xffff;
	[tilespmem:s15+$0x10890] =	vst v42  }
0x331: {  	v60 =	vadd.s32 s19, v26;
	[tilespmem:s15+$0x10350] =	vst v37;
	v42 =	vld.idx.msk [tilespmem:v54+s2+$0x0], $0xffff  }
0x332: {  	v61 =	vadd.s32 s22, v24;
	v39 =	vld.idx.msk [tilespmem:v55+s2+$0x0], $0xffff;
	[tilespmem:s15+$0x10990] =	vst v43  }
0x333: {  	v62 =	vadd.s32 s17, v28;
	[tilespmem:s15+$0x103B0] =	vst v57;
	v40 =	vld.idx.msk [tilespmem:v56+s2+$0x0], $0xffff  }
0x334: {  	v48 =	vadd.s32 s20, v24;
	[tilespmem:s15+$0x10A10] =	vst v36;
	v49 =	vld.idx.msk [tilespmem:v59+s2+$0x0], $0xffff  }
0x335: {  	v51 =	vadd.s32 s23, v30;
	v63 =	vld.idx.msk [tilespmem:v58+s2+$0x0], $0xffff;
	[tilespmem:s15+$0x10800] =	vst v41  }
0x336: {  	v50 =	vadd.s32 s21, v24;
	v37 =	vld.idx.msk [tilespmem:v60+s2+$0x0], $0xffff;
	[tilespmem:s15+$0x108A0] =	vst v42  }
0x337: {  	v52 =	vadd.s32 s19, v25;
	[tilespmem:s15+$0x10360] =	vst v39;
	v42 =	vld.idx.msk [tilespmem:v61+s2+$0x0], $0xffff  }
0x338: {  	v53 =	vadd.s32 s22, v23;
	v36 =	vld.idx.msk [tilespmem:v62+s2+$0x0], $0xffff;
	[tilespmem:s15+$0x109A0] =	vst v40  }
0x339: {  	v55 =	vadd.s32 s17, v27;
	[tilespmem:s15+$0x103C0] =	vst v49;
	v54 =	vld.idx.msk [tilespmem:v48+s2+$0x0], $0xffff  }
0x33a: {  	v56 =	vadd.s32 s20, v23;
	[tilespmem:s15+$0x10A20] =	vst v63;
	v46 =	vld.idx.msk [tilespmem:v51+s2+$0x0], $0xffff  }
0x33b: {  	v58 =	vadd.s32 s23, v29;
	v41 =	vld.idx.msk [tilespmem:v50+s2+$0x0], $0xffff;
	[tilespmem:s15+$0x10810] =	vst v37  }
0x33c: {  	v57 =	vadd.s32 s21, v23;
	v39 =	vld.idx.msk [tilespmem:v52+s2+$0x0], $0xffff;
	[tilespmem:s15+$0x108B0] =	vst v42  }
0x33d: {  	v59 =	vadd.s32 s19, v24;
	[tilespmem:s15+$0x10370] =	vst v36;
	v40 =	vld.idx.msk [tilespmem:v53+s2+$0x0], $0xffff  }
0x33e: {  	v61 =	vadd.s32 s22, v22;
	v60 =	vld.idx.msk [tilespmem:v55+s2+$0x0], $0xffff;
	[tilespmem:s15+$0x109B0] =	vst v54  }
0x33f: {  	v63 =	vadd.s32 s17, v26;
	[tilespmem:s15+$0x103D0] =	vst v46;
	v62 =	vld.idx.msk [tilespmem:v56+s2+$0x0], $0xffff  }
0x340: {  	v48 =	vadd.s32 s20, v22;
	[tilespmem:s15+$0x10A30] =	vst v41;
	v46 =	vld.idx.msk [tilespmem:v58+s2+$0x0], $0xffff  }
0x341: {  	v50 =	vadd.s32 s23, v28;
	v37 =	vld.idx.msk [tilespmem:v57+s2+$0x0], $0xffff;
	[tilespmem:s15+$0x10820] =	vst v39  }
0x342: {  	v49 =	vadd.s32 s21, v22;
	v36 =	vld.idx.msk [tilespmem:v59+s2+$0x0], $0xffff;
	[tilespmem:s15+$0x108C0] =	vst v40  }
0x343: {  	v51 =	vadd.s32 s19, v23;
	[tilespmem:s15+$0x10700] =	vst v60;
	v52 =	vld.idx.msk [tilespmem:v61+s2+$0x0], $0xffff  }
0x344: {  	v53 =	vadd.s32 s22, v21;
	v41 =	vld.idx.msk [tilespmem:v63+s2+$0x0], $0xffff;
	[tilespmem:s15+$0x109C0] =	vst v62  }
0x345: {  	v54 =	vadd.s32 s17, v25;
	[tilespmem:s15+$0x103E0] =	vst v46;
	v44 =	vld.idx.msk [tilespmem:v48+s2+$0x0], $0xffff  }
0x346: {  	v55 =	vadd.s32 s20, v21;
	[tilespmem:s15+$0x10A40] =	vst v37;
	v46 =	vld.idx.msk [tilespmem:v50+s2+$0x0], $0xffff  }
0x347: {  	v57 =	vadd.s32 s23, v27;
	v39 =	vld.idx.msk [tilespmem:v49+s2+$0x0], $0xffff;
	[tilespmem:s15+$0x10830] =	vst v36  }
0x348: {  	v56 =	vadd.s32 s21, v21;
	v40 =	vld.idx.msk [tilespmem:v51+s2+$0x0], $0xffff;
	[tilespmem:s15+$0x108D0] =	vst v52  }
0x349: {  	v58 =	vadd.s32 s19, v22;
	[tilespmem:s15+$0x10710] =	vst v41;
	v42 =	vld.idx.msk [tilespmem:v53+s2+$0x0], $0xffff  }
0x34a: {  	v59 =	vadd.s32 s22, v20;
	v37 =	vld.idx.msk [tilespmem:v54+s2+$0x0], $0xffff;
	[tilespmem:s15+$0x109D0] =	vst v44  }
0x34b: {  	v60 =	vadd.s32 s17, v24;
	[tilespmem:s15+$0x103F0] =	vst v46;
	v44 =	vld.idx.msk [tilespmem:v55+s2+$0x0], $0xffff  }
0x34c: {  	v61 =	vadd.s32 s20, v20;
	[tilespmem:s15+$0x10A50] =	vst v39;
	v46 =	vld.idx.msk [tilespmem:v57+s2+$0x0], $0xffff  }
0x34d: {  	v63 =	vadd.s32 s23, v26;
	v36 =	vld.idx.msk [tilespmem:v56+s2+$0x0], $0xffff;
	[tilespmem:s15+$0x10840] =	vst v40  }
0x34e: {  	v62 =	vadd.s32 s21, v20;
	v41 =	vld.idx.msk [tilespmem:v58+s2+$0x0], $0xffff;
	[tilespmem:s15+$0x108E0] =	vst v42  }
0x34f: {  	v48 =	vadd.s32 s19, v21;
	[tilespmem:s15+$0x10720] =	vst v37;
	v42 =	vld.idx.msk [tilespmem:v59+s2+$0x0], $0xffff  }
0x350: {  	v49 =	vadd.s32 s22, v19;
	v39 =	vld.idx.msk [tilespmem:v60+s2+$0x0], $0xffff;
	[tilespmem:s15+$0x109E0] =	vst v44  }
0x351: {  	v50 =	vadd.s32 s17, v23;
	[tilespmem:s15+$0x10780] =	vst v46;
	v44 =	vld.idx.msk [tilespmem:v61+s2+$0x0], $0xffff  }
0x352: {  	v51 =	vadd.s32 s20, v19;
	[tilespmem:s15+$0x10A60] =	vst v36;
	v46 =	vld.idx.msk [tilespmem:v63+s2+$0x0], $0xffff  }
0x353: {  	v53 =	vadd.s32 s23, v25;
	v40 =	vld.idx.msk [tilespmem:v62+s2+$0x0], $0xffff;
	[tilespmem:s15+$0x10850] =	vst v41  }
0x354: {  	v52 =	vadd.s32 s21, v19;
	v37 =	vld.idx.msk [tilespmem:v48+s2+$0x0], $0xffff;
	[tilespmem:s15+$0x108F0] =	vst v42  }
0x355: {  	v54 =	vadd.s32 s19, v20;
	[tilespmem:s15+$0x10730] =	vst v39;
	v42 =	vld.idx.msk [tilespmem:v49+s2+$0x0], $0xffff  }
0x356: {  	v55 =	vadd.s32 s22, v18;
	v36 =	vld.idx.msk [tilespmem:v50+s2+$0x0], $0xffff;
	[tilespmem:s15+$0x109F0] =	vst v44  }
0x357: {  	v56 =	vadd.s32 s17, v22;
	[tilespmem:s15+$0x10790] =	vst v46;
	v44 =	vld.idx.msk [tilespmem:v51+s2+$0x0], $0xffff  }
0x358: {  	v57 =	vadd.s32 s20, v18;
	[tilespmem:s15+$0x10A70] =	vst v40;
	v46 =	vld.idx.msk [tilespmem:v53+s2+$0x0], $0xffff  }
0x359: {  	v59 =	vadd.s32 s23, v24;
	v41 =	vld.idx.msk [tilespmem:v52+s2+$0x0], $0xffff;
	[tilespmem:s15+$0x10860] =	vst v37  }
0x35a: {  	v58 =	vadd.s32 s21, v18;
	v39 =	vld.idx.msk [tilespmem:v54+s2+$0x0], $0xffff;
	[tilespmem:s15+$0x10C80] =	vst v42  }
0x35b: {  	v60 =	vadd.s32 s19, v19;
	[tilespmem:s15+$0x10740] =	vst v36;
	v42 =	vld.idx.msk [tilespmem:v55+s2+$0x0], $0xffff  }
0x35c: {  	v61 =	vadd.s32 s22, v17;
	v40 =	vld.idx.msk [tilespmem:v56+s2+$0x0], $0xffff;
	[tilespmem:s15+$0x10D80] =	vst v44  }
0x35d: {  	v62 =	vadd.s32 s17, v21;
	[tilespmem:s15+$0x107A0] =	vst v46;
	v44 =	vld.idx.msk [tilespmem:v57+s2+$0x0], $0xffff  }
0x35e: {  	v63 =	vadd.s32 s20, v17;
	[tilespmem:s15+$0x10E00] =	vst v41;
	v46 =	vld.idx.msk [tilespmem:v59+s2+$0x0], $0xffff  }
0x35f: {  	v49 =	vadd.s32 s23, v23;
	v37 =	vld.idx.msk [tilespmem:v58+s2+$0x0], $0xffff;
	[tilespmem:s15+$0x10870] =	vst v39  }
0x360: {  	v48 =	vadd.s32 s21, v17;
	v36 =	vld.idx.msk [tilespmem:v60+s2+$0x0], $0xffff;
	[tilespmem:s15+$0x10C90] =	vst v42  }
0x361: {  	v50 =	vadd.s32 s19, v18;
	[tilespmem:s15+$0x10750] =	vst v40;
	v42 =	vld.idx.msk [tilespmem:v61+s2+$0x0], $0xffff  }
0x362: {  	v51 =	vadd.s32 s22, v16;
	v41 =	vld.idx.msk [tilespmem:v62+s2+$0x0], $0xffff;
	[tilespmem:s15+$0x10D90] =	vst v44  }
0x363: {  	v52 =	vadd.s32 s17, v20;
	[tilespmem:s15+$0x107B0] =	vst v46;
	v44 =	vld.idx.msk [tilespmem:v63+s2+$0x0], $0xffff  }
0x364: {  	v53 =	vadd.s32 s20, v16;
	[tilespmem:s15+$0x10E10] =	vst v37;
	v46 =	vld.idx.msk [tilespmem:v49+s2+$0x0], $0xffff  }
0x365: {  	v55 =	vadd.s32 s23, v22;
	v39 =	vld.idx.msk [tilespmem:v48+s2+$0x0], $0xffff;
	[tilespmem:s15+$0x10C00] =	vst v36  }
0x366: {  	v54 =	vadd.s32 s21, v16;
	v40 =	vld.idx.msk [tilespmem:v50+s2+$0x0], $0xffff;
	[tilespmem:s15+$0x10CA0] =	vst v42  }
0x367: {  	v56 =	vadd.s32 s19, v17;
	[tilespmem:s15+$0x10760] =	vst v41;
	v42 =	vld.idx.msk [tilespmem:v51+s2+$0x0], $0xffff  }
0x368: {  	v58 =	vadd.s32 s18, v28;
	v37 =	vld.idx.msk [tilespmem:v52+s2+$0x0], $0xffff;
	[tilespmem:s15+$0x10DA0] =	vst v44  }
0x369: {  	[tilespmem:s15+$0x107C0] =	vst v46;
	v57 =	vld.idx.msk [tilespmem:v53+s2+$0x0], $0xffff  }
0x36a: {  	[tilespmem:s15+$0x10E20] =	vst v39;
	v59 =	vld.idx.msk [tilespmem:v55+s2+$0x0], $0xffff  }
0x36b: {  	v36 =	vld.idx.msk [tilespmem:v54+s2+$0x0], $0xffff;
	[tilespmem:s15+$0x10C10] =	vst v40  }
0x36c: {  	v60 =	vld.idx.msk [tilespmem:v56+s2+$0x0], $0xffff;
	[tilespmem:s15+$0x10CB0] =	vst v42  }
0x36d: {  	v39 =	vld.idx.msk [tilespmem:v58+s2+$0x0], $0xffff  }
0x36e: {  	v61 =	vadd.s32 s18, v27;
	_ =	sdelay $0x3  }
0x36f: {  	[tilespmem:s15+$0x10570] =	vst v39  }
0x370: {  	v39 =	vld.idx.msk [tilespmem:v61+s2+$0x0], $0xffff  }
0x371: {  	v62 =	vadd.s32 s18, v26;
	_ =	sdelay $0x3  }
0x372: {  	[tilespmem:s15+$0x10900] =	vst v39  }
0x373: {  	v39 =	vld.idx.msk [tilespmem:v62+s2+$0x0], $0xffff  }
0x374: {  	v63 =	vadd.s32 s18, v25;
	_ =	sdelay $0x3  }
0x375: {  	[tilespmem:s15+$0x10910] =	vst v39  }
0x376: {  	v39 =	vld.idx.msk [tilespmem:v63+s2+$0x0], $0xffff  }
0x377: {  	v45 =	vadd.s32 s18, v24;
	_ =	sdelay $0x3  }
0x378: {  	[tilespmem:s15+$0x10920] =	vst v39  }
0x379: {  	v39 =	vld.idx.msk [tilespmem:v45+s2+$0x0], $0xffff  }
0x37a: {  	v46 =	vadd.s32 s18, v23;
	_ =	sdelay $0x2  }
0x37b: {  	v48 =	vadd.s32 s23, v21  }
0x37c: {  	[tilespmem:s15+$0x10930] =	vst v39  }
0x37d: {  	v39 =	vld.idx.msk [tilespmem:v46+s2+$0x0], $0xffff  }
0x37e: {  	v47 =	vadd.s32 s18, v22  }
0x37f: {  	[tilespmem:s15+$0x107D0] =	vst v59  }
0x380: {  	v54 =	vld.idx.msk [tilespmem:v48+s2+$0x0], $0xffff  }
0x381: {  	v55 =	vadd.s32 s23, v20  }
0x382: {  	[tilespmem:s15+$0x10940] =	vst v39  }
0x383: {  	v51 =	vadd.s32 s17, v19;
	v40 =	vld.idx.msk [tilespmem:v47+s2+$0x0], $0xffff  }
0x384: {  	v50 =	vadd.s32 s18, v21  }
0x385: {  	v49 =	vadd.s32 s22, v15;
	[tilespmem:s15+$0x107E0] =	vst v54  }
0x386: {  	v53 =	vadd.s32 s21, v15;
	[tilespmem:s15+$0x10770] =	vst v37;
	v62 =	vld.idx.msk [tilespmem:v55+s2+$0x0], $0xffff  }
0x387: {  	[tilespmem:s15+$0x10DB0] =	vst v57;
	v63 =	vadd.s32 s23, v19  }
0x388: {  	v52 =	vadd.s32 s20, v15;
	v57 =	vld.idx.msk [tilespmem:v51+s2+$0x0], $0xffff;
	[tilespmem:s15+$0x10950] =	vst v40  }
0x389: {  	v56 =	vadd.s32 s19, v16;
	v42 =	vld.idx.msk [tilespmem:v50+s2+$0x0], $0xffff  }
0x38a: {  	v58 =	vadd.s32 s18, v20;
	[tilespmem:s15+$0x10E30] =	vst v36;
	v39 =	vld.idx.msk [tilespmem:v49+s2+$0x0], $0xffff  }
0x38b: {  	v59 =	vadd.s32 s22, v14;
	v44 =	vld.idx.msk [tilespmem:v53+s2+$0x0], $0xffff;
	[tilespmem:s15+$0x107F0] =	vst v62  }
0x38c: {  	[tilespmem:s15+$0x10C20] =	vst v60;
	v60 =	vadd.s32 s17, v18;
	v54 =	vld.idx.msk [tilespmem:v63+s2+$0x0], $0xffff  }
0x38d: {  	v48 =	vadd.s32 s21, v14;
	[tilespmem:s15+$0x10B00] =	vst v57;
	v46 =	vld.idx.msk [tilespmem:v52+s2+$0x0], $0xffff  }
0x38e: {  	v61 =	vadd.s32 s20, v14;
	v40 =	vld.idx.msk [tilespmem:v56+s2+$0x0], $0xffff;
	[tilespmem:s15+$0x10960] =	vst v42  }
0x38f: {  	[tilespmem:s15+$0x10CC0] =	vst v39;
	v56 =	vadd.s32 s23, v18;
	v36 =	vld.idx.msk [tilespmem:v58+s2+$0x0], $0xffff  }
0x390: {  	[tilespmem:s15+$0x10E40] =	vst v44;
	v49 =	vld.idx.msk [tilespmem:v59+s2+$0x0], $0xffff;
	v50 =	vadd.s32 s18, v19  }
0x391: {  	v51 =	vadd.s32 s19, v15;
	v38 =	vld.idx.msk [tilespmem:v60+s2+$0x0], $0xffff;
	[tilespmem:s15+$0x10B80] =	vst v54  }
0x392: {  	v53 =	vadd.s32 s17, v17;
	v55 =	vld.idx.msk [tilespmem:v48+s2+$0x0], $0xffff;
	[tilespmem:s15+$0x10DC0] =	vst v46  }
0x393: {  	v37 =	vld.idx.msk [tilespmem:v61+s2+$0x0], $0xffff;
	v61 =	vadd.s32 s21, v13;
	[tilespmem:s15+$0x10C30] =	vst v40  }
0x394: {  	v52 =	vadd.s32 s22, v13;
	v48 =	vld.idx.msk [tilespmem:v56+s2+$0x0], $0xffff;
	[tilespmem:s15+$0x10970] =	vst v36  }
0x395: {  	[tilespmem:s15+$0x10CD0] =	vst v49;
	v49 =	vadd.s32 s23, v17;
	v58 =	vld.idx.msk [tilespmem:v50+s2+$0x0], $0xffff  }
0x396: {  	v60 =	vadd.s32 s18, v18;
	[tilespmem:s15+$0x10B10] =	vst v38;
	v59 =	vld.idx.msk [tilespmem:v51+s2+$0x0], $0xffff  }
0x397: {  	v62 =	vadd.s32 s19, v14;
	[tilespmem:s15+$0x10E50] =	vst v55;
	v39 =	vld.idx.msk [tilespmem:v53+s2+$0x0], $0xffff  }
0x398: {  	v57 =	vadd.s32 s20, v13;
	[tilespmem:s15+$0x10DD0] =	vst v37;
	v51 =	vld.idx.msk [tilespmem:v61+s2+$0x0], $0xffff  }
0x399: {  	v54 =	vadd.s32 s21, v12;
	v44 =	vld.idx.msk [tilespmem:v52+s2+$0x0], $0xffff;
	[tilespmem:s15+$0x10B90] =	vst v48  }
0x39a: {  	v63 =	vadd.s32 s22, v12;
	v56 =	vld.idx.msk [tilespmem:v49+s2+$0x0], $0xffff;
	[tilespmem:s15+$0x10D00] =	vst v58  }
0x39b: {  	[tilespmem:s15+$0x10C40] =	vst v59;
	v50 =	vadd.s32 s17, v16;
	v38 =	vld.idx.msk [tilespmem:v60+s2+$0x0], $0xffff  }
0x39c: {  	[tilespmem:s15+$0x10B20] =	vst v39;
	v52 =	vadd.s32 s18, v17;
	v37 =	vld.idx.msk [tilespmem:v62+s2+$0x0], $0xffff  }
0x39d: {  	v55 =	vadd.s32 s19, v13;
	[tilespmem:s15+$0x10E60] =	vst v51;
	v36 =	vld.idx.msk [tilespmem:v57+s2+$0x0], $0xffff  }
0x39e: {  	v53 =	vadd.s32 s20, v12;
	[tilespmem:s15+$0x10CE0] =	vst v44;
	v39 =	vld.idx.msk [tilespmem:v54+s2+$0x0], $0xffff  }
0x39f: {  	v48 =	vadd.s32 s21, v11;
	v40 =	vld.idx.msk [tilespmem:v63+s2+$0x0], $0xffff  }
0x3a0: {  	v57 =	vld.idx.msk [tilespmem:v50+s2+$0x0], $0xffff;
	v58 =	vadd.s32 s23, v16;
	[tilespmem:s15+$0x10D10] =	vst v38  }
0x3a1: {  	v59 =	vadd.s32 s22, v11;
	[tilespmem:s15+$0x10C50] =	vst v37;
	v44 =	vld.idx.msk [tilespmem:v52+s2+$0x0], $0xffff  }
0x3a2: {  	v61 =	vadd.s32 s18, v16;
	[tilespmem:s15+$0x10DE0] =	vst v36;
	v41 =	vld.idx.msk [tilespmem:v55+s2+$0x0], $0xffff  }
0x3a3: {  	v51 =	vadd.s32 s19, v12;
	[tilespmem:s15+$0x10E70] =	vst v39;
	v60 =	vld.idx.msk [tilespmem:v53+s2+$0x0], $0xffff  }
0x3a4: {  	v63 =	vadd.s32 s20, v11;
	[tilespmem:s15+$0x10BA0] =	vst v56;
	v36 =	vld.idx.msk [tilespmem:v48+s2+$0x0], $0xffff  }
0x3a5: {  	v56 =	vadd.s32 s21, v10;
	[tilespmem:s15+$0x10CF0] =	vst v40;
	v49 =	vld.idx.msk [tilespmem:v58+s2+$0x0], $0xffff  }
0x3a6: {  	v50 =	vadd.s32 s23, v15;
	v38 =	vld.idx.msk [tilespmem:v59+s2+$0x0], $0xffff;
	[tilespmem:s15+$0x10D20] =	vst v44  }
0x3a7: {  	v62 =	vadd.s32 s17, v15;
	[tilespmem:s15+$0x10C60] =	vst v41;
	v37 =	vld.idx.msk [tilespmem:v61+s2+$0x0], $0xffff  }
0x3a8: {  	v53 =	vadd.s32 s18, v15;
	[tilespmem:s15+$0x10DF0] =	vst v60;
	v58 =	vld.idx.msk [tilespmem:v51+s2+$0x0], $0xffff  }
0x3a9: {  	v54 =	vadd.s32 s22, v10;
	[tilespmem:s15+$0x11200] =	vst v36;
	v40 =	vld.idx.msk [tilespmem:v63+s2+$0x0], $0xffff  }
0x3aa: {  	v55 =	vadd.s32 s20, v10;
	v42 =	vld.idx.msk [tilespmem:v56+s2+$0x0], $0xffff;
	[tilespmem:s15+$0x10BB0] =	vst v49  }
0x3ab: {  	[tilespmem:s15+$0x10B30] =	vst v57;
	v57 =	vld.idx.msk [tilespmem:v50+s2+$0x0], $0xffff  }
0x3ac: {  	v59 =	vadd.s32 s23, v14;
	v52 =	vld.idx.msk [tilespmem:v62+s2+$0x0], $0xffff;
	[tilespmem:s15+$0x10D30] =	vst v37  }
0x3ad: {  	v60 =	vadd.s32 s17, v14;
	[tilespmem:s15+$0x11080] =	vst v38;
	v39 =	vld.idx.msk [tilespmem:v53+s2+$0x0], $0xffff  }
0x3ae: {  	v62 =	vadd.s32 s18, v14;
	[tilespmem:s15+$0x11180] =	vst v40;
	v61 =	vld.idx.msk [tilespmem:v54+s2+$0x0], $0xffff  }
0x3af: {  	[tilespmem:s15+$0x10C70] =	vst v58;
	v41 =	vld.idx.msk [tilespmem:v55+s2+$0x0], $0xffff;
	v55 =	vadd.s32 s21, v9  }
0x3b0: {  	v63 =	vadd.s32 s19, v11;
	[tilespmem:s15+$0x10BC0] =	vst v57  }
0x3b1: {  	v49 =	vadd.s32 s20, v9;
	[tilespmem:s15+$0x10B40] =	vst v52;
	v50 =	vld.idx.msk [tilespmem:v59+s2+$0x0], $0xffff  }
0x3b2: {  	v51 =	vadd.s32 s23, v13;
	v37 =	vld.idx.msk [tilespmem:v60+s2+$0x0], $0xffff;
	[tilespmem:s15+$0x10D40] =	vst v39  }
0x3b3: {  	[tilespmem:s15+$0x11210] =	vst v42;
	v52 =	vadd.s32 s17, v13;
	v40 =	vld.idx.msk [tilespmem:v62+s2+$0x0], $0xffff  }
0x3b4: {  	v54 =	vadd.s32 s18, v13;
	[tilespmem:s15+$0x11090] =	vst v61;
	v60 =	vld.idx.msk [tilespmem:v55+s2+$0x0], $0xffff  }
0x3b5: {  	v48 =	vadd.s32 s22, v9;
	[tilespmem:s15+$0x11190] =	vst v41;
	v53 =	vld.idx.msk [tilespmem:v63+s2+$0x0], $0xffff  }
0x3b6: {  	v38 =	vld.idx.msk [tilespmem:v49+s2+$0x0], $0xffff;
	v63 =	vadd.s32 s21, v8;
	[tilespmem:s15+$0x10BD0] =	vst v50  }
0x3b7: {  	v56 =	vadd.s32 s19, v10;
	v44 =	vld.idx.msk [tilespmem:v51+s2+$0x0], $0xffff;
	[tilespmem:s15+$0x10B50] =	vst v37  }
0x3b8: {  	v58 =	vadd.s32 s23, v12;
	v39 =	vld.idx.msk [tilespmem:v52+s2+$0x0], $0xffff;
	[tilespmem:s15+$0x10D50] =	vst v40  }
0x3b9: {  	v59 =	vadd.s32 s17, v12;
	[tilespmem:s15+$0x11220] =	vst v60;
	v41 =	vld.idx.msk [tilespmem:v54+s2+$0x0], $0xffff  }
0x3ba: {  	v61 =	vadd.s32 s18, v12;
	v36 =	vld.idx.msk [tilespmem:v48+s2+$0x0], $0xffff;
	[tilespmem:s15+$0x11000] =	vst v53  }
0x3bb: {  	v57 =	vadd.s32 s22, v8;
	[tilespmem:s15+$0x111A0] =	vst v38;
	v38 =	vld.idx.msk [tilespmem:v63+s2+$0x0], $0xffff  }
0x3bc: {  	v62 =	vadd.s32 s20, v8;
	v42 =	vld.idx.msk [tilespmem:v56+s2+$0x0], $0xffff;
	[tilespmem:s15+$0x10BE0] =	vst v44  }
0x3bd: {  	v48 =	vadd.s32 s19, v9;
	v37 =	vld.idx.msk [tilespmem:v58+s2+$0x0], $0xffff;
	[tilespmem:s15+$0x10B60] =	vst v39  }
0x3be: {  	v49 =	vadd.s32 s23, v11;
	v40 =	vld.idx.msk [tilespmem:v59+s2+$0x0], $0xffff;
	[tilespmem:s15+$0x10D60] =	vst v41  }
0x3bf: {  	v50 =	vadd.s32 s17, v11;
	[tilespmem:s15+$0x110A0] =	vst v36;
	v36 =	vld.idx.msk [tilespmem:v61+s2+$0x0], $0xffff  }
0x3c0: {  	v52 =	vadd.s32 s18, v11;
	v43 =	vld.idx.msk [tilespmem:v57+s2+$0x0], $0xffff;
	[tilespmem:s15+$0x11230] =	vst v38  }
0x3c1: {  	v53 =	vadd.s32 s22, v7;
	v51 =	vld.idx.msk [tilespmem:v62+s2+$0x0], $0xffff;
	[tilespmem:s15+$0x11010] =	vst v42  }
0x3c2: {  	v55 =	vadd.s32 s21, v7;
	v44 =	vld.idx.msk [tilespmem:v48+s2+$0x0], $0xffff;
	[tilespmem:s15+$0x10BF0] =	vst v37  }
0x3c3: {  	v54 =	vadd.s32 s20, v7;
	v39 =	vld.idx.msk [tilespmem:v49+s2+$0x0], $0xffff;
	[tilespmem:s15+$0x10B70] =	vst v40  }
0x3c4: {  	v56 =	vadd.s32 s23, v10;
	v41 =	vld.idx.msk [tilespmem:v50+s2+$0x0], $0xffff;
	[tilespmem:s15+$0x10D70] =	vst v36  }
0x3c5: {  	v57 =	vadd.s32 s17, v10;
	[tilespmem:s15+$0x110B0] =	vst v43;
	v42 =	vld.idx.msk [tilespmem:v52+s2+$0x0], $0xffff  }
0x3c6: {  	v59 =	vadd.s32 s18, v10;
	v58 =	vld.idx.msk [tilespmem:v53+s2+$0x0], $0xffff;
	[tilespmem:s15+$0x111B0] =	vst v51  }
0x3c7: {  	v60 =	vadd.s32 s19, v8;
	v37 =	vld.idx.msk [tilespmem:v55+s2+$0x0], $0xffff;
	[tilespmem:s15+$0x11020] =	vst v44  }
0x3c8: {  	v51 =	vadd.s32 s21, v6;
	v43 =	vld.idx.msk [tilespmem:v54+s2+$0x0], $0xffff;
	[tilespmem:s15+$0x10F80] =	vst v39  }
0x3c9: {  	v61 =	vadd.s32 s22, v6;
	v40 =	vld.idx.msk [tilespmem:v56+s2+$0x0], $0xffff;
	[tilespmem:s15+$0x10F00] =	vst v41  }
0x3ca: {  	v63 =	vadd.s32 s23, v9;
	v36 =	vld.idx.msk [tilespmem:v57+s2+$0x0], $0xffff;
	[tilespmem:s15+$0x11100] =	vst v42  }
0x3cb: {  	v48 =	vadd.s32 s17, v9;
	[tilespmem:s15+$0x110C0] =	vst v58;
	v38 =	vld.idx.msk [tilespmem:v59+s2+$0x0], $0xffff  }
0x3cc: {  	v50 =	vadd.s32 s18, v9;
	v49 =	vld.idx.msk [tilespmem:v60+s2+$0x0], $0xffff;
	[tilespmem:s15+$0x11240] =	vst v37  }
0x3cd: {  	v62 =	vadd.s32 s20, v6;
	[tilespmem:s15+$0x111C0] =	vst v43;
	v56 =	vld.idx.msk [tilespmem:v51+s2+$0x0], $0xffff  }
0x3ce: {  	v44 =	vld.idx.msk [tilespmem:v61+s2+$0x0], $0xffff;
	v52 =	vadd.s32 s19, v7;
	[tilespmem:s15+$0x10F90] =	vst v40  }
0x3cf: {  	v53 =	vadd.s32 s22, v5;
	v41 =	vld.idx.msk [tilespmem:v63+s2+$0x0], $0xffff;
	[tilespmem:s15+$0x10F10] =	vst v36  }
0x3d0: {  	v54 =	vadd.s32 s23, v8;
	v42 =	vld.idx.msk [tilespmem:v48+s2+$0x0], $0xffff;
	[tilespmem:s15+$0x11110] =	vst v38  }
0x3d1: {  	v55 =	vadd.s32 s17, v8;
	[tilespmem:s15+$0x11030] =	vst v49;
	v43 =	vld.idx.msk [tilespmem:v50+s2+$0x0], $0xffff  }
0x3d2: {  	v39 =	vld.idx.msk [tilespmem:v62+s2+$0x0], $0xffff;
	v57 =	vadd.s32 s18, v8;
	[tilespmem:s15+$0x11250] =	vst v56  }
0x3d3: {  	v58 =	vadd.s32 s20, v5;
	[tilespmem:s15+$0x110D0] =	vst v44;
	v37 =	vld.idx.msk [tilespmem:v52+s2+$0x0], $0xffff  }
0x3d4: {  	v40 =	vld.idx.msk [tilespmem:v53+s2+$0x0], $0xffff;
	v59 =	vadd.s32 s21, v5;
	[tilespmem:s15+$0x10FA0] =	vst v41  }
0x3d5: {  	v60 =	vadd.s32 s19, v6;
	v36 =	vld.idx.msk [tilespmem:v54+s2+$0x0], $0xffff;
	[tilespmem:s15+$0x10F20] =	vst v42  }
0x3d6: {  	v61 =	vadd.s32 s23, v7;
	v38 =	vld.idx.msk [tilespmem:v55+s2+$0x0], $0xffff;
	[tilespmem:s15+$0x11120] =	vst v43  }
0x3d7: {  	v62 =	vadd.s32 s17, v7;
	[tilespmem:s15+$0x111D0] =	vst v39;
	v44 =	vld.idx.msk [tilespmem:v57+s2+$0x0], $0xffff  }
0x3d8: {  	v63 =	vld.idx.msk [tilespmem:v58+s2+$0x0], $0xffff;
	v48 =	vadd.s32 s18, v7;
	[tilespmem:s15+$0x11040] =	vst v37  }
0x3d9: {  	v49 =	vadd.s32 s22, v4;
	[tilespmem:s15+$0x110E0] =	vst v40;
	v39 =	vld.idx.msk [tilespmem:v59+s2+$0x0], $0xffff  }
0x3da: {  	v41 =	vld.idx.msk [tilespmem:v60+s2+$0x0], $0xffff;
	v50 =	vadd.s32 s20, v4;
	[tilespmem:s15+$0x10FB0] =	vst v36  }
0x3db: {  	v51 =	vadd.s32 s21, v4;
	v42 =	vld.idx.msk [tilespmem:v61+s2+$0x0], $0xffff;
	[tilespmem:s15+$0x10F30] =	vst v38  }
0x3dc: {  	v52 =	vadd.s32 s23, v6;
	v43 =	vld.idx.msk [tilespmem:v62+s2+$0x0], $0xffff;
	[tilespmem:s15+$0x11130] =	vst v44  }
0x3dd: {  	v53 =	vadd.s32 s17, v6;
	[tilespmem:s15+$0x111E0] =	vst v63;
	v37 =	vld.idx.msk [tilespmem:v48+s2+$0x0], $0xffff  }
0x3de: {  	v54 =	vld.idx.msk [tilespmem:v49+s2+$0x0], $0xffff;
	v55 =	vadd.s32 s18, v6;
	[tilespmem:s15+$0x11260] =	vst v39  }
0x3df: {  	v56 =	vadd.s32 s19, v5;
	[tilespmem:s15+$0x11050] =	vst v41;
	v40 =	vld.idx.msk [tilespmem:v50+s2+$0x0], $0xffff  }
0x3e0: {  	v36 =	vld.idx.msk [tilespmem:v51+s2+$0x0], $0xffff;
	v57 =	vadd.s32 s22, v3;
	[tilespmem:s15+$0x10FC0] =	vst v42  }
0x3e1: {  	v58 =	vadd.s32 s20, v3;
	v38 =	vld.idx.msk [tilespmem:v52+s2+$0x0], $0xffff;
	[tilespmem:s15+$0x10F40] =	vst v43  }
0x3e2: {  	v59 =	vadd.s32 s23, v5;
	v44 =	vld.idx.msk [tilespmem:v53+s2+$0x0], $0xffff;
	[tilespmem:s15+$0x11140] =	vst v37  }
0x3e3: {  	v60 =	vadd.s32 s17, v5;
	[tilespmem:s15+$0x110F0] =	vst v54;
	v39 =	vld.idx.msk [tilespmem:v55+s2+$0x0], $0xffff  }
0x3e4: {  	v61 =	vld.idx.msk [tilespmem:v56+s2+$0x0], $0xffff;
	v62 =	vadd.s32 s18, v5;
	[tilespmem:s15+$0x111F0] =	vst v40  }
0x3e5: {  	v63 =	vadd.s32 s21, v3;
	[tilespmem:s15+$0x11270] =	vst v36;
	v41 =	vld.idx.msk [tilespmem:v57+s2+$0x0], $0xffff  }
0x3e6: {  	v42 =	vld.idx.msk [tilespmem:v58+s2+$0x0], $0xffff;
	v48 =	vadd.s32 s19, v4;
	[tilespmem:s15+$0x10FD0] =	vst v38  }
0x3e7: {  	v49 =	vadd.s32 s22, v2;
	v43 =	vld.idx.msk [tilespmem:v59+s2+$0x0], $0xffff;
	[tilespmem:s15+$0x10F50] =	vst v44  }
0x3e8: {  	v50 =	vadd.s32 s23, v4;
	v37 =	vld.idx.msk [tilespmem:v60+s2+$0x0], $0xffff;
	[tilespmem:s15+$0x11150] =	vst v39  }
0x3e9: {  	v51 =	vadd.s32 s17, v4;
	[tilespmem:s15+$0x11060] =	vst v61;
	v40 =	vld.idx.msk [tilespmem:v62+s2+$0x0], $0xffff  }
0x3ea: {  	v52 =	vld.idx.msk [tilespmem:v63+s2+$0x0], $0xffff;
	v53 =	vadd.s32 s18, v4;
	[tilespmem:s15+$0x11480] =	vst v41  }
0x3eb: {  	v54 =	vadd.s32 s20, v2;
	[tilespmem:s15+$0x11580] =	vst v42;
	v36 =	vld.idx.msk [tilespmem:v48+s2+$0x0], $0xffff  }
0x3ec: {  	v38 =	vld.idx.msk [tilespmem:v49+s2+$0x0], $0xffff;
	v55 =	vadd.s32 s21, v2;
	[tilespmem:s15+$0x10FE0] =	vst v43  }
0x3ed: {  	v56 =	vadd.s32 s19, v3;
	v44 =	vld.idx.msk [tilespmem:v50+s2+$0x0], $0xffff;
	[tilespmem:s15+$0x10F60] =	vst v37  }
0x3ee: {  	v57 =	vadd.s32 s23, v3;
	v39 =	vld.idx.msk [tilespmem:v51+s2+$0x0], $0xffff;
	[tilespmem:s15+$0x11160] =	vst v40  }
0x3ef: {  	v58 =	vadd.s32 s17, v3;
	[tilespmem:s15+$0x11600] =	vst v52;
	v41 =	vld.idx.msk [tilespmem:v53+s2+$0x0], $0xffff  }
0x3f0: {  	v59 =	vld.idx.msk [tilespmem:v54+s2+$0x0], $0xffff;
	v60 =	vadd.s32 s18, v3;
	[tilespmem:s15+$0x11070] =	vst v36  }
0x3f1: {  	v61 =	vadd.s32 s22, v1;
	[tilespmem:s15+$0x11490] =	vst v38;
	v42 =	vld.idx.msk [tilespmem:v55+s2+$0x0], $0xffff  }
0x3f2: {  	v43 =	vld.idx.msk [tilespmem:v56+s2+$0x0], $0xffff;
	v62 =	vadd.s32 s20, v1;
	[tilespmem:s15+$0x10FF0] =	vst v44  }
0x3f3: {  	v63 =	vadd.s32 s19, v2;
	v37 =	vld.idx.msk [tilespmem:v57+s2+$0x0], $0xffff;
	[tilespmem:s15+$0x10F70] =	vst v39  }
0x3f4: {  	v48 =	vadd.s32 s23, v2;
	v40 =	vld.idx.msk [tilespmem:v58+s2+$0x0], $0xffff;
	[tilespmem:s15+$0x11170] =	vst v41  }
0x3f5: {  	v49 =	vadd.s32 s17, v2;
	[tilespmem:s15+$0x11590] =	vst v59;
	v36 =	vld.idx.msk [tilespmem:v60+s2+$0x0], $0xffff  }
0x3f6: {  	v50 =	vld.idx.msk [tilespmem:v61+s2+$0x0], $0xffff;
	v51 =	vadd.s32 s18, v2;
	[tilespmem:s15+$0x11610] =	vst v42  }
0x3f7: {  	v52 =	vadd.s32 s21, v1;
	[tilespmem:s15+$0x11400] =	vst v43;
	v38 =	vld.idx.msk [tilespmem:v62+s2+$0x0], $0xffff  }
0x3f8: {  	v44 =	vld.idx.msk [tilespmem:v63+s2+$0x0], $0xffff;
	v53 =	vadd.s32 s22, v0;
	[tilespmem:s15+$0x11380] =	vst v37  }
0x3f9: {  	v54 =	vadd.s32 s19, v1;
	v39 =	vld.idx.msk [tilespmem:v48+s2+$0x0], $0xffff;
	[tilespmem:s15+$0x11300] =	vst v40  }
0x3fa: {  	v55 =	vadd.s32 s23, v1;
	v41 =	vld.idx.msk [tilespmem:v49+s2+$0x0], $0xffff;
	[tilespmem:s15+$0x11500] =	vst v36  }
0x3fb: {  	v56 =	vadd.s32 s17, v1;
	[tilespmem:s15+$0x114A0] =	vst v50;
	v42 =	vld.idx.msk [tilespmem:v51+s2+$0x0], $0xffff  }
0x3fc: {  	v57 =	vld.idx.msk [tilespmem:v52+s2+$0x0], $0xffff;
	v58 =	vadd.s32 s18, v1;
	[tilespmem:s15+$0x115A0] =	vst v38  }
0x3fd: {  	v59 =	vadd.s32 s20, v0;
	[tilespmem:s15+$0x11410] =	vst v44;
	v43 =	vld.idx.msk [tilespmem:v53+s2+$0x0], $0xffff  }
0x3fe: {  	v37 =	vld.idx.msk [tilespmem:v54+s2+$0x0], $0xffff;
	v60 =	vadd.s32 s21, v0;
	[tilespmem:s15+$0x11390] =	vst v39  }
0x3ff: {  	v61 =	vadd.s32 s19, v0;
	v40 =	vld.idx.msk [tilespmem:v55+s2+$0x0], $0xffff;
	[tilespmem:s15+$0x11310] =	vst v41  }
0x400: {  	v62 =	vadd.s32 s23, v0;
	v36 =	vld.idx.msk [tilespmem:v56+s2+$0x0], $0xffff;
	[tilespmem:s15+$0x11510] =	vst v42  }
0x401: {  	v63 =	vadd.s32 s17, v0;
	[tilespmem:s15+$0x11620] =	vst v57;
	v38 =	vld.idx.msk [tilespmem:v58+s2+$0x0], $0xffff  }
0x402: {  	v48 =	vld.idx.msk [tilespmem:v59+s2+$0x0], $0xffff;
	v49 =	vadd.s32 s18, v0;
	[tilespmem:s15+$0x114B0] =	vst v43  }
0x403: {  	[tilespmem:s15+$0x11420] =	vst v37;
	v44 =	vld.idx.msk [tilespmem:v60+s2+$0x0], $0xffff  }
0x404: {  	v37 =	vld.idx.msk [tilespmem:v61+s2+$0x0], $0xffff;
	[tilespmem:s15+$0x113A0] =	vst v40  }
0x405: {  	v50 =	vld.idx.msk [tilespmem:v62+s2+$0x0], $0xffff;
	[tilespmem:s15+$0x11320] =	vst v36  }
0x406: {  	v36 =	vld.idx.msk [tilespmem:v63+s2+$0x0], $0xffff;
	[tilespmem:s15+$0x11520] =	vst v38  }
0x407: {  	[tilespmem:s15+$0x115B0] =	vst v48;
	v38 =	vld.idx.msk [tilespmem:v49+s2+$0x0], $0xffff  }
0x408: {  	[tilespmem:s15+$0x11630] =	vst v44  }
0x409: {  	[tilespmem:s15+$0x11430] =	vst v37  }
0x40a: {  	s0 =	simm.s32 $0x8000;
	[tilespmem:s15+$0x113B0] =	vst v50  }
0x40b: {  	v51 =	vadd.s32 s0, v34;
	[tilespmem:s15+$0x11330] =	vst v36  }
0x40c: {  	[tilespmem:s15+$0x11530] =	vst v38  }
0x40d: {  	_ =	swait.ge [sflag:s12], $0x8000  }
0x40e: {  	[sflag:s12] =	ssyncset.done $0x0  }
0x40f: {  	[sflag:s12] =	ssyncadd.s32 $0xFFFF8000  }
0x410: {  	v36 =	vld.idx.msk [tilespmem:v51+s2+$0x0], $0xffff  }
0x411: {  	s1 =	simm.s32 $0x4;
	v52 =	vadd.s32 s0, v35  }
0x412: {  	s1 =	smul.u32 $0x5000, s1;
	_ =	sdelay $0x1  }
0x413: {  	s16 =	sshra.s32 s1, $0x2  }
0x414: {  	[tilespmem:s16+$0x10280] =	vst v36  }
0x415: {  	v36 =	vld.idx.msk [tilespmem:v52+s2+$0x0], $0xffff  }
0x416: {  	v53 =	vadd.s32 s0, v33;
	_ =	sdelay $0x3  }
0x417: {  	[tilespmem:s16+$0x10290] =	vst v36  }
0x418: {  	v36 =	vld.idx.msk [tilespmem:v53+s2+$0x0], $0xffff  }
0x419: {  	v54 =	vadd.s32 s0, v32;
	_ =	sdelay $0x3  }
0x41a: {  	[tilespmem:s16+$0x102A0] =	vst v36  }
0x41b: {  	v36 =	vld.idx.msk [tilespmem:v54+s2+$0x0], $0xffff  }
0x41c: {  	v55 =	vadd.s32 s0, v31;
	_ =	sdelay $0x3  }
0x41d: {  	[tilespmem:s16+$0x102B0] =	vst v36  }
0x41e: {  	v36 =	vld.idx.msk [tilespmem:v55+s2+$0x0], $0xffff  }
0x41f: {  	v56 =	vadd.s32 s0, v30;
	_ =	sdelay $0x3  }
0x420: {  	[tilespmem:s16+$0x102C0] =	vst v36  }
0x421: {  	v36 =	vld.idx.msk [tilespmem:v56+s2+$0x0], $0xffff  }
0x422: {  	v57 =	vadd.s32 s0, v29;
	_ =	sdelay $0x3  }
0x423: {  	[tilespmem:s16+$0x102D0] =	vst v36  }
0x424: {  	v36 =	vld.idx.msk [tilespmem:v57+s2+$0x0], $0xffff  }
0x425: {  	v58 =	vadd.s32 s0, v28;
	_ =	sdelay $0x3  }
0x426: {  	[tilespmem:s16+$0x102E0] =	vst v36  }
0x427: {  	v36 =	vld.idx.msk [tilespmem:v58+s2+$0x0], $0xffff  }
0x428: {  	v59 =	vadd.s32 s0, v27;
	_ =	sdelay $0x3  }
0x429: {  	[tilespmem:s16+$0x102F0] =	vst v36  }
0x42a: {  	v36 =	vld.idx.msk [tilespmem:v59+s2+$0x0], $0xffff  }
0x42b: {  	v60 =	vadd.s32 s0, v26;
	_ =	sdelay $0x3  }
0x42c: {  	[tilespmem:s16+$0x10680] =	vst v36  }
0x42d: {  	v36 =	vld.idx.msk [tilespmem:v60+s2+$0x0], $0xffff  }
0x42e: {  	v61 =	vadd.s32 s0, v25;
	_ =	sdelay $0x3  }
0x42f: {  	[tilespmem:s16+$0x10690] =	vst v36  }
0x430: {  	v36 =	vld.idx.msk [tilespmem:v61+s2+$0x0], $0xffff  }
0x431: {  	v62 =	vadd.s32 s0, v24;
	_ =	sdelay $0x3  }
0x432: {  	[tilespmem:s16+$0x106A0] =	vst v36  }
0x433: {  	v36 =	vld.idx.msk [tilespmem:v62+s2+$0x0], $0xffff  }
0x434: {  	v63 =	vadd.s32 s0, v23;
	_ =	sdelay $0x3  }
0x435: {  	[tilespmem:s16+$0x106B0] =	vst v36  }
0x436: {  	v36 =	vld.idx.msk [tilespmem:v63+s2+$0x0], $0xffff  }
0x437: {  	v40 =	vadd.s32 s0, v22;
	_ =	sdelay $0x3  }
0x438: {  	[tilespmem:s16+$0x106C0] =	vst v36  }
0x439: {  	v36 =	vld.idx.msk [tilespmem:v40+s2+$0x0], $0xffff  }
0x43a: {  	v41 =	vadd.s32 s0, v21;
	_ =	sdelay $0x3  }
0x43b: {  	[tilespmem:s16+$0x106D0] =	vst v36  }
0x43c: {  	v36 =	vld.idx.msk [tilespmem:v41+s2+$0x0], $0xffff  }
0x43d: {  	v42 =	vadd.s32 s0, v20;
	_ =	sdelay $0x3  }
0x43e: {  	[tilespmem:s16+$0x106E0] =	vst v36  }
0x43f: {  	v36 =	vld.idx.msk [tilespmem:v42+s2+$0x0], $0xffff  }
0x440: {  	v43 =	vadd.s32 s0, v19;
	_ =	sdelay $0x3  }
0x441: {  	[tilespmem:s16+$0x106F0] =	vst v36  }
0x442: {  	v36 =	vld.idx.msk [tilespmem:v43+s2+$0x0], $0xffff  }
0x443: {  	v44 =	vadd.s32 s0, v18;
	_ =	sdelay $0x3  }
0x444: {  	[tilespmem:s16+$0x10A80] =	vst v36  }
0x445: {  	v36 =	vld.idx.msk [tilespmem:v44+s2+$0x0], $0xffff  }
0x446: {  	v45 =	vadd.s32 s0, v17;
	_ =	sdelay $0x3  }
0x447: {  	[tilespmem:s16+$0x10A90] =	vst v36  }
0x448: {  	v36 =	vld.idx.msk [tilespmem:v45+s2+$0x0], $0xffff  }
0x449: {  	v46 =	vadd.s32 s0, v16;
	_ =	sdelay $0x3  }
0x44a: {  	[tilespmem:s16+$0x10AA0] =	vst v36  }
0x44b: {  	v36 =	vld.idx.msk [tilespmem:v46+s2+$0x0], $0xffff  }
0x44c: {  	v47 =	vadd.s32 s0, v15;
	_ =	sdelay $0x3  }
0x44d: {  	[tilespmem:s16+$0x10AB0] =	vst v36  }
0x44e: {  	v36 =	vld.idx.msk [tilespmem:v47+s2+$0x0], $0xffff  }
0x44f: {  	v48 =	vadd.s32 s0, v14;
	_ =	sdelay $0x3  }
0x450: {  	[tilespmem:s16+$0x10AC0] =	vst v36  }
0x451: {  	v36 =	vld.idx.msk [tilespmem:v48+s2+$0x0], $0xffff  }
0x452: {  	v49 =	vadd.s32 s0, v13;
	_ =	sdelay $0x3  }
0x453: {  	[tilespmem:s16+$0x10AD0] =	vst v36  }
0x454: {  	v36 =	vld.idx.msk [tilespmem:v49+s2+$0x0], $0xffff  }
0x455: {  	v50 =	vadd.s32 s0, v12;
	_ =	sdelay $0x3  }
0x456: {  	[tilespmem:s16+$0x10AE0] =	vst v36  }
0x457: {  	v36 =	vld.idx.msk [tilespmem:v50+s2+$0x0], $0xffff  }
0x458: {  	v51 =	vadd.s32 s0, v11;
	_ =	sdelay $0x3  }
0x459: {  	[tilespmem:s16+$0x10AF0] =	vst v36  }
0x45a: {  	v36 =	vld.idx.msk [tilespmem:v51+s2+$0x0], $0xffff  }
0x45b: {  	v52 =	vadd.s32 s0, v10;
	_ =	sdelay $0x3  }
0x45c: {  	[tilespmem:s16+$0x10E80] =	vst v36  }
0x45d: {  	v36 =	vld.idx.msk [tilespmem:v52+s2+$0x0], $0xffff  }
0x45e: {  	v53 =	vadd.s32 s0, v9;
	_ =	sdelay $0x3  }
0x45f: {  	[tilespmem:s16+$0x10E90] =	vst v36  }
0x460: {  	v36 =	vld.idx.msk [tilespmem:v53+s2+$0x0], $0xffff  }
0x461: {  	v54 =	vadd.s32 s0, v8;
	_ =	sdelay $0x3  }
0x462: {  	[tilespmem:s16+$0x10EA0] =	vst v36  }
0x463: {  	v36 =	vld.idx.msk [tilespmem:v54+s2+$0x0], $0xffff  }
0x464: {  	v55 =	vadd.s32 s0, v7;
	_ =	sdelay $0x3  }
0x465: {  	[tilespmem:s16+$0x10EB0] =	vst v36  }
0x466: {  	v36 =	vld.idx.msk [tilespmem:v55+s2+$0x0], $0xffff  }
0x467: {  	v56 =	vadd.s32 s0, v6;
	_ =	sdelay $0x3  }
0x468: {  	[tilespmem:s16+$0x10EC0] =	vst v36  }
0x469: {  	v36 =	vld.idx.msk [tilespmem:v56+s2+$0x0], $0xffff  }
0x46a: {  	v57 =	vadd.s32 s0, v5  }
0x46b: {  	s26 =	sor.u32 $0x1000, s0  }
0x46c: {  	v60 =	vadd.s32 s26, v34;
	_ =	sdelay $0x1  }
0x46d: {  	[tilespmem:s16+$0x10ED0] =	vst v36  }
0x46e: {  	v36 =	vld.idx.msk [tilespmem:v57+s2+$0x0], $0xffff  }
0x46f: {  	s28 =	sor.u32 $0x1800, s0;
	v58 =	vadd.s32 s0, v4  }
0x470: {  	v38 =	vld.idx.msk [tilespmem:v60+s2+$0x0], $0xffff;
	v61 =	vadd.s32 s28, v34  }
0x471: {  	s30 =	sor.u32 $0xC00, s0;
	v49 =	vadd.s32 s26, v35  }
0x472: {  	s24 =	sor.u32 $0x1400, s0;
	v55 =	vadd.s32 s30, v34  }
0x473: {  	s29 =	sor.u32 $0x1C00, s0;
	v63 =	vadd.s32 s24, v34;
	[tilespmem:s16+$0x10EE0] =	vst v36  }
0x474: {  	s25 =	sor.u32 $0x400, s0;
	v62 =	vadd.s32 s29, v34;
	v36 =	vld.idx.msk [tilespmem:v58+s2+$0x0], $0xffff  }
0x475: {  	[tilespmem:s16+$0x10480] =	vst v38;
	v39 =	vld.idx.msk [tilespmem:v61+s2+$0x0], $0xffff;
	v50 =	vadd.s32 s25, v34  }
0x476: {  	v59 =	vadd.s32 s0, v3;
	v42 =	vld.idx.msk [tilespmem:v49+s2+$0x0], $0xffff  }
0x477: {  	v51 =	vadd.s32 s28, v35;
	v38 =	vld.idx.msk [tilespmem:v55+s2+$0x0], $0xffff  }
0x478: {  	v52 =	vld.idx.msk [tilespmem:v63+s2+$0x0], $0xffff;
	v63 =	vadd.s32 s30, v35  }
0x479: {  	v54 =	vadd.s32 s24, v35;
	[tilespmem:s16+$0x10EF0] =	vst v36;
	v36 =	vld.idx.msk [tilespmem:v62+s2+$0x0], $0xffff  }
0x47a: {  	[tilespmem:s16+$0x10580] =	vst v39;
	v43 =	vld.idx.msk [tilespmem:v50+s2+$0x0], $0xffff;
	v53 =	vadd.s32 s29, v35  }
0x47b: {  	[tilespmem:s16+$0x10490] =	vst v42;
	v56 =	vadd.s32 s26, v33;
	v37 =	vld.idx.msk [tilespmem:v59+s2+$0x0], $0xffff  }
0x47c: {  	v48 =	vadd.s32 s0, v2;
	v44 =	vld.idx.msk [tilespmem:v51+s2+$0x0], $0xffff;
	[tilespmem:s16+$0x10400] =	vst v38  }
0x47d: {  	[tilespmem:s16+$0x10500] =	vst v52;
	v42 =	vld.idx.msk [tilespmem:v63+s2+$0x0], $0xffff;
	v58 =	vadd.s32 s28, v33  }
0x47e: {  	v59 =	vld.idx.msk [tilespmem:v54+s2+$0x0], $0xffff;
	v54 =	vadd.s32 s30, v33;
	[tilespmem:s16+$0x10600] =	vst v36  }
0x47f: {  	v61 =	vadd.s32 s24, v33;
	[tilespmem:s16+$0x10300] =	vst v43;
	v36 =	vld.idx.msk [tilespmem:v53+s2+$0x0], $0xffff  }
0x480: {  	v60 =	vadd.s32 s29, v33;
	v62 =	vld.idx.msk [tilespmem:v56+s2+$0x0], $0xffff;
	[tilespmem:s16+$0x11280] =	vst v37  }
0x481: {  	[tilespmem:s16+$0x10590] =	vst v44;
	v41 =	vld.idx.msk [tilespmem:v48+s2+$0x0], $0xffff;
	v48 =	vadd.s32 s26, v32  }
0x482: {  	v49 =	vadd.s32 s25, v35;
	[tilespmem:s16+$0x10410] =	vst v42;
	v37 =	vld.idx.msk [tilespmem:v58+s2+$0x0], $0xffff  }
0x483: {  	v50 =	vadd.s32 s28, v32;
	[tilespmem:s16+$0x10510] =	vst v59;
	v43 =	vld.idx.msk [tilespmem:v54+s2+$0x0], $0xffff  }
0x484: {  	v57 =	vadd.s32 s0, v1;
	v51 =	vld.idx.msk [tilespmem:v61+s2+$0x0], $0xffff;
	[tilespmem:s16+$0x10610] =	vst v36  }
0x485: {  	[tilespmem:s16+$0x104A0] =	vst v62;
	v53 =	vadd.s32 s24, v32;
	v36 =	vld.idx.msk [tilespmem:v60+s2+$0x0], $0xffff  }
0x486: {  	v61 =	vadd.s32 s30, v32;
	[tilespmem:s16+$0x11290] =	vst v41;
	v41 =	vld.idx.msk [tilespmem:v48+s2+$0x0], $0xffff  }
0x487: {  	v44 =	vld.idx.msk [tilespmem:v49+s2+$0x0], $0xffff;
	v52 =	vadd.s32 s29, v32;
	[tilespmem:s16+$0x105A0] =	vst v37  }
0x488: {  	v55 =	vadd.s32 s26, v31;
	[tilespmem:s16+$0x10420] =	vst v43;
	v40 =	vld.idx.msk [tilespmem:v50+s2+$0x0], $0xffff  }
0x489: {  	v63 =	vadd.s32 s25, v33;
	[tilespmem:s16+$0x10520] =	vst v51;
	v39 =	vld.idx.msk [tilespmem:v57+s2+$0x0], $0xffff  }
0x48a: {  	v57 =	vadd.s32 s28, v31;
	v45 =	vld.idx.msk [tilespmem:v53+s2+$0x0], $0xffff;
	[tilespmem:s16+$0x10620] =	vst v36  }
0x48b: {  	v59 =	vadd.s32 s24, v31;
	[tilespmem:s16+$0x104B0] =	vst v41;
	v41 =	vld.idx.msk [tilespmem:v61+s2+$0x0], $0xffff  }
0x48c: {  	v51 =	vadd.s32 s30, v31;
	v36 =	vld.idx.msk [tilespmem:v52+s2+$0x0], $0xffff  }
0x48d: {  	[tilespmem:s16+$0x10310] =	vst v44;
	v58 =	vadd.s32 s29, v31;
	v60 =	vld.idx.msk [tilespmem:v55+s2+$0x0], $0xffff  }
0x48e: {  	v62 =	vadd.s32 s26, v30;
	[tilespmem:s16+$0x105B0] =	vst v40;
	v40 =	vld.idx.msk [tilespmem:v63+s2+$0x0], $0xffff  }
0x48f: {  	v56 =	vadd.s32 s0, v0;
	s0 =	sor.u32 $0x800, s0;
	v38 =	vld.idx.msk [tilespmem:v57+s2+$0x0], $0xffff;
	[tilespmem:s16+$0x10530] =	vst v45  }
0x490: {  	v53 =	vadd.s32 s0, v34;
	v45 =	vld.idx.msk [tilespmem:v59+s2+$0x0], $0xffff;
	[tilespmem:s16+$0x10430] =	vst v41  }
0x491: {  	v48 =	vadd.s32 s28, v30;
	[tilespmem:s16+$0x10630] =	vst v36;
	v44 =	vld.idx.msk [tilespmem:v51+s2+$0x0], $0xffff  }
0x492: {  	v50 =	vadd.s32 s24, v30;
	[tilespmem:s16+$0x104C0] =	vst v60;
	v36 =	vld.idx.msk [tilespmem:v58+s2+$0x0], $0xffff  }
0x493: {  	[tilespmem:s16+$0x112A0] =	vst v39;
	v39 =	vld.idx.msk [tilespmem:v62+s2+$0x0], $0xffff;
	v58 =	vadd.s32 s30, v30  }
0x494: {  	v49 =	vadd.s32 s29, v30;
	v37 =	vld.idx.msk [tilespmem:v56+s2+$0x0], $0xffff;
	[tilespmem:s16+$0x105C0] =	vst v38  }
0x495: {  	v52 =	vadd.s32 s26, v29;
	v38 =	vld.idx.msk [tilespmem:v53+s2+$0x0], $0xffff;
	[tilespmem:s16+$0x10540] =	vst v45  }
0x496: {  	v60 =	vadd.s32 s25, v32;
	v42 =	vld.idx.msk [tilespmem:v48+s2+$0x0], $0xffff;
	[tilespmem:s16+$0x10440] =	vst v44  }
0x497: {  	v54 =	vadd.s32 s28, v29;
	v45 =	vld.idx.msk [tilespmem:v50+s2+$0x0], $0xffff;
	[tilespmem:s16+$0x10640] =	vst v36  }
0x498: {  	v63 =	vadd.s32 s0, v35;
	[tilespmem:s16+$0x104D0] =	vst v39;
	v39 =	vld.idx.msk [tilespmem:v58+s2+$0x0], $0xffff  }
0x499: {  	s31 =	simm.s32 $0xA000;
	v56 =	vadd.s32 s24, v29;
	[tilespmem:s16+$0x10320] =	vst v40;
	v36 =	vld.idx.msk [tilespmem:v49+s2+$0x0], $0xffff  }
0x49a: {  	[tilespmem:s16+$0x112B0] =	vst v37;
	v50 =	vadd.s32 s31, v34;
	v57 =	vld.idx.msk [tilespmem:v52+s2+$0x0], $0xffff  }
0x49b: {  	v55 =	vadd.s32 s29, v29;
	[tilespmem:s16+$0x105D0] =	vst v42;
	v42 =	vld.idx.msk [tilespmem:v60+s2+$0x0], $0xffff  }
0x49c: {  	v59 =	vadd.s32 s26, v28;
	[tilespmem:s16+$0x10380] =	vst v38;
	v43 =	vld.idx.msk [tilespmem:v54+s2+$0x0], $0xffff  }
0x49d: {  	v61 =	vadd.s32 s28, v28;
	v37 =	vld.idx.msk [tilespmem:v63+s2+$0x0], $0xffff;
	[tilespmem:s16+$0x10550] =	vst v45  }
0x49e: {  	v48 =	vadd.s32 s30, v29;
	v45 =	vld.idx.msk [tilespmem:v56+s2+$0x0], $0xffff;
	[tilespmem:s16+$0x10650] =	vst v36  }
0x49f: {  	v58 =	vadd.s32 s0, v33;
	[tilespmem:s16+$0x104E0] =	vst v57;
	v57 =	vld.idx.msk [tilespmem:v50+s2+$0x0], $0xffff  }
0x4a0: {  	s8 =	simm.s32 $0x5;
	v52 =	vadd.s32 s25, v31;
	[tilespmem:s16+$0x10450] =	vst v39;
	v36 =	vld.idx.msk [tilespmem:v55+s2+$0x0], $0xffff  }
0x4a1: {  	s8 =	smul.u32 $0x5000, s8;
	v62 =	vadd.s32 s29, v28;
	[tilespmem:s16+$0x105E0] =	vst v43;
	v49 =	vld.idx.msk [tilespmem:v59+s2+$0x0], $0xffff  }
0x4a2: {  	v60 =	vadd.s32 s31, v35;
	[tilespmem:s16+$0x10330] =	vst v42;
	v41 =	vld.idx.msk [tilespmem:v61+s2+$0x0], $0xffff  }
0x4a3: {  	s15 =	sshra.s32 s8, $0x2;
	v51 =	vadd.s32 s26, v27;
	[tilespmem:s16+$0x10390] =	vst v37;
	v55 =	vld.idx.msk [tilespmem:v48+s2+$0x0], $0xffff  }
0x4a4: {  	v54 =	vadd.s32 s28, v27;
	v48 =	vld.idx.msk [tilespmem:v58+s2+$0x0], $0xffff;
	[tilespmem:s15+$0x10280] =	vst v57  }
0x4a5: {  	v59 =	vadd.s32 s30, v28;
	[tilespmem:s16+$0x10660] =	vst v36;
	v36 =	vld.idx.msk [tilespmem:v52+s2+$0x0], $0xffff  }
0x4a6: {  	[tilespmem:s16+$0x104F0] =	vst v49;
	v53 =	vld.idx.msk [tilespmem:v62+s2+$0x0], $0xffff;
	v62 =	vadd.s32 s25, v30  }
0x4a7: {  	v56 =	vadd.s32 s29, v27;
	[tilespmem:s16+$0x105F0] =	vst v41;
	v52 =	vld.idx.msk [tilespmem:v60+s2+$0x0], $0xffff  }
0x4a8: {  	[tilespmem:s16+$0x10460] =	vst v55;
	v55 =	vadd.s32 s31, v33;
	v43 =	vld.idx.msk [tilespmem:v51+s2+$0x0], $0xffff  }
0x4a9: {  	[tilespmem:s16+$0x10560] =	vst v45;
	v61 =	vadd.s32 s26, v26;
	v39 =	vld.idx.msk [tilespmem:v54+s2+$0x0], $0xffff  }
0x4aa: {  	v49 =	vadd.s32 s28, v26;
	v50 =	vld.idx.msk [tilespmem:v59+s2+$0x0], $0xffff;
	[tilespmem:s16+$0x10340] =	vst v36  }
0x4ab: {  	v54 =	vadd.s32 s30, v27;
	[tilespmem:s16+$0x10670] =	vst v53;
	v38 =	vld.idx.msk [tilespmem:v62+s2+$0x0], $0xffff  }
0x4ac: {  	[tilespmem:s15+$0x10290] =	vst v52;
	v53 =	vadd.s32 s0, v32;
	v63 =	vld.idx.msk [tilespmem:v56+s2+$0x0], $0xffff  }
0x4ad: {  	v51 =	vadd.s32 s29, v26;
	[tilespmem:s16+$0x10880] =	vst v43;
	v43 =	vld.idx.msk [tilespmem:v55+s2+$0x0], $0xffff  }
0x4ae: {  	v57 =	vadd.s32 s25, v29;
	[tilespmem:s16+$0x10980] =	vst v39;
	v41 =	vld.idx.msk [tilespmem:v61+s2+$0x0], $0xffff  }
0x4af: {  	[tilespmem:s16+$0x10470] =	vst v50;
	v62 =	vadd.s32 s31, v32;
	v44 =	vld.idx.msk [tilespmem:v49+s2+$0x0], $0xffff  }
0x4b0: {  	[tilespmem:s16+$0x103A0] =	vst v48;
	v56 =	vadd.s32 s26, v25;
	v36 =	vld.idx.msk [tilespmem:v54+s2+$0x0], $0xffff  }
0x4b1: {  	v58 =	vadd.s32 s28, v25;
	v45 =	vld.idx.msk [tilespmem:v53+s2+$0x0], $0xffff;
	[tilespmem:s16+$0x10A00] =	vst v63  }
0x4b2: {  	v61 =	vadd.s32 s30, v26;
	[tilespmem:s16+$0x10350] =	vst v38;
	v42 =	vld.idx.msk [tilespmem:v51+s2+$0x0], $0xffff  }
0x4b3: {  	v59 =	vadd.s32 s29, v25;
	[tilespmem:s15+$0x102A0] =	vst v43;
	v37 =	vld.idx.msk [tilespmem:v57+s2+$0x0], $0xffff  }
0x4b4: {  	v60 =	vadd.s32 s0, v31;
	[tilespmem:s16+$0x10890] =	vst v41;
	v41 =	vld.idx.msk [tilespmem:v62+s2+$0x0], $0xffff  }
0x4b5: {  	v48 =	vadd.s32 s25, v28;
	[tilespmem:s16+$0x10990] =	vst v44;
	v39 =	vld.idx.msk [tilespmem:v56+s2+$0x0], $0xffff  }
0x4b6: {  	v55 =	vadd.s32 s31, v31;
	[tilespmem:s16+$0x10800] =	vst v36;
	v40 =	vld.idx.msk [tilespmem:v58+s2+$0x0], $0xffff  }
0x4b7: {  	v63 =	vadd.s32 s26, v24;
	v38 =	vld.idx.msk [tilespmem:v61+s2+$0x0], $0xffff;
	[tilespmem:s16+$0x10A10] =	vst v42  }
0x4b8: {  	v51 =	vadd.s32 s28, v24;
	[tilespmem:s16+$0x103B0] =	vst v45;
	v49 =	vld.idx.msk [tilespmem:v59+s2+$0x0], $0xffff  }
0x4b9: {  	v52 =	vadd.s32 s29, v24;
	v50 =	vld.idx.msk [tilespmem:v60+s2+$0x0], $0xffff;
	[tilespmem:s16+$0x10360] =	vst v37  }
0x4ba: {  	v53 =	vadd.s32 s0, v30;
	[tilespmem:s15+$0x102B0] =	vst v41;
	v42 =	vld.idx.msk [tilespmem:v48+s2+$0x0], $0xffff  }
0x4bb: {  	v54 =	vadd.s32 s30, v25;
	[tilespmem:s16+$0x108A0] =	vst v39;
	v44 =	vld.idx.msk [tilespmem:v55+s2+$0x0], $0xffff  }
0x4bc: {  	v57 =	vadd.s32 s25, v27;
	[tilespmem:s16+$0x109A0] =	vst v40;
	v39 =	vld.idx.msk [tilespmem:v63+s2+$0x0], $0xffff  }
0x4bd: {  	v56 =	vadd.s32 s26, v23;
	v36 =	vld.idx.msk [tilespmem:v51+s2+$0x0], $0xffff;
	[tilespmem:s16+$0x10A20] =	vst v49  }
0x4be: {  	v58 =	vadd.s32 s28, v23;
	[tilespmem:s16+$0x103C0] =	vst v50;
	v43 =	vld.idx.msk [tilespmem:v52+s2+$0x0], $0xffff  }
0x4bf: {  	[tilespmem:s16+$0x10810] =	vst v38;
	v59 =	vadd.s32 s29, v23;
	v46 =	vld.idx.msk [tilespmem:v53+s2+$0x0], $0xffff  }
0x4c0: {  	v60 =	vadd.s32 s0, v29;
	v37 =	vld.idx.msk [tilespmem:v54+s2+$0x0], $0xffff;
	[tilespmem:s16+$0x10370] =	vst v42  }
0x4c1: {  	v61 =	vadd.s32 s30, v24;
	[tilespmem:s16+$0x108B0] =	vst v39;
	v42 =	vld.idx.msk [tilespmem:v57+s2+$0x0], $0xffff  }
0x4c2: {  	v62 =	vadd.s32 s31, v30;
	[tilespmem:s16+$0x109B0] =	vst v36;
	v39 =	vld.idx.msk [tilespmem:v56+s2+$0x0], $0xffff  }
0x4c3: {  	v63 =	vadd.s32 s26, v22;
	v38 =	vld.idx.msk [tilespmem:v58+s2+$0x0], $0xffff;
	[tilespmem:s16+$0x10A30] =	vst v43  }
0x4c4: {  	v48 =	vadd.s32 s25, v26;
	[tilespmem:s16+$0x103D0] =	vst v46;
	v41 =	vld.idx.msk [tilespmem:v59+s2+$0x0], $0xffff  }
0x4c5: {  	v49 =	vadd.s32 s28, v22;
	v46 =	vld.idx.msk [tilespmem:v60+s2+$0x0], $0xffff;
	[tilespmem:s16+$0x10820] =	vst v37  }
0x4c6: {  	v50 =	vadd.s32 s29, v22;
	[tilespmem:s15+$0x102C0] =	vst v44;
	v40 =	vld.idx.msk [tilespmem:v61+s2+$0x0], $0xffff  }
0x4c7: {  	v51 =	vadd.s32 s0, v28;
	[tilespmem:s16+$0x108C0] =	vst v39;
	v36 =	vld.idx.msk [tilespmem:v62+s2+$0x0], $0xffff  }
0x4c8: {  	v52 =	vadd.s32 s30, v23;
	[tilespmem:s16+$0x10700] =	vst v42;
	v53 =	vld.idx.msk [tilespmem:v63+s2+$0x0], $0xffff  }
0x4c9: {  	v54 =	vadd.s32 s31, v29;
	[tilespmem:s16+$0x109C0] =	vst v38;
	v45 =	vld.idx.msk [tilespmem:v48+s2+$0x0], $0xffff  }
0x4ca: {  	v55 =	vadd.s32 s26, v21;
	v37 =	vld.idx.msk [tilespmem:v49+s2+$0x0], $0xffff;
	[tilespmem:s16+$0x10A40] =	vst v41  }
0x4cb: {  	v56 =	vadd.s32 s25, v25;
	[tilespmem:s16+$0x103E0] =	vst v46;
	v44 =	vld.idx.msk [tilespmem:v50+s2+$0x0], $0xffff  }
0x4cc: {  	v57 =	vadd.s32 s28, v21;
	v46 =	vld.idx.msk [tilespmem:v51+s2+$0x0], $0xffff;
	[tilespmem:s16+$0x10830] =	vst v40  }
0x4cd: {  	v59 =	vadd.s32 s29, v21;
	[tilespmem:s15+$0x102D0] =	vst v36;
	v58 =	vld.idx.msk [tilespmem:v52+s2+$0x0], $0xffff  }
0x4ce: {  	v60 =	vadd.s32 s0, v27;
	[tilespmem:s16+$0x108D0] =	vst v53;
	v43 =	vld.idx.msk [tilespmem:v54+s2+$0x0], $0xffff  }
0x4cf: {  	v61 =	vadd.s32 s30, v22;
	[tilespmem:s16+$0x10710] =	vst v45;
	v38 =	vld.idx.msk [tilespmem:v55+s2+$0x0], $0xffff  }
0x4d0: {  	v62 =	vadd.s32 s31, v28;
	[tilespmem:s16+$0x109D0] =	vst v37;
	v41 =	vld.idx.msk [tilespmem:v56+s2+$0x0], $0xffff  }
0x4d1: {  	v63 =	vadd.s32 s26, v20;
	v40 =	vld.idx.msk [tilespmem:v57+s2+$0x0], $0xffff;
	[tilespmem:s16+$0x10A50] =	vst v44  }
0x4d2: {  	v48 =	vadd.s32 s25, v24;
	[tilespmem:s16+$0x103F0] =	vst v46;
	v39 =	vld.idx.msk [tilespmem:v59+s2+$0x0], $0xffff  }
0x4d3: {  	v49 =	vadd.s32 s28, v20;
	v46 =	vld.idx.msk [tilespmem:v60+s2+$0x0], $0xffff;
	[tilespmem:s16+$0x10840] =	vst v58  }
0x4d4: {  	v50 =	vadd.s32 s29, v20;
	[tilespmem:s15+$0x102E0] =	vst v43;
	v42 =	vld.idx.msk [tilespmem:v61+s2+$0x0], $0xffff  }
0x4d5: {  	v51 =	vadd.s32 s0, v26;
	[tilespmem:s16+$0x108E0] =	vst v38;
	v45 =	vld.idx.msk [tilespmem:v62+s2+$0x0], $0xffff  }
0x4d6: {  	v52 =	vadd.s32 s30, v21;
	[tilespmem:s16+$0x10720] =	vst v41;
	v37 =	vld.idx.msk [tilespmem:v63+s2+$0x0], $0xffff  }
0x4d7: {  	v53 =	vadd.s32 s31, v27;
	[tilespmem:s16+$0x109E0] =	vst v40;
	v44 =	vld.idx.msk [tilespmem:v48+s2+$0x0], $0xffff  }
0x4d8: {  	v54 =	vadd.s32 s26, v19;
	v36 =	vld.idx.msk [tilespmem:v49+s2+$0x0], $0xffff;
	[tilespmem:s16+$0x10A60] =	vst v39  }
0x4d9: {  	v55 =	vadd.s32 s25, v23;
	[tilespmem:s16+$0x10780] =	vst v46;
	v43 =	vld.idx.msk [tilespmem:v50+s2+$0x0], $0xffff  }
0x4da: {  	v56 =	vadd.s32 s28, v19;
	v46 =	vld.idx.msk [tilespmem:v51+s2+$0x0], $0xffff;
	[tilespmem:s16+$0x10850] =	vst v42  }
0x4db: {  	v57 =	vadd.s32 s29, v19;
	[tilespmem:s15+$0x102F0] =	vst v45;
	v38 =	vld.idx.msk [tilespmem:v52+s2+$0x0], $0xffff  }
0x4dc: {  	v58 =	vadd.s32 s0, v25;
	[tilespmem:s16+$0x108F0] =	vst v37;
	v41 =	vld.idx.msk [tilespmem:v53+s2+$0x0], $0xffff  }
0x4dd: {  	v59 =	vadd.s32 s30, v20;
	[tilespmem:s16+$0x10730] =	vst v44;
	v40 =	vld.idx.msk [tilespmem:v54+s2+$0x0], $0xffff  }
0x4de: {  	v60 =	vadd.s32 s31, v26;
	[tilespmem:s16+$0x109F0] =	vst v36;
	v39 =	vld.idx.msk [tilespmem:v55+s2+$0x0], $0xffff  }
0x4df: {  	v61 =	vadd.s32 s26, v18;
	v42 =	vld.idx.msk [tilespmem:v56+s2+$0x0], $0xffff;
	[tilespmem:s16+$0x10A70] =	vst v43  }
0x4e0: {  	v62 =	vadd.s32 s25, v22;
	[tilespmem:s16+$0x10790] =	vst v46;
	v45 =	vld.idx.msk [tilespmem:v57+s2+$0x0], $0xffff  }
0x4e1: {  	v63 =	vadd.s32 s28, v18;
	v46 =	vld.idx.msk [tilespmem:v58+s2+$0x0], $0xffff;
	[tilespmem:s16+$0x10860] =	vst v38  }
0x4e2: {  	v48 =	vadd.s32 s29, v18;
	[tilespmem:s15+$0x10680] =	vst v41;
	v37 =	vld.idx.msk [tilespmem:v59+s2+$0x0], $0xffff  }
0x4e3: {  	v49 =	vadd.s32 s0, v24;
	[tilespmem:s16+$0x10C80] =	vst v40;
	v44 =	vld.idx.msk [tilespmem:v60+s2+$0x0], $0xffff  }
0x4e4: {  	v50 =	vadd.s32 s30, v19;
	[tilespmem:s16+$0x10740] =	vst v39;
	v36 =	vld.idx.msk [tilespmem:v61+s2+$0x0], $0xffff  }
0x4e5: {  	v51 =	vadd.s32 s31, v25;
	[tilespmem:s16+$0x10D80] =	vst v42;
	v43 =	vld.idx.msk [tilespmem:v62+s2+$0x0], $0xffff  }
0x4e6: {  	v52 =	vadd.s32 s26, v17;
	v38 =	vld.idx.msk [tilespmem:v63+s2+$0x0], $0xffff;
	[tilespmem:s16+$0x10E00] =	vst v45  }
0x4e7: {  	v53 =	vadd.s32 s25, v21;
	[tilespmem:s16+$0x107A0] =	vst v46;
	v41 =	vld.idx.msk [tilespmem:v48+s2+$0x0], $0xffff  }
0x4e8: {  	v54 =	vadd.s32 s28, v17;
	v46 =	vld.idx.msk [tilespmem:v49+s2+$0x0], $0xffff;
	[tilespmem:s16+$0x10870] =	vst v37  }
0x4e9: {  	v55 =	vadd.s32 s29, v17;
	[tilespmem:s15+$0x10690] =	vst v44;
	v39 =	vld.idx.msk [tilespmem:v50+s2+$0x0], $0xffff  }
0x4ea: {  	v56 =	vadd.s32 s0, v23;
	[tilespmem:s16+$0x10C90] =	vst v36;
	v40 =	vld.idx.msk [tilespmem:v51+s2+$0x0], $0xffff  }
0x4eb: {  	v57 =	vadd.s32 s30, v18;
	[tilespmem:s16+$0x10750] =	vst v43;
	v42 =	vld.idx.msk [tilespmem:v52+s2+$0x0], $0xffff  }
0x4ec: {  	v58 =	vadd.s32 s31, v24;
	[tilespmem:s16+$0x10D90] =	vst v38;
	v45 =	vld.idx.msk [tilespmem:v53+s2+$0x0], $0xffff  }
0x4ed: {  	v59 =	vadd.s32 s26, v16;
	v37 =	vld.idx.msk [tilespmem:v54+s2+$0x0], $0xffff;
	[tilespmem:s16+$0x10E10] =	vst v41  }
0x4ee: {  	v60 =	vadd.s32 s25, v20;
	[tilespmem:s16+$0x107B0] =	vst v46;
	v44 =	vld.idx.msk [tilespmem:v55+s2+$0x0], $0xffff  }
0x4ef: {  	v61 =	vadd.s32 s28, v16;
	v46 =	vld.idx.msk [tilespmem:v56+s2+$0x0], $0xffff;
	[tilespmem:s16+$0x10C00] =	vst v39  }
0x4f0: {  	v62 =	vadd.s32 s29, v16;
	[tilespmem:s15+$0x106A0] =	vst v40;
	v36 =	vld.idx.msk [tilespmem:v57+s2+$0x0], $0xffff  }
0x4f1: {  	v63 =	vadd.s32 s0, v22;
	[tilespmem:s16+$0x10CA0] =	vst v42;
	v43 =	vld.idx.msk [tilespmem:v58+s2+$0x0], $0xffff  }
0x4f2: {  	v48 =	vadd.s32 s30, v17;
	[tilespmem:s16+$0x10760] =	vst v45;
	v38 =	vld.idx.msk [tilespmem:v59+s2+$0x0], $0xffff  }
0x4f3: {  	v49 =	vadd.s32 s31, v23;
	[tilespmem:s16+$0x10DA0] =	vst v37;
	v41 =	vld.idx.msk [tilespmem:v60+s2+$0x0], $0xffff  }
0x4f4: {  	v50 =	vadd.s32 s26, v15;
	v39 =	vld.idx.msk [tilespmem:v61+s2+$0x0], $0xffff;
	[tilespmem:s16+$0x10E20] =	vst v44  }
0x4f5: {  	v51 =	vadd.s32 s25, v19;
	[tilespmem:s16+$0x107C0] =	vst v46;
	v40 =	vld.idx.msk [tilespmem:v62+s2+$0x0], $0xffff  }
0x4f6: {  	v52 =	vadd.s32 s28, v15;
	v46 =	vld.idx.msk [tilespmem:v63+s2+$0x0], $0xffff;
	[tilespmem:s16+$0x10C10] =	vst v36  }
0x4f7: {  	v53 =	vadd.s32 s29, v15;
	[tilespmem:s15+$0x106B0] =	vst v43;
	v42 =	vld.idx.msk [tilespmem:v48+s2+$0x0], $0xffff  }
0x4f8: {  	v54 =	vadd.s32 s0, v21;
	[tilespmem:s16+$0x10CB0] =	vst v38;
	v45 =	vld.idx.msk [tilespmem:v49+s2+$0x0], $0xffff  }
0x4f9: {  	v55 =	vadd.s32 s30, v16;
	[tilespmem:s16+$0x10770] =	vst v41;
	v37 =	vld.idx.msk [tilespmem:v50+s2+$0x0], $0xffff  }
0x4fa: {  	v56 =	vadd.s32 s31, v22;
	[tilespmem:s16+$0x10DB0] =	vst v39;
	v44 =	vld.idx.msk [tilespmem:v51+s2+$0x0], $0xffff  }
0x4fb: {  	v57 =	vadd.s32 s26, v14;
	v36 =	vld.idx.msk [tilespmem:v52+s2+$0x0], $0xffff;
	[tilespmem:s16+$0x10E30] =	vst v40  }
0x4fc: {  	v58 =	vadd.s32 s25, v18;
	[tilespmem:s16+$0x107D0] =	vst v46;
	v43 =	vld.idx.msk [tilespmem:v53+s2+$0x0], $0xffff  }
0x4fd: {  	v59 =	vadd.s32 s28, v14;
	v46 =	vld.idx.msk [tilespmem:v54+s2+$0x0], $0xffff;
	[tilespmem:s16+$0x10C20] =	vst v42  }
0x4fe: {  	v52 =	vadd.s32 s24, v28;
	[tilespmem:s15+$0x106C0] =	vst v45;
	v38 =	vld.idx.msk [tilespmem:v55+s2+$0x0], $0xffff  }
0x4ff: {  	v60 =	vadd.s32 s29, v14;
	[tilespmem:s16+$0x10CC0] =	vst v37;
	v41 =	vld.idx.msk [tilespmem:v56+s2+$0x0], $0xffff  }
0x500: {  	v61 =	vadd.s32 s0, v20;
	[tilespmem:s16+$0x10B00] =	vst v44;
	v39 =	vld.idx.msk [tilespmem:v57+s2+$0x0], $0xffff  }
0x501: {  	v62 =	vadd.s32 s30, v15;
	[tilespmem:s16+$0x10DC0] =	vst v36;
	v40 =	vld.idx.msk [tilespmem:v58+s2+$0x0], $0xffff  }
0x502: {  	v48 =	vadd.s32 s26, v13;
	v42 =	vld.idx.msk [tilespmem:v59+s2+$0x0], $0xffff;
	[tilespmem:s16+$0x10E40] =	vst v43  }
0x503: {  	v63 =	vadd.s32 s31, v21;
	v57 =	vld.idx.msk [tilespmem:v52+s2+$0x0], $0xffff;
	[tilespmem:s16+$0x107E0] =	vst v46  }
0x504: {  	v49 =	vadd.s32 s25, v17;
	v45 =	vld.idx.msk [tilespmem:v60+s2+$0x0], $0xffff;
	[tilespmem:s16+$0x10C30] =	vst v38  }
0x505: {  	v50 =	vadd.s32 s28, v13;
	v46 =	vld.idx.msk [tilespmem:v61+s2+$0x0], $0xffff;
	[tilespmem:s15+$0x106D0] =	vst v41  }
0x506: {  	v51 =	vadd.s32 s29, v13;
	[tilespmem:s16+$0x10CD0] =	vst v39;
	v37 =	vld.idx.msk [tilespmem:v62+s2+$0x0], $0xffff  }
0x507: {  	[tilespmem:s16+$0x10B10] =	vst v40;
	v61 =	vadd.s32 s24, v27;
	v36 =	vld.idx.msk [tilespmem:v48+s2+$0x0], $0xffff  }
0x508: {  	v53 =	vadd.s32 s30, v14;
	[tilespmem:s16+$0x10DD0] =	vst v42;
	v44 =	vld.idx.msk [tilespmem:v63+s2+$0x0], $0xffff  }
0x509: {  	v54 =	vadd.s32 s31, v20;
	[tilespmem:s16+$0x10570] =	vst v57;
	v43 =	vld.idx.msk [tilespmem:v49+s2+$0x0], $0xffff  }
0x50a: {  	v55 =	vadd.s32 s26, v12;
	v38 =	vld.idx.msk [tilespmem:v50+s2+$0x0], $0xffff;
	[tilespmem:s16+$0x10E50] =	vst v45  }
0x50b: {  	v56 =	vadd.s32 s25, v16;
	v41 =	vld.idx.msk [tilespmem:v51+s2+$0x0], $0xffff;
	[tilespmem:s16+$0x10C40] =	vst v37  }
0x50c: {  	v58 =	vadd.s32 s28, v12;
	[tilespmem:s16+$0x10CE0] =	vst v36;
	v36 =	vld.idx.msk [tilespmem:v61+s2+$0x0], $0xffff  }
0x50d: {  	v57 =	vadd.s32 s0, v19;
	[tilespmem:s15+$0x106E0] =	vst v44;
	v40 =	vld.idx.msk [tilespmem:v53+s2+$0x0], $0xffff  }
0x50e: {  	v59 =	vadd.s32 s29, v12;
	[tilespmem:s16+$0x107F0] =	vst v46;
	v60 =	vld.idx.msk [tilespmem:v54+s2+$0x0], $0xffff  }
0x50f: {  	v52 =	vadd.s32 s24, v26;
	[tilespmem:s16+$0x10B20] =	vst v43;
	v42 =	vld.idx.msk [tilespmem:v55+s2+$0x0], $0xffff  }
0x510: {  	v62 =	vadd.s32 s30, v13;
	[tilespmem:s16+$0x10DE0] =	vst v38;
	v45 =	vld.idx.msk [tilespmem:v56+s2+$0x0], $0xffff  }
0x511: {  	v63 =	vadd.s32 s31, v19;
	v39 =	vld.idx.msk [tilespmem:v58+s2+$0x0], $0xffff;
	[tilespmem:s16+$0x10E60] =	vst v41  }
0x512: {  	v48 =	vadd.s32 s26, v11;
	[tilespmem:s16+$0x10900] =	vst v36;
	v36 =	vld.idx.msk [tilespmem:v57+s2+$0x0], $0xffff  }
0x513: {  	v49 =	vadd.s32 s25, v15;
	v50 =	vld.idx.msk [tilespmem:v59+s2+$0x0], $0xffff;
	[tilespmem:s16+$0x10C50] =	vst v40  }
0x514: {  	[tilespmem:s15+$0x106F0] =	vst v60;
	v58 =	vld.idx.msk [tilespmem:v52+s2+$0x0], $0xffff  }
0x515: {  	v51 =	vadd.s32 s28, v11;
	[tilespmem:s16+$0x10CF0] =	vst v42;
	v43 =	vld.idx.msk [tilespmem:v62+s2+$0x0], $0xffff  }
0x516: {  	v53 =	vadd.s32 s29, v11;
	[tilespmem:s16+$0x10B30] =	vst v45;
	v47 =	vld.idx.msk [tilespmem:v63+s2+$0x0], $0xffff  }
0x517: {  	[tilespmem:s16+$0x10DF0] =	vst v39;
	v60 =	vadd.s32 s24, v25;
	v38 =	vld.idx.msk [tilespmem:v48+s2+$0x0], $0xffff  }
0x518: {  	v41 =	vld.idx.msk [tilespmem:v49+s2+$0x0], $0xffff;
	v49 =	vadd.s32 s0, v18;
	[tilespmem:s16+$0x10B80] =	vst v36  }
0x519: {  	v55 =	vadd.s32 s31, v18;
	[tilespmem:s16+$0x10E70] =	vst v50  }
0x51a: {  	v56 =	vadd.s32 s26, v10;
	v40 =	vld.idx.msk [tilespmem:v51+s2+$0x0], $0xffff;
	[tilespmem:s16+$0x10910] =	vst v58  }
0x51b: {  	v54 =	vadd.s32 s30, v12;
	v59 =	vld.idx.msk [tilespmem:v53+s2+$0x0], $0xffff;
	[tilespmem:s16+$0x10C60] =	vst v43  }
0x51c: {  	v61 =	vadd.s32 s28, v10;
	[tilespmem:s15+$0x10A80] =	vst v47;
	v50 =	vld.idx.msk [tilespmem:v60+s2+$0x0], $0xffff  }
0x51d: {  	v62 =	vadd.s32 s29, v10;
	[tilespmem:s16+$0x11080] =	vst v38;
	v37 =	vld.idx.msk [tilespmem:v49+s2+$0x0], $0xffff  }
0x51e: {  	v52 =	vadd.s32 s24, v24;
	[tilespmem:s16+$0x10B40] =	vst v41;
	v45 =	vld.idx.msk [tilespmem:v55+s2+$0x0], $0xffff  }
0x51f: {  	v57 =	vadd.s32 s0, v17;
	[tilespmem:s16+$0x11180] =	vst v40;
	v39 =	vld.idx.msk [tilespmem:v56+s2+$0x0], $0xffff  }
0x520: {  	v48 =	vadd.s32 s31, v17;
	v42 =	vld.idx.msk [tilespmem:v54+s2+$0x0], $0xffff;
	[tilespmem:s16+$0x11200] =	vst v59  }
0x521: {  	v63 =	vadd.s32 s30, v11;
	v51 =	vld.idx.msk [tilespmem:v61+s2+$0x0], $0xffff;
	[tilespmem:s16+$0x10920] =	vst v50  }
0x522: {  	v53 =	vadd.s32 s26, v9;
	[tilespmem:s16+$0x10B90] =	vst v37;
	v47 =	vld.idx.msk [tilespmem:v62+s2+$0x0], $0xffff  }
0x523: {  	v54 =	vadd.s32 s28, v9;
	[tilespmem:s15+$0x10A90] =	vst v45;
	v40 =	vld.idx.msk [tilespmem:v52+s2+$0x0], $0xffff  }
0x524: {  	v55 =	vadd.s32 s29, v9;
	[tilespmem:s16+$0x11090] =	vst v39;
	v39 =	vld.idx.msk [tilespmem:v57+s2+$0x0], $0xffff  }
0x525: {  	v59 =	vadd.s32 s24, v23;
	[tilespmem:s16+$0x10C70] =	vst v42;
	v41 =	vld.idx.msk [tilespmem:v48+s2+$0x0], $0xffff  }
0x526: {  	[tilespmem:s16+$0x11190] =	vst v51;
	v38 =	vld.idx.msk [tilespmem:v63+s2+$0x0], $0xffff;
	v48 =	vadd.s32 s0, v16  }
0x527: {  	v56 =	vadd.s32 s31, v16;
	v58 =	vld.idx.msk [tilespmem:v53+s2+$0x0], $0xffff;
	[tilespmem:s16+$0x11210] =	vst v47  }
0x528: {  	v60 =	vadd.s32 s30, v10;
	v42 =	vld.idx.msk [tilespmem:v54+s2+$0x0], $0xffff;
	[tilespmem:s16+$0x10930] =	vst v40  }
0x529: {  	v61 =	vadd.s32 s26, v8;
	[tilespmem:s16+$0x10BA0] =	vst v39;
	v45 =	vld.idx.msk [tilespmem:v55+s2+$0x0], $0xffff  }
0x52a: {  	v62 =	vadd.s32 s28, v8;
	[tilespmem:s15+$0x10AA0] =	vst v41;
	v40 =	vld.idx.msk [tilespmem:v59+s2+$0x0], $0xffff  }
0x52b: {  	v50 =	vadd.s32 s24, v22;
	[tilespmem:s16+$0x11000] =	vst v38;
	v38 =	vld.idx.msk [tilespmem:v48+s2+$0x0], $0xffff  }
0x52c: {  	v51 =	vadd.s32 s29, v8;
	v36 =	vld.idx.msk [tilespmem:v56+s2+$0x0], $0xffff  }
0x52d: {  	[tilespmem:s16+$0x110A0] =	vst v58;
	v55 =	vadd.s32 s0, v15;
	v49 =	vld.idx.msk [tilespmem:v60+s2+$0x0], $0xffff  }
0x52e: {  	v63 =	vadd.s32 s31, v15;
	[tilespmem:s16+$0x111A0] =	vst v42;
	v47 =	vld.idx.msk [tilespmem:v61+s2+$0x0], $0xffff  }
0x52f: {  	v52 =	vadd.s32 s30, v9;
	v41 =	vld.idx.msk [tilespmem:v62+s2+$0x0], $0xffff;
	[tilespmem:s16+$0x10940] =	vst v40  }
0x530: {  	v53 =	vadd.s32 s26, v7;
	[tilespmem:s16+$0x11220] =	vst v45;
	v44 =	vld.idx.msk [tilespmem:v50+s2+$0x0], $0xffff  }
0x531: {  	v57 =	vadd.s32 s28, v7;
	[tilespmem:s16+$0x10BB0] =	vst v38;
	v45 =	vld.idx.msk [tilespmem:v51+s2+$0x0], $0xffff  }
0x532: {  	v56 =	vadd.s32 s24, v21;
	[tilespmem:s15+$0x10AB0] =	vst v36;
	v40 =	vld.idx.msk [tilespmem:v55+s2+$0x0], $0xffff  }
0x533: {  	v58 =	vadd.s32 s29, v7;
	[tilespmem:s16+$0x11010] =	vst v49;
	v37 =	vld.idx.msk [tilespmem:v63+s2+$0x0], $0xffff  }
0x534: {  	v61 =	vadd.s32 s0, v14;
	[tilespmem:s16+$0x110B0] =	vst v47;
	v42 =	vld.idx.msk [tilespmem:v52+s2+$0x0], $0xffff  }
0x535: {  	v54 =	vadd.s32 s31, v14;
	[tilespmem:s16+$0x111B0] =	vst v41;
	v36 =	vld.idx.msk [tilespmem:v53+s2+$0x0], $0xffff  }
0x536: {  	v59 =	vadd.s32 s30, v8;
	v62 =	vld.idx.msk [tilespmem:v57+s2+$0x0], $0xffff;
	[tilespmem:s16+$0x10950] =	vst v44  }
0x537: {  	v48 =	vadd.s32 s26, v6;
	[tilespmem:s16+$0x11230] =	vst v45;
	v43 =	vld.idx.msk [tilespmem:v56+s2+$0x0], $0xffff  }
0x538: {  	v49 =	vadd.s32 s28, v6;
	[tilespmem:s16+$0x10BC0] =	vst v40;
	v47 =	vld.idx.msk [tilespmem:v58+s2+$0x0], $0xffff  }
0x539: {  	v63 =	vadd.s32 s24, v20;
	[tilespmem:s15+$0x10AC0] =	vst v37;
	v41 =	vld.idx.msk [tilespmem:v61+s2+$0x0], $0xffff  }
0x53a: {  	v52 =	vadd.s32 s0, v13;
	[tilespmem:s16+$0x11020] =	vst v42;
	v39 =	vld.idx.msk [tilespmem:v54+s2+$0x0], $0xffff  }
0x53b: {  	v60 =	vadd.s32 s31, v13;
	[tilespmem:s16+$0x110C0] =	vst v36;
	v37 =	vld.idx.msk [tilespmem:v59+s2+$0x0], $0xffff  }
0x53c: {  	v50 =	vadd.s32 s29, v6;
	[tilespmem:s16+$0x111C0] =	vst v62;
	v53 =	vld.idx.msk [tilespmem:v48+s2+$0x0], $0xffff  }
0x53d: {  	v55 =	vadd.s32 s30, v7;
	v42 =	vld.idx.msk [tilespmem:v49+s2+$0x0], $0xffff;
	[tilespmem:s16+$0x10960] =	vst v43  }
0x53e: {  	v56 =	vadd.s32 s26, v5;
	[tilespmem:s16+$0x10BD0] =	vst v41;
	v43 =	vld.idx.msk [tilespmem:v63+s2+$0x0], $0xffff  }
0x53f: {  	v54 =	vadd.s32 s24, v19;
	[tilespmem:s15+$0x10AD0] =	vst v39;
	v36 =	vld.idx.msk [tilespmem:v52+s2+$0x0], $0xffff  }
0x540: {  	v59 =	vadd.s32 s0, v12;
	[tilespmem:s16+$0x11240] =	vst v47;
	v38 =	vld.idx.msk [tilespmem:v60+s2+$0x0], $0xffff  }
0x541: {  	v51 =	vadd.s32 s31, v12;
	v39 =	vld.idx.msk [tilespmem:v50+s2+$0x0], $0xffff;
	[tilespmem:s16+$0x11030] =	vst v37  }
0x542: {  	v57 =	vadd.s32 s28, v5;
	[tilespmem:s16+$0x110D0] =	vst v53;
	v60 =	vld.idx.msk [tilespmem:v55+s2+$0x0], $0xffff  }
0x543: {  	v62 =	vadd.s32 s29, v5;
	v47 =	vld.idx.msk [tilespmem:v56+s2+$0x0], $0xffff;
	[tilespmem:s16+$0x10970] =	vst v43  }
0x544: {  	v63 =	vadd.s32 s30, v6;
	[tilespmem:s16+$0x10BE0] =	vst v36;
	v43 =	vld.idx.msk [tilespmem:v54+s2+$0x0], $0xffff  }
0x545: {  	v61 =	vadd.s32 s24, v18;
	[tilespmem:s15+$0x10AE0] =	vst v38;
	v37 =	vld.idx.msk [tilespmem:v59+s2+$0x0], $0xffff  }
0x546: {  	[tilespmem:s16+$0x111D0] =	vst v42;
	v50 =	vadd.s32 s0, v11;
	v40 =	vld.idx.msk [tilespmem:v51+s2+$0x0], $0xffff  }
0x547: {  	v58 =	vadd.s32 s31, v11;
	[tilespmem:s16+$0x11250] =	vst v39;
	v38 =	vld.idx.msk [tilespmem:v57+s2+$0x0], $0xffff  }
0x548: {  	v48 =	vadd.s32 s26, v4;
	[tilespmem:s16+$0x11040] =	vst v60;
	v51 =	vld.idx.msk [tilespmem:v62+s2+$0x0], $0xffff  }
0x549: {  	v53 =	vadd.s32 s28, v4;
	v42 =	vld.idx.msk [tilespmem:v63+s2+$0x0], $0xffff;
	[tilespmem:s16+$0x10D00] =	vst v43  }
0x54a: {  	v54 =	vadd.s32 s29, v4;
	[tilespmem:s16+$0x10BF0] =	vst v37;
	v43 =	vld.idx.msk [tilespmem:v61+s2+$0x0], $0xffff  }
0x54b: {  	v52 =	vadd.s32 s24, v17;
	[tilespmem:s15+$0x10AF0] =	vst v40;
	v39 =	vld.idx.msk [tilespmem:v50+s2+$0x0], $0xffff  }
0x54c: {  	[tilespmem:s16+$0x110E0] =	vst v47;
	v57 =	vadd.s32 s0, v10;
	v41 =	vld.idx.msk [tilespmem:v58+s2+$0x0], $0xffff  }
0x54d: {  	v49 =	vadd.s32 s31, v10;
	[tilespmem:s16+$0x111E0] =	vst v38;
	v40 =	vld.idx.msk [tilespmem:v48+s2+$0x0], $0xffff  }
0x54e: {  	v55 =	vadd.s32 s30, v5;
	[tilespmem:s16+$0x11260] =	vst v51;
	v58 =	vld.idx.msk [tilespmem:v53+s2+$0x0], $0xffff  }
0x54f: {  	v60 =	vadd.s32 s26, v3;
	v47 =	vld.idx.msk [tilespmem:v54+s2+$0x0], $0xffff;
	[tilespmem:s16+$0x10D10] =	vst v43  }
0x550: {  	v61 =	vadd.s32 s28, v3;
	[tilespmem:s16+$0x10F80] =	vst v39;
	v43 =	vld.idx.msk [tilespmem:v52+s2+$0x0], $0xffff  }
0x551: {  	v59 =	vadd.s32 s24, v16;
	[tilespmem:s15+$0x10E80] =	vst v41;
	v38 =	vld.idx.msk [tilespmem:v57+s2+$0x0], $0xffff  }
0x552: {  	[tilespmem:s16+$0x11050] =	vst v42;
	v48 =	vadd.s32 s0, v9;
	v36 =	vld.idx.msk [tilespmem:v49+s2+$0x0], $0xffff  }
0x553: {  	v56 =	vadd.s32 s31, v9;
	[tilespmem:s16+$0x110F0] =	vst v40;
	v41 =	vld.idx.msk [tilespmem:v55+s2+$0x0], $0xffff  }
0x554: {  	v62 =	vadd.s32 s29, v3;
	[tilespmem:s16+$0x111F0] =	vst v58;
	v49 =	vld.idx.msk [tilespmem:v60+s2+$0x0], $0xffff  }
0x555: {  	v52 =	vadd.s32 s30, v4;
	v42 =	vld.idx.msk [tilespmem:v61+s2+$0x0], $0xffff;
	[tilespmem:s16+$0x10D20] =	vst v43  }
0x556: {  	v51 =	vadd.s32 s25, v14;
	[tilespmem:s16+$0x10F90] =	vst v38;
	v43 =	vld.idx.msk [tilespmem:v59+s2+$0x0], $0xffff  }
0x557: {  	v50 =	vadd.s32 s24, v15;
	[tilespmem:s15+$0x10E90] =	vst v36;
	v40 =	vld.idx.msk [tilespmem:v48+s2+$0x0], $0xffff  }
0x558: {  	[tilespmem:s16+$0x11270] =	vst v47;
	v55 =	vadd.s32 s0, v8;
	v37 =	vld.idx.msk [tilespmem:v56+s2+$0x0], $0xffff  }
0x559: {  	v63 =	vadd.s32 s31, v8;
	[tilespmem:s16+$0x11060] =	vst v41;
	v36 =	vld.idx.msk [tilespmem:v62+s2+$0x0], $0xffff  }
0x55a: {  	v60 =	vadd.s32 s28, v2;
	[tilespmem:s16+$0x11480] =	vst v49;
	v58 =	vld.idx.msk [tilespmem:v52+s2+$0x0], $0xffff  }
0x55b: {  	v53 =	vadd.s32 s26, v2;
	v56 =	vld.idx.msk [tilespmem:v51+s2+$0x0], $0xffff;
	[tilespmem:s16+$0x10D30] =	vst v43  }
0x55c: {  	v59 =	vadd.s32 s25, v13;
	[tilespmem:s16+$0x10FA0] =	vst v40;
	v43 =	vld.idx.msk [tilespmem:v50+s2+$0x0], $0xffff  }
0x55d: {  	v57 =	vadd.s32 s24, v14;
	[tilespmem:s15+$0x10EA0] =	vst v37;
	v41 =	vld.idx.msk [tilespmem:v55+s2+$0x0], $0xffff  }
0x55e: {  	[tilespmem:s16+$0x11580] =	vst v42;
	v39 =	vld.idx.msk [tilespmem:v63+s2+$0x0], $0xffff;
	v63 =	vadd.s32 s0, v7  }
0x55f: {  	v54 =	vadd.s32 s31, v7;
	v51 =	vld.idx.msk [tilespmem:v60+s2+$0x0], $0xffff;
	[tilespmem:s16+$0x11600] =	vst v36  }
0x560: {  	v37 =	vld.idx.msk [tilespmem:v53+s2+$0x0], $0xffff;
	[tilespmem:s16+$0x10B50] =	vst v56;
	v53 =	vadd.s32 s30, v3  }
0x561: {  	v61 =	vadd.s32 s29, v2;
	v49 =	vld.idx.msk [tilespmem:v59+s2+$0x0], $0xffff;
	[tilespmem:s16+$0x10D40] =	vst v43  }
0x562: {  	v52 =	vadd.s32 s25, v12;
	[tilespmem:s16+$0x10FB0] =	vst v41;
	v48 =	vld.idx.msk [tilespmem:v57+s2+$0x0], $0xffff  }
0x563: {  	v50 =	vadd.s32 s24, v13;
	[tilespmem:s15+$0x10EB0] =	vst v39;
	v43 =	vld.idx.msk [tilespmem:v63+s2+$0x0], $0xffff  }
0x564: {  	[tilespmem:s16+$0x11070] =	vst v58;
	v56 =	vadd.s32 s0, v6;
	v38 =	vld.idx.msk [tilespmem:v54+s2+$0x0], $0xffff  }
0x565: {  	v62 =	vadd.s32 s31, v6;
	[tilespmem:s16+$0x11590] =	vst v51;
	v60 =	vld.idx.msk [tilespmem:v53+s2+$0x0], $0xffff  }
0x566: {  	v39 =	vld.idx.msk [tilespmem:v61+s2+$0x0], $0xffff;
	[tilespmem:s16+$0x10B60] =	vst v49  }
0x567: {  	v54 =	vadd.s32 s26, v1;
	v58 =	vld.idx.msk [tilespmem:v52+s2+$0x0], $0xffff;
	[tilespmem:s16+$0x10D50] =	vst v48  }
0x568: {  	v61 =	vadd.s32 s25, v11;
	[tilespmem:s16+$0x10FC0] =	vst v43;
	v57 =	vld.idx.msk [tilespmem:v50+s2+$0x0], $0xffff  }
0x569: {  	v59 =	vadd.s32 s24, v12;
	[tilespmem:s15+$0x10EC0] =	vst v38;
	v44 =	vld.idx.msk [tilespmem:v56+s2+$0x0], $0xffff  }
0x56a: {  	[tilespmem:s16+$0x11490] =	vst v37;
	v49 =	vadd.s32 s0, v5;
	v40 =	vld.idx.msk [tilespmem:v62+s2+$0x0], $0xffff  }
0x56b: {  	v55 =	vadd.s32 s31, v5;
	[tilespmem:s16+$0x11400] =	vst v60  }
0x56c: {  	v38 =	vld.idx.msk [tilespmem:v54+s2+$0x0], $0xffff;
	[tilespmem:s16+$0x10B70] =	vst v58;
	v62 =	vadd.s32 s28, v1  }
0x56d: {  	v63 =	vadd.s32 s29, v1;
	v51 =	vld.idx.msk [tilespmem:v61+s2+$0x0], $0xffff;
	[tilespmem:s16+$0x10D60] =	vst v57  }
0x56e: {  	v54 =	vadd.s32 s25, v10;
	[tilespmem:s16+$0x10FD0] =	vst v44;
	v50 =	vld.idx.msk [tilespmem:v59+s2+$0x0], $0xffff  }
0x56f: {  	v52 =	vadd.s32 s24, v11;
	[tilespmem:s15+$0x10ED0] =	vst v40;
	v36 =	vld.idx.msk [tilespmem:v49+s2+$0x0], $0xffff  }
0x570: {  	[tilespmem:s16+$0x11610] =	vst v39;
	v58 =	vadd.s32 s0, v4;
	v41 =	vld.idx.msk [tilespmem:v55+s2+$0x0], $0xffff  }
0x571: {  	v48 =	vadd.s32 s31, v4;
	[tilespmem:s16+$0x114A0] =	vst v38;
	v53 =	vld.idx.msk [tilespmem:v62+s2+$0x0], $0xffff  }
0x572: {  	v40 =	vld.idx.msk [tilespmem:v63+s2+$0x0], $0xffff;
	[tilespmem:s16+$0x10F00] =	vst v51;
	v55 =	vadd.s32 s30, v2  }
0x573: {  	v56 =	vadd.s32 s26, v0;
	v60 =	vld.idx.msk [tilespmem:v54+s2+$0x0], $0xffff;
	[tilespmem:s16+$0x10D70] =	vst v50  }
0x574: {  	v63 =	vadd.s32 s25, v9;
	[tilespmem:s16+$0x10FE0] =	vst v36;
	v59 =	vld.idx.msk [tilespmem:v52+s2+$0x0], $0xffff  }
0x575: {  	v61 =	vadd.s32 s24, v10;
	[tilespmem:s15+$0x10EE0] =	vst v41;
	v37 =	vld.idx.msk [tilespmem:v58+s2+$0x0], $0xffff  }
0x576: {  	v49 =	vadd.s32 s29, v0;
	[tilespmem:s16+$0x115A0] =	vst v53;
	v43 =	vld.idx.msk [tilespmem:v48+s2+$0x0], $0xffff  }
0x577: {  	v51 =	vadd.s32 s0, v3;
	[tilespmem:s16+$0x11620] =	vst v40;
	v62 =	vld.idx.msk [tilespmem:v55+s2+$0x0], $0xffff  }
0x578: {  	v41 =	vld.idx.msk [tilespmem:v56+s2+$0x0], $0xffff;
	[tilespmem:s16+$0x10F10] =	vst v60;
	v58 =	vadd.s32 s30, v1  }
0x579: {  	v57 =	vadd.s32 s31, v3;
	v53 =	vld.idx.msk [tilespmem:v63+s2+$0x0], $0xffff;
	[tilespmem:s16+$0x11100] =	vst v59  }
0x57a: {  	[tilespmem:s16+$0x10FF0] =	vst v37;
	v52 =	vld.idx.msk [tilespmem:v61+s2+$0x0], $0xffff  }
0x57b: {  	v48 =	vadd.s32 s28, v0;
	[tilespmem:s15+$0x10EF0] =	vst v43;
	v43 =	vld.idx.msk [tilespmem:v49+s2+$0x0], $0xffff  }
0x57c: {  	v56 =	vadd.s32 s25, v8;
	[tilespmem:s16+$0x11410] =	vst v62;
	v39 =	vld.idx.msk [tilespmem:v51+s2+$0x0], $0xffff  }
0x57d: {  	s17 =	sor.u32 $0x400, s31;
	v54 =	vadd.s32 s24, v9;
	v49 =	vld.idx.msk [tilespmem:v58+s2+$0x0], $0xffff  }
0x57e: {  	v44 =	vld.idx.msk [tilespmem:v57+s2+$0x0], $0xffff;
	v57 =	vadd.s32 s17, v34  }
0x57f: {  	v60 =	vadd.s32 s0, v2;
	[tilespmem:s16+$0x10F20] =	vst v53  }
0x580: {  	v50 =	vadd.s32 s31, v2;
	v55 =	vld.idx.msk [tilespmem:v48+s2+$0x0], $0xffff;
	[tilespmem:s16+$0x11110] =	vst v52  }
0x581: {  	v51 =	vadd.s32 s30, v0;
	v62 =	vld.idx.msk [tilespmem:v56+s2+$0x0], $0xffff;
	[tilespmem:s16+$0x11380] =	vst v39  }
0x582: {  	s20 =	sor.u32 $0x1800, s31;
	v48 =	vadd.s32 s25, v7;
	[tilespmem:s16+$0x11420] =	vst v49;
	v61 =	vld.idx.msk [tilespmem:v54+s2+$0x0], $0xffff  }
0x583: {  	v49 =	vadd.s32 s20, v34;
	[tilespmem:s15+$0x11280] =	vst v44;
	v44 =	vld.idx.msk [tilespmem:v57+s2+$0x0], $0xffff  }
0x584: {  	v63 =	vadd.s32 s24, v8;
	[tilespmem:s16+$0x114B0] =	vst v41;
	v38 =	vld.idx.msk [tilespmem:v60+s2+$0x0], $0xffff  }
0x585: {  	[tilespmem:s16+$0x115B0] =	vst v55;
	v36 =	vld.idx.msk [tilespmem:v50+s2+$0x0], $0xffff;
	v50 =	vadd.s32 s17, v35  }
0x586: {  	v59 =	vadd.s32 s31, v1;
	[tilespmem:s16+$0x10F30] =	vst v62;
	v46 =	vld.idx.msk [tilespmem:v51+s2+$0x0], $0xffff  }
0x587: {  	v53 =	vadd.s32 s0, v1;
	[tilespmem:s16+$0x11630] =	vst v43;
	v55 =	vld.idx.msk [tilespmem:v48+s2+$0x0], $0xffff  }
0x588: {  	s19 =	sor.u32 $0xC00, s31;
	v57 =	vadd.s32 s25, v6;
	v43 =	vld.idx.msk [tilespmem:v49+s2+$0x0], $0xffff;
	[tilespmem:s16+$0x11120] =	vst v61  }
0x589: {  	[tilespmem:s15+$0x10300] =	vst v44;
	v61 =	vadd.s32 s19, v34;
	v54 =	vld.idx.msk [tilespmem:v63+s2+$0x0], $0xffff  }
0x58a: {  	v56 =	vadd.s32 s24, v7;
	[tilespmem:s15+$0x11290] =	vst v36;
	v36 =	vld.idx.msk [tilespmem:v50+s2+$0x0], $0xffff  }
0x58b: {  	s18 =	sor.u32 $0x1400, s31;
	v58 =	vadd.s32 s17, v33;
	[tilespmem:s16+$0x11390] =	vst v38;
	v37 =	vld.idx.msk [tilespmem:v59+s2+$0x0], $0xffff  }
0x58c: {  	s21 =	sor.u32 $0x1C00, s31;
	v40 =	vld.idx.msk [tilespmem:v53+s2+$0x0], $0xffff;
	[tilespmem:s16+$0x10F40] =	vst v55;
	v59 =	vadd.s32 s18, v34  }
0x58d: {  	[tilespmem:s16+$0x11430] =	vst v46;
	v50 =	vadd.s32 s21, v34;
	v63 =	vld.idx.msk [tilespmem:v57+s2+$0x0], $0xffff  }
0x58e: {  	v52 =	vadd.s32 s31, v0;
	v41 =	vld.idx.msk [tilespmem:v61+s2+$0x0], $0xffff;
	[tilespmem:s16+$0x11130] =	vst v54  }
0x58f: {  	s22 =	sor.u32 $0x1000, s31;
	v53 =	vadd.s32 s0, v0;
	[tilespmem:s15+$0x10310] =	vst v36;
	v62 =	vld.idx.msk [tilespmem:v56+s2+$0x0], $0xffff  }
0x590: {  	v60 =	vadd.s32 s22, v34;
	[tilespmem:s15+$0x112A0] =	vst v37;
	v37 =	vld.idx.msk [tilespmem:v58+s2+$0x0], $0xffff  }
0x591: {  	[tilespmem:s15+$0x10580] =	vst v43;
	v38 =	vld.idx.msk [tilespmem:v59+s2+$0x0], $0xffff;
	v58 =	vadd.s32 s20, v35  }
0x592: {  	v48 =	vadd.s32 s24, v6;
	[tilespmem:s16+$0x113A0] =	vst v40;
	v56 =	vld.idx.msk [tilespmem:v50+s2+$0x0], $0xffff  }
0x593: {  	v51 =	vadd.s32 s25, v5;
	[tilespmem:s16+$0x10F50] =	vst v63;
	v39 =	vld.idx.msk [tilespmem:v52+s2+$0x0], $0xffff  }
0x594: {  	v55 =	vadd.s32 s18, v35;
	v47 =	vld.idx.msk [tilespmem:v53+s2+$0x0], $0xffff;
	[tilespmem:s15+$0x10400] =	vst v41  }
0x595: {  	v59 =	vadd.s32 s21, v35;
	v52 =	vld.idx.msk [tilespmem:v60+s2+$0x0], $0xffff;
	[tilespmem:s16+$0x11140] =	vst v62  }
0x596: {  	s23 =	sor.u32 $0x800, s31;
	v54 =	vadd.s32 s22, v35;
	[tilespmem:s15+$0x10320] =	vst v37;
	v45 =	vld.idx.msk [tilespmem:v58+s2+$0x0], $0xffff  }
0x597: {  	[tilespmem:s15+$0x10500] =	vst v38;
	v62 =	vadd.s32 s23, v34;
	v42 =	vld.idx.msk [tilespmem:v48+s2+$0x0], $0xffff  }
0x598: {  	v53 =	vadd.s32 s20, v33;
	[tilespmem:s15+$0x112B0] =	vst v39;
	v39 =	vld.idx.msk [tilespmem:v51+s2+$0x0], $0xffff  }
0x599: {  	v57 =	vadd.s32 s24, v5;
	[tilespmem:s15+$0x10600] =	vst v56;
	v36 =	vld.idx.msk [tilespmem:v55+s2+$0x0], $0xffff  }
0x59a: {  	v61 =	vadd.s32 s25, v4;
	[tilespmem:s15+$0x10480] =	vst v52;
	v51 =	vld.idx.msk [tilespmem:v59+s2+$0x0], $0xffff  }
0x59b: {  	[tilespmem:s16+$0x113B0] =	vst v47;
	v48 =	vadd.s32 s18, v33;
	v60 =	vld.idx.msk [tilespmem:v54+s2+$0x0], $0xffff  }
0x59c: {  	v54 =	vadd.s32 s21, v33;
	v37 =	vld.idx.msk [tilespmem:v62+s2+$0x0], $0xffff;
	[tilespmem:s15+$0x10590] =	vst v45  }
0x59d: {  	v63 =	vadd.s32 s22, v33;
	[tilespmem:s16+$0x11150] =	vst v42;
	v47 =	vld.idx.msk [tilespmem:v53+s2+$0x0], $0xffff  }
0x59e: {  	[tilespmem:s16+$0x10F60] =	vst v39;
	v44 =	vld.idx.msk [tilespmem:v57+s2+$0x0], $0xffff;
	v57 =	vadd.s32 s19, v35  }
0x59f: {  	v62 =	vadd.s32 s20, v32;
	[tilespmem:s15+$0x10510] =	vst v36;
	v40 =	vld.idx.msk [tilespmem:v61+s2+$0x0], $0xffff  }
0x5a0: {  	v52 =	vadd.s32 s24, v4;
	[tilespmem:s15+$0x10610] =	vst v51;
	v58 =	vld.idx.msk [tilespmem:v48+s2+$0x0], $0xffff  }
0x5a1: {  	v56 =	vadd.s32 s25, v3;
	[tilespmem:s15+$0x10490] =	vst v60;
	v38 =	vld.idx.msk [tilespmem:v54+s2+$0x0], $0xffff  }
0x5a2: {  	v60 =	vadd.s32 s18, v32;
	v55 =	vld.idx.msk [tilespmem:v63+s2+$0x0], $0xffff;
	[tilespmem:s15+$0x105A0] =	vst v47  }
0x5a3: {  	v48 =	vadd.s32 s21, v32;
	[tilespmem:s16+$0x11160] =	vst v44;
	v63 =	vld.idx.msk [tilespmem:v57+s2+$0x0], $0xffff  }
0x5a4: {  	v59 =	vadd.s32 s22, v32;
	[tilespmem:s16+$0x10F70] =	vst v40;
	v41 =	vld.idx.msk [tilespmem:v62+s2+$0x0], $0xffff  }
0x5a5: {  	v51 =	vadd.s32 s19, v33;
	[tilespmem:s15+$0x10520] =	vst v58;
	v46 =	vld.idx.msk [tilespmem:v52+s2+$0x0], $0xffff  }
0x5a6: {  	[tilespmem:s15+$0x10620] =	vst v38;
	v42 =	vld.idx.msk [tilespmem:v56+s2+$0x0], $0xffff;
	v56 =	vadd.s32 s20, v31  }
0x5a7: {  	v61 =	vadd.s32 s24, v3;
	[tilespmem:s15+$0x104A0] =	vst v55;
	v39 =	vld.idx.msk [tilespmem:v60+s2+$0x0], $0xffff  }
0x5a8: {  	v50 =	vadd.s32 s25, v2;
	v54 =	vld.idx.msk [tilespmem:v48+s2+$0x0], $0xffff;
	[tilespmem:s15+$0x10410] =	vst v63  }
0x5a9: {  	v53 =	vadd.s32 s18, v31;
	v49 =	vld.idx.msk [tilespmem:v59+s2+$0x0], $0xffff;
	[tilespmem:s15+$0x105B0] =	vst v41  }
0x5aa: {  	v52 =	vadd.s32 s22, v31;
	[tilespmem:s16+$0x11170] =	vst v46;
	v57 =	vld.idx.msk [tilespmem:v51+s2+$0x0], $0xffff  }
0x5ab: {  	v58 =	vadd.s32 s21, v31;
	[tilespmem:s16+$0x11300] =	vst v42;
	v36 =	vld.idx.msk [tilespmem:v56+s2+$0x0], $0xffff  }
0x5ac: {  	[tilespmem:s15+$0x10530] =	vst v39;
	v40 =	vld.idx.msk [tilespmem:v61+s2+$0x0], $0xffff;
	v61 =	vadd.s32 s19, v32  }
0x5ad: {  	v55 =	vadd.s32 s24, v2;
	[tilespmem:s15+$0x10630] =	vst v54;
	v45 =	vld.idx.msk [tilespmem:v50+s2+$0x0], $0xffff  }
0x5ae: {  	[tilespmem:s15+$0x104B0] =	vst v49;
	v38 =	vld.idx.msk [tilespmem:v53+s2+$0x0], $0xffff;
	v50 =	vadd.s32 s20, v30  }
0x5af: {  	v60 =	vadd.s32 s25, v1;
	v59 =	vld.idx.msk [tilespmem:v52+s2+$0x0], $0xffff;
	[tilespmem:s15+$0x10420] =	vst v57  }
0x5b0: {  	v62 =	vadd.s32 s22, v30;
	v48 =	vld.idx.msk [tilespmem:v58+s2+$0x0], $0xffff;
	[tilespmem:s15+$0x105C0] =	vst v36  }
0x5b1: {  	v63 =	vadd.s32 s18, v30;
	[tilespmem:s16+$0x11500] =	vst v40;
	v51 =	vld.idx.msk [tilespmem:v61+s2+$0x0], $0xffff  }
0x5b2: {  	v52 =	vadd.s32 s21, v30;
	[tilespmem:s16+$0x11310] =	vst v45;
	v43 =	vld.idx.msk [tilespmem:v55+s2+$0x0], $0xffff  }
0x5b3: {  	v49 =	vadd.s32 s24, v1;
	[tilespmem:s15+$0x10540] =	vst v38;
	v44 =	vld.idx.msk [tilespmem:v50+s2+$0x0], $0xffff  }
0x5b4: {  	v47 =	vld.idx.msk [tilespmem:v60+s2+$0x0], $0xffff;
	[tilespmem:s15+$0x104C0] =	vst v59;
	v55 =	vadd.s32 s19, v31  }
0x5b5: {  	v54 =	vadd.s32 s25, v0;
	[tilespmem:s15+$0x10640] =	vst v48;
	v53 =	vld.idx.msk [tilespmem:v62+s2+$0x0], $0xffff  }
0x5b6: {  	v56 =	vadd.s32 s22, v29;
	v42 =	vld.idx.msk [tilespmem:v63+s2+$0x0], $0xffff;
	[tilespmem:s15+$0x10430] =	vst v51  }
0x5b7: {  	v57 =	vadd.s32 s18, v29;
	v40 =	vld.idx.msk [tilespmem:v52+s2+$0x0], $0xffff;
	[tilespmem:s16+$0x11510] =	vst v43  }
0x5b8: {  	v59 =	vadd.s32 s20, v29;
	[tilespmem:s15+$0x105D0] =	vst v44;
	v46 =	vld.idx.msk [tilespmem:v49+s2+$0x0], $0xffff  }
0x5b9: {  	v58 =	vadd.s32 s24, v0;
	[tilespmem:s16+$0x11320] =	vst v47;
	v61 =	vld.idx.msk [tilespmem:v55+s2+$0x0], $0xffff  }
0x5ba: {  	v62 =	vadd.s32 s21, v29;
	v60 =	vld.idx.msk [tilespmem:v54+s2+$0x0], $0xffff;
	[tilespmem:s15+$0x104D0] =	vst v53  }
0x5bb: {  	[tilespmem:s15+$0x10550] =	vst v42;
	v49 =	vadd.s32 s19, v30;
	v63 =	vld.idx.msk [tilespmem:v56+s2+$0x0], $0xffff  }
0x5bc: {  	v51 =	vadd.s32 s22, v28;
	[tilespmem:s15+$0x10650] =	vst v40;
	v50 =	vld.idx.msk [tilespmem:v57+s2+$0x0], $0xffff  }
0x5bd: {  	v41 =	vld.idx.msk [tilespmem:v59+s2+$0x0], $0xffff;
	[tilespmem:s16+$0x11520] =	vst v46  }
0x5be: {  	[tilespmem:s15+$0x10440] =	vst v61;
	v46 =	vadd.s32 s17, v32;
	v45 =	vld.idx.msk [tilespmem:v58+s2+$0x0], $0xffff  }
0x5bf: {  	v40 =	vld.idx.msk [tilespmem:v62+s2+$0x0], $0xffff;
	[tilespmem:s16+$0x11330] =	vst v60  }
0x5c0: {  	v36 =	vadd.s32 s19, v29;
	v44 =	vadd.s32 s20, v28;
	v38 =	vld.idx.msk [tilespmem:v49+s2+$0x0], $0xffff;
	[tilespmem:s15+$0x104E0] =	vst v63  }
0x5c1: {  	s24 =	simm.s32 $0x30;
	v43 =	vadd.s32 s21, v28;
	v42 =	vadd.s32 s23, v35;
	[tilespmem:s15+$0x10560] =	vst v50;
	v39 =	vld.idx.msk [tilespmem:v51+s2+$0x0], $0xffff  }
.LBB2_4:
0x5c2: {  	s29 =	sshll.u32 s24, $0xA;
	p0 =	slt.u32 s24, $0x38  }
0x5c3: {  	v46 =	vld.idx.msk [tilespmem:v46+s2+$0x0], $0xffff;
	[tilespmem:s16+$0x11530] =	vst v45;
	s8 =	smov.u32 s24;
	s24 =	sadd.s32 $0x8, s24;
	s16 =	smov.u32 s15  }
0x5c4: {  	v45 =	vadd.s32 s29, v34;
	s26 =	sor.u32 $0x400, s29;
	s1 =	sor.u32 $0x1000, s29;
	s25 =	sor.u32 $0x1400, s29;
	[tilespmem:s16+$0x105E0] =	vst v41  }
0x5c5: {  	s30 =	sor.u32 $0xC00, s29;
	s0 =	sor.u32 $0x1800, s29;
	s31 =	sor.u32 $0x1C00, s29;
	v41 =	vadd.s32 s22, v27;
	v44 =	vld.idx.msk [tilespmem:v44+s2+$0x0], $0xffff;
	[tilespmem:s16+$0x10660] =	vst v40  }
0x5c6: {  	v47 =	vadd.s32 s17, v31;
	s28 =	sor.u32 $0x800, s29;
	v40 =	vadd.s32 s30, v29;
	[tilespmem:s16+$0x10380] =	vst v37;
	v37 =	vld.idx.msk [tilespmem:v43+s2+$0x0], $0xffff  }
0x5c7: {  	v42 =	vld.idx.msk [tilespmem:v42+s2+$0x0], $0xffff;
	[tilespmem:s16+$0x10450] =	vst v38;
	v38 =	vadd.s32 s20, v27  }
0x5c8: {  	v43 =	vld.idx.msk [tilespmem:v36+s2+$0x0], $0xffff;
	[tilespmem:s16+$0x104F0] =	vst v39;
	v39 =	vadd.s32 s21, v27;
	v36 =	vmov v40  }
0x5c9: {  	v40 =	vld.idx.msk [tilespmem:v45+s2+$0x0], $0xffff;
	[tilespmem:s16+$0x10330] =	vst v46;
	v45 =	vadd.s32 s23, v33  }
0x5ca: {  	v46 =	vadd.s32 s19, v28;
	v41 =	vld.idx.msk [tilespmem:v41+s2+$0x0], $0xffff  }
0x5cb: {  	s8 =	sshrl.u32 s8, $0x3;
	v48 =	vadd.s32 s29, v35;
	v47 =	vld.idx.msk [tilespmem:v47+s2+$0x0], $0xffff;
	[tilespmem:s16+$0x105F0] =	vst v44  }
0x5cc: {  	s8 =	smul.u32 $0x5000, s8;
	v44 =	vadd.s32 s22, v26;
	v38 =	vld.idx.msk [tilespmem:v38+s2+$0x0], $0xffff;
	[tilespmem:s16+$0x10670] =	vst v37  }
0x5cd: {  	v37 =	vadd.s32 s17, v30;
	[tilespmem:s16+$0x10390] =	vst v42;
	v39 =	vld.idx.msk [tilespmem:v39+s2+$0x0], $0xffff  }
0x5ce: {  	s15 =	sshra.s32 s8, $0x2;
	v42 =	vld.idx.msk [tilespmem:v45+s2+$0x0], $0xffff;
	[tilespmem:s16+$0x10460] =	vst v43;
	v43 =	vadd.s32 s20, v26  }
0x5cf: {  	v45 =	vadd.s32 s21, v26;
	[tilespmem:s15+$0x10280] =	vst v40;
	v40 =	vld.idx.msk [tilespmem:v46+s2+$0x0], $0xffff  }
0x5d0: {  	v46 =	vld.idx.msk [tilespmem:v48+s2+$0x0], $0xffff;
	v48 =	vadd.s32 s23, v32;
	[tilespmem:s16+$0x10880] =	vst v41  }
0x5d1: {  	v41 =	vadd.s32 s19, v27;
	[tilespmem:s16+$0x10340] =	vst v47;
	v44 =	vld.idx.msk [tilespmem:v44+s2+$0x0], $0xffff  }
0x5d2: {  	v47 =	vadd.s32 s29, v33;
	v37 =	vld.idx.msk [tilespmem:v37+s2+$0x0], $0xffff;
	[tilespmem:s16+$0x10980] =	vst v38  }
0x5d3: {  	v38 =	vadd.s32 s22, v25;
	v43 =	vld.idx.msk [tilespmem:v43+s2+$0x0], $0xffff;
	[tilespmem:s16+$0x10A00] =	vst v39  }
0x5d4: {  	v39 =	vadd.s32 s17, v29;
	[tilespmem:s16+$0x103A0] =	vst v42;
	v42 =	vld.idx.msk [tilespmem:v45+s2+$0x0], $0xffff  }
0x5d5: {  	v45 =	vld.idx.msk [tilespmem:v48+s2+$0x0], $0xffff;
	[tilespmem:s16+$0x10470] =	vst v40;
	v40 =	vadd.s32 s20, v25  }
0x5d6: {  	[tilespmem:s15+$0x10290] =	vst v46;
	v41 =	vld.idx.msk [tilespmem:v41+s2+$0x0], $0xffff;
	v46 =	vadd.s32 s21, v25  }
0x5d7: {  	v48 =	vadd.s32 s23, v31;
	v47 =	vld.idx.msk [tilespmem:v47+s2+$0x0], $0xffff;
	[tilespmem:s16+$0x10890] =	vst v44  }
0x5d8: {  	[tilespmem:s16+$0x10350] =	vst v37;
	v37 =	vadd.s32 s19, v26;
	v38 =	vld.idx.msk [tilespmem:v38+s2+$0x0], $0xffff  }
0x5d9: {  	v44 =	vadd.s32 s29, v32;
	v39 =	vld.idx.msk [tilespmem:v39+s2+$0x0], $0xffff;
	[tilespmem:s16+$0x10990] =	vst v43  }
0x5da: {  	v43 =	vadd.s32 s22, v24;
	v40 =	vld.idx.msk [tilespmem:v40+s2+$0x0], $0xffff;
	[tilespmem:s16+$0x10A10] =	vst v42  }
0x5db: {  	v42 =	vadd.s32 s17, v28;
	[tilespmem:s16+$0x103B0] =	vst v45;
	v45 =	vld.idx.msk [tilespmem:v46+s2+$0x0], $0xffff  }
0x5dc: {  	v46 =	vld.idx.msk [tilespmem:v48+s2+$0x0], $0xffff;
	[tilespmem:s16+$0x10800] =	vst v41;
	v41 =	vadd.s32 s20, v24  }
0x5dd: {  	[tilespmem:s15+$0x102A0] =	vst v47;
	v37 =	vld.idx.msk [tilespmem:v37+s2+$0x0], $0xffff;
	v47 =	vadd.s32 s21, v24  }
0x5de: {  	v48 =	vadd.s32 s23, v30;
	v44 =	vld.idx.msk [tilespmem:v44+s2+$0x0], $0xffff;
	[tilespmem:s16+$0x108A0] =	vst v38  }
0x5df: {  	v38 =	vadd.s32 s19, v25;
	[tilespmem:s16+$0x10360] =	vst v39;
	v39 =	vld.idx.msk [tilespmem:v43+s2+$0x0], $0xffff  }
0x5e0: {  	v43 =	vadd.s32 s29, v31;
	v42 =	vld.idx.msk [tilespmem:v42+s2+$0x0], $0xffff;
	[tilespmem:s16+$0x109A0] =	vst v40  }
0x5e1: {  	v40 =	vadd.s32 s22, v23;
	v41 =	vld.idx.msk [tilespmem:v41+s2+$0x0], $0xffff;
	[tilespmem:s16+$0x10A20] =	vst v45  }
0x5e2: {  	v45 =	vadd.s32 s17, v27;
	[tilespmem:s16+$0x103C0] =	vst v46;
	v46 =	vld.idx.msk [tilespmem:v47+s2+$0x0], $0xffff  }
0x5e3: {  	v47 =	vld.idx.msk [tilespmem:v48+s2+$0x0], $0xffff;
	[tilespmem:s16+$0x10810] =	vst v37;
	v37 =	vadd.s32 s20, v23  }
0x5e4: {  	[tilespmem:s15+$0x102B0] =	vst v44;
	v38 =	vld.idx.msk [tilespmem:v38+s2+$0x0], $0xffff;
	v44 =	vadd.s32 s21, v23  }
0x5e5: {  	v48 =	vadd.s32 s23, v29;
	v43 =	vld.idx.msk [tilespmem:v43+s2+$0x0], $0xffff;
	[tilespmem:s16+$0x108B0] =	vst v39  }
0x5e6: {  	v39 =	vadd.s32 s19, v24;
	[tilespmem:s16+$0x10370] =	vst v42;
	v40 =	vld.idx.msk [tilespmem:v40+s2+$0x0], $0xffff  }
0x5e7: {  	v42 =	vadd.s32 s29, v30;
	v45 =	vld.idx.msk [tilespmem:v45+s2+$0x0], $0xffff;
	[tilespmem:s16+$0x109B0] =	vst v41  }
0x5e8: {  	v41 =	vadd.s32 s22, v22;
	v37 =	vld.idx.msk [tilespmem:v37+s2+$0x0], $0xffff;
	[tilespmem:s16+$0x10A30] =	vst v46  }
0x5e9: {  	v46 =	vadd.s32 s17, v26;
	[tilespmem:s16+$0x103D0] =	vst v47;
	v44 =	vld.idx.msk [tilespmem:v44+s2+$0x0], $0xffff  }
0x5ea: {  	v47 =	vld.idx.msk [tilespmem:v48+s2+$0x0], $0xffff;
	[tilespmem:s16+$0x10820] =	vst v38;
	v38 =	vadd.s32 s20, v22  }
0x5eb: {  	[tilespmem:s15+$0x102C0] =	vst v43;
	v39 =	vld.idx.msk [tilespmem:v39+s2+$0x0], $0xffff;
	v43 =	vadd.s32 s21, v22  }
0x5ec: {  	v48 =	vadd.s32 s23, v28;
	v42 =	vld.idx.msk [tilespmem:v42+s2+$0x0], $0xffff;
	[tilespmem:s16+$0x108C0] =	vst v40  }
0x5ed: {  	v40 =	vadd.s32 s19, v23;
	[tilespmem:s16+$0x10700] =	vst v45;
	v41 =	vld.idx.msk [tilespmem:v41+s2+$0x0], $0xffff  }
0x5ee: {  	v45 =	vadd.s32 s29, v29;
	v46 =	vld.idx.msk [tilespmem:v46+s2+$0x0], $0xffff;
	[tilespmem:s16+$0x109C0] =	vst v37  }
0x5ef: {  	v37 =	vadd.s32 s22, v21;
	v38 =	vld.idx.msk [tilespmem:v38+s2+$0x0], $0xffff;
	[tilespmem:s16+$0x10A40] =	vst v44  }
0x5f0: {  	v44 =	vadd.s32 s17, v25;
	[tilespmem:s16+$0x103E0] =	vst v47;
	v43 =	vld.idx.msk [tilespmem:v43+s2+$0x0], $0xffff  }
0x5f1: {  	v47 =	vld.idx.msk [tilespmem:v48+s2+$0x0], $0xffff;
	[tilespmem:s16+$0x10830] =	vst v39;
	v39 =	vadd.s32 s20, v21  }
0x5f2: {  	[tilespmem:s15+$0x102D0] =	vst v42;
	v40 =	vld.idx.msk [tilespmem:v40+s2+$0x0], $0xffff;
	v42 =	vadd.s32 s21, v21  }
0x5f3: {  	v48 =	vadd.s32 s23, v27;
	v45 =	vld.idx.msk [tilespmem:v45+s2+$0x0], $0xffff;
	[tilespmem:s16+$0x108D0] =	vst v41  }
0x5f4: {  	v41 =	vadd.s32 s19, v22;
	[tilespmem:s16+$0x10710] =	vst v46;
	v37 =	vld.idx.msk [tilespmem:v37+s2+$0x0], $0xffff  }
0x5f5: {  	v46 =	vadd.s32 s29, v28;
	v44 =	vld.idx.msk [tilespmem:v44+s2+$0x0], $0xffff;
	[tilespmem:s16+$0x109D0] =	vst v38  }
0x5f6: {  	v38 =	vadd.s32 s22, v20;
	v39 =	vld.idx.msk [tilespmem:v39+s2+$0x0], $0xffff;
	[tilespmem:s16+$0x10A50] =	vst v43  }
0x5f7: {  	v43 =	vadd.s32 s17, v24;
	[tilespmem:s16+$0x103F0] =	vst v47;
	v42 =	vld.idx.msk [tilespmem:v42+s2+$0x0], $0xffff  }
0x5f8: {  	v47 =	vld.idx.msk [tilespmem:v48+s2+$0x0], $0xffff;
	[tilespmem:s16+$0x10840] =	vst v40;
	v40 =	vadd.s32 s20, v20  }
0x5f9: {  	[tilespmem:s15+$0x102E0] =	vst v45;
	v41 =	vld.idx.msk [tilespmem:v41+s2+$0x0], $0xffff;
	v45 =	vadd.s32 s21, v20  }
0x5fa: {  	v48 =	vadd.s32 s23, v26;
	v46 =	vld.idx.msk [tilespmem:v46+s2+$0x0], $0xffff;
	[tilespmem:s16+$0x108E0] =	vst v37  }
0x5fb: {  	v37 =	vadd.s32 s19, v21;
	[tilespmem:s16+$0x10720] =	vst v44;
	v38 =	vld.idx.msk [tilespmem:v38+s2+$0x0], $0xffff  }
0x5fc: {  	v44 =	vadd.s32 s29, v27;
	v43 =	vld.idx.msk [tilespmem:v43+s2+$0x0], $0xffff;
	[tilespmem:s16+$0x109E0] =	vst v39  }
0x5fd: {  	v39 =	vadd.s32 s22, v19;
	v40 =	vld.idx.msk [tilespmem:v40+s2+$0x0], $0xffff;
	[tilespmem:s16+$0x10A60] =	vst v42  }
0x5fe: {  	v42 =	vadd.s32 s17, v23;
	[tilespmem:s16+$0x10780] =	vst v47;
	v45 =	vld.idx.msk [tilespmem:v45+s2+$0x0], $0xffff  }
0x5ff: {  	v47 =	vld.idx.msk [tilespmem:v48+s2+$0x0], $0xffff;
	[tilespmem:s16+$0x10850] =	vst v41;
	v41 =	vadd.s32 s20, v19  }
0x600: {  	[tilespmem:s15+$0x102F0] =	vst v46;
	v37 =	vld.idx.msk [tilespmem:v37+s2+$0x0], $0xffff;
	v46 =	vadd.s32 s21, v19  }
0x601: {  	v48 =	vadd.s32 s23, v25;
	v44 =	vld.idx.msk [tilespmem:v44+s2+$0x0], $0xffff;
	[tilespmem:s16+$0x108F0] =	vst v38  }
0x602: {  	v38 =	vadd.s32 s19, v20;
	[tilespmem:s16+$0x10730] =	vst v43;
	v39 =	vld.idx.msk [tilespmem:v39+s2+$0x0], $0xffff  }
0x603: {  	v43 =	vadd.s32 s29, v26;
	v42 =	vld.idx.msk [tilespmem:v42+s2+$0x0], $0xffff;
	[tilespmem:s16+$0x109F0] =	vst v40  }
0x604: {  	v40 =	vadd.s32 s22, v18;
	v41 =	vld.idx.msk [tilespmem:v41+s2+$0x0], $0xffff;
	[tilespmem:s16+$0x10A70] =	vst v45  }
0x605: {  	v45 =	vadd.s32 s17, v22;
	[tilespmem:s16+$0x10790] =	vst v47;
	v46 =	vld.idx.msk [tilespmem:v46+s2+$0x0], $0xffff  }
0x606: {  	v47 =	vld.idx.msk [tilespmem:v48+s2+$0x0], $0xffff;
	[tilespmem:s16+$0x10860] =	vst v37;
	v37 =	vadd.s32 s20, v18  }
0x607: {  	[tilespmem:s15+$0x10680] =	vst v44;
	v38 =	vld.idx.msk [tilespmem:v38+s2+$0x0], $0xffff;
	v44 =	vadd.s32 s21, v18  }
0x608: {  	v48 =	vadd.s32 s23, v24;
	v43 =	vld.idx.msk [tilespmem:v43+s2+$0x0], $0xffff;
	[tilespmem:s16+$0x10C80] =	vst v39  }
0x609: {  	v39 =	vadd.s32 s19, v19;
	[tilespmem:s16+$0x10740] =	vst v42;
	v40 =	vld.idx.msk [tilespmem:v40+s2+$0x0], $0xffff  }
0x60a: {  	v42 =	vadd.s32 s29, v25;
	v45 =	vld.idx.msk [tilespmem:v45+s2+$0x0], $0xffff;
	[tilespmem:s16+$0x10D80] =	vst v41  }
0x60b: {  	v41 =	vadd.s32 s22, v17;
	v37 =	vld.idx.msk [tilespmem:v37+s2+$0x0], $0xffff;
	[tilespmem:s16+$0x10E00] =	vst v46  }
0x60c: {  	v46 =	vadd.s32 s17, v21;
	[tilespmem:s16+$0x107A0] =	vst v47;
	v44 =	vld.idx.msk [tilespmem:v44+s2+$0x0], $0xffff  }
0x60d: {  	v47 =	vld.idx.msk [tilespmem:v48+s2+$0x0], $0xffff;
	[tilespmem:s16+$0x10870] =	vst v38;
	v38 =	vadd.s32 s20, v17  }
0x60e: {  	[tilespmem:s15+$0x10690] =	vst v43;
	v39 =	vld.idx.msk [tilespmem:v39+s2+$0x0], $0xffff;
	v43 =	vadd.s32 s21, v17  }
0x60f: {  	v48 =	vadd.s32 s23, v23;
	v42 =	vld.idx.msk [tilespmem:v42+s2+$0x0], $0xffff;
	[tilespmem:s16+$0x10C90] =	vst v40  }
0x610: {  	v40 =	vadd.s32 s19, v18;
	[tilespmem:s16+$0x10750] =	vst v45;
	v41 =	vld.idx.msk [tilespmem:v41+s2+$0x0], $0xffff  }
0x611: {  	v45 =	vadd.s32 s29, v24;
	v46 =	vld.idx.msk [tilespmem:v46+s2+$0x0], $0xffff;
	[tilespmem:s16+$0x10D90] =	vst v37  }
0x612: {  	v37 =	vadd.s32 s22, v16;
	v38 =	vld.idx.msk [tilespmem:v38+s2+$0x0], $0xffff;
	[tilespmem:s16+$0x10E10] =	vst v44  }
0x613: {  	v44 =	vadd.s32 s17, v20;
	[tilespmem:s16+$0x107B0] =	vst v47;
	v43 =	vld.idx.msk [tilespmem:v43+s2+$0x0], $0xffff  }
0x614: {  	v47 =	vld.idx.msk [tilespmem:v48+s2+$0x0], $0xffff;
	[tilespmem:s16+$0x10C00] =	vst v39;
	v39 =	vadd.s32 s20, v16  }
0x615: {  	[tilespmem:s15+$0x106A0] =	vst v42;
	v40 =	vld.idx.msk [tilespmem:v40+s2+$0x0], $0xffff;
	v42 =	vadd.s32 s21, v16  }
0x616: {  	v48 =	vadd.s32 s23, v22;
	v45 =	vld.idx.msk [tilespmem:v45+s2+$0x0], $0xffff;
	[tilespmem:s16+$0x10CA0] =	vst v41  }
0x617: {  	v41 =	vadd.s32 s19, v17;
	[tilespmem:s16+$0x10760] =	vst v46;
	v37 =	vld.idx.msk [tilespmem:v37+s2+$0x0], $0xffff  }
0x618: {  	v46 =	vadd.s32 s29, v23;
	v44 =	vld.idx.msk [tilespmem:v44+s2+$0x0], $0xffff;
	[tilespmem:s16+$0x10DA0] =	vst v38  }
0x619: {  	v38 =	vadd.s32 s22, v15;
	v39 =	vld.idx.msk [tilespmem:v39+s2+$0x0], $0xffff;
	[tilespmem:s16+$0x10E20] =	vst v43  }
0x61a: {  	v43 =	vadd.s32 s17, v19;
	[tilespmem:s16+$0x107C0] =	vst v47;
	v42 =	vld.idx.msk [tilespmem:v42+s2+$0x0], $0xffff  }
0x61b: {  	v47 =	vld.idx.msk [tilespmem:v48+s2+$0x0], $0xffff;
	[tilespmem:s16+$0x10C10] =	vst v40;
	v40 =	vadd.s32 s20, v15  }
0x61c: {  	[tilespmem:s15+$0x106B0] =	vst v45;
	v41 =	vld.idx.msk [tilespmem:v41+s2+$0x0], $0xffff;
	v45 =	vadd.s32 s21, v15  }
0x61d: {  	v48 =	vadd.s32 s23, v21;
	v46 =	vld.idx.msk [tilespmem:v46+s2+$0x0], $0xffff;
	[tilespmem:s16+$0x10CB0] =	vst v37  }
0x61e: {  	v37 =	vadd.s32 s19, v16;
	[tilespmem:s16+$0x10770] =	vst v44;
	v38 =	vld.idx.msk [tilespmem:v38+s2+$0x0], $0xffff  }
0x61f: {  	v44 =	vadd.s32 s29, v22;
	v43 =	vld.idx.msk [tilespmem:v43+s2+$0x0], $0xffff;
	[tilespmem:s16+$0x10DB0] =	vst v39  }
0x620: {  	v39 =	vadd.s32 s22, v14;
	v40 =	vld.idx.msk [tilespmem:v40+s2+$0x0], $0xffff;
	[tilespmem:s16+$0x10E30] =	vst v42  }
0x621: {  	v42 =	vadd.s32 s17, v18;
	[tilespmem:s16+$0x107D0] =	vst v47;
	v45 =	vld.idx.msk [tilespmem:v45+s2+$0x0], $0xffff  }
0x622: {  	v47 =	vld.idx.msk [tilespmem:v48+s2+$0x0], $0xffff;
	[tilespmem:s16+$0x10C20] =	vst v41;
	v41 =	vadd.s32 s20, v14  }
0x623: {  	[tilespmem:s15+$0x106C0] =	vst v46;
	v37 =	vld.idx.msk [tilespmem:v37+s2+$0x0], $0xffff;
	v46 =	vadd.s32 s21, v14  }
0x624: {  	v48 =	vadd.s32 s23, v20;
	v44 =	vld.idx.msk [tilespmem:v44+s2+$0x0], $0xffff;
	[tilespmem:s16+$0x10CC0] =	vst v38  }
0x625: {  	v38 =	vadd.s32 s19, v15;
	[tilespmem:s16+$0x10B00] =	vst v43;
	v39 =	vld.idx.msk [tilespmem:v39+s2+$0x0], $0xffff  }
0x626: {  	v43 =	vadd.s32 s29, v21;
	v42 =	vld.idx.msk [tilespmem:v42+s2+$0x0], $0xffff;
	[tilespmem:s16+$0x10DC0] =	vst v40  }
0x627: {  	v40 =	vadd.s32 s22, v13;
	v41 =	vld.idx.msk [tilespmem:v41+s2+$0x0], $0xffff;
	[tilespmem:s16+$0x10E40] =	vst v45  }
0x628: {  	v45 =	vadd.s32 s17, v17;
	[tilespmem:s16+$0x107E0] =	vst v47;
	v46 =	vld.idx.msk [tilespmem:v46+s2+$0x0], $0xffff  }
0x629: {  	v47 =	vld.idx.msk [tilespmem:v48+s2+$0x0], $0xffff;
	[tilespmem:s16+$0x10C30] =	vst v37;
	v37 =	vadd.s32 s20, v13  }
0x62a: {  	[tilespmem:s15+$0x106D0] =	vst v44;
	v38 =	vld.idx.msk [tilespmem:v38+s2+$0x0], $0xffff;
	v44 =	vadd.s32 s21, v13  }
0x62b: {  	v43 =	vld.idx.msk [tilespmem:v43+s2+$0x0], $0xffff;
	[tilespmem:s16+$0x10CD0] =	vst v39;
	v39 =	vadd.s32 s18, v28  }
0x62c: {  	[tilespmem:s16+$0x10B10] =	vst v42;
	v42 =	vadd.s32 s19, v14;
	v40 =	vld.idx.msk [tilespmem:v40+s2+$0x0], $0xffff  }
0x62d: {  	v48 =	vadd.s32 s29, v20;
	v45 =	vld.idx.msk [tilespmem:v45+s2+$0x0], $0xffff;
	[tilespmem:s16+$0x10DD0] =	vst v41  }
0x62e: {  	v41 =	vadd.s32 s22, v12;
	v37 =	vld.idx.msk [tilespmem:v37+s2+$0x0], $0xffff;
	[tilespmem:s16+$0x10E50] =	vst v46  }
0x62f: {  	v46 =	vadd.s32 s17, v16;
	[tilespmem:s16+$0x107F0] =	vst v47;
	v44 =	vld.idx.msk [tilespmem:v44+s2+$0x0], $0xffff  }
0x630: {  	[tilespmem:s16+$0x10C40] =	vst v38;
	v38 =	vld.idx.msk [tilespmem:v39+s2+$0x0], $0xffff;
	v39 =	vadd.s32 s20, v12  }
0x631: {  	[tilespmem:s15+$0x106E0] =	vst v43;
	v42 =	vld.idx.msk [tilespmem:v42+s2+$0x0], $0xffff;
	v43 =	vadd.s32 s21, v12  }
0x632: {  	v47 =	vld.idx.msk [tilespmem:v48+s2+$0x0], $0xffff;
	[tilespmem:s16+$0x10CE0] =	vst v40;
	v40 =	vadd.s32 s18, v27  }
0x633: {  	[tilespmem:s16+$0x10B20] =	vst v45;
	v45 =	vadd.s32 s19, v13;
	v41 =	vld.idx.msk [tilespmem:v41+s2+$0x0], $0xffff  }
0x634: {  	v48 =	vadd.s32 s29, v19;
	v46 =	vld.idx.msk [tilespmem:v46+s2+$0x0], $0xffff;
	[tilespmem:s16+$0x10DE0] =	vst v37  }
0x635: {  	v37 =	vadd.s32 s22, v11;
	v39 =	vld.idx.msk [tilespmem:v39+s2+$0x0], $0xffff;
	[tilespmem:s16+$0x10E60] =	vst v44  }
0x636: {  	v44 =	vadd.s32 s17, v15;
	[tilespmem:s16+$0x10570] =	vst v38;
	v38 =	vld.idx.msk [tilespmem:v43+s2+$0x0], $0xffff  }
0x637: {  	[tilespmem:s16+$0x10C50] =	vst v42;
	v40 =	vld.idx.msk [tilespmem:v40+s2+$0x0], $0xffff;
	v42 =	vadd.s32 s20, v11  }
0x638: {  	[tilespmem:s15+$0x106F0] =	vst v47;
	v43 =	vld.idx.msk [tilespmem:v45+s2+$0x0], $0xffff;
	v45 =	vadd.s32 s21, v11  }
0x639: {  	v47 =	vld.idx.msk [tilespmem:v48+s2+$0x0], $0xffff;
	[tilespmem:s16+$0x10CF0] =	vst v41;
	v41 =	vadd.s32 s18, v26  }
0x63a: {  	[tilespmem:s16+$0x10B30] =	vst v46;
	v46 =	vadd.s32 s19, v12;
	v37 =	vld.idx.msk [tilespmem:v37+s2+$0x0], $0xffff  }
0x63b: {  	v48 =	vadd.s32 s29, v18;
	v44 =	vld.idx.msk [tilespmem:v44+s2+$0x0], $0xffff;
	[tilespmem:s16+$0x10DF0] =	vst v39  }
0x63c: {  	v39 =	vadd.s32 s22, v10;
	v42 =	vld.idx.msk [tilespmem:v42+s2+$0x0], $0xffff;
	[tilespmem:s16+$0x10E70] =	vst v38  }
0x63d: {  	v38 =	vadd.s32 s23, v19;
	[tilespmem:s16+$0x10900] =	vst v40;
	v40 =	vld.idx.msk [tilespmem:v45+s2+$0x0], $0xffff  }
0x63e: {  	[tilespmem:s16+$0x10C60] =	vst v43;
	v41 =	vld.idx.msk [tilespmem:v41+s2+$0x0], $0xffff;
	v43 =	vadd.s32 s20, v10  }
0x63f: {  	[tilespmem:s15+$0x10A80] =	vst v47;
	v45 =	vld.idx.msk [tilespmem:v46+s2+$0x0], $0xffff;
	v46 =	vadd.s32 s21, v10  }
0x640: {  	v47 =	vld.idx.msk [tilespmem:v48+s2+$0x0], $0xffff;
	[tilespmem:s16+$0x11080] =	vst v37;
	v37 =	vadd.s32 s18, v25  }
0x641: {  	[tilespmem:s16+$0x10B40] =	vst v44;
	v44 =	vadd.s32 s19, v11;
	v39 =	vld.idx.msk [tilespmem:v39+s2+$0x0], $0xffff  }
0x642: {  	v48 =	vadd.s32 s29, v17;
	v38 =	vld.idx.msk [tilespmem:v38+s2+$0x0], $0xffff;
	[tilespmem:s16+$0x11180] =	vst v42  }
0x643: {  	v42 =	vadd.s32 s22, v9;
	v43 =	vld.idx.msk [tilespmem:v43+s2+$0x0], $0xffff;
	[tilespmem:s16+$0x11200] =	vst v40  }
0x644: {  	v40 =	vadd.s32 s23, v18;
	[tilespmem:s16+$0x10910] =	vst v41;
	v41 =	vld.idx.msk [tilespmem:v46+s2+$0x0], $0xffff  }
0x645: {  	[tilespmem:s16+$0x10C70] =	vst v45;
	v37 =	vld.idx.msk [tilespmem:v37+s2+$0x0], $0xffff;
	v45 =	vadd.s32 s20, v9  }
0x646: {  	v46 =	vadd.s32 s21, v9;
	[tilespmem:s15+$0x10A90] =	vst v47;
	v44 =	vld.idx.msk [tilespmem:v44+s2+$0x0], $0xffff  }
0x647: {  	v47 =	vld.idx.msk [tilespmem:v48+s2+$0x0], $0xffff;
	[tilespmem:s16+$0x11090] =	vst v39;
	v39 =	vadd.s32 s18, v24  }
0x648: {  	[tilespmem:s16+$0x10B80] =	vst v38;
	v38 =	vadd.s32 s19, v10;
	v42 =	vld.idx.msk [tilespmem:v42+s2+$0x0], $0xffff  }
0x649: {  	v48 =	vadd.s32 s29, v16;
	v40 =	vld.idx.msk [tilespmem:v40+s2+$0x0], $0xffff;
	[tilespmem:s16+$0x11190] =	vst v43  }
0x64a: {  	v43 =	vadd.s32 s22, v8;
	v45 =	vld.idx.msk [tilespmem:v45+s2+$0x0], $0xffff;
	[tilespmem:s16+$0x11210] =	vst v41  }
0x64b: {  	v41 =	vadd.s32 s23, v17;
	[tilespmem:s16+$0x10920] =	vst v37;
	v37 =	vld.idx.msk [tilespmem:v46+s2+$0x0], $0xffff  }
0x64c: {  	[tilespmem:s16+$0x11000] =	vst v44;
	v39 =	vld.idx.msk [tilespmem:v39+s2+$0x0], $0xffff;
	v44 =	vadd.s32 s20, v8  }
0x64d: {  	v46 =	vadd.s32 s21, v8;
	[tilespmem:s15+$0x10AA0] =	vst v47;
	v38 =	vld.idx.msk [tilespmem:v38+s2+$0x0], $0xffff  }
0x64e: {  	v47 =	vld.idx.msk [tilespmem:v48+s2+$0x0], $0xffff;
	[tilespmem:s16+$0x110A0] =	vst v42;
	v42 =	vadd.s32 s18, v23  }
0x64f: {  	[tilespmem:s16+$0x10B90] =	vst v40;
	v40 =	vadd.s32 s19, v9;
	v43 =	vld.idx.msk [tilespmem:v43+s2+$0x0], $0xffff  }
0x650: {  	v48 =	vadd.s32 s29, v15;
	v41 =	vld.idx.msk [tilespmem:v41+s2+$0x0], $0xffff;
	[tilespmem:s16+$0x111A0] =	vst v45  }
0x651: {  	v45 =	vadd.s32 s22, v7;
	v44 =	vld.idx.msk [tilespmem:v44+s2+$0x0], $0xffff;
	[tilespmem:s16+$0x11220] =	vst v37  }
0x652: {  	v37 =	vadd.s32 s23, v16;
	[tilespmem:s16+$0x10930] =	vst v39;
	v39 =	vld.idx.msk [tilespmem:v46+s2+$0x0], $0xffff  }
0x653: {  	[tilespmem:s16+$0x11010] =	vst v38;
	v38 =	vld.idx.msk [tilespmem:v42+s2+$0x0], $0xffff;
	v42 =	vadd.s32 s20, v7  }
0x654: {  	v46 =	vadd.s32 s21, v7;
	[tilespmem:s15+$0x10AB0] =	vst v47;
	v40 =	vld.idx.msk [tilespmem:v40+s2+$0x0], $0xffff  }
0x655: {  	v47 =	vld.idx.msk [tilespmem:v48+s2+$0x0], $0xffff;
	[tilespmem:s16+$0x110B0] =	vst v43;
	v43 =	vadd.s32 s18, v22  }
0x656: {  	[tilespmem:s16+$0x10BA0] =	vst v41;
	v41 =	vadd.s32 s19, v8;
	v45 =	vld.idx.msk [tilespmem:v45+s2+$0x0], $0xffff  }
0x657: {  	v48 =	vadd.s32 s29, v14;
	v37 =	vld.idx.msk [tilespmem:v37+s2+$0x0], $0xffff;
	[tilespmem:s16+$0x111B0] =	vst v44  }
0x658: {  	v44 =	vadd.s32 s22, v6;
	v42 =	vld.idx.msk [tilespmem:v42+s2+$0x0], $0xffff;
	[tilespmem:s16+$0x11230] =	vst v39  }
0x659: {  	v39 =	vadd.s32 s23, v15;
	[tilespmem:s16+$0x10940] =	vst v38;
	v38 =	vld.idx.msk [tilespmem:v46+s2+$0x0], $0xffff  }
0x65a: {  	[tilespmem:s16+$0x11020] =	vst v40;
	v40 =	vld.idx.msk [tilespmem:v43+s2+$0x0], $0xffff;
	v43 =	vadd.s32 s20, v6  }
0x65b: {  	v46 =	vadd.s32 s21, v6;
	[tilespmem:s15+$0x10AC0] =	vst v47;
	v41 =	vld.idx.msk [tilespmem:v41+s2+$0x0], $0xffff  }
0x65c: {  	v47 =	vld.idx.msk [tilespmem:v48+s2+$0x0], $0xffff;
	[tilespmem:s16+$0x110C0] =	vst v45;
	v45 =	vadd.s32 s18, v21  }
0x65d: {  	[tilespmem:s16+$0x10BB0] =	vst v37;
	v37 =	vadd.s32 s19, v7;
	v44 =	vld.idx.msk [tilespmem:v44+s2+$0x0], $0xffff  }
0x65e: {  	v48 =	vadd.s32 s29, v13;
	v39 =	vld.idx.msk [tilespmem:v39+s2+$0x0], $0xffff;
	[tilespmem:s16+$0x111C0] =	vst v42  }
0x65f: {  	v42 =	vadd.s32 s22, v5;
	v43 =	vld.idx.msk [tilespmem:v43+s2+$0x0], $0xffff;
	[tilespmem:s16+$0x11240] =	vst v38  }
0x660: {  	v38 =	vadd.s32 s23, v14;
	[tilespmem:s16+$0x10950] =	vst v40;
	v40 =	vld.idx.msk [tilespmem:v46+s2+$0x0], $0xffff  }
0x661: {  	[tilespmem:s16+$0x11030] =	vst v41;
	v41 =	vld.idx.msk [tilespmem:v45+s2+$0x0], $0xffff;
	v45 =	vadd.s32 s20, v5  }
0x662: {  	v46 =	vadd.s32 s21, v5;
	[tilespmem:s15+$0x10AD0] =	vst v47;
	v37 =	vld.idx.msk [tilespmem:v37+s2+$0x0], $0xffff  }
0x663: {  	v47 =	vld.idx.msk [tilespmem:v48+s2+$0x0], $0xffff;
	[tilespmem:s16+$0x110D0] =	vst v44;
	v44 =	vadd.s32 s18, v20  }
0x664: {  	[tilespmem:s16+$0x10BC0] =	vst v39;
	v39 =	vadd.s32 s19, v6;
	v42 =	vld.idx.msk [tilespmem:v42+s2+$0x0], $0xffff  }
0x665: {  	v48 =	vadd.s32 s29, v12;
	v38 =	vld.idx.msk [tilespmem:v38+s2+$0x0], $0xffff;
	[tilespmem:s16+$0x111D0] =	vst v43  }
0x666: {  	v43 =	vadd.s32 s22, v4;
	v45 =	vld.idx.msk [tilespmem:v45+s2+$0x0], $0xffff;
	[tilespmem:s16+$0x11250] =	vst v40  }
0x667: {  	v40 =	vadd.s32 s23, v13;
	[tilespmem:s16+$0x10960] =	vst v41;
	v41 =	vld.idx.msk [tilespmem:v46+s2+$0x0], $0xffff  }
0x668: {  	[tilespmem:s16+$0x11040] =	vst v37;
	v37 =	vld.idx.msk [tilespmem:v44+s2+$0x0], $0xffff;
	v44 =	vadd.s32 s20, v4  }
0x669: {  	v46 =	vadd.s32 s21, v4;
	[tilespmem:s15+$0x10AE0] =	vst v47;
	v39 =	vld.idx.msk [tilespmem:v39+s2+$0x0], $0xffff  }
0x66a: {  	v47 =	vld.idx.msk [tilespmem:v48+s2+$0x0], $0xffff;
	[tilespmem:s16+$0x110E0] =	vst v42;
	v42 =	vadd.s32 s18, v19  }
0x66b: {  	[tilespmem:s16+$0x10BD0] =	vst v38;
	v38 =	vadd.s32 s19, v5;
	v43 =	vld.idx.msk [tilespmem:v43+s2+$0x0], $0xffff  }
0x66c: {  	v48 =	vadd.s32 s29, v11;
	v40 =	vld.idx.msk [tilespmem:v40+s2+$0x0], $0xffff;
	[tilespmem:s16+$0x111E0] =	vst v45  }
0x66d: {  	v45 =	vadd.s32 s22, v3;
	v44 =	vld.idx.msk [tilespmem:v44+s2+$0x0], $0xffff;
	[tilespmem:s16+$0x11260] =	vst v41  }
0x66e: {  	v41 =	vadd.s32 s23, v12;
	[tilespmem:s16+$0x10970] =	vst v37;
	v37 =	vld.idx.msk [tilespmem:v46+s2+$0x0], $0xffff  }
0x66f: {  	[tilespmem:s16+$0x11050] =	vst v39;
	v39 =	vld.idx.msk [tilespmem:v42+s2+$0x0], $0xffff;
	v42 =	vadd.s32 s20, v3  }
0x670: {  	v46 =	vadd.s32 s21, v3;
	[tilespmem:s15+$0x10AF0] =	vst v47;
	v38 =	vld.idx.msk [tilespmem:v38+s2+$0x0], $0xffff  }
0x671: {  	v47 =	vld.idx.msk [tilespmem:v48+s2+$0x0], $0xffff;
	[tilespmem:s16+$0x110F0] =	vst v43;
	v43 =	vadd.s32 s18, v18  }
0x672: {  	[tilespmem:s16+$0x10BE0] =	vst v40;
	v40 =	vadd.s32 s19, v4;
	v45 =	vld.idx.msk [tilespmem:v45+s2+$0x0], $0xffff  }
0x673: {  	v48 =	vadd.s32 s29, v10;
	v41 =	vld.idx.msk [tilespmem:v41+s2+$0x0], $0xffff;
	[tilespmem:s16+$0x111F0] =	vst v44  }
0x674: {  	v44 =	vadd.s32 s22, v2;
	v42 =	vld.idx.msk [tilespmem:v42+s2+$0x0], $0xffff;
	[tilespmem:s16+$0x11270] =	vst v37  }
0x675: {  	v37 =	vadd.s32 s23, v11;
	[tilespmem:s16+$0x10D00] =	vst v39;
	v39 =	vld.idx.msk [tilespmem:v46+s2+$0x0], $0xffff  }
0x676: {  	[tilespmem:s16+$0x11060] =	vst v38;
	v38 =	vld.idx.msk [tilespmem:v43+s2+$0x0], $0xffff;
	v43 =	vadd.s32 s20, v2  }
0x677: {  	v46 =	vadd.s32 s21, v2;
	[tilespmem:s15+$0x10E80] =	vst v47;
	v40 =	vld.idx.msk [tilespmem:v40+s2+$0x0], $0xffff  }
0x678: {  	v47 =	vld.idx.msk [tilespmem:v48+s2+$0x0], $0xffff;
	[tilespmem:s16+$0x11480] =	vst v45;
	v45 =	vadd.s32 s18, v17  }
0x679: {  	[tilespmem:s16+$0x10BF0] =	vst v41;
	v41 =	vadd.s32 s19, v3;
	v44 =	vld.idx.msk [tilespmem:v44+s2+$0x0], $0xffff  }
0x67a: {  	v48 =	vadd.s32 s29, v9;
	v37 =	vld.idx.msk [tilespmem:v37+s2+$0x0], $0xffff;
	[tilespmem:s16+$0x11580] =	vst v42  }
0x67b: {  	v42 =	vadd.s32 s22, v1;
	v43 =	vld.idx.msk [tilespmem:v43+s2+$0x0], $0xffff;
	[tilespmem:s16+$0x11600] =	vst v39  }
0x67c: {  	v39 =	vadd.s32 s23, v10;
	[tilespmem:s16+$0x10D10] =	vst v38;
	v38 =	vld.idx.msk [tilespmem:v46+s2+$0x0], $0xffff  }
0x67d: {  	[tilespmem:s16+$0x11070] =	vst v40;
	v40 =	vld.idx.msk [tilespmem:v45+s2+$0x0], $0xffff;
	v45 =	vadd.s32 s20, v1  }
0x67e: {  	v46 =	vadd.s32 s21, v1;
	[tilespmem:s15+$0x10E90] =	vst v47;
	v41 =	vld.idx.msk [tilespmem:v41+s2+$0x0], $0xffff  }
0x67f: {  	v47 =	vld.idx.msk [tilespmem:v48+s2+$0x0], $0xffff;
	[tilespmem:s16+$0x11490] =	vst v44;
	v44 =	vadd.s32 s18, v16  }
0x680: {  	[tilespmem:s16+$0x10F80] =	vst v37;
	v37 =	vadd.s32 s19, v2;
	v42 =	vld.idx.msk [tilespmem:v42+s2+$0x0], $0xffff  }
0x681: {  	v48 =	vadd.s32 s29, v8;
	v39 =	vld.idx.msk [tilespmem:v39+s2+$0x0], $0xffff;
	[tilespmem:s16+$0x11590] =	vst v43  }
0x682: {  	v43 =	vadd.s32 s22, v0;
	s22 =	smov.u32 s1;
	v45 =	vld.idx.msk [tilespmem:v45+s2+$0x0], $0xffff;
	[tilespmem:s16+$0x11610] =	vst v38  }
0x683: {  	v38 =	vadd.s32 s23, v9;
	[tilespmem:s16+$0x10D20] =	vst v40;
	v40 =	vld.idx.msk [tilespmem:v46+s2+$0x0], $0xffff  }
0x684: {  	[tilespmem:s16+$0x11400] =	vst v41;
	v41 =	vld.idx.msk [tilespmem:v44+s2+$0x0], $0xffff;
	v44 =	vadd.s32 s20, v0;
	s20 =	smov.u32 s0  }
0x685: {  	v46 =	vadd.s32 s21, v0;
	s21 =	smov.u32 s31;
	[tilespmem:s15+$0x10EA0] =	vst v47;
	v37 =	vld.idx.msk [tilespmem:v37+s2+$0x0], $0xffff  }
0x686: {  	v47 =	vld.idx.msk [tilespmem:v48+s2+$0x0], $0xffff;
	[tilespmem:s16+$0x114A0] =	vst v42;
	v42 =	vadd.s32 s18, v15  }
0x687: {  	v48 =	vadd.s32 s17, v14;
	[tilespmem:s16+$0x10F90] =	vst v39;
	v39 =	vld.idx.msk [tilespmem:v43+s2+$0x0], $0xffff  }
0x688: {  	v43 =	vadd.s32 s29, v7;
	v38 =	vld.idx.msk [tilespmem:v38+s2+$0x0], $0xffff;
	[tilespmem:s16+$0x115A0] =	vst v45  }
0x689: {  	v45 =	vadd.s32 s19, v1;
	v44 =	vld.idx.msk [tilespmem:v44+s2+$0x0], $0xffff;
	[tilespmem:s16+$0x11620] =	vst v40  }
0x68a: {  	v40 =	vadd.s32 s23, v8;
	[tilespmem:s16+$0x10D30] =	vst v41;
	v41 =	vld.idx.msk [tilespmem:v46+s2+$0x0], $0xffff  }
0x68b: {  	[tilespmem:s16+$0x11410] =	vst v37;
	v37 =	vld.idx.msk [tilespmem:v42+s2+$0x0], $0xffff  }
0x68c: {  	[tilespmem:s15+$0x10EB0] =	vst v47;
	v42 =	vld.idx.msk [tilespmem:v48+s2+$0x0], $0xffff  }
0x68d: {  	v43 =	vld.idx.msk [tilespmem:v43+s2+$0x0], $0xffff;
	[tilespmem:s16+$0x114B0] =	vst v39;
	v39 =	vadd.s32 s18, v14  }
0x68e: {  	v46 =	vadd.s32 s17, v13;
	[tilespmem:s16+$0x10FA0] =	vst v38;
	v38 =	vld.idx.msk [tilespmem:v45+s2+$0x0], $0xffff  }
0x68f: {  	v45 =	vadd.s32 s29, v6;
	v40 =	vld.idx.msk [tilespmem:v40+s2+$0x0], $0xffff;
	[tilespmem:s16+$0x115B0] =	vst v44  }
0x690: {  	v44 =	vadd.s32 s19, v0;
	s19 =	smov.u32 s30;
	[tilespmem:s16+$0x11630] =	vst v41  }
0x691: {  	v41 =	vadd.s32 s23, v7;
	[tilespmem:s16+$0x10D40] =	vst v37  }
0x692: {  	[tilespmem:s16+$0x10B50] =	vst v42;
	v37 =	vld.idx.msk [tilespmem:v39+s2+$0x0], $0xffff  }
0x693: {  	[tilespmem:s15+$0x10EC0] =	vst v43;
	v39 =	vld.idx.msk [tilespmem:v46+s2+$0x0], $0xffff  }
0x694: {  	v42 =	vld.idx.msk [tilespmem:v45+s2+$0x0], $0xffff;
	[tilespmem:s16+$0x11420] =	vst v38;
	v38 =	vadd.s32 s18, v13  }
0x695: {  	v43 =	vadd.s32 s17, v12;
	[tilespmem:s16+$0x10FB0] =	vst v40;
	v40 =	vld.idx.msk [tilespmem:v44+s2+$0x0], $0xffff  }
0x696: {  	v44 =	vadd.s32 s29, v5;
	v41 =	vld.idx.msk [tilespmem:v41+s2+$0x0], $0xffff;
	_ =	sdelay $0x1  }
0x697: {  	v45 =	vadd.s32 s23, v6;
	[tilespmem:s16+$0x10D50] =	vst v37  }
0x698: {  	[tilespmem:s16+$0x10B60] =	vst v39;
	v37 =	vld.idx.msk [tilespmem:v38+s2+$0x0], $0xffff  }
0x699: {  	[tilespmem:s15+$0x10ED0] =	vst v42;
	v38 =	vld.idx.msk [tilespmem:v43+s2+$0x0], $0xffff  }
0x69a: {  	v39 =	vld.idx.msk [tilespmem:v44+s2+$0x0], $0xffff;
	[tilespmem:s16+$0x11430] =	vst v40;
	v40 =	vadd.s32 s18, v12  }
0x69b: {  	v42 =	vadd.s32 s17, v11;
	[tilespmem:s16+$0x10FC0] =	vst v41  }
0x69c: {  	v41 =	vadd.s32 s29, v4;
	v43 =	vld.idx.msk [tilespmem:v45+s2+$0x0], $0xffff;
	_ =	sdelay $0x1  }
0x69d: {  	v44 =	vadd.s32 s23, v5;
	[tilespmem:s16+$0x10D60] =	vst v37  }
0x69e: {  	[tilespmem:s16+$0x10B70] =	vst v38;
	v37 =	vld.idx.msk [tilespmem:v40+s2+$0x0], $0xffff  }
0x69f: {  	[tilespmem:s15+$0x10EE0] =	vst v39;
	v38 =	vld.idx.msk [tilespmem:v42+s2+$0x0], $0xffff  }
0x6a0: {  	v40 =	vadd.s32 s18, v11;
	v39 =	vld.idx.msk [tilespmem:v41+s2+$0x0], $0xffff  }
0x6a1: {  	v41 =	vadd.s32 s17, v10;
	[tilespmem:s16+$0x10FD0] =	vst v43  }
0x6a2: {  	v42 =	vadd.s32 s29, v3;
	v43 =	vld.idx.msk [tilespmem:v44+s2+$0x0], $0xffff;
	_ =	sdelay $0x1  }
0x6a3: {  	v44 =	vadd.s32 s23, v4;
	[tilespmem:s16+$0x10D70] =	vst v37  }
0x6a4: {  	[tilespmem:s16+$0x10F00] =	vst v38;
	v37 =	vld.idx.msk [tilespmem:v40+s2+$0x0], $0xffff  }
0x6a5: {  	[tilespmem:s15+$0x10EF0] =	vst v39;
	v38 =	vld.idx.msk [tilespmem:v41+s2+$0x0], $0xffff  }
0x6a6: {  	v40 =	vadd.s32 s18, v10;
	v39 =	vld.idx.msk [tilespmem:v42+s2+$0x0], $0xffff  }
0x6a7: {  	v41 =	vadd.s32 s17, v9;
	[tilespmem:s16+$0x10FE0] =	vst v43  }
0x6a8: {  	v42 =	vadd.s32 s29, v2;
	v43 =	vld.idx.msk [tilespmem:v44+s2+$0x0], $0xffff;
	_ =	sdelay $0x1  }
0x6a9: {  	v44 =	vadd.s32 s23, v3;
	[tilespmem:s16+$0x11100] =	vst v37  }
0x6aa: {  	[tilespmem:s16+$0x10F10] =	vst v38;
	v37 =	vld.idx.msk [tilespmem:v40+s2+$0x0], $0xffff  }
0x6ab: {  	v38 =	vadd.s32 s26, v34;
	[tilespmem:s15+$0x11280] =	vst v39;
	v39 =	vld.idx.msk [tilespmem:v41+s2+$0x0], $0xffff  }
0x6ac: {  	v41 =	vadd.s32 s18, v9;
	v40 =	vld.idx.msk [tilespmem:v42+s2+$0x0], $0xffff  }
0x6ad: {  	v42 =	vadd.s32 s17, v8;
	[tilespmem:s16+$0x10FF0] =	vst v43  }
0x6ae: {  	v43 =	vadd.s32 s29, v1;
	v44 =	vld.idx.msk [tilespmem:v44+s2+$0x0], $0xffff;
	_ =	sdelay $0x1  }
0x6af: {  	v45 =	vadd.s32 s23, v2;
	v38 =	vld.idx.msk [tilespmem:v38+s2+$0x0], $0xffff;
	[tilespmem:s16+$0x11110] =	vst v37  }
0x6b0: {  	[tilespmem:s16+$0x10F20] =	vst v39;
	v37 =	vld.idx.msk [tilespmem:v41+s2+$0x0], $0xffff  }
0x6b1: {  	v39 =	vadd.s32 s26, v35;
	[tilespmem:s15+$0x11290] =	vst v40;
	v40 =	vld.idx.msk [tilespmem:v42+s2+$0x0], $0xffff  }
0x6b2: {  	v42 =	vadd.s32 s18, v8;
	v41 =	vld.idx.msk [tilespmem:v43+s2+$0x0], $0xffff  }
0x6b3: {  	v43 =	vadd.s32 s17, v7;
	[tilespmem:s16+$0x11380] =	vst v44  }
0x6b4: {  	v44 =	vadd.s32 s29, v0;
	v45 =	vld.idx.msk [tilespmem:v45+s2+$0x0], $0xffff  }
0x6b5: {  	[tilespmem:s15+$0x10300] =	vst v38  }
0x6b6: {  	v38 =	vld.idx.msk [tilespmem:v39+s2+$0x0], $0xffff;
	v39 =	vadd.s32 s23, v1;
	[tilespmem:s16+$0x11120] =	vst v37  }
0x6b7: {  	[tilespmem:s16+$0x10F30] =	vst v40;
	v37 =	vld.idx.msk [tilespmem:v42+s2+$0x0], $0xffff  }
0x6b8: {  	[tilespmem:s15+$0x112A0] =	vst v41;
	v40 =	vld.idx.msk [tilespmem:v43+s2+$0x0], $0xffff  }
0x6b9: {  	v42 =	vadd.s32 s18, v7;
	v41 =	vld.idx.msk [tilespmem:v44+s2+$0x0], $0xffff  }
0x6ba: {  	v43 =	vadd.s32 s17, v6;
	[tilespmem:s16+$0x11390] =	vst v45  }
0x6bb: {  	v44 =	vadd.s32 s26, v33;
	v39 =	vld.idx.msk [tilespmem:v39+s2+$0x0], $0xffff  }
0x6bc: {  	[tilespmem:s15+$0x10310] =	vst v38;
	v38 =	vadd.s32 s25, v34  }
0x6bd: {  	v45 =	vadd.s32 s22, v34;
	[tilespmem:s16+$0x11130] =	vst v37  }
0x6be: {  	v37 =	vadd.s32 s19, v34;
	[tilespmem:s16+$0x10F40] =	vst v40;
	v40 =	vld.idx.msk [tilespmem:v42+s2+$0x0], $0xffff  }
0x6bf: {  	[tilespmem:s15+$0x112B0] =	vst v41;
	v41 =	vadd.s32 s20, v34;
	v42 =	vld.idx.msk [tilespmem:v43+s2+$0x0], $0xffff  }
0x6c0: {  	v43 =	vld.idx.msk [tilespmem:v44+s2+$0x0], $0xffff;
	v44 =	vadd.s32 s18, v6  }
0x6c1: {  	v46 =	vadd.s32 s17, v5;
	v38 =	vld.idx.msk [tilespmem:v38+s2+$0x0], $0xffff;
	[tilespmem:s16+$0x113A0] =	vst v39  }
0x6c2: {  	v39 =	vld.idx.msk [tilespmem:v45+s2+$0x0], $0xffff;
	v45 =	vadd.s32 s21, v34  }
0x6c3: {  	v47 =	vadd.s32 s28, v34;
	v48 =	vld.idx.msk [tilespmem:v37+s2+$0x0], $0xffff  }
0x6c4: {  	v49 =	vadd.s32 s23, v0;
	s23 =	smov.u32 s28;
	v41 =	vld.idx.msk [tilespmem:v41+s2+$0x0], $0xffff;
	[tilespmem:s16+$0x11140] =	vst v40  }
0x6c5: {  	v40 =	vadd.s32 s22, v35;
	[tilespmem:s16+$0x10F50] =	vst v42;
	v42 =	vld.idx.msk [tilespmem:v44+s2+$0x0], $0xffff  }
0x6c6: {  	[tilespmem:s15+$0x10320] =	vst v43;
	v43 =	vadd.s32 s25, v35;
	v44 =	vld.idx.msk [tilespmem:v46+s2+$0x0], $0xffff  }
0x6c7: {  	v46 =	vadd.s32 s18, v5;
	v45 =	vld.idx.msk [tilespmem:v45+s2+$0x0], $0xffff  }
0x6c8: {  	v37 =	vld.idx.msk [tilespmem:v47+s2+$0x0], $0xffff;
	v47 =	vadd.s32 s20, v35  }
0x6c9: {  	[tilespmem:s15+$0x10480] =	vst v39;
	v39 =	vadd.s32 s21, v35;
	v49 =	vld.idx.msk [tilespmem:v49+s2+$0x0], $0xffff  }
0x6ca: {  	v40 =	vld.idx.msk [tilespmem:v40+s2+$0x0], $0xffff;
	[tilespmem:s15+$0x10500] =	vst v38;
	v38 =	vadd.s32 s17, v4  }
0x6cb: {  	v43 =	vld.idx.msk [tilespmem:v43+s2+$0x0], $0xffff;
	[tilespmem:s16+$0x11150] =	vst v42  }
0x6cc: {  	v42 =	vadd.s32 s22, v33;
	[tilespmem:s15+$0x10580] =	vst v41;
	v41 =	vld.idx.msk [tilespmem:v46+s2+$0x0], $0xffff  }
0x6cd: {  	v46 =	vadd.s32 s25, v33;
	v47 =	vld.idx.msk [tilespmem:v47+s2+$0x0], $0xffff;
	[tilespmem:s15+$0x10600] =	vst v45  }
0x6ce: {  	v39 =	vld.idx.msk [tilespmem:v39+s2+$0x0], $0xffff;
	[tilespmem:s16+$0x10F60] =	vst v44;
	v44 =	vadd.s32 s18, v4  }
0x6cf: {  	v45 =	vadd.s32 s20, v33;
	v38 =	vld.idx.msk [tilespmem:v38+s2+$0x0], $0xffff;
	[tilespmem:s16+$0x113B0] =	vst v49  }
0x6d0: {  	[tilespmem:s15+$0x10490] =	vst v40;
	v40 =	vadd.s32 s21, v33  }
0x6d1: {  	v42 =	vld.idx.msk [tilespmem:v42+s2+$0x0], $0xffff;
	[tilespmem:s15+$0x10510] =	vst v43;
	v43 =	vadd.s32 s17, v3  }
0x6d2: {  	v49 =	vadd.s32 s19, v35;
	v46 =	vld.idx.msk [tilespmem:v46+s2+$0x0], $0xffff;
	[tilespmem:s16+$0x11160] =	vst v41  }
0x6d3: {  	v41 =	vadd.s32 s22, v32;
	[tilespmem:s15+$0x10590] =	vst v47;
	v44 =	vld.idx.msk [tilespmem:v44+s2+$0x0], $0xffff  }
0x6d4: {  	v47 =	vadd.s32 s25, v32;
	v45 =	vld.idx.msk [tilespmem:v45+s2+$0x0], $0xffff;
	[tilespmem:s15+$0x10610] =	vst v39  }
0x6d5: {  	v39 =	vld.idx.msk [tilespmem:v40+s2+$0x0], $0xffff;
	[tilespmem:s16+$0x10F70] =	vst v38;
	v38 =	vadd.s32 s18, v3  }
0x6d6: {  	v40 =	vadd.s32 s20, v32;
	[tilespmem:s15+$0x10400] =	vst v48;
	v43 =	vld.idx.msk [tilespmem:v43+s2+$0x0], $0xffff  }
0x6d7: {  	v48 =	vld.idx.msk [tilespmem:v49+s2+$0x0], $0xffff;
	[tilespmem:s15+$0x104A0] =	vst v42;
	v42 =	vadd.s32 s21, v32  }
0x6d8: {  	v41 =	vld.idx.msk [tilespmem:v41+s2+$0x0], $0xffff;
	[tilespmem:s15+$0x10520] =	vst v46;
	v46 =	vadd.s32 s17, v2  }
0x6d9: {  	v49 =	vadd.s32 s19, v33;
	v47 =	vld.idx.msk [tilespmem:v47+s2+$0x0], $0xffff;
	[tilespmem:s16+$0x11170] =	vst v44  }
0x6da: {  	v44 =	vadd.s32 s22, v31;
	[tilespmem:s15+$0x105A0] =	vst v45;
	v38 =	vld.idx.msk [tilespmem:v38+s2+$0x0], $0xffff  }
0x6db: {  	v45 =	vadd.s32 s25, v31;
	v40 =	vld.idx.msk [tilespmem:v40+s2+$0x0], $0xffff;
	[tilespmem:s15+$0x10620] =	vst v39  }
0x6dc: {  	v39 =	vld.idx.msk [tilespmem:v42+s2+$0x0], $0xffff;
	[tilespmem:s16+$0x11300] =	vst v43;
	v42 =	vadd.s32 s18, v2  }
0x6dd: {  	v43 =	vadd.s32 s20, v31;
	[tilespmem:s15+$0x10410] =	vst v48;
	v46 =	vld.idx.msk [tilespmem:v46+s2+$0x0], $0xffff  }
0x6de: {  	v48 =	vld.idx.msk [tilespmem:v49+s2+$0x0], $0xffff;
	[tilespmem:s15+$0x104B0] =	vst v41;
	v41 =	vadd.s32 s21, v31  }
0x6df: {  	v44 =	vld.idx.msk [tilespmem:v44+s2+$0x0], $0xffff;
	[tilespmem:s15+$0x10530] =	vst v47;
	v47 =	vadd.s32 s17, v1  }
0x6e0: {  	v49 =	vadd.s32 s19, v32;
	v45 =	vld.idx.msk [tilespmem:v45+s2+$0x0], $0xffff;
	[tilespmem:s16+$0x11500] =	vst v38  }
0x6e1: {  	v38 =	vadd.s32 s22, v30;
	[tilespmem:s15+$0x105B0] =	vst v40;
	v40 =	vld.idx.msk [tilespmem:v42+s2+$0x0], $0xffff  }
0x6e2: {  	v42 =	vadd.s32 s25, v30;
	v43 =	vld.idx.msk [tilespmem:v43+s2+$0x0], $0xffff;
	[tilespmem:s15+$0x10630] =	vst v39  }
0x6e3: {  	v39 =	vld.idx.msk [tilespmem:v41+s2+$0x0], $0xffff;
	[tilespmem:s16+$0x11310] =	vst v46;
	v41 =	vadd.s32 s18, v1  }
0x6e4: {  	v46 =	vadd.s32 s20, v30;
	[tilespmem:s15+$0x10420] =	vst v48;
	v47 =	vld.idx.msk [tilespmem:v47+s2+$0x0], $0xffff  }
0x6e5: {  	v48 =	vld.idx.msk [tilespmem:v49+s2+$0x0], $0xffff;
	[tilespmem:s15+$0x104C0] =	vst v44;
	v44 =	vadd.s32 s21, v30  }
0x6e6: {  	v38 =	vld.idx.msk [tilespmem:v38+s2+$0x0], $0xffff;
	[tilespmem:s15+$0x10540] =	vst v45;
	v45 =	vadd.s32 s17, v0;
	s17 =	smov.u32 s26  }
0x6e7: {  	v49 =	vadd.s32 s19, v31;
	v42 =	vld.idx.msk [tilespmem:v42+s2+$0x0], $0xffff;
	[tilespmem:s16+$0x11510] =	vst v40  }
0x6e8: {  	v40 =	vadd.s32 s22, v29;
	[tilespmem:s15+$0x105C0] =	vst v43;
	v41 =	vld.idx.msk [tilespmem:v41+s2+$0x0], $0xffff  }
0x6e9: {  	v43 =	vadd.s32 s25, v29;
	v46 =	vld.idx.msk [tilespmem:v46+s2+$0x0], $0xffff;
	[tilespmem:s15+$0x10640] =	vst v39  }
0x6ea: {  	v39 =	vld.idx.msk [tilespmem:v44+s2+$0x0], $0xffff;
	[tilespmem:s16+$0x11320] =	vst v47;
	v44 =	vadd.s32 s18, v0;
	s18 =	smov.u32 s25  }
0x6eb: {  	v47 =	vadd.s32 s20, v29;
	[tilespmem:s15+$0x10430] =	vst v48;
	v48 =	vld.idx.msk [tilespmem:v45+s2+$0x0], $0xffff  }
0x6ec: {  	v49 =	vld.idx.msk [tilespmem:v49+s2+$0x0], $0xffff;
	[tilespmem:s15+$0x104D0] =	vst v38;
	v38 =	vadd.s32 s21, v29  }
0x6ed: {  	v50 =	vld.idx.msk [tilespmem:v40+s2+$0x0], $0xffff;
	[tilespmem:s15+$0x10550] =	vst v42  }
0x6ee: {  	v42 =	vadd.s32 s19, v30;
	v51 =	vld.idx.msk [tilespmem:v43+s2+$0x0], $0xffff;
	[tilespmem:s16+$0x11520] =	vst v41  }
0x6ef: {  	v52 =	vadd.s32 s22, v28;
	[tilespmem:s15+$0x105D0] =	vst v46;
	v45 =	vld.idx.msk [tilespmem:v44+s2+$0x0], $0xffff  }
.Ltmp1:
0x6f0: {  	v46 =	vadd.s32 s17, v32;
	v41 =	vld.idx.msk [tilespmem:v47+s2+$0x0], $0xffff;
	[tilespmem:s15+$0x10650] =	vst v39;
	(pc) =	sbr.rel @p0 .LBB2_4-.Ltmp1, $4  }
0x6f1: {  	v40 =	vld.idx.msk [tilespmem:v38+s2+$0x0], $0xffff;
	[tilespmem:s16+$0x11330] =	vst v48  }
0x6f2: {  	v44 =	vadd.s32 s20, v28;
	[tilespmem:s15+$0x10440] =	vst v49  }
0x6f3: {  	v43 =	vadd.s32 s21, v28;
	v38 =	vld.idx.msk [tilespmem:v42+s2+$0x0], $0xffff;
	[tilespmem:s15+$0x104E0] =	vst v50  }
0x6f4: {  	v42 =	vadd.s32 s23, v35;
	v39 =	vld.idx.msk [tilespmem:v52+s2+$0x0], $0xffff;
	[tilespmem:s15+$0x10560] =	vst v51  }
0x6f5: {  	_ =	sdelay $0x2  }
0x6f6: {  	[tilespmem:s16+$0x11530] =	vst v45  }
0x6f7: {  	v34 =	vld.idx.msk [tilespmem:v46+s2+$0x0], $0xffff;
	[tilespmem:s15+$0x105E0] =	vst v41;
	v35 =	vadd.s32 s22, v27  }
0x6f8: {  	v61 =	vadd.s32 s17, v31;
	[tilespmem:s15+$0x10380] =	vst v37;
	v41 =	vld.idx.msk [tilespmem:v44+s2+$0x0], $0xffff  }
0x6f9: {  	v63 =	vadd.s32 s20, v27;
	[tilespmem:s15+$0x10660] =	vst v40;
	v42 =	vld.idx.msk [tilespmem:v42+s2+$0x0], $0xffff  }
0x6fa: {  	v33 =	vadd.s32 s23, v33;
	v62 =	vld.idx.msk [tilespmem:v43+s2+$0x0], $0xffff;
	[tilespmem:s15+$0x10450] =	vst v38  }
0x6fb: {  	v45 =	vadd.s32 s21, v27;
	v36 =	vld.idx.msk [tilespmem:v36+s2+$0x0], $0xffff;
	[tilespmem:s15+$0x104F0] =	vst v39  }
0x6fc: {  	v46 =	vadd.s32 s19, v28;
	[tilespmem:s15+$0x10330] =	vst v34;
	v35 =	vld.idx.msk [tilespmem:v35+s2+$0x0], $0xffff  }
0x6fd: {  	v48 =	vadd.s32 s22, v26;
	v47 =	vld.idx.msk [tilespmem:v61+s2+$0x0], $0xffff;
	[tilespmem:s15+$0x105F0] =	vst v41  }
0x6fe: {  	v49 =	vadd.s32 s17, v30;
	[tilespmem:s15+$0x10390] =	vst v42;
	v41 =	vld.idx.msk [tilespmem:v63+s2+$0x0], $0xffff  }
0x6ff: {  	v50 =	vadd.s32 s20, v26;
	[tilespmem:s15+$0x10670] =	vst v62;
	v33 =	vld.idx.msk [tilespmem:v33+s2+$0x0], $0xffff  }
0x700: {  	v32 =	vadd.s32 s23, v32;
	v38 =	vld.idx.msk [tilespmem:v45+s2+$0x0], $0xffff;
	[tilespmem:s15+$0x10460] =	vst v36  }
0x701: {  	v51 =	vadd.s32 s21, v26;
	v34 =	vld.idx.msk [tilespmem:v46+s2+$0x0], $0xffff;
	[tilespmem:s15+$0x10880] =	vst v35  }
0x702: {  	v52 =	vadd.s32 s19, v27;
	[tilespmem:s15+$0x10340] =	vst v47;
	v53 =	vld.idx.msk [tilespmem:v48+s2+$0x0], $0xffff  }
0x703: {  	v54 =	vadd.s32 s22, v25;
	v37 =	vld.idx.msk [tilespmem:v49+s2+$0x0], $0xffff;
	[tilespmem:s15+$0x10980] =	vst v41  }
0x704: {  	v55 =	vadd.s32 s17, v29;
	[tilespmem:s15+$0x103A0] =	vst v33;
	v41 =	vld.idx.msk [tilespmem:v50+s2+$0x0], $0xffff  }
0x705: {  	v57 =	vadd.s32 s20, v25;
	[tilespmem:s15+$0x10A00] =	vst v38;
	v32 =	vld.idx.msk [tilespmem:v32+s2+$0x0], $0xffff  }
0x706: {  	v59 =	vadd.s32 s23, v31;
	v56 =	vld.idx.msk [tilespmem:v51+s2+$0x0], $0xffff;
	[tilespmem:s15+$0x10470] =	vst v34  }
0x707: {  	v58 =	vadd.s32 s21, v25;
	v35 =	vld.idx.msk [tilespmem:v52+s2+$0x0], $0xffff;
	[tilespmem:s15+$0x10890] =	vst v53  }
0x708: {  	v60 =	vadd.s32 s19, v26;
	[tilespmem:s15+$0x10350] =	vst v37;
	v39 =	vld.idx.msk [tilespmem:v54+s2+$0x0], $0xffff  }
0x709: {  	v61 =	vadd.s32 s22, v24;
	v38 =	vld.idx.msk [tilespmem:v55+s2+$0x0], $0xffff;
	[tilespmem:s15+$0x10990] =	vst v41  }
0x70a: {  	v62 =	vadd.s32 s17, v28;
	[tilespmem:s15+$0x103B0] =	vst v32;
	v36 =	vld.idx.msk [tilespmem:v57+s2+$0x0], $0xffff  }
0x70b: {  	v42 =	vadd.s32 s20, v24;
	[tilespmem:s15+$0x10A10] =	vst v56;
	v31 =	vld.idx.msk [tilespmem:v59+s2+$0x0], $0xffff  }
0x70c: {  	v44 =	vadd.s32 s23, v30;
	v63 =	vld.idx.msk [tilespmem:v58+s2+$0x0], $0xffff;
	[tilespmem:s15+$0x10800] =	vst v35  }
0x70d: {  	v43 =	vadd.s32 s21, v24;
	v37 =	vld.idx.msk [tilespmem:v60+s2+$0x0], $0xffff;
	[tilespmem:s15+$0x108A0] =	vst v39  }
0x70e: {  	v45 =	vadd.s32 s19, v25;
	[tilespmem:s15+$0x10360] =	vst v38;
	v39 =	vld.idx.msk [tilespmem:v61+s2+$0x0], $0xffff  }
0x70f: {  	v46 =	vadd.s32 s22, v23;
	v33 =	vld.idx.msk [tilespmem:v62+s2+$0x0], $0xffff;
	[tilespmem:s15+$0x109A0] =	vst v36  }
0x710: {  	v47 =	vadd.s32 s17, v27;
	[tilespmem:s15+$0x103C0] =	vst v31;
	v34 =	vld.idx.msk [tilespmem:v42+s2+$0x0], $0xffff  }
0x711: {  	[tilespmem:s15+$0x10A20] =	vst v63;
	v30 =	vld.idx.msk [tilespmem:v44+s2+$0x0], $0xffff;
	v42 =	vadd.s32 s18, v28  }
0x712: {  	v49 =	vadd.s32 s20, v23;
	v48 =	vld.idx.msk [tilespmem:v43+s2+$0x0], $0xffff;
	[tilespmem:s15+$0x10810] =	vst v37  }
0x713: {  	v51 =	vadd.s32 s23, v29;
	v38 =	vld.idx.msk [tilespmem:v45+s2+$0x0], $0xffff;
	[tilespmem:s15+$0x108B0] =	vst v39  }
0x714: {  	v50 =	vadd.s32 s21, v23;
	[tilespmem:s15+$0x10370] =	vst v33;
	v36 =	vld.idx.msk [tilespmem:v46+s2+$0x0], $0xffff  }
0x715: {  	v52 =	vadd.s32 s19, v24;
	v32 =	vld.idx.msk [tilespmem:v47+s2+$0x0], $0xffff;
	[tilespmem:s15+$0x109B0] =	vst v34  }
0x716: {  	v53 =	vadd.s32 s22, v22;
	v58 =	vadd.s32 s23, v28;
	[tilespmem:s15+$0x103D0] =	vst v30;
	v28 =	vld.idx.msk [tilespmem:v42+s2+$0x0], $0xffff  }
0x717: {  	v54 =	vadd.s32 s17, v26;
	v35 =	vld.idx.msk [tilespmem:v49+s2+$0x0], $0xffff;
	[tilespmem:s15+$0x10A30] =	vst v48  }
0x718: {  	v29 =	vld.idx.msk [tilespmem:v51+s2+$0x0], $0xffff;
	v49 =	vadd.s32 s18, v27;
	[tilespmem:s15+$0x10820] =	vst v38  }
0x719: {  	v56 =	vadd.s32 s20, v22;
	v55 =	vld.idx.msk [tilespmem:v50+s2+$0x0], $0xffff;
	[tilespmem:s15+$0x108C0] =	vst v36  }
0x71a: {  	v33 =	vld.idx.msk [tilespmem:v52+s2+$0x0], $0xffff;
	[tilespmem:s15+$0x10700] =	vst v32  }
0x71b: {  	v57 =	vadd.s32 s21, v22;
	v34 =	vld.idx.msk [tilespmem:v53+s2+$0x0], $0xffff;
	[tilespmem:s15+$0x10570] =	vst v28  }
0x71c: {  	v59 =	vadd.s32 s19, v23;
	v31 =	vld.idx.msk [tilespmem:v54+s2+$0x0], $0xffff;
	[tilespmem:s15+$0x109C0] =	vst v35  }
0x71d: {  	v60 =	vadd.s32 s22, v21;
	v44 =	vadd.s32 s23, v27;
	[tilespmem:s15+$0x103E0] =	vst v29;
	v27 =	vld.idx.msk [tilespmem:v49+s2+$0x0], $0xffff  }
0x71e: {  	v62 =	vadd.s32 s17, v25;
	v61 =	vld.idx.msk [tilespmem:v56+s2+$0x0], $0xffff;
	[tilespmem:s15+$0x10A40] =	vst v55  }
0x71f: {  	v41 =	vld.idx.msk [tilespmem:v58+s2+$0x0], $0xffff;
	v58 =	vadd.s32 s18, v26;
	[tilespmem:s15+$0x10830] =	vst v33  }
0x720: {  	v40 =	vadd.s32 s20, v21;
	v63 =	vld.idx.msk [tilespmem:v57+s2+$0x0], $0xffff;
	[tilespmem:s15+$0x108D0] =	vst v34  }
0x721: {  	v32 =	vld.idx.msk [tilespmem:v59+s2+$0x0], $0xffff;
	[tilespmem:s15+$0x10710] =	vst v31  }
0x722: {  	v43 =	vadd.s32 s21, v21;
	v45 =	vld.idx.msk [tilespmem:v60+s2+$0x0], $0xffff;
	[tilespmem:s15+$0x10900] =	vst v27  }
0x723: {  	v46 =	vadd.s32 s19, v22;
	v30 =	vld.idx.msk [tilespmem:v62+s2+$0x0], $0xffff;
	[tilespmem:s15+$0x109D0] =	vst v61  }
0x724: {  	v47 =	vadd.s32 s22, v20;
	v54 =	vadd.s32 s23, v26;
	[tilespmem:s15+$0x103F0] =	vst v41;
	v26 =	vld.idx.msk [tilespmem:v58+s2+$0x0], $0xffff  }
0x725: {  	v48 =	vadd.s32 s17, v24;
	v37 =	vld.idx.msk [tilespmem:v40+s2+$0x0], $0xffff;
	[tilespmem:s15+$0x10A50] =	vst v63  }
0x726: {  	v50 =	vld.idx.msk [tilespmem:v44+s2+$0x0], $0xffff;
	v40 =	vadd.s32 s18, v25;
	[tilespmem:s15+$0x10840] =	vst v32  }
0x727: {  	v51 =	vadd.s32 s20, v20;
	v33 =	vld.idx.msk [tilespmem:v43+s2+$0x0], $0xffff;
	[tilespmem:s15+$0x108E0] =	vst v45  }
0x728: {  	v52 =	vld.idx.msk [tilespmem:v46+s2+$0x0], $0xffff;
	[tilespmem:s15+$0x10720] =	vst v30  }
0x729: {  	v53 =	vadd.s32 s21, v20;
	v36 =	vld.idx.msk [tilespmem:v47+s2+$0x0], $0xffff;
	[tilespmem:s15+$0x10910] =	vst v26  }
0x72a: {  	v55 =	vadd.s32 s19, v21;
	[tilespmem:s15+$0x109E0] =	vst v37;
	v29 =	vld.idx.msk [tilespmem:v48+s2+$0x0], $0xffff  }
0x72b: {  	v38 =	vadd.s32 s23, v25;
	v56 =	vadd.s32 s22, v19;
	[tilespmem:s15+$0x10780] =	vst v50;
	v25 =	vld.idx.msk [tilespmem:v40+s2+$0x0], $0xffff  }
0x72c: {  	v59 =	vadd.s32 s17, v23;
	[tilespmem:s15+$0x10A60] =	vst v33;
	v57 =	vld.idx.msk [tilespmem:v51+s2+$0x0], $0xffff  }
0x72d: {  	v47 =	vadd.s32 s18, v24;
	v30 =	vld.idx.msk [tilespmem:v54+s2+$0x0], $0xffff;
	[tilespmem:s15+$0x10850] =	vst v52  }
0x72e: {  	v61 =	vadd.s32 s20, v19;
	v60 =	vld.idx.msk [tilespmem:v53+s2+$0x0], $0xffff;
	[tilespmem:s15+$0x108F0] =	vst v36  }
0x72f: {  	v62 =	vld.idx.msk [tilespmem:v55+s2+$0x0], $0xffff;
	[tilespmem:s15+$0x10730] =	vst v29  }
0x730: {  	v63 =	vadd.s32 s21, v19;
	v28 =	vld.idx.msk [tilespmem:v56+s2+$0x0], $0xffff;
	[tilespmem:s15+$0x10920] =	vst v25  }
0x731: {  	v39 =	vadd.s32 s19, v20;
	[tilespmem:s15+$0x109F0] =	vst v57;
	v32 =	vld.idx.msk [tilespmem:v59+s2+$0x0], $0xffff  }
0x732: {  	v41 =	vadd.s32 s22, v18;
	v44 =	vadd.s32 s23, v24;
	[tilespmem:s15+$0x10790] =	vst v30;
	v24 =	vld.idx.msk [tilespmem:v47+s2+$0x0], $0xffff  }
0x733: {  	v42 =	vadd.s32 s17, v22;
	[tilespmem:s15+$0x10A70] =	vst v60;
	v31 =	vld.idx.msk [tilespmem:v61+s2+$0x0], $0xffff  }
0x734: {  	v54 =	vadd.s32 s18, v23;
	v29 =	vld.idx.msk [tilespmem:v38+s2+$0x0], $0xffff;
	[tilespmem:s15+$0x10860] =	vst v62  }
0x735: {  	v43 =	vadd.s32 s20, v18;
	v34 =	vld.idx.msk [tilespmem:v63+s2+$0x0], $0xffff;
	[tilespmem:s15+$0x10C80] =	vst v28  }
0x736: {  	v27 =	vld.idx.msk [tilespmem:v39+s2+$0x0], $0xffff;
	[tilespmem:s15+$0x10740] =	vst v32  }
0x737: {  	v45 =	vadd.s32 s21, v18;
	v46 =	vld.idx.msk [tilespmem:v41+s2+$0x0], $0xffff;
	[tilespmem:s15+$0x10930] =	vst v24  }
0x738: {  	v48 =	vadd.s32 s19, v19;
	[tilespmem:s15+$0x10D80] =	vst v31;
	v30 =	vld.idx.msk [tilespmem:v42+s2+$0x0], $0xffff  }
0x739: {  	v49 =	vadd.s32 s22, v17;
	v52 =	vadd.s32 s23, v23;
	[tilespmem:s15+$0x107A0] =	vst v29;
	v23 =	vld.idx.msk [tilespmem:v54+s2+$0x0], $0xffff  }
0x73a: {  	v51 =	vadd.s32 s17, v21;
	[tilespmem:s15+$0x10E00] =	vst v34;
	v50 =	vld.idx.msk [tilespmem:v43+s2+$0x0], $0xffff  }
0x73b: {  	v61 =	vadd.s32 s18, v22;
	v28 =	vld.idx.msk [tilespmem:v44+s2+$0x0], $0xffff;
	[tilespmem:s15+$0x10870] =	vst v27  }
0x73c: {  	v26 =	vld.idx.msk [tilespmem:v45+s2+$0x0], $0xffff;
	[tilespmem:s15+$0x10C90] =	vst v46  }
0x73d: {  	v53 =	vadd.s32 s20, v17;
	v31 =	vld.idx.msk [tilespmem:v48+s2+$0x0], $0xffff;
	[tilespmem:s15+$0x10750] =	vst v30  }
0x73e: {  	v55 =	vadd.s32 s21, v17;
	v32 =	vld.idx.msk [tilespmem:v49+s2+$0x0], $0xffff;
	[tilespmem:s15+$0x10940] =	vst v23  }
0x73f: {  	v56 =	vadd.s32 s19, v18;
	[tilespmem:s15+$0x10D90] =	vst v50;
	v29 =	vld.idx.msk [tilespmem:v51+s2+$0x0], $0xffff  }
0x740: {  	v57 =	vadd.s32 s22, v16;
	v59 =	vadd.s32 s23, v22;
	[tilespmem:s15+$0x107B0] =	vst v28;
	v22 =	vld.idx.msk [tilespmem:v61+s2+$0x0], $0xffff  }
0x741: {  	v60 =	vadd.s32 s17, v20;
	[tilespmem:s15+$0x10E10] =	vst v26;
	v58 =	vld.idx.msk [tilespmem:v52+s2+$0x0], $0xffff  }
0x742: {  	v25 =	vld.idx.msk [tilespmem:v53+s2+$0x0], $0xffff;
	[tilespmem:s15+$0x10C00] =	vst v31  }
0x743: {  	v42 =	vadd.s32 s18, v21;
	v30 =	vld.idx.msk [tilespmem:v55+s2+$0x0], $0xffff;
	[tilespmem:s15+$0x10CA0] =	vst v32  }
0x744: {  	v62 =	vadd.s32 s20, v16;
	v63 =	vld.idx.msk [tilespmem:v56+s2+$0x0], $0xffff;
	[tilespmem:s15+$0x10760] =	vst v29  }
0x745: {  	v36 =	vadd.s32 s21, v16;
	v28 =	vld.idx.msk [tilespmem:v57+s2+$0x0], $0xffff;
	[tilespmem:s15+$0x10950] =	vst v22  }
0x746: {  	v37 =	vadd.s32 s19, v17;
	[tilespmem:s15+$0x107C0] =	vst v58;
	v24 =	vld.idx.msk [tilespmem:v60+s2+$0x0], $0xffff  }
0x747: {  	v40 =	vadd.s32 s22, v15;
	[tilespmem:s15+$0x10DA0] =	vst v25;
	v38 =	vld.idx.msk [tilespmem:v59+s2+$0x0], $0xffff  }
0x748: {  	v39 =	vadd.s32 s23, v21;
	v21 =	vld.idx.msk [tilespmem:v42+s2+$0x0], $0xffff;
	[tilespmem:s15+$0x10E20] =	vst v30  }
0x749: {  	v43 =	vadd.s32 s17, v19;
	v41 =	vld.idx.msk [tilespmem:v62+s2+$0x0], $0xffff;
	[tilespmem:s15+$0x10C10] =	vst v63  }
0x74a: {  	v50 =	vadd.s32 s18, v20;
	v29 =	vld.idx.msk [tilespmem:v36+s2+$0x0], $0xffff;
	[tilespmem:s15+$0x10CB0] =	vst v28  }
0x74b: {  	v44 =	vadd.s32 s20, v15;
	v26 =	vld.idx.msk [tilespmem:v37+s2+$0x0], $0xffff;
	[tilespmem:s15+$0x10770] =	vst v24  }
0x74c: {  	v45 =	vadd.s32 s21, v15;
	v23 =	vld.idx.msk [tilespmem:v40+s2+$0x0], $0xffff;
	[tilespmem:s15+$0x107D0] =	vst v38  }
0x74d: {  	v48 =	vadd.s32 s19, v16;
	[tilespmem:s15+$0x10960] =	vst v21;
	v46 =	vld.idx.msk [tilespmem:v39+s2+$0x0], $0xffff  }
0x74e: {  	v47 =	vadd.s32 s23, v20;
	[tilespmem:s15+$0x10DB0] =	vst v41;
	v49 =	vld.idx.msk [tilespmem:v43+s2+$0x0], $0xffff  }
0x74f: {  	v51 =	vadd.s32 s22, v14;
	v20 =	vld.idx.msk [tilespmem:v50+s2+$0x0], $0xffff;
	[tilespmem:s15+$0x10E30] =	vst v29  }
0x750: {  	v52 =	vadd.s32 s17, v18;
	v28 =	vld.idx.msk [tilespmem:v44+s2+$0x0], $0xffff;
	[tilespmem:s15+$0x10C20] =	vst v26  }
0x751: {  	v57 =	vadd.s32 s18, v19;
	v25 =	vld.idx.msk [tilespmem:v45+s2+$0x0], $0xffff;
	[tilespmem:s15+$0x10CC0] =	vst v23  }
0x752: {  	v53 =	vadd.s32 s20, v14;
	v22 =	vld.idx.msk [tilespmem:v48+s2+$0x0], $0xffff;
	[tilespmem:s15+$0x107E0] =	vst v46  }
0x753: {  	v56 =	vadd.s32 s21, v14;
	[tilespmem:s15+$0x10B00] =	vst v49;
	v54 =	vld.idx.msk [tilespmem:v47+s2+$0x0], $0xffff  }
0x754: {  	v55 =	vadd.s32 s23, v19;
	v29 =	vld.idx.msk [tilespmem:v51+s2+$0x0], $0xffff;
	[tilespmem:s15+$0x10970] =	vst v20  }
0x755: {  	v58 =	vadd.s32 s19, v15;
	[tilespmem:s15+$0x10DC0] =	vst v28;
	v26 =	vld.idx.msk [tilespmem:v52+s2+$0x0], $0xffff  }
0x756: {  	v59 =	vadd.s32 s22, v13;
	v19 =	vld.idx.msk [tilespmem:v57+s2+$0x0], $0xffff;
	[tilespmem:s15+$0x10E40] =	vst v25  }
0x757: {  	v60 =	vadd.s32 s17, v17;
	v24 =	vld.idx.msk [tilespmem:v53+s2+$0x0], $0xffff;
	[tilespmem:s15+$0x10C30] =	vst v22  }
0x758: {  	v30 =	vadd.s32 s18, v18;
	v21 =	vld.idx.msk [tilespmem:v56+s2+$0x0], $0xffff;
	[tilespmem:s15+$0x107F0] =	vst v54  }
0x759: {  	v63 =	vadd.s32 s20, v13;
	[tilespmem:s15+$0x10CD0] =	vst v29;
	v61 =	vld.idx.msk [tilespmem:v55+s2+$0x0], $0xffff  }
0x75a: {  	v62 =	vadd.s32 s23, v18;
	v28 =	vld.idx.msk [tilespmem:v58+s2+$0x0], $0xffff;
	[tilespmem:s15+$0x10B10] =	vst v26  }
0x75b: {  	v31 =	vadd.s32 s21, v13;
	v25 =	vld.idx.msk [tilespmem:v59+s2+$0x0], $0xffff;
	[tilespmem:s15+$0x10D00] =	vst v19  }
0x75c: {  	v32 =	vadd.s32 s19, v14;
	[tilespmem:s15+$0x10DD0] =	vst v24;
	v23 =	vld.idx.msk [tilespmem:v60+s2+$0x0], $0xffff  }
0x75d: {  	v33 =	vadd.s32 s22, v12;
	v18 =	vld.idx.msk [tilespmem:v30+s2+$0x0], $0xffff;
	[tilespmem:s15+$0x10E50] =	vst v21  }
0x75e: {  	v36 =	vadd.s32 s17, v16;
	v20 =	vld.idx.msk [tilespmem:v63+s2+$0x0], $0xffff;
	[tilespmem:s15+$0x10B80] =	vst v61  }
0x75f: {  	v37 =	vadd.s32 s18, v17;
	[tilespmem:s15+$0x10C40] =	vst v28;
	v34 =	vld.idx.msk [tilespmem:v62+s2+$0x0], $0xffff  }
0x760: {  	v35 =	vadd.s32 s23, v17;
	v26 =	vld.idx.msk [tilespmem:v31+s2+$0x0], $0xffff;
	[tilespmem:s15+$0x10CE0] =	vst v25  }
0x761: {  	v38 =	vadd.s32 s20, v12;
	v24 =	vld.idx.msk [tilespmem:v32+s2+$0x0], $0xffff;
	[tilespmem:s15+$0x10B20] =	vst v23  }
0x762: {  	v39 =	vadd.s32 s21, v12;
	v22 =	vld.idx.msk [tilespmem:v33+s2+$0x0], $0xffff;
	[tilespmem:s15+$0x10D10] =	vst v18  }
0x763: {  	v40 =	vadd.s32 s19, v13;
	[tilespmem:s15+$0x10DE0] =	vst v20;
	v19 =	vld.idx.msk [tilespmem:v36+s2+$0x0], $0xffff  }
0x764: {  	v43 =	vadd.s32 s22, v11;
	v17 =	vld.idx.msk [tilespmem:v37+s2+$0x0], $0xffff;
	[tilespmem:s15+$0x10B90] =	vst v34  }
0x765: {  	v44 =	vadd.s32 s18, v16;
	[tilespmem:s15+$0x10E60] =	vst v26;
	v41 =	vld.idx.msk [tilespmem:v35+s2+$0x0], $0xffff  }
0x766: {  	v42 =	vadd.s32 s23, v16;
	v25 =	vld.idx.msk [tilespmem:v38+s2+$0x0], $0xffff;
	[tilespmem:s15+$0x10C50] =	vst v24  }
0x767: {  	v45 =	vadd.s32 s17, v15;
	v23 =	vld.idx.msk [tilespmem:v39+s2+$0x0], $0xffff;
	[tilespmem:s15+$0x10CF0] =	vst v22  }
0x768: {  	v46 =	vadd.s32 s20, v11;
	v21 =	vld.idx.msk [tilespmem:v40+s2+$0x0], $0xffff;
	[tilespmem:s15+$0x10B30] =	vst v19  }
0x769: {  	v47 =	vadd.s32 s21, v11;
	v18 =	vld.idx.msk [tilespmem:v43+s2+$0x0], $0xffff;
	[tilespmem:s15+$0x10D20] =	vst v17  }
0x76a: {  	v50 =	vadd.s32 s19, v12;
	v16 =	vld.idx.msk [tilespmem:v44+s2+$0x0], $0xffff;
	[tilespmem:s15+$0x10BA0] =	vst v41  }
0x76b: {  	v51 =	vadd.s32 s18, v15;
	[tilespmem:s15+$0x10DF0] =	vst v25;
	v48 =	vld.idx.msk [tilespmem:v42+s2+$0x0], $0xffff  }
0x76c: {  	v49 =	vadd.s32 s23, v15;
	v24 =	vld.idx.msk [tilespmem:v45+s2+$0x0], $0xffff;
	[tilespmem:s15+$0x10E70] =	vst v23  }
0x76d: {  	v52 =	vadd.s32 s22, v10;
	v22 =	vld.idx.msk [tilespmem:v46+s2+$0x0], $0xffff;
	[tilespmem:s15+$0x10C60] =	vst v21  }
0x76e: {  	v57 =	vadd.s32 s17, v14;
	v20 =	vld.idx.msk [tilespmem:v47+s2+$0x0], $0xffff;
	[tilespmem:s15+$0x11080] =	vst v18  }
0x76f: {  	v53 =	vadd.s32 s20, v10;
	v17 =	vld.idx.msk [tilespmem:v50+s2+$0x0], $0xffff;
	[tilespmem:s15+$0x10D30] =	vst v16  }
0x770: {  	v54 =	vadd.s32 s21, v10;
	v15 =	vld.idx.msk [tilespmem:v51+s2+$0x0], $0xffff;
	[tilespmem:s15+$0x10BB0] =	vst v48  }
0x771: {  	v58 =	vadd.s32 s18, v14;
	[tilespmem:s15+$0x10B40] =	vst v24;
	v55 =	vld.idx.msk [tilespmem:v49+s2+$0x0], $0xffff  }
0x772: {  	v56 =	vadd.s32 s23, v14;
	v23 =	vld.idx.msk [tilespmem:v52+s2+$0x0], $0xffff;
	[tilespmem:s15+$0x11180] =	vst v22  }
0x773: {  	v59 =	vadd.s32 s19, v11;
	v16 =	vld.idx.msk [tilespmem:v57+s2+$0x0], $0xffff;
	[tilespmem:s15+$0x11200] =	vst v20  }
0x774: {  	v63 =	vadd.s32 s17, v13;
	v21 =	vld.idx.msk [tilespmem:v53+s2+$0x0], $0xffff;
	[tilespmem:s15+$0x10C70] =	vst v17  }
0x775: {  	v61 =	vadd.s32 s20, v9;
	v19 =	vld.idx.msk [tilespmem:v54+s2+$0x0], $0xffff;
	[tilespmem:s15+$0x10D40] =	vst v15  }
0x776: {  	v26 =	vadd.s32 s21, v9;
	v14 =	vld.idx.msk [tilespmem:v58+s2+$0x0], $0xffff;
	[tilespmem:s15+$0x10BC0] =	vst v55  }
0x777: {  	v25 =	vadd.s32 s18, v13;
	[tilespmem:s15+$0x11090] =	vst v23;
	v18 =	vld.idx.msk [tilespmem:v56+s2+$0x0], $0xffff  }
0x778: {  	v62 =	vadd.s32 s23, v13;
	v22 =	vld.idx.msk [tilespmem:v59+s2+$0x0], $0xffff;
	[tilespmem:s15+$0x10B50] =	vst v16  }
0x779: {  	v27 =	vadd.s32 s19, v10;
	[tilespmem:s15+$0x11190] =	vst v21;
	v15 =	vld.idx.msk [tilespmem:v63+s2+$0x0], $0xffff  }
0x77a: {  	v60 =	vadd.s32 s22, v9;
	[tilespmem:s15+$0x11210] =	vst v19;
	v17 =	vld.idx.msk [tilespmem:v61+s2+$0x0], $0xffff  }
0x77b: {  	v31 =	vadd.s32 s17, v12;
	v21 =	vld.idx.msk [tilespmem:v26+s2+$0x0], $0xffff;
	[tilespmem:s15+$0x10D50] =	vst v14  }
0x77c: {  	v34 =	vadd.s32 s21, v8;
	v13 =	vld.idx.msk [tilespmem:v25+s2+$0x0], $0xffff;
	[tilespmem:s15+$0x10BD0] =	vst v18  }
0x77d: {  	v32 =	vadd.s32 s18, v12;
	[tilespmem:s15+$0x11000] =	vst v22;
	v29 =	vld.idx.msk [tilespmem:v62+s2+$0x0], $0xffff  }
0x77e: {  	v30 =	vadd.s32 s23, v12;
	v19 =	vld.idx.msk [tilespmem:v27+s2+$0x0], $0xffff;
	[tilespmem:s15+$0x10B60] =	vst v15  }
0x77f: {  	v35 =	vadd.s32 s19, v9;
	v20 =	vld.idx.msk [tilespmem:v60+s2+$0x0], $0xffff;
	[tilespmem:s15+$0x111A0] =	vst v17  }
0x780: {  	v28 =	vadd.s32 s22, v8;
	v14 =	vld.idx.msk [tilespmem:v31+s2+$0x0], $0xffff;
	[tilespmem:s15+$0x11220] =	vst v21  }
0x781: {  	v37 =	vadd.s32 s17, v11;
	v17 =	vld.idx.msk [tilespmem:v34+s2+$0x0], $0xffff;
	[tilespmem:s15+$0x10D60] =	vst v13  }
0x782: {  	v33 =	vadd.s32 s20, v8;
	v12 =	vld.idx.msk [tilespmem:v32+s2+$0x0], $0xffff;
	[tilespmem:s15+$0x10BE0] =	vst v29  }
0x783: {  	v38 =	vadd.s32 s18, v11;
	[tilespmem:s15+$0x11010] =	vst v19;
	v16 =	vld.idx.msk [tilespmem:v30+s2+$0x0], $0xffff  }
0x784: {  	v36 =	vadd.s32 s23, v11;
	[tilespmem:s15+$0x110A0] =	vst v20;
	v41 =	vld.idx.msk [tilespmem:v35+s2+$0x0], $0xffff  }
0x785: {  	v46 =	vadd.s32 s19, v8;
	[tilespmem:s15+$0x10B70] =	vst v14;
	v18 =	vld.idx.msk [tilespmem:v28+s2+$0x0], $0xffff  }
0x786: {  	v39 =	vadd.s32 s22, v7;
	v13 =	vld.idx.msk [tilespmem:v37+s2+$0x0], $0xffff;
	[tilespmem:s15+$0x11230] =	vst v17  }
0x787: {  	v44 =	vadd.s32 s17, v10;
	v20 =	vld.idx.msk [tilespmem:v33+s2+$0x0], $0xffff;
	[tilespmem:s15+$0x10D70] =	vst v12  }
0x788: {  	v42 =	vadd.s32 s21, v7;
	v11 =	vld.idx.msk [tilespmem:v38+s2+$0x0], $0xffff;
	[tilespmem:s15+$0x10BF0] =	vst v16  }
0x789: {  	v45 =	vadd.s32 s18, v10;
	[tilespmem:s15+$0x11020] =	vst v41;
	v15 =	vld.idx.msk [tilespmem:v36+s2+$0x0], $0xffff  }
0x78a: {  	v43 =	vadd.s32 s23, v10;
	v17 =	vld.idx.msk [tilespmem:v46+s2+$0x0], $0xffff;
	[tilespmem:s15+$0x110B0] =	vst v18  }
0x78b: {  	v40 =	vadd.s32 s20, v7;
	[tilespmem:s15+$0x10F00] =	vst v13;
	v19 =	vld.idx.msk [tilespmem:v39+s2+$0x0], $0xffff  }
0x78c: {  	v47 =	vadd.s32 s22, v6;
	[tilespmem:s15+$0x111B0] =	vst v20;
	v12 =	vld.idx.msk [tilespmem:v44+s2+$0x0], $0xffff  }
0x78d: {  	v50 =	vadd.s32 s17, v9;
	[tilespmem:s15+$0x11100] =	vst v11;
	v16 =	vld.idx.msk [tilespmem:v42+s2+$0x0], $0xffff  }
0x78e: {  	v53 =	vadd.s32 s19, v7;
	v10 =	vld.idx.msk [tilespmem:v45+s2+$0x0], $0xffff;
	[tilespmem:s15+$0x10F80] =	vst v15  }
0x78f: {  	v51 =	vadd.s32 s18, v9;
	[tilespmem:s15+$0x11030] =	vst v17;
	v14 =	vld.idx.msk [tilespmem:v43+s2+$0x0], $0xffff  }
0x790: {  	v49 =	vadd.s32 s23, v9;
	v18 =	vld.idx.msk [tilespmem:v40+s2+$0x0], $0xffff;
	[tilespmem:s15+$0x110C0] =	vst v19  }
0x791: {  	v48 =	vadd.s32 s20, v6;
	[tilespmem:s15+$0x10F10] =	vst v12;
	v19 =	vld.idx.msk [tilespmem:v47+s2+$0x0], $0xffff  }
0x792: {  	v52 =	vadd.s32 s21, v6;
	v11 =	vld.idx.msk [tilespmem:v50+s2+$0x0], $0xffff;
	[tilespmem:s15+$0x11240] =	vst v16  }
0x793: {  	v56 =	vadd.s32 s17, v8;
	[tilespmem:s15+$0x11110] =	vst v10;
	v16 =	vld.idx.msk [tilespmem:v53+s2+$0x0], $0xffff  }
0x794: {  	v54 =	vadd.s32 s22, v5;
	v9 =	vld.idx.msk [tilespmem:v51+s2+$0x0], $0xffff;
	[tilespmem:s15+$0x10F90] =	vst v14  }
0x795: {  	v58 =	vadd.s32 s18, v8;
	[tilespmem:s15+$0x111C0] =	vst v18;
	v13 =	vld.idx.msk [tilespmem:v49+s2+$0x0], $0xffff  }
0x796: {  	v55 =	vadd.s32 s23, v8;
	[tilespmem:s15+$0x110D0] =	vst v19;
	v15 =	vld.idx.msk [tilespmem:v48+s2+$0x0], $0xffff  }
0x797: {  	v59 =	vadd.s32 s20, v5;
	[tilespmem:s15+$0x10F20] =	vst v11;
	v57 =	vld.idx.msk [tilespmem:v52+s2+$0x0], $0xffff  }
0x798: {  	v60 =	vadd.s32 s21, v5;
	v10 =	vld.idx.msk [tilespmem:v56+s2+$0x0], $0xffff;
	[tilespmem:s15+$0x11040] =	vst v16  }
0x799: {  	v63 =	vadd.s32 s17, v7;
	[tilespmem:s15+$0x11120] =	vst v9;
	v14 =	vld.idx.msk [tilespmem:v54+s2+$0x0], $0xffff  }
0x79a: {  	v61 =	vadd.s32 s19, v6;
	v8 =	vld.idx.msk [tilespmem:v58+s2+$0x0], $0xffff;
	[tilespmem:s15+$0x10FA0] =	vst v13  }
0x79b: {  	v21 =	vadd.s32 s18, v7;
	[tilespmem:s15+$0x111D0] =	vst v15;
	v12 =	vld.idx.msk [tilespmem:v55+s2+$0x0], $0xffff  }
0x79c: {  	v62 =	vadd.s32 s23, v7;
	[tilespmem:s15+$0x11250] =	vst v57;
	v20 =	vld.idx.msk [tilespmem:v59+s2+$0x0], $0xffff  }
0x79d: {  	v22 =	vadd.s32 s22, v4;
	[tilespmem:s15+$0x10F30] =	vst v10;
	v15 =	vld.idx.msk [tilespmem:v60+s2+$0x0], $0xffff  }
0x79e: {  	v23 =	vadd.s32 s20, v4;
	v9 =	vld.idx.msk [tilespmem:v63+s2+$0x0], $0xffff;
	[tilespmem:s15+$0x110E0] =	vst v14  }
0x79f: {  	v26 =	vadd.s32 s17, v6;
	[tilespmem:s15+$0x11130] =	vst v8;
	v13 =	vld.idx.msk [tilespmem:v61+s2+$0x0], $0xffff  }
0x7a0: {  	v24 =	vadd.s32 s21, v4;
	v7 =	vld.idx.msk [tilespmem:v21+s2+$0x0], $0xffff;
	[tilespmem:s15+$0x10FB0] =	vst v12  }
0x7a1: {  	v27 =	vadd.s32 s18, v6;
	[tilespmem:s15+$0x111E0] =	vst v20;
	v11 =	vld.idx.msk [tilespmem:v62+s2+$0x0], $0xffff  }
0x7a2: {  	v25 =	vadd.s32 s23, v6;
	[tilespmem:s15+$0x11260] =	vst v15;
	v16 =	vld.idx.msk [tilespmem:v22+s2+$0x0], $0xffff  }
0x7a3: {  	v28 =	vadd.s32 s19, v5;
	[tilespmem:s15+$0x10F40] =	vst v9;
	v14 =	vld.idx.msk [tilespmem:v23+s2+$0x0], $0xffff  }
0x7a4: {  	v29 =	vadd.s32 s22, v3;
	v8 =	vld.idx.msk [tilespmem:v26+s2+$0x0], $0xffff;
	[tilespmem:s15+$0x11050] =	vst v13  }
0x7a5: {  	v32 =	vadd.s32 s17, v5;
	[tilespmem:s15+$0x11140] =	vst v7;
	v12 =	vld.idx.msk [tilespmem:v24+s2+$0x0], $0xffff  }
0x7a6: {  	v30 =	vadd.s32 s20, v3;
	v6 =	vld.idx.msk [tilespmem:v27+s2+$0x0], $0xffff;
	[tilespmem:s15+$0x10FC0] =	vst v11  }
0x7a7: {  	v33 =	vadd.s32 s18, v5;
	[tilespmem:s15+$0x110F0] =	vst v16;
	v10 =	vld.idx.msk [tilespmem:v25+s2+$0x0], $0xffff  }
0x7a8: {  	v31 =	vadd.s32 s23, v5;
	[tilespmem:s15+$0x111F0] =	vst v14;
	v15 =	vld.idx.msk [tilespmem:v28+s2+$0x0], $0xffff  }
0x7a9: {  	v34 =	vadd.s32 s21, v3;
	[tilespmem:s15+$0x10F50] =	vst v8;
	v13 =	vld.idx.msk [tilespmem:v29+s2+$0x0], $0xffff  }
0x7aa: {  	v35 =	vadd.s32 s19, v4;
	v7 =	vld.idx.msk [tilespmem:v32+s2+$0x0], $0xffff;
	[tilespmem:s15+$0x11270] =	vst v12  }
0x7ab: {  	v38 =	vadd.s32 s17, v4;
	[tilespmem:s15+$0x11150] =	vst v6;
	v11 =	vld.idx.msk [tilespmem:v30+s2+$0x0], $0xffff  }
0x7ac: {  	v36 =	vadd.s32 s22, v2;
	v5 =	vld.idx.msk [tilespmem:v33+s2+$0x0], $0xffff;
	[tilespmem:s15+$0x10FD0] =	vst v10  }
0x7ad: {  	v39 =	vadd.s32 s18, v4;
	[tilespmem:s15+$0x11060] =	vst v15;
	v9 =	vld.idx.msk [tilespmem:v31+s2+$0x0], $0xffff  }
0x7ae: {  	v37 =	vadd.s32 s23, v4;
	[tilespmem:s15+$0x11480] =	vst v13;
	v14 =	vld.idx.msk [tilespmem:v34+s2+$0x0], $0xffff  }
0x7af: {  	v40 =	vadd.s32 s20, v2;
	[tilespmem:s15+$0x10F60] =	vst v7;
	v12 =	vld.idx.msk [tilespmem:v35+s2+$0x0], $0xffff  }
0x7b0: {  	v41 =	vadd.s32 s21, v2;
	v6 =	vld.idx.msk [tilespmem:v38+s2+$0x0], $0xffff;
	[tilespmem:s15+$0x11580] =	vst v11  }
0x7b1: {  	v44 =	vadd.s32 s17, v3;
	[tilespmem:s15+$0x11160] =	vst v5;
	v10 =	vld.idx.msk [tilespmem:v36+s2+$0x0], $0xffff  }
0x7b2: {  	v42 =	vadd.s32 s19, v3;
	v4 =	vld.idx.msk [tilespmem:v39+s2+$0x0], $0xffff;
	[tilespmem:s15+$0x10FE0] =	vst v9  }
0x7b3: {  	v45 =	vadd.s32 s18, v3;
	[tilespmem:s15+$0x11600] =	vst v14;
	v8 =	vld.idx.msk [tilespmem:v37+s2+$0x0], $0xffff  }
0x7b4: {  	v43 =	vadd.s32 s23, v3;
	[tilespmem:s15+$0x11070] =	vst v12;
	v13 =	vld.idx.msk [tilespmem:v40+s2+$0x0], $0xffff  }
0x7b5: {  	v46 =	vadd.s32 s22, v1;
	[tilespmem:s15+$0x10F70] =	vst v6;
	v11 =	vld.idx.msk [tilespmem:v41+s2+$0x0], $0xffff  }
0x7b6: {  	v47 =	vadd.s32 s20, v1;
	v5 =	vld.idx.msk [tilespmem:v44+s2+$0x0], $0xffff;
	[tilespmem:s15+$0x11490] =	vst v10  }
0x7b7: {  	v50 =	vadd.s32 s17, v2;
	[tilespmem:s15+$0x11170] =	vst v4;
	v9 =	vld.idx.msk [tilespmem:v42+s2+$0x0], $0xffff  }
0x7b8: {  	v48 =	vadd.s32 s19, v2;
	v3 =	vld.idx.msk [tilespmem:v45+s2+$0x0], $0xffff;
	[tilespmem:s15+$0x10FF0] =	vst v8  }
0x7b9: {  	v51 =	vadd.s32 s18, v2;
	[tilespmem:s15+$0x11590] =	vst v13;
	v7 =	vld.idx.msk [tilespmem:v43+s2+$0x0], $0xffff  }
0x7ba: {  	v49 =	vadd.s32 s23, v2;
	[tilespmem:s15+$0x11610] =	vst v11;
	v12 =	vld.idx.msk [tilespmem:v46+s2+$0x0], $0xffff  }
0x7bb: {  	v52 =	vadd.s32 s21, v1;
	[tilespmem:s15+$0x11300] =	vst v5;
	v10 =	vld.idx.msk [tilespmem:v47+s2+$0x0], $0xffff  }
0x7bc: {  	v53 =	vadd.s32 s22, v0;
	v4 =	vld.idx.msk [tilespmem:v50+s2+$0x0], $0xffff;
	[tilespmem:s15+$0x11400] =	vst v9  }
0x7bd: {  	v56 =	vadd.s32 s17, v1;
	[tilespmem:s15+$0x11500] =	vst v3;
	v8 =	vld.idx.msk [tilespmem:v48+s2+$0x0], $0xffff  }
0x7be: {  	v54 =	vadd.s32 s19, v1;
	v2 =	vld.idx.msk [tilespmem:v51+s2+$0x0], $0xffff;
	[tilespmem:s15+$0x11380] =	vst v7  }
0x7bf: {  	v57 =	vadd.s32 s18, v1;
	[tilespmem:s15+$0x114A0] =	vst v12;
	v6 =	vld.idx.msk [tilespmem:v49+s2+$0x0], $0xffff  }
0x7c0: {  	v55 =	vadd.s32 s23, v1;
	v11 =	vld.idx.msk [tilespmem:v52+s2+$0x0], $0xffff;
	[tilespmem:s15+$0x115A0] =	vst v10  }
0x7c1: {  	v58 =	vadd.s32 s20, v0;
	[tilespmem:s15+$0x11310] =	vst v4;
	v9 =	vld.idx.msk [tilespmem:v53+s2+$0x0], $0xffff  }
0x7c2: {  	v59 =	vadd.s32 s21, v0;
	v3 =	vld.idx.msk [tilespmem:v56+s2+$0x0], $0xffff;
	[tilespmem:s15+$0x11410] =	vst v8  }
0x7c3: {  	v62 =	vadd.s32 s17, v0;
	[tilespmem:s15+$0x11510] =	vst v2;
	v7 =	vld.idx.msk [tilespmem:v54+s2+$0x0], $0xffff  }
0x7c4: {  	v60 =	vadd.s32 s19, v0;
	v1 =	vld.idx.msk [tilespmem:v57+s2+$0x0], $0xffff;
	[tilespmem:s15+$0x11390] =	vst v6  }
0x7c5: {  	v63 =	vadd.s32 s18, v0;
	[tilespmem:s15+$0x11620] =	vst v11;
	v5 =	vld.idx.msk [tilespmem:v55+s2+$0x0], $0xffff  }
0x7c6: {  	v61 =	vadd.s32 s23, v0;
	v10 =	vld.idx.msk [tilespmem:v58+s2+$0x0], $0xffff;
	[tilespmem:s15+$0x114B0] =	vst v9  }
0x7c7: {  	v8 =	vld.idx.msk [tilespmem:v59+s2+$0x0], $0xffff;
	[tilespmem:s15+$0x11320] =	vst v3  }
0x7c8: {  	v2 =	vld.idx.msk [tilespmem:v62+s2+$0x0], $0xffff;
	[tilespmem:s15+$0x11420] =	vst v7  }
0x7c9: {  	[tilespmem:s15+$0x11520] =	vst v1;
	v6 =	vld.idx.msk [tilespmem:v60+s2+$0x0], $0xffff  }
0x7ca: {  	v0 =	vld.idx.msk [tilespmem:v63+s2+$0x0], $0xffff;
	[tilespmem:s15+$0x113A0] =	vst v5  }
0x7cb: {  	[tilespmem:s15+$0x115B0] =	vst v10;
	v4 =	vld.idx.msk [tilespmem:v61+s2+$0x0], $0xffff  }
0x7cc: {  	[tilespmem:s15+$0x11630] =	vst v8  }
0x7cd: {  	[tilespmem:s15+$0x11330] =	vst v2  }
0x7ce: {  	s14 =	sadd.s32 $0x1, s14;
	[tilespmem:s15+$0x11430] =	vst v6  }
0x7cf: {  	p0 =	sne.s32 s14, s7;
	[tilespmem:s15+$0x11530] =	vst v0  }
.Ltmp2:
0x7d0: {  	[tilespmem:s15+$0x113B0] =	vst v4;
	(pc) =	sbr.rel @p0 .LBB2_1-.Ltmp2, $4  }
0x7d1: {  	[hbm4b:s6+s2] =	stream.linear.scatter [tilespmem:s13], [sflag:$0x3], $0xA000, $0x38;
	[tilespmem:$0x1A280] =	vst v63  }
0x7d2: {  	_ =	swait.ge [sflag:s10], $0xA000  }
0x7d3: {  	[sflag:s10] =	ssyncset.done $0x0  }
0x7d4: {  	[sflag:s10] =	ssyncadd.s32 $0xFFFF6000  }
0x7d5: {  	_ =	sfence.sel $0x180000  }
0x7d6: {  	[bflag:$0x0] =	sbarrier.arrive $0xFFFF  }
0x7d7: {  	_ =	strace $0x90000047  }
0x7d8: {  	s0 =	stileid.u32;
	[bflag:$0x2] =	sbarrier.arrive $0xFFFF  }
0x7d9: {  	p0 =	sne.s32 s0, $0x0;
	s0 =	rddreg [dreg:$0x2]  }
0x7da: {  	s0 =	sadd.s32 @!p0 $0x100000, s0  }
0x7db: {  	[sflag:s0] =	ssyncadd.tile.s32 @!p0 $0x1;
	_ =	shalt  }
.Lfunc_end2:
_tile_overlayer_lowered:
.L_overlay_start_2:
0x7dc: {  	(tag) =	ssettag $0x2  }
0x7dd: {  	s0 =	rddreg [dreg:$0x0];
	s2 =	stileid.u32  }
0x7de: {  	s1 =	rddreg [dreg:$0x1];
	p0 =	sne.s32 s2, $0x0  }
0x7df: {  	s3 =	rddreg [dreg:$0x2];
	[bflag:$0x3] =	sbarrier.arrive $0xFFFF;
	s2 =	simm.s32 @!p0 $0x1C03  }
0x7e0: {  	[timem:s3], [sflag:s2] =	dma.local @!p0 [hbm:s0], s1  }
0x7e1: {  	s0 =	simm.s32 @!p0 $0x3  }
0x7e2: {  	_ =	swait.ge @!p0 [sflag:s0], s1  }
0x7e3: {  	s1 =	ssub.s32 @!p0 $0x0, s1;
	[sflag:s0] =	ssyncset.done @!p0 $0x0  }
0x7e4: {  	[sflag:s0] =	ssyncadd.s32 @!p0 s1  }
0x7e5: {  	[bflag:$0x3] =	sbarrier.arrive $0xFFFF  }
0x7e6: {  	_ =	shalt  }

</sc_bundles>
